<compile_context>
chip_gen: v7x
topology: tpu7x:2x2x1
jax: 0.10.2.dev20260603
libtpu: 0.0.44.dev20260713+nightly
codegen_flags: <defaults>
</compile_context>

<pallas_src>
import functools

import jax
import jax.numpy as jnp
from jax import lax
from jax.experimental import pallas as pl
from jax.experimental.pallas import tpu as pltpu
from jax.experimental.pallas import tpu_sc as plsc

N = 50000
E = 800000
F_IN = 3
H = 128
H4 = 32
OUT = 10
G = 64

NC = 2
NS = 16
NW = NC * NS

N_PAD = 50176
CHUNKS = E // 128
CPW = CHUNKS // NW
EXTRA = CHUNKS - NW * CPW
IDXBLK = 16
N_IBLK = 12
MAIN = IDXBLK * N_IBLK
ROWS_PER_TILE = N_PAD // NS
W = 2
_APACK = 150528


def _leaky(v):
    return jnp.where(v > 0, v, 0.01 * v)


@functools.lru_cache(maxsize=None)
def _make_edge_scatter(d):
    mesh = plsc.VectorSubcoreMesh(core_axis_name="c", subcore_axis_name="s",
                                  num_cores=NC, num_subcores=NS)

    def body(val_hbm, e3_hbm, zeros_hbm, out_hbm,
             src_v, dst_v, stail, dtail, rows_v, acc_sh, *sems):
        c = lax.axis_index("c")
        s = lax.axis_index("s")
        w = s * NC + c
        cstart = w * CPW + jnp.minimum(w, EXTRA)
        semg = (sems[0:W], sems[W:2 * W])
        sems_ = (sems[2 * W:3 * W], sems[3 * W:4 * W])
        r0 = s * ROWS_PER_TILE
        pltpu.sync_copy(zeros_hbm.at[pl.ds(r0, ROWS_PER_TILE)],
                        acc_sh.at[pl.ds(r0, ROWS_PER_TILE)])
        plsc.subcore_barrier()

        @pl.loop(0, N_IBLK)
        def _blk(b):
            pltpu.sync_copy(e3_hbm.at[0, pl.ds(cstart + b * IDXBLK, IDXBLK)],
                            src_v)
            pltpu.sync_copy(e3_hbm.at[1, pl.ds(cstart + b * IDXBLK, IDXBLK)],
                            dst_v)

            @pl.loop(0, IDXBLK // (2 * W))
            def _pair(u):
                for q in range(2):
                    base = (2 * u + q) * W

                    @pl.when(u > 0)
                    def _(q=q, base=base):
                        for p in range(W):
                            pltpu.make_async_copy(
                                rows_v.at[q, p],
                                acc_sh.at[dst_v.at[base + p]],
                                sems_[q][p]).wait()

                    for p in range(W):
                        pltpu.async_copy(val_hbm.at[src_v.at[base + p]],
                                         rows_v.at[q, p], semg[q][p])
                    for p in range(W):
                        pltpu.make_async_copy(val_hbm.at[src_v.at[base + p]],
                                              rows_v.at[q, p],
                                              semg[q][p]).wait()
                        pltpu.async_copy(rows_v.at[q, p],
                                         acc_sh.at[dst_v.at[base + p]],
                                         sems_[q][p], add=True)

            for q in range(2):
                base = (IDXBLK - 2 * W) + q * W
                for p in range(W):
                    pltpu.make_async_copy(rows_v.at[q, p],
                                          acc_sh.at[dst_v.at[base + p]],
                                          sems_[q][p]).wait()

        cnt_extra = (CPW - MAIN) + jnp.where(w < EXTRA, 1, 0)
        for t in range(CPW - MAIN + 1):
            @pl.when(t < cnt_extra)
            def _(t=t):
                pltpu.sync_copy(e3_hbm.at[0, pl.ds(cstart + MAIN + t, 1)],
                                stail)
                pltpu.sync_copy(e3_hbm.at[1, pl.ds(cstart + MAIN + t, 1)],
                                dtail)
                pltpu.async_copy(val_hbm.at[stail.at[0]], rows_v.at[0, 0],
                                 semg[0][0]).wait()
                pltpu.sync_copy(rows_v.at[0, 0], acc_sh.at[dtail.at[0]],
                                add=True)

        plsc.subcore_barrier()
        pltpu.sync_copy(acc_sh.at[pl.ds(r0, ROWS_PER_TILE)],
                        out_hbm.at[c, pl.ds(r0, ROWS_PER_TILE)])

    return pl.kernel(
        body,
        out_type=jax.ShapeDtypeStruct((NC, N_PAD, d), jnp.float32),
        mesh=mesh,
        compiler_params=pltpu.CompilerParams(use_tc_tiling_on_sc=False),
        scratch_types=[
            pltpu.VMEM((IDXBLK, 128), jnp.int32),
            pltpu.VMEM((IDXBLK, 128), jnp.int32),
            pltpu.VMEM((1, 128), jnp.int32),
            pltpu.VMEM((1, 128), jnp.int32),
            pltpu.VMEM((2, W, 128, d), jnp.float32),
            pltpu.VMEM_SHARED((N_PAD, d), jnp.float32),
        ] + [pltpu.SemaphoreType.DMA] * (4 * W),
    )


def _segsum_sc(val, e3, zeros, d):
    return _make_edge_scatter(d)(val, e3, zeros)


def _prep_body(a_ref, g_ref, b_ref, out_ref):
    f32 = jnp.float32
    a = a_ref[...]
    li = lax.broadcasted_iota(jnp.int32, (48, 128), 0)
    lj = lax.broadcasted_iota(jnp.int32, (48, 128), 1)
    scat = (lj == (li // F_IN) * 8 + li % F_IN).astype(f32)
    x8 = jnp.dot(a, scat, preferred_element_type=f32)
    s = jnp.sum(x8, axis=0, keepdims=True)
    sq = jnp.sum(x8 * x8, axis=0, keepdims=True)
    ti = lax.broadcasted_iota(jnp.int32, (128, 128), 0) % 8
    tj = lax.broadcasted_iota(jnp.int32, (128, 128), 1) % 8
    grp = (ti == tj).astype(f32)
    mean = jnp.dot(s, grp, preferred_element_type=f32) * (1.0 / N)
    msq = jnp.dot(sq, grp, preferred_element_type=f32) * (1.0 / N)
    inv = lax.rsqrt(msq - mean * mean + 1e-5)
    g8 = jnp.concatenate([g_ref[...], jnp.zeros((1, 5), f32)], axis=1)
    b8 = jnp.concatenate(
        [b_ref[...], jnp.ones((1, 1), f32), jnp.zeros((1, 4), f32)], axis=1)
    g128 = jnp.concatenate([g8] * 16, axis=1)
    b128 = jnp.concatenate([b8] * 16, axis=1)
    out_ref[...] = (x8 - mean) * inv * g128 + b128


def _prep(a48, gamma3, beta3):
    return pl.pallas_call(
        _prep_body,
        out_shape=jax.ShapeDtypeStruct((_APACK // 48, 128), jnp.float32),
    )(a48, gamma3, beta3)


_BB = 1792
_NB = N_PAD // _BB


def _layer1_body(acc1_ref, val1_ref, w1l_ref, w1r_ref, b1_ref,
                 w2l_ref, w2r_ref, b2_ref, vh_ref):
    s = acc1_ref[0] + acc1_ref[1]
    deg = jnp.maximum(s[:, 3:4], 1.0)
    t = (s / deg)[:, 0:F_IN]
    v1 = val1_ref[...][:, 0:F_IN]
    h1 = _leaky(
        jnp.dot(t, w1l_ref[...], preferred_element_type=jnp.float32)
        + b1_ref[...]
        + jnp.dot(v1, w1r_ref[...], preferred_element_type=jnp.float32))
    val2 = jnp.dot(h1, w2l_ref[...], preferred_element_type=jnp.float32)
    h1r = (jnp.dot(h1, w2r_ref[...], preferred_element_type=jnp.float32)
           + b2_ref[...])
    vh_ref[...] = jnp.concatenate([val2, h1r], axis=1)


def _layer1(acc1, val1, w1l16, w1r16, b1, w2l, w2r, b2):
    return pl.pallas_call(
        _layer1_body,
        grid=(_NB,),
        in_specs=[
            pl.BlockSpec((NC, _BB, 8), lambda i: (0, i, 0)),
            pl.BlockSpec((_BB, 8), lambda i: (i, 0)),
            pl.BlockSpec((F_IN, H), lambda i: (0, 0)),
            pl.BlockSpec((F_IN, H), lambda i: (0, 0)),
            pl.BlockSpec((1, H), lambda i: (0, 0)),
            pl.BlockSpec((H, H4), lambda i: (0, 0)),
            pl.BlockSpec((H, H4), lambda i: (0, 0)),
            pl.BlockSpec((1, H4), lambda i: (0, 0)),
        ],
        out_specs=pl.BlockSpec((_BB, 2 * H4), lambda i: (i, 0)),
        out_shape=jax.ShapeDtypeStruct((N_PAD, 2 * H4), jnp.float32),
    )(acc1, val1, w1l16, w1r16, b1, w2l, w2r, b2)


_BC = 512
_NCBLK = N_PAD // _BC


def _final_body(acc2_ref, acc1_ref, h1r_ref, batch_ref,
                cw1_ref, cb1_ref, cw2_ref, cb2_ref, out_ref, pool_ref):
    i = pl.program_id(0)

    @pl.when(i == 0)
    def _():
        pool_ref[...] = jnp.full((16, 128), -1e30, jnp.float32)

    s3 = acc1_ref[0, :, 3:4] + acc1_ref[1, :, 3:4]
    deg = jnp.maximum(s3, 1.0)
    agg = (acc2_ref[0] + acc2_ref[1]) / deg
    h2 = _leaky(agg + h1r_ref[...][:, H4:])
    bid = batch_ref[...]

    b0 = batch_ref[0, 0]
    bl = batch_ref[_BC - 1, 0]
    lq = lax.broadcasted_iota(jnp.int32, (1, 128), 1) // 32

    @pl.when(b0 == bl)
    def _():
        bm = jnp.max(h2, axis=0, keepdims=True)
        bm4 = jnp.concatenate([bm, bm, bm, bm], axis=1)
        rowm = lax.broadcasted_iota(jnp.int32, (16, 1), 0) == b0 // 4
        m = jnp.logical_and(rowm, lq == b0 % 4)
        pool_ref[...] = jnp.where(m, jnp.maximum(pool_ref[...], bm4),
                                  pool_ref[...])

    @pl.when(b0 != bl)
    def _():
        h4 = jnp.concatenate([h2, h2, h2, h2], axis=1)
        tlo = b0 // 4
        thi = bl // 4
        for t in range(16):
            @pl.when(jnp.logical_and(t >= tlo, t <= thi))
            def _(t=t):
                sel = bid == 4 * t + lq
                m = jnp.max(jnp.where(sel, h4, -1e30), axis=0, keepdims=True)
                pool_ref[t:t + 1, :] = jnp.maximum(pool_ref[t:t + 1, :], m)

    @pl.when(i == _NCBLK - 1)
    def _():
        cw1 = cw1_ref[...]
        c1r = jnp.concatenate([cw1, cw1, cw1, cw1], axis=1)
        c1t = jnp.concatenate([c1r, c1r, c1r, c1r], axis=0)
        rr = lax.broadcasted_iota(jnp.int32, (128, 128), 0) // 32
        cc = lax.broadcasted_iota(jnp.int32, (128, 128), 1) // 32
        cw1d = jnp.where(rr == cc, c1t, 0.0)
        cw2 = jnp.concatenate(
            [cw2_ref[...], jnp.zeros((H4, 16 - OUT), jnp.float32)], axis=1)
        c2r = jnp.concatenate([cw2, cw2, cw2, cw2], axis=1)
        c2t = jnp.concatenate([c2r, c2r, c2r, c2r], axis=0)
        rr2 = lax.broadcasted_iota(jnp.int32, (128, 64), 0) // 32
        cc2 = lax.broadcasted_iota(jnp.int32, (128, 64), 1) // 16
        cw2d = jnp.where(rr2 == cc2, c2t, 0.0)
        cb1 = cb1_ref[...]
        cb1d = jnp.concatenate([cb1, cb1, cb1, cb1], axis=1)
        cb2 = jnp.concatenate(
            [cb2_ref[...], jnp.zeros((1, 16 - OUT), jnp.float32)], axis=1)
        cb2d = jnp.concatenate([cb2, cb2, cb2, cb2], axis=1)
        seg = (lax.broadcasted_iota(jnp.int32, (64, 64), 0) // 16 ==
               lax.broadcasted_iota(jnp.int32, (64, 64), 1) // 16
               ).astype(jnp.float32)

        pooled = pool_ref[...]
        z1 = _leaky(
            jnp.dot(pooled, cw1d, preferred_element_type=jnp.float32)
            + cb1d)
        z = (jnp.dot(z1, cw2d, preferred_element_type=jnp.float32)
             + cb2d)
        lane16 = lax.broadcasted_iota(jnp.int32, (1, 64), 1) % 16
        zm = jnp.where(lane16 < OUT, z, -1e30)
        e = jnp.exp(zm - jnp.max(zm))
        s = jnp.dot(e, seg, preferred_element_type=jnp.float32)
        out_ref[...] = e / s


def _final(acc2, acc1, h1r, batchcol, cw1, cb1, cw2, cb2):
    return pl.pallas_call(
        _final_body,
        grid=(_NCBLK,),
        in_specs=[
            pl.BlockSpec((NC, _BC, H4), lambda i: (0, i, 0)),
            pl.BlockSpec((NC, _BC, 8), lambda i: (0, i, 0)),
            pl.BlockSpec((_BC, 2 * H4), lambda i: (i, 0)),
            pl.BlockSpec((_BC, 1), lambda i: (i, 0)),
            pl.BlockSpec((H4, H4), lambda i: (0, 0)),
            pl.BlockSpec((1, H4), lambda i: (0, 0)),
            pl.BlockSpec((H4, OUT), lambda i: (0, 0)),
            pl.BlockSpec((1, OUT), lambda i: (0, 0)),
        ],
        out_specs=pl.BlockSpec((16, 64), lambda i: (0, 0)),
        out_shape=jax.ShapeDtypeStruct((16, 64), jnp.float32),
        scratch_shapes=[pltpu.VMEM((16, 128), jnp.float32)],
    )(acc2, acc1, h1r, batchcol, cw1, cb1, cw2, cb2)


def kernel(x, edge_index, batch, gamma, beta, W1l, b1, W1r, W2l, b2, W2r,
           Cw1, Cb1, Cw2, Cb2):
    f32 = jnp.float32
    a48 = jnp.pad(x.reshape(-1), (0, _APACK - N * F_IN)).reshape(-1, 48)
    e3 = edge_index.reshape(2, CHUNKS, 128)

    z8 = jnp.zeros((N_PAD, 8), f32)
    z32 = jnp.zeros((N_PAD, H4), f32)

    b1r = b1.reshape(1, H)
    b2r = b2.reshape(1, H4)

    batchcol = jnp.concatenate(
        [batch, jnp.full((N_PAD - N,), G, jnp.int32)]).reshape(N_PAD, 1)

    val1 = _prep(a48, gamma.reshape(1, F_IN), beta.reshape(1, F_IN))
    val1n = val1.reshape(N_PAD, 8)
    acc1 = _segsum_sc(val1n, e3, z8, 8)
    vh = _layer1(acc1, val1n, W1l, W1r, b1r, W2l, W2r, b2r)
    acc2 = _segsum_sc(vh[:, :H4], e3, z32, H4)
    r = _final(acc2, acc1, vh, batchcol, Cw1, Cb1.reshape(1, H4),
               Cw2, Cb2.reshape(1, OUT))
    return r.reshape(G, 16)[:, :OUT]

# --- scband reference (transcript-rebuilt; emitter-appended) ---
"""Pipeline reference for scband-graph-sage-48473000903348 (READ-ONLY COPY).

The authoritative reference and input builder live on the scoring server;
editing this copy changes nothing except your own understanding.
"""

import jax, jax.numpy as jnp
import numpy as np

N = 50000
E = 800000
F_IN = 3
H = 128
H4 = H // 4
OUT = 10
G = 64


def leaky(v):
    return jnp.where(v > 0, v, 0.01 * v)


def setup_inputs(seed: int = 0) -> dict:
    key = jax.random.key(seed)
    ks = jax.random.split(key, 16)
    x = jax.random.normal(ks[0], (N, F_IN), dtype=jnp.float32)
    edge_index = jax.random.randint(ks[1], (2, E), 0, N, dtype=jnp.int32)
    batch = jnp.sort(jax.random.randint(ks[2], (N,), 0, G, dtype=jnp.int32))
    s1 = 1.0 / np.sqrt(F_IN)
    s2 = 1.0 / np.sqrt(H)
    s3 = 1.0 / np.sqrt(H4)
    return {
        "x": x,
        "edge_index": edge_index,
        "batch": batch,
        "gamma": jnp.ones((F_IN,), jnp.float32),
        "beta": jnp.zeros((F_IN,), jnp.float32),
        "W1l": jax.random.uniform(ks[3], (F_IN, H), jnp.float32, -s1, s1),
        "b1": jnp.zeros((H,), jnp.float32),
        "W1r": jax.random.uniform(ks[4], (F_IN, H), jnp.float32, -s1, s1),
        "W2l": jax.random.uniform(ks[5], (H, H4), jnp.float32, -s2, s2),
        "b2": jnp.zeros((H4,), jnp.float32),
        "W2r": jax.random.uniform(ks[6], (H, H4), jnp.float32, -s2, s2),
        "Cw1": jax.random.uniform(ks[7], (H4, H4), jnp.float32, -s3, s3),
        "Cb1": jnp.zeros((H4,), jnp.float32),
        "Cw2": jax.random.uniform(ks[8], (H4, OUT), jnp.float32, -s3, s3),
        "Cb2": jnp.zeros((OUT,), jnp.float32),
    }


def reference(x, edge_index, batch, gamma, beta, W1l, b1, W1r, W2l, b2, W2r, Cw1, Cb1, Cw2, Cb2):
    # BatchNorm (training-mode batch statistics, eps=1e-5)
    mean = jnp.mean(x, axis=0)
    var = jnp.var(x, axis=0)
    h = (x - mean) / jnp.sqrt(var + 1e-5) * gamma + beta
    src = edge_index[0]
    dst = edge_index[1]
    ones = jnp.ones((E,), jnp.float32)
    deg = jax.ops.segment_sum(ones, dst, num_segments=N)
    deg = jnp.maximum(deg, 1.0)[:, None]

    def sage(h_in, Wl, b, Wr):
        msg = h_in[src]  # gather over edges
        agg = jax.ops.segment_sum(msg, dst, num_segments=N) / deg  # mean aggregation
        return agg @ Wl + b + h_in @ Wr  # lin_l(agg) + lin_r(root)

    h = leaky(sage(h, W1l, b1, W1r))
    h = leaky(sage(h, W2l, b2, W2r))
    pooled = jax.ops.segment_max(h, batch, num_segments=G)  # global_max_pool
    z = leaky(pooled @ Cw1 + Cb1)
    z = z @ Cw2 + Cb2
    return jax.nn.softmax(z, axis=1)

if __name__ == "__main__":
    import jax
    _d = setup_inputs()
    print(jax.jit(kernel)(*tuple(_d.values())))

</pallas_src>

<mosaic_0001>
#map = affine_map<(d0, d1) -> (0, 0)>
#map1 = affine_map<(d0, d1) -> (0, 0, 0)>
module attributes {stable_mosaic.version = 14 : i64} {
  func.func @body(%arg0: i32, %arg1: i32, %arg2: memref<50176x8xf32, #tpu.memory_space<hbm>>, %arg3: memref<2x6250x128xi32, #tpu.memory_space<hbm>>, %arg4: memref<50176x8xf32, #tpu.memory_space<hbm>>, %arg5: memref<2x50176x8xf32, #tpu.memory_space<hbm>>, %arg6: memref<16x128xi32, #tpu.memory_space<vmem>>, %arg7: memref<16x128xi32, #tpu.memory_space<vmem>>, %arg8: memref<1x128xi32, #tpu.memory_space<vmem>>, %arg9: memref<1x128xi32, #tpu.memory_space<vmem>>, %arg10: memref<2x2x128x8xf32, #tpu.memory_space<vmem>>, %arg11: memref<50176x8xf32, #tpu.memory_space<vmem_shared>>, %arg12: memref<!tpu.dma_semaphore, #tpu.memory_space<semaphore_mem>>, %arg13: memref<!tpu.dma_semaphore, #tpu.memory_space<semaphore_mem>>, %arg14: memref<!tpu.dma_semaphore, #tpu.memory_space<semaphore_mem>>, %arg15: memref<!tpu.dma_semaphore, #tpu.memory_space<semaphore_mem>>, %arg16: memref<!tpu.dma_semaphore, #tpu.memory_space<semaphore_mem>>, %arg17: memref<!tpu.dma_semaphore, #tpu.memory_space<semaphore_mem>>, %arg18: memref<!tpu.dma_semaphore, #tpu.memory_space<semaphore_mem>>, %arg19: memref<!tpu.dma_semaphore, #tpu.memory_space<semaphore_mem>>) attributes {dimension_semantics = [#tpu.dimension_semantics<core_parallel>, #tpu.dimension_semantics<subcore_parallel>], iteration_bounds = array<i64: 2, 16>, scalar_prefetch = 0 : i64, scratch_operands = 14 : i64, tpu.core_type = #tpu.core_type<sc_vector_subcore>, window_params = [{transform_indices = #map}, {transform_indices = #map1}, {transform_indices = #map}, {transform_indices = #map1}]} {
    %mul3A = arith.constant 2 : i32
    %mul3A_0 = arith.muli %arg1, %mul3A : i32
    %add3A = arith.addi %mul3A_0, %arg0 : i32
    %mul3A_1 = arith.constant 195 : i32
    %mul3A_2 = arith.muli %add3A, %mul3A_1 : i32
    %min3A = arith.constant 10 : i32
    %min3A_3 = arith.minsi %add3A, %min3A : i32
    %add3A_4 = arith.addi %mul3A_2, %min3A_3 : i32
    %mul3A_5 = arith.constant 3136 : i32
    %mul3A_6 = arith.muli %arg1, %mul3A_5 : i32
    "tpu.region"() ({
      %run_scoped3A = tpu.sem_alloc : memref<!tpu.dma_semaphore, #tpu.memory_space<semaphore_mem>>
      %dma_start3A = arith.constant 0 : i32
      %dma_start3A_33 = tpu.memref_slice %arg11[%mul3A_6, %dma_start3A] : memref<50176x8xf32, #tpu.memory_space<vmem_shared>> -> memref<3136x8xf32, #tpu.memory_space<vmem_shared>>
      %dma_start3A_34 = arith.constant 0 : i32
      %dma_start3A_35 = tpu.memref_slice %arg4[%mul3A_6, %dma_start3A_34] : memref<50176x8xf32, #tpu.memory_space<hbm>> -> memref<3136x8xf32, #tpu.memory_space<hbm>>
      tpu.enqueue_dma source(%dma_start3A_35 : memref<3136x8xf32, #tpu.memory_space<hbm>>) target(%dma_start3A_33 : memref<3136x8xf32, #tpu.memory_space<vmem_shared>>) target_semaphore(%run_scoped3A : memref<!tpu.dma_semaphore, #tpu.memory_space<semaphore_mem>>)
      %dma_wait3A = arith.constant 0 : i32
      %dma_wait3A_36 = tpu.memref_slice %arg11[%mul3A_6, %dma_wait3A] : memref<50176x8xf32, #tpu.memory_space<vmem_shared>> -> memref<3136x8xf32, #tpu.memory_space<vmem_shared>>
      %dma_wait3A_37 = arith.constant 0 : i32
      %dma_wait3A_38 = tpu.memref_slice %arg4[%mul3A_6, %dma_wait3A_37] : memref<50176x8xf32, #tpu.memory_space<hbm>> -> memref<3136x8xf32, #tpu.memory_space<hbm>>
      tpu.wait_dma2 semaphore(%run_scoped3A : memref<!tpu.dma_semaphore, #tpu.memory_space<semaphore_mem>>) src(%dma_wait3A_38 : memref<3136x8xf32, #tpu.memory_space<hbm>>) dst(%dma_wait3A_36 : memref<3136x8xf32, #tpu.memory_space<vmem_shared>>)
      tpu.yield
    }) : () -> ()
    %barrier3A = arith.constant 0 : index
    tpu.barrier barrier_id(%barrier3A)
    %scan3A = arith.constant 0 : i32
    %scan3A_7 = arith.constant 12 : i32
    %scan3A_8 = arith.addi %scan3A, %scan3A_7 : i32
    %scan3A_9 = arith.constant 1 : i32
    scf.for %scan3A_33 = %scan3A to %scan3A_8 step %scan3A_9  : i32 {
      %mul3A_34 = arith.constant 1 : i32
      %mul3A_35 = arith.muli %scan3A_33, %mul3A_34 : i32
      %add3A_36 = arith.constant 0 : i32
      %add3A_37 = arith.addi %add3A_36, %mul3A_35 : i32
      %mul3A_38 = arith.constant 16 : i32
      %mul3A_39 = arith.muli %add3A_37, %mul3A_38 : i32
      %add3A_40 = arith.addi %add3A_4, %mul3A_39 : i32
      %run_scoped3A = arith.constant 0 : i32
      "tpu.region"() ({
        %run_scoped3A_101 = tpu.sem_alloc : memref<!tpu.dma_semaphore, #tpu.memory_space<semaphore_mem>>
        %dma_start3A = arith.constant 0 : i32
        %dma_start3A_102 = tpu.memref_slice %arg3[%run_scoped3A, %add3A_40, %dma_start3A] : memref<2x6250x128xi32, #tpu.memory_space<hbm>> -> memref<1x16x128xi32, #tpu.memory_space<hbm>>
        %dma_start3A_103 = tpu.memref_squeeze %dma_start3A_102 : memref<1x16x128xi32, #tpu.memory_space<hbm>> -> memref<16x128xi32, #tpu.memory_space<hbm>>
        %dma_start3A_104 = arith.constant 0 : i32
        %dma_start3A_105 = tpu.memref_slice %arg3[%run_scoped3A, %add3A_40, %dma_start3A_104] : memref<2x6250x128xi32, #tpu.memory_space<hbm>> -> memref<1x16x128xi32, #tpu.memory_space<hbm>>
        %dma_start3A_106 = tpu.memref_squeeze %dma_start3A_105 : memref<1x16x128xi32, #tpu.memory_space<hbm>> -> memref<16x128xi32, #tpu.memory_space<hbm>>
        tpu.enqueue_dma source(%dma_start3A_106 : memref<16x128xi32, #tpu.memory_space<hbm>>) target(%arg6 : memref<16x128xi32, #tpu.memory_space<vmem>>) target_semaphore(%run_scoped3A_101 : memref<!tpu.dma_semaphore, #tpu.memory_space<semaphore_mem>>)
        %dma_wait3A_107 = arith.constant 0 : i32
        %dma_wait3A_108 = tpu.memref_slice %arg3[%run_scoped3A, %add3A_40, %dma_wait3A_107] : memref<2x6250x128xi32, #tpu.memory_space<hbm>> -> memref<1x16x128xi32, #tpu.memory_space<hbm>>
        %dma_wait3A_109 = tpu.memref_squeeze %dma_wait3A_108 : memref<1x16x128xi32, #tpu.memory_space<hbm>> -> memref<16x128xi32, #tpu.memory_space<hbm>>
        %dma_wait3A_110 = arith.constant 0 : i32
        %dma_wait3A_111 = tpu.memref_slice %arg3[%run_scoped3A, %add3A_40, %dma_wait3A_110] : memref<2x6250x128xi32, #tpu.memory_space<hbm>> -> memref<1x16x128xi32, #tpu.memory_space<hbm>>
        %dma_wait3A_112 = tpu.memref_squeeze %dma_wait3A_111 : memref<1x16x128xi32, #tpu.memory_space<hbm>> -> memref<16x128xi32, #tpu.memory_space<hbm>>
        tpu.wait_dma2 semaphore(%run_scoped3A_101 : memref<!tpu.dma_semaphore, #tpu.memory_space<semaphore_mem>>) src(%dma_wait3A_112 : memref<16x128xi32, #tpu.memory_space<hbm>>) dst(%arg6 : memref<16x128xi32, #tpu.memory_space<vmem>>)
        tpu.yield
      }) : () -> ()
      %mul3A_41 = arith.constant 16 : i32
      %mul3A_42 = arith.muli %add3A_37, %mul3A_41 : i32
      %add3A_43 = arith.addi %add3A_4, %mul3A_42 : i32
      %run_scoped3A_44 = arith.constant 1 : i32
      "tpu.region"() ({
        %run_scoped3A_101 = tpu.sem_alloc : memref<!tpu.dma_semaphore, #tpu.memory_space<semaphore_mem>>
        %dma_start3A = arith.constant 0 : i32
        %dma_start3A_102 = tpu.memref_slice %arg3[%run_scoped3A_44, %add3A_43, %dma_start3A] : memref<2x6250x128xi32, #tpu.memory_space<hbm>> -> memref<1x16x128xi32, #tpu.memory_space<hbm>>
        %dma_start3A_103 = tpu.memref_squeeze %dma_start3A_102 : memref<1x16x128xi32, #tpu.memory_space<hbm>> -> memref<16x128xi32, #tpu.memory_space<hbm>>
        %dma_start3A_104 = arith.constant 0 : i32
        %dma_start3A_105 = tpu.memref_slice %arg3[%run_scoped3A_44, %add3A_43, %dma_start3A_104] : memref<2x6250x128xi32, #tpu.memory_space<hbm>> -> memref<1x16x128xi32, #tpu.memory_space<hbm>>
        %dma_start3A_106 = tpu.memref_squeeze %dma_start3A_105 : memref<1x16x128xi32, #tpu.memory_space<hbm>> -> memref<16x128xi32, #tpu.memory_space<hbm>>
        tpu.enqueue_dma source(%dma_start3A_106 : memref<16x128xi32, #tpu.memory_space<hbm>>) target(%arg7 : memref<16x128xi32, #tpu.memory_space<vmem>>) target_semaphore(%run_scoped3A_101 : memref<!tpu.dma_semaphore, #tpu.memory_space<semaphore_mem>>)
        %dma_wait3A_107 = arith.constant 0 : i32
        %dma_wait3A_108 = tpu.memref_slice %arg3[%run_scoped3A_44, %add3A_43, %dma_wait3A_107] : memref<2x6250x128xi32, #tpu.memory_space<hbm>> -> memref<1x16x128xi32, #tpu.memory_space<hbm>>
        %dma_wait3A_109 = tpu.memref_squeeze %dma_wait3A_108 : memref<1x16x128xi32, #tpu.memory_space<hbm>> -> memref<16x128xi32, #tpu.memory_space<hbm>>
        %dma_wait3A_110 = arith.constant 0 : i32
        %dma_wait3A_111 = tpu.memref_slice %arg3[%run_scoped3A_44, %add3A_43, %dma_wait3A_110] : memref<2x6250x128xi32, #tpu.memory_space<hbm>> -> memref<1x16x128xi32, #tpu.memory_space<hbm>>
        %dma_wait3A_112 = tpu.memref_squeeze %dma_wait3A_111 : memref<1x16x128xi32, #tpu.memory_space<hbm>> -> memref<16x128xi32, #tpu.memory_space<hbm>>
        tpu.wait_dma2 semaphore(%run_scoped3A_101 : memref<!tpu.dma_semaphore, #tpu.memory_space<semaphore_mem>>) src(%dma_wait3A_112 : memref<16x128xi32, #tpu.memory_space<hbm>>) dst(%arg7 : memref<16x128xi32, #tpu.memory_space<vmem>>)
        tpu.yield
      }) : () -> ()
      %scan3A_45 = arith.constant 0 : i32
      %scan3A_46 = arith.constant 4 : i32
      %scan3A_47 = arith.addi %scan3A_45, %scan3A_46 : i32
      %scan3A_48 = arith.constant 1 : i32
      scf.for %scan3A_101 = %scan3A_45 to %scan3A_47 step %scan3A_48  : i32 {
        %mul3A_102 = arith.constant 1 : i32
        %mul3A_103 = arith.muli %scan3A_101, %mul3A_102 : i32
        %add3A_104 = arith.constant 0 : i32
        %add3A_105 = arith.addi %add3A_104, %mul3A_103 : i32
        %mul3A_106 = arith.constant 2 : i32
        %mul3A_107 = arith.muli %mul3A_106, %add3A_105 : i32
        %add3A_108 = arith.constant 0 : i32
        %add3A_109 = arith.addi %mul3A_107, %add3A_108 : i32
        %mul3A_110 = arith.constant 2 : i32
        %mul3A_111 = arith.muli %add3A_109, %mul3A_110 : i32
        %gt3A_112 = arith.constant 0 : i32
        %gt3A_113 = arith.cmpi sgt, %add3A_105, %gt3A_112 : i32
        %convert_element_type3A_114 = arith.extui %gt3A_113 : i1 to i32
        %cond3A_115 = arith.constant 0 : i32
        %cond3A_116 = arith.cmpi ne, %convert_element_type3A_114, %cond3A_115 : i32
        scf.if %cond3A_116 {
          %add3A_295 = arith.constant 0 : i32
          %add3A_296 = arith.addi %mul3A_111, %add3A_295 : i32
          %dma_wait3A_297 = arith.constant 0 : i32
          %dma_wait3A_298 = arith.constant 0 : i32
          %dma_wait3A_299 = arith.constant 0 : i32
          %dma_wait3A_300 = arith.constant 0 : i32
          %dma_wait3A_301 = tpu.memref_slice %arg10[%dma_wait3A_297, %dma_wait3A_298, %dma_wait3A_299, %dma_wait3A_300] : memref<2x2x128x8xf32, #tpu.memory_space<vmem>> -> memref<1x1x128x8xf32, #tpu.memory_space<vmem>>
          %dma_wait3A_302 = tpu.memref_squeeze %dma_wait3A_301 : memref<1x1x128x8xf32, #tpu.memory_space<vmem>> -> memref<128x8xf32, #tpu.memory_space<vmem>>
          %dma_wait3A_303 = arith.constant 0 : i32
          %dma_wait3A_304 = tpu.memref_slice %arg7[%add3A_296, %dma_wait3A_303] : memref<16x128xi32, #tpu.memory_space<vmem>> -> memref<1x128xi32, #tpu.memory_space<vmem>>
          %dma_wait3A_305 = tpu.memref_squeeze %dma_wait3A_304 : memref<1x128xi32, #tpu.memory_space<vmem>> -> memref<128xi32, #tpu.memory_space<vmem>>
          %dma_wait3A_306 = arith.constant 0 : i32
          %dma_wait3A_307 = arith.constant 0 : i32
          %dma_wait3A_308 = tpu.memref_slice %arg11[%dma_wait3A_306, %dma_wait3A_307] : memref<50176x8xf32, #tpu.memory_space<vmem_shared>> -> memref<50176x8xf32, #tpu.memory_space<vmem_shared>>
          tpu.wait_indirect_dma semaphore(%arg16 : memref<!tpu.dma_semaphore, #tpu.memory_space<semaphore_mem>>) src(%dma_wait3A_302 : memref<128x8xf32, #tpu.memory_space<vmem>>) dst(%dma_wait3A_308 : memref<50176x8xf32, #tpu.memory_space<vmem_shared>>)
          %add3A_309 = arith.constant 1 : i32
          %add3A_310 = arith.addi %mul3A_111, %add3A_309 : i32
          %dma_wait3A_311 = arith.constant 0 : i32
          %dma_wait3A_312 = arith.constant 1 : i32
          %dma_wait3A_313 = arith.constant 0 : i32
          %dma_wait3A_314 = arith.constant 0 : i32
          %dma_wait3A_315 = tpu.memref_slice %arg10[%dma_wait3A_311, %dma_wait3A_312, %dma_wait3A_313, %dma_wait3A_314] : memref<2x2x128x8xf32, #tpu.memory_space<vmem>> -> memref<1x1x128x8xf32, #tpu.memory_space<vmem>>
          %dma_wait3A_316 = tpu.memref_squeeze %dma_wait3A_315 : memref<1x1x128x8xf32, #tpu.memory_space<vmem>> -> memref<128x8xf32, #tpu.memory_space<vmem>>
          %dma_wait3A_317 = arith.constant 0 : i32
          %dma_wait3A_318 = tpu.memref_slice %arg7[%add3A_310, %dma_wait3A_317] : memref<16x128xi32, #tpu.memory_space<vmem>> -> memref<1x128xi32, #tpu.memory_space<vmem>>
          %dma_wait3A_319 = tpu.memref_squeeze %dma_wait3A_318 : memref<1x128xi32, #tpu.memory_space<vmem>> -> memref<128xi32, #tpu.memory_space<vmem>>
          %dma_wait3A_320 = arith.constant 0 : i32
          %dma_wait3A_321 = arith.constant 0 : i32
          %dma_wait3A_322 = tpu.memref_slice %arg11[%dma_wait3A_320, %dma_wait3A_321] : memref<50176x8xf32, #tpu.memory_space<vmem_shared>> -> memref<50176x8xf32, #tpu.memory_space<vmem_shared>>
          tpu.wait_indirect_dma semaphore(%arg17 : memref<!tpu.dma_semaphore, #tpu.memory_space<semaphore_mem>>) src(%dma_wait3A_316 : memref<128x8xf32, #tpu.memory_space<vmem>>) dst(%dma_wait3A_322 : memref<50176x8xf32, #tpu.memory_space<vmem_shared>>)
        } else {
        }
        %add3A_117 = arith.constant 0 : i32
        %add3A_118 = arith.addi %mul3A_111, %add3A_117 : i32
        %dma_start3A = arith.constant 0 : i32
        %dma_start3A_119 = arith.constant 0 : i32
        %dma_start3A_120 = arith.constant 0 : i32
        %dma_start3A_121 = arith.constant 0 : i32
        %dma_start3A_122 = tpu.memref_slice %arg10[%dma_start3A, %dma_start3A_119, %dma_start3A_120, %dma_start3A_121] : memref<2x2x128x8xf32, #tpu.memory_space<vmem>> -> memref<1x1x128x8xf32, #tpu.memory_space<vmem>>
        %dma_start3A_123 = tpu.memref_squeeze %dma_start3A_122 : memref<1x1x128x8xf32, #tpu.memory_space<vmem>> -> memref<128x8xf32, #tpu.memory_space<vmem>>
        %dma_start3A_124 = arith.constant 0 : i32
        %dma_start3A_125 = tpu.memref_slice %arg6[%add3A_118, %dma_start3A_124] : memref<16x128xi32, #tpu.memory_space<vmem>> -> memref<1x128xi32, #tpu.memory_space<vmem>>
        %dma_start3A_126 = tpu.memref_squeeze %dma_start3A_125 : memref<1x128xi32, #tpu.memory_space<vmem>> -> memref<128xi32, #tpu.memory_space<vmem>>
        %dma_start3A_127 = arith.constant 0 : i32
        %dma_start3A_128 = arith.constant 0 : i32
        %dma_start3A_129 = tpu.memref_slice %arg2[%dma_start3A_127, %dma_start3A_128] : memref<50176x8xf32, #tpu.memory_space<hbm>> -> memref<50176x8xf32, #tpu.memory_space<hbm>>
        tpu.enqueue_indirect_dma source(%dma_start3A_129 : memref<50176x8xf32, #tpu.memory_space<hbm>>) target(%dma_start3A_123 : memref<128x8xf32, #tpu.memory_space<vmem>>) offsets(%dma_start3A_126 : memref<128xi32, #tpu.memory_space<vmem>>) semaphore(%arg12 : memref<!tpu.dma_semaphore, #tpu.memory_space<semaphore_mem>>)
        %add3A_130 = arith.constant 1 : i32
        %add3A_131 = arith.addi %mul3A_111, %add3A_130 : i32
        %dma_start3A_132 = arith.constant 0 : i32
        %dma_start3A_133 = arith.constant 1 : i32
        %dma_start3A_134 = arith.constant 0 : i32
        %dma_start3A_135 = arith.constant 0 : i32
        %dma_start3A_136 = tpu.memref_slice %arg10[%dma_start3A_132, %dma_start3A_133, %dma_start3A_134, %dma_start3A_135] : memref<2x2x128x8xf32, #tpu.memory_space<vmem>> -> memref<1x1x128x8xf32, #tpu.memory_space<vmem>>
        %dma_start3A_137 = tpu.memref_squeeze %dma_start3A_136 : memref<1x1x128x8xf32, #tpu.memory_space<vmem>> -> memref<128x8xf32, #tpu.memory_space<vmem>>
        %dma_start3A_138 = arith.constant 0 : i32
        %dma_start3A_139 = tpu.memref_slice %arg6[%add3A_131, %dma_start3A_138] : memref<16x128xi32, #tpu.memory_space<vmem>> -> memref<1x128xi32, #tpu.memory_space<vmem>>
        %dma_start3A_140 = tpu.memref_squeeze %dma_start3A_139 : memref<1x128xi32, #tpu.memory_space<vmem>> -> memref<128xi32, #tpu.memory_space<vmem>>
        %dma_start3A_141 = arith.constant 0 : i32
        %dma_start3A_142 = arith.constant 0 : i32
        %dma_start3A_143 = tpu.memref_slice %arg2[%dma_start3A_141, %dma_start3A_142] : memref<50176x8xf32, #tpu.memory_space<hbm>> -> memref<50176x8xf32, #tpu.memory_space<hbm>>
        tpu.enqueue_indirect_dma source(%dma_start3A_143 : memref<50176x8xf32, #tpu.memory_space<hbm>>) target(%dma_start3A_137 : memref<128x8xf32, #tpu.memory_space<vmem>>) offsets(%dma_start3A_140 : memref<128xi32, #tpu.memory_space<vmem>>) semaphore(%arg13 : memref<!tpu.dma_semaphore, #tpu.memory_space<semaphore_mem>>)
        %add3A_144 = arith.constant 0 : i32
        %add3A_145 = arith.addi %mul3A_111, %add3A_144 : i32
        %dma_wait3A_146 = arith.constant 0 : i32
        %dma_wait3A_147 = arith.constant 0 : i32
        %dma_wait3A_148 = arith.constant 0 : i32
        %dma_wait3A_149 = arith.constant 0 : i32
        %dma_wait3A_150 = tpu.memref_slice %arg10[%dma_wait3A_146, %dma_wait3A_147, %dma_wait3A_148, %dma_wait3A_149] : memref<2x2x128x8xf32, #tpu.memory_space<vmem>> -> memref<1x1x128x8xf32, #tpu.memory_space<vmem>>
        %dma_wait3A_151 = tpu.memref_squeeze %dma_wait3A_150 : memref<1x1x128x8xf32, #tpu.memory_space<vmem>> -> memref<128x8xf32, #tpu.memory_space<vmem>>
        %dma_wait3A_152 = arith.constant 0 : i32
        %dma_wait3A_153 = tpu.memref_slice %arg6[%add3A_145, %dma_wait3A_152] : memref<16x128xi32, #tpu.memory_space<vmem>> -> memref<1x128xi32, #tpu.memory_space<vmem>>
        %dma_wait3A_154 = tpu.memref_squeeze %dma_wait3A_153 : memref<1x128xi32, #tpu.memory_space<vmem>> -> memref<128xi32, #tpu.memory_space<vmem>>
        %dma_wait3A_155 = arith.constant 0 : i32
        %dma_wait3A_156 = arith.constant 0 : i32
        %dma_wait3A_157 = tpu.memref_slice %arg2[%dma_wait3A_155, %dma_wait3A_156] : memref<50176x8xf32, #tpu.memory_space<hbm>> -> memref<50176x8xf32, #tpu.memory_space<hbm>>
        tpu.wait_indirect_dma semaphore(%arg12 : memref<!tpu.dma_semaphore, #tpu.memory_space<semaphore_mem>>) src(%dma_wait3A_157 : memref<50176x8xf32, #tpu.memory_space<hbm>>) dst(%dma_wait3A_151 : memref<128x8xf32, #tpu.memory_space<vmem>>)
        %add3A_158 = arith.constant 0 : i32
        %add3A_159 = arith.addi %mul3A_111, %add3A_158 : i32
        %dma_start3A_160 = arith.constant 0 : i32
        %dma_start3A_161 = arith.constant 0 : i32
        %dma_start3A_162 = arith.constant 0 : i32
        %dma_start3A_163 = arith.constant 0 : i32
        %dma_start3A_164 = tpu.memref_slice %arg10[%dma_start3A_160, %dma_start3A_161, %dma_start3A_162, %dma_start3A_163] : memref<2x2x128x8xf32, #tpu.memory_space<vmem>> -> memref<1x1x128x8xf32, #tpu.memory_space<vmem>>
        %dma_start3A_165 = tpu.memref_squeeze %dma_start3A_164 : memref<1x1x128x8xf32, #tpu.memory_space<vmem>> -> memref<128x8xf32, #tpu.memory_space<vmem>>
        %dma_start3A_166 = arith.constant 0 : i32
        %dma_start3A_167 = tpu.memref_slice %arg7[%add3A_159, %dma_start3A_166] : memref<16x128xi32, #tpu.memory_space<vmem>> -> memref<1x128xi32, #tpu.memory_space<vmem>>
        %dma_start3A_168 = tpu.memref_squeeze %dma_start3A_167 : memref<1x128xi32, #tpu.memory_space<vmem>> -> memref<128xi32, #tpu.memory_space<vmem>>
        %dma_start3A_169 = arith.constant 0 : i32
        %dma_start3A_170 = arith.constant 0 : i32
        %dma_start3A_171 = tpu.memref_slice %arg11[%dma_start3A_169, %dma_start3A_170] : memref<50176x8xf32, #tpu.memory_space<vmem_shared>> -> memref<50176x8xf32, #tpu.memory_space<vmem_shared>>
        tpu.enqueue_indirect_dma source(%dma_start3A_165 : memref<128x8xf32, #tpu.memory_space<vmem>>) target(%dma_start3A_171 : memref<50176x8xf32, #tpu.memory_space<vmem_shared>>) offsets(%dma_start3A_168 : memref<128xi32, #tpu.memory_space<vmem>>) semaphore(%arg16 : memref<!tpu.dma_semaphore, #tpu.memory_space<semaphore_mem>>) {add = true}
        %add3A_172 = arith.constant 1 : i32
        %add3A_173 = arith.addi %mul3A_111, %add3A_172 : i32
        %dma_wait3A_174 = arith.constant 0 : i32
        %dma_wait3A_175 = arith.constant 1 : i32
        %dma_wait3A_176 = arith.constant 0 : i32
        %dma_wait3A_177 = arith.constant 0 : i32
        %dma_wait3A_178 = tpu.memref_slice %arg10[%dma_wait3A_174, %dma_wait3A_175, %dma_wait3A_176, %dma_wait3A_177] : memref<2x2x128x8xf32, #tpu.memory_space<vmem>> -> memref<1x1x128x8xf32, #tpu.memory_space<vmem>>
        %dma_wait3A_179 = tpu.memref_squeeze %dma_wait3A_178 : memref<1x1x128x8xf32, #tpu.memory_space<vmem>> -> memref<128x8xf32, #tpu.memory_space<vmem>>
        %dma_wait3A_180 = arith.constant 0 : i32
        %dma_wait3A_181 = tpu.memref_slice %arg6[%add3A_173, %dma_wait3A_180] : memref<16x128xi32, #tpu.memory_space<vmem>> -> memref<1x128xi32, #tpu.memory_space<vmem>>
        %dma_wait3A_182 = tpu.memref_squeeze %dma_wait3A_181 : memref<1x128xi32, #tpu.memory_space<vmem>> -> memref<128xi32, #tpu.memory_space<vmem>>
        %dma_wait3A_183 = arith.constant 0 : i32
        %dma_wait3A_184 = arith.constant 0 : i32
        %dma_wait3A_185 = tpu.memref_slice %arg2[%dma_wait3A_183, %dma_wait3A_184] : memref<50176x8xf32, #tpu.memory_space<hbm>> -> memref<50176x8xf32, #tpu.memory_space<hbm>>
        tpu.wait_indirect_dma semaphore(%arg13 : memref<!tpu.dma_semaphore, #tpu.memory_space<semaphore_mem>>) src(%dma_wait3A_185 : memref<50176x8xf32, #tpu.memory_space<hbm>>) dst(%dma_wait3A_179 : memref<128x8xf32, #tpu.memory_space<vmem>>)
        %add3A_186 = arith.constant 1 : i32
        %add3A_187 = arith.addi %mul3A_111, %add3A_186 : i32
        %dma_start3A_188 = arith.constant 0 : i32
        %dma_start3A_189 = arith.constant 1 : i32
        %dma_start3A_190 = arith.constant 0 : i32
        %dma_start3A_191 = arith.constant 0 : i32
        %dma_start3A_192 = tpu.memref_slice %arg10[%dma_start3A_188, %dma_start3A_189, %dma_start3A_190, %dma_start3A_191] : memref<2x2x128x8xf32, #tpu.memory_space<vmem>> -> memref<1x1x128x8xf32, #tpu.memory_space<vmem>>
        %dma_start3A_193 = tpu.memref_squeeze %dma_start3A_192 : memref<1x1x128x8xf32, #tpu.memory_space<vmem>> -> memref<128x8xf32, #tpu.memory_space<vmem>>
        %dma_start3A_194 = arith.constant 0 : i32
        %dma_start3A_195 = tpu.memref_slice %arg7[%add3A_187, %dma_start3A_194] : memref<16x128xi32, #tpu.memory_space<vmem>> -> memref<1x128xi32, #tpu.memory_space<vmem>>
        %dma_start3A_196 = tpu.memref_squeeze %dma_start3A_195 : memref<1x128xi32, #tpu.memory_space<vmem>> -> memref<128xi32, #tpu.memory_space<vmem>>
        %dma_start3A_197 = arith.constant 0 : i32
        %dma_start3A_198 = arith.constant 0 : i32
        %dma_start3A_199 = tpu.memref_slice %arg11[%dma_start3A_197, %dma_start3A_198] : memref<50176x8xf32, #tpu.memory_space<vmem_shared>> -> memref<50176x8xf32, #tpu.memory_space<vmem_shared>>
        tpu.enqueue_indirect_dma source(%dma_start3A_193 : memref<128x8xf32, #tpu.memory_space<vmem>>) target(%dma_start3A_199 : memref<50176x8xf32, #tpu.memory_space<vmem_shared>>) offsets(%dma_start3A_196 : memref<128xi32, #tpu.memory_space<vmem>>) semaphore(%arg17 : memref<!tpu.dma_semaphore, #tpu.memory_space<semaphore_mem>>) {add = true}
        %mul3A_200 = arith.constant 2 : i32
        %mul3A_201 = arith.muli %mul3A_200, %add3A_105 : i32
        %add3A_202 = arith.constant 1 : i32
        %add3A_203 = arith.addi %mul3A_201, %add3A_202 : i32
        %mul3A_204 = arith.constant 2 : i32
        %mul3A_205 = arith.muli %add3A_203, %mul3A_204 : i32
        %gt3A_206 = arith.constant 0 : i32
        %gt3A_207 = arith.cmpi sgt, %add3A_105, %gt3A_206 : i32
        %convert_element_type3A_208 = arith.extui %gt3A_207 : i1 to i32
        %cond3A_209 = arith.constant 0 : i32
        %cond3A_210 = arith.cmpi ne, %convert_element_type3A_208, %cond3A_209 : i32
        scf.if %cond3A_210 {
          %add3A_295 = arith.constant 0 : i32
          %add3A_296 = arith.addi %mul3A_205, %add3A_295 : i32
          %dma_wait3A_297 = arith.constant 1 : i32
          %dma_wait3A_298 = arith.constant 0 : i32
          %dma_wait3A_299 = arith.constant 0 : i32
          %dma_wait3A_300 = arith.constant 0 : i32
          %dma_wait3A_301 = tpu.memref_slice %arg10[%dma_wait3A_297, %dma_wait3A_298, %dma_wait3A_299, %dma_wait3A_300] : memref<2x2x128x8xf32, #tpu.memory_space<vmem>> -> memref<1x1x128x8xf32, #tpu.memory_space<vmem>>
          %dma_wait3A_302 = tpu.memref_squeeze %dma_wait3A_301 : memref<1x1x128x8xf32, #tpu.memory_space<vmem>> -> memref<128x8xf32, #tpu.memory_space<vmem>>
          %dma_wait3A_303 = arith.constant 0 : i32
          %dma_wait3A_304 = tpu.memref_slice %arg7[%add3A_296, %dma_wait3A_303] : memref<16x128xi32, #tpu.memory_space<vmem>> -> memref<1x128xi32, #tpu.memory_space<vmem>>
          %dma_wait3A_305 = tpu.memref_squeeze %dma_wait3A_304 : memref<1x128xi32, #tpu.memory_space<vmem>> -> memref<128xi32, #tpu.memory_space<vmem>>
          %dma_wait3A_306 = arith.constant 0 : i32
          %dma_wait3A_307 = arith.constant 0 : i32
          %dma_wait3A_308 = tpu.memref_slice %arg11[%dma_wait3A_306, %dma_wait3A_307] : memref<50176x8xf32, #tpu.memory_space<vmem_shared>> -> memref<50176x8xf32, #tpu.memory_space<vmem_shared>>
          tpu.wait_indirect_dma semaphore(%arg18 : memref<!tpu.dma_semaphore, #tpu.memory_space<semaphore_mem>>) src(%dma_wait3A_302 : memref<128x8xf32, #tpu.memory_space<vmem>>) dst(%dma_wait3A_308 : memref<50176x8xf32, #tpu.memory_space<vmem_shared>>)
          %add3A_309 = arith.constant 1 : i32
          %add3A_310 = arith.addi %mul3A_205, %add3A_309 : i32
          %dma_wait3A_311 = arith.constant 1 : i32
          %dma_wait3A_312 = arith.constant 1 : i32
          %dma_wait3A_313 = arith.constant 0 : i32
          %dma_wait3A_314 = arith.constant 0 : i32
          %dma_wait3A_315 = tpu.memref_slice %arg10[%dma_wait3A_311, %dma_wait3A_312, %dma_wait3A_313, %dma_wait3A_314] : memref<2x2x128x8xf32, #tpu.memory_space<vmem>> -> memref<1x1x128x8xf32, #tpu.memory_space<vmem>>
          %dma_wait3A_316 = tpu.memref_squeeze %dma_wait3A_315 : memref<1x1x128x8xf32, #tpu.memory_space<vmem>> -> memref<128x8xf32, #tpu.memory_space<vmem>>
          %dma_wait3A_317 = arith.constant 0 : i32
          %dma_wait3A_318 = tpu.memref_slice %arg7[%add3A_310, %dma_wait3A_317] : memref<16x128xi32, #tpu.memory_space<vmem>> -> memref<1x128xi32, #tpu.memory_space<vmem>>
          %dma_wait3A_319 = tpu.memref_squeeze %dma_wait3A_318 : memref<1x128xi32, #tpu.memory_space<vmem>> -> memref<128xi32, #tpu.memory_space<vmem>>
          %dma_wait3A_320 = arith.constant 0 : i32
          %dma_wait3A_321 = arith.constant 0 : i32
          %dma_wait3A_322 = tpu.memref_slice %arg11[%dma_wait3A_320, %dma_wait3A_321] : memref<50176x8xf32, #tpu.memory_space<vmem_shared>> -> memref<50176x8xf32, #tpu.memory_space<vmem_shared>>
          tpu.wait_indirect_dma semaphore(%arg19 : memref<!tpu.dma_semaphore, #tpu.memory_space<semaphore_mem>>) src(%dma_wait3A_316 : memref<128x8xf32, #tpu.memory_space<vmem>>) dst(%dma_wait3A_322 : memref<50176x8xf32, #tpu.memory_space<vmem_shared>>)
        } else {
        }
        %add3A_211 = arith.constant 0 : i32
        %add3A_212 = arith.addi %mul3A_205, %add3A_211 : i32
        %dma_start3A_213 = arith.constant 1 : i32
        %dma_start3A_214 = arith.constant 0 : i32
        %dma_start3A_215 = arith.constant 0 : i32
        %dma_start3A_216 = arith.constant 0 : i32
        %dma_start3A_217 = tpu.memref_slice %arg10[%dma_start3A_213, %dma_start3A_214, %dma_start3A_215, %dma_start3A_216] : memref<2x2x128x8xf32, #tpu.memory_space<vmem>> -> memref<1x1x128x8xf32, #tpu.memory_space<vmem>>
        %dma_start3A_218 = tpu.memref_squeeze %dma_start3A_217 : memref<1x1x128x8xf32, #tpu.memory_space<vmem>> -> memref<128x8xf32, #tpu.memory_space<vmem>>
        %dma_start3A_219 = arith.constant 0 : i32
        %dma_start3A_220 = tpu.memref_slice %arg6[%add3A_212, %dma_start3A_219] : memref<16x128xi32, #tpu.memory_space<vmem>> -> memref<1x128xi32, #tpu.memory_space<vmem>>
        %dma_start3A_221 = tpu.memref_squeeze %dma_start3A_220 : memref<1x128xi32, #tpu.memory_space<vmem>> -> memref<128xi32, #tpu.memory_space<vmem>>
        %dma_start3A_222 = arith.constant 0 : i32
        %dma_start3A_223 = arith.constant 0 : i32
        %dma_start3A_224 = tpu.memref_slice %arg2[%dma_start3A_222, %dma_start3A_223] : memref<50176x8xf32, #tpu.memory_space<hbm>> -> memref<50176x8xf32, #tpu.memory_space<hbm>>
        tpu.enqueue_indirect_dma source(%dma_start3A_224 : memref<50176x8xf32, #tpu.memory_space<hbm>>) target(%dma_start3A_218 : memref<128x8xf32, #tpu.memory_space<vmem>>) offsets(%dma_start3A_221 : memref<128xi32, #tpu.memory_space<vmem>>) semaphore(%arg14 : memref<!tpu.dma_semaphore, #tpu.memory_space<semaphore_mem>>)
        %add3A_225 = arith.constant 1 : i32
        %add3A_226 = arith.addi %mul3A_205, %add3A_225 : i32
        %dma_start3A_227 = arith.constant 1 : i32
        %dma_start3A_228 = arith.constant 1 : i32
        %dma_start3A_229 = arith.constant 0 : i32
        %dma_start3A_230 = arith.constant 0 : i32
        %dma_start3A_231 = tpu.memref_slice %arg10[%dma_start3A_227, %dma_start3A_228, %dma_start3A_229, %dma_start3A_230] : memref<2x2x128x8xf32, #tpu.memory_space<vmem>> -> memref<1x1x128x8xf32, #tpu.memory_space<vmem>>
        %dma_start3A_232 = tpu.memref_squeeze %dma_start3A_231 : memref<1x1x128x8xf32, #tpu.memory_space<vmem>> -> memref<128x8xf32, #tpu.memory_space<vmem>>
        %dma_start3A_233 = arith.constant 0 : i32
        %dma_start3A_234 = tpu.memref_slice %arg6[%add3A_226, %dma_start3A_233] : memref<16x128xi32, #tpu.memory_space<vmem>> -> memref<1x128xi32, #tpu.memory_space<vmem>>
        %dma_start3A_235 = tpu.memref_squeeze %dma_start3A_234 : memref<1x128xi32, #tpu.memory_space<vmem>> -> memref<128xi32, #tpu.memory_space<vmem>>
        %dma_start3A_236 = arith.constant 0 : i32
        %dma_start3A_237 = arith.constant 0 : i32
        %dma_start3A_238 = tpu.memref_slice %arg2[%dma_start3A_236, %dma_start3A_237] : memref<50176x8xf32, #tpu.memory_space<hbm>> -> memref<50176x8xf32, #tpu.memory_space<hbm>>
        tpu.enqueue_indirect_dma source(%dma_start3A_238 : memref<50176x8xf32, #tpu.memory_space<hbm>>) target(%dma_start3A_232 : memref<128x8xf32, #tpu.memory_space<vmem>>) offsets(%dma_start3A_235 : memref<128xi32, #tpu.memory_space<vmem>>) semaphore(%arg15 : memref<!tpu.dma_semaphore, #tpu.memory_space<semaphore_mem>>)
        %add3A_239 = arith.constant 0 : i32
        %add3A_240 = arith.addi %mul3A_205, %add3A_239 : i32
        %dma_wait3A_241 = arith.constant 1 : i32
        %dma_wait3A_242 = arith.constant 0 : i32
        %dma_wait3A_243 = arith.constant 0 : i32
        %dma_wait3A_244 = arith.constant 0 : i32
        %dma_wait3A_245 = tpu.memref_slice %arg10[%dma_wait3A_241, %dma_wait3A_242, %dma_wait3A_243, %dma_wait3A_244] : memref<2x2x128x8xf32, #tpu.memory_space<vmem>> -> memref<1x1x128x8xf32, #tpu.memory_space<vmem>>
        %dma_wait3A_246 = tpu.memref_squeeze %dma_wait3A_245 : memref<1x1x128x8xf32, #tpu.memory_space<vmem>> -> memref<128x8xf32, #tpu.memory_space<vmem>>
        %dma_wait3A_247 = arith.constant 0 : i32
        %dma_wait3A_248 = tpu.memref_slice %arg6[%add3A_240, %dma_wait3A_247] : memref<16x128xi32, #tpu.memory_space<vmem>> -> memref<1x128xi32, #tpu.memory_space<vmem>>
        %dma_wait3A_249 = tpu.memref_squeeze %dma_wait3A_248 : memref<1x128xi32, #tpu.memory_space<vmem>> -> memref<128xi32, #tpu.memory_space<vmem>>
        %dma_wait3A_250 = arith.constant 0 : i32
        %dma_wait3A_251 = arith.constant 0 : i32
        %dma_wait3A_252 = tpu.memref_slice %arg2[%dma_wait3A_250, %dma_wait3A_251] : memref<50176x8xf32, #tpu.memory_space<hbm>> -> memref<50176x8xf32, #tpu.memory_space<hbm>>
        tpu.wait_indirect_dma semaphore(%arg14 : memref<!tpu.dma_semaphore, #tpu.memory_space<semaphore_mem>>) src(%dma_wait3A_252 : memref<50176x8xf32, #tpu.memory_space<hbm>>) dst(%dma_wait3A_246 : memref<128x8xf32, #tpu.memory_space<vmem>>)
        %add3A_253 = arith.constant 0 : i32
        %add3A_254 = arith.addi %mul3A_205, %add3A_253 : i32
        %dma_start3A_255 = arith.constant 1 : i32
        %dma_start3A_256 = arith.constant 0 : i32
        %dma_start3A_257 = arith.constant 0 : i32
        %dma_start3A_258 = arith.constant 0 : i32
        %dma_start3A_259 = tpu.memref_slice %arg10[%dma_start3A_255, %dma_start3A_256, %dma_start3A_257, %dma_start3A_258] : memref<2x2x128x8xf32, #tpu.memory_space<vmem>> -> memref<1x1x128x8xf32, #tpu.memory_space<vmem>>
        %dma_start3A_260 = tpu.memref_squeeze %dma_start3A_259 : memref<1x1x128x8xf32, #tpu.memory_space<vmem>> -> memref<128x8xf32, #tpu.memory_space<vmem>>
        %dma_start3A_261 = arith.constant 0 : i32
        %dma_start3A_262 = tpu.memref_slice %arg7[%add3A_254, %dma_start3A_261] : memref<16x128xi32, #tpu.memory_space<vmem>> -> memref<1x128xi32, #tpu.memory_space<vmem>>
        %dma_start3A_263 = tpu.memref_squeeze %dma_start3A_262 : memref<1x128xi32, #tpu.memory_space<vmem>> -> memref<128xi32, #tpu.memory_space<vmem>>
        %dma_start3A_264 = arith.constant 0 : i32
        %dma_start3A_265 = arith.constant 0 : i32
        %dma_start3A_266 = tpu.memref_slice %arg11[%dma_start3A_264, %dma_start3A_265] : memref<50176x8xf32, #tpu.memory_space<vmem_shared>> -> memref<50176x8xf32, #tpu.memory_space<vmem_shared>>
        tpu.enqueue_indirect_dma source(%dma_start3A_260 : memref<128x8xf32, #tpu.memory_space<vmem>>) target(%dma_start3A_266 : memref<50176x8xf32, #tpu.memory_space<vmem_shared>>) offsets(%dma_start3A_263 : memref<128xi32, #tpu.memory_space<vmem>>) semaphore(%arg18 : memref<!tpu.dma_semaphore, #tpu.memory_space<semaphore_mem>>) {add = true}
        %add3A_267 = arith.constant 1 : i32
        %add3A_268 = arith.addi %mul3A_205, %add3A_267 : i32
        %dma_wait3A_269 = arith.constant 1 : i32
        %dma_wait3A_270 = arith.constant 1 : i32
        %dma_wait3A_271 = arith.constant 0 : i32
        %dma_wait3A_272 = arith.constant 0 : i32
        %dma_wait3A_273 = tpu.memref_slice %arg10[%dma_wait3A_269, %dma_wait3A_270, %dma_wait3A_271, %dma_wait3A_272] : memref<2x2x128x8xf32, #tpu.memory_space<vmem>> -> memref<1x1x128x8xf32, #tpu.memory_space<vmem>>
        %dma_wait3A_274 = tpu.memref_squeeze %dma_wait3A_273 : memref<1x1x128x8xf32, #tpu.memory_space<vmem>> -> memref<128x8xf32, #tpu.memory_space<vmem>>
        %dma_wait3A_275 = arith.constant 0 : i32
        %dma_wait3A_276 = tpu.memref_slice %arg6[%add3A_268, %dma_wait3A_275] : memref<16x128xi32, #tpu.memory_space<vmem>> -> memref<1x128xi32, #tpu.memory_space<vmem>>
        %dma_wait3A_277 = tpu.memref_squeeze %dma_wait3A_276 : memref<1x128xi32, #tpu.memory_space<vmem>> -> memref<128xi32, #tpu.memory_space<vmem>>
        %dma_wait3A_278 = arith.constant 0 : i32
        %dma_wait3A_279 = arith.constant 0 : i32
        %dma_wait3A_280 = tpu.memref_slice %arg2[%dma_wait3A_278, %dma_wait3A_279] : memref<50176x8xf32, #tpu.memory_space<hbm>> -> memref<50176x8xf32, #tpu.memory_space<hbm>>
        tpu.wait_indirect_dma semaphore(%arg15 : memref<!tpu.dma_semaphore, #tpu.memory_space<semaphore_mem>>) src(%dma_wait3A_280 : memref<50176x8xf32, #tpu.memory_space<hbm>>) dst(%dma_wait3A_274 : memref<128x8xf32, #tpu.memory_space<vmem>>)
        %add3A_281 = arith.constant 1 : i32
        %add3A_282 = arith.addi %mul3A_205, %add3A_281 : i32
        %dma_start3A_283 = arith.constant 1 : i32
        %dma_start3A_284 = arith.constant 1 : i32
        %dma_start3A_285 = arith.constant 0 : i32
        %dma_start3A_286 = arith.constant 0 : i32
        %dma_start3A_287 = tpu.memref_slice %arg10[%dma_start3A_283, %dma_start3A_284, %dma_start3A_285, %dma_start3A_286] : memref<2x2x128x8xf32, #tpu.memory_space<vmem>> -> memref<1x1x128x8xf32, #tpu.memory_space<vmem>>
        %dma_start3A_288 = tpu.memref_squeeze %dma_start3A_287 : memref<1x1x128x8xf32, #tpu.memory_space<vmem>> -> memref<128x8xf32, #tpu.memory_space<vmem>>
        %dma_start3A_289 = arith.constant 0 : i32
        %dma_start3A_290 = tpu.memref_slice %arg7[%add3A_282, %dma_start3A_289] : memref<16x128xi32, #tpu.memory_space<vmem>> -> memref<1x128xi32, #tpu.memory_space<vmem>>
        %dma_start3A_291 = tpu.memref_squeeze %dma_start3A_290 : memref<1x128xi32, #tpu.memory_space<vmem>> -> memref<128xi32, #tpu.memory_space<vmem>>
        %dma_start3A_292 = arith.constant 0 : i32
        %dma_start3A_293 = arith.constant 0 : i32
        %dma_start3A_294 = tpu.memref_slice %arg11[%dma_start3A_292, %dma_start3A_293] : memref<50176x8xf32, #tpu.memory_space<vmem_shared>> -> memref<50176x8xf32, #tpu.memory_space<vmem_shared>>
        tpu.enqueue_indirect_dma source(%dma_start3A_288 : memref<128x8xf32, #tpu.memory_space<vmem>>) target(%dma_start3A_294 : memref<50176x8xf32, #tpu.memory_space<vmem_shared>>) offsets(%dma_start3A_291 : memref<128xi32, #tpu.memory_space<vmem>>) semaphore(%arg19 : memref<!tpu.dma_semaphore, #tpu.memory_space<semaphore_mem>>) {add = true}
      }
      %scan3A_49 = arith.constant 4 : i32
      %dma_wait3A = arith.constant 0 : i32
      %dma_wait3A_50 = arith.constant 0 : i32
      %dma_wait3A_51 = arith.constant 12 : i32
      %dma_wait3A_52 = arith.constant 0 : i32
      %dma_wait3A_53 = arith.constant 0 : i32
      %dma_wait3A_54 = tpu.memref_slice %arg10[%dma_wait3A, %dma_wait3A_50, %dma_wait3A_52, %dma_wait3A_53] : memref<2x2x128x8xf32, #tpu.memory_space<vmem>> -> memref<1x1x128x8xf32, #tpu.memory_space<vmem>>
      %dma_wait3A_55 = tpu.memref_squeeze %dma_wait3A_54 : memref<1x1x128x8xf32, #tpu.memory_space<vmem>> -> memref<128x8xf32, #tpu.memory_space<vmem>>
      %dma_wait3A_56 = arith.constant 0 : i32
      %dma_wait3A_57 = tpu.memref_slice %arg7[%dma_wait3A_51, %dma_wait3A_56] : memref<16x128xi32, #tpu.memory_space<vmem>> -> memref<1x128xi32, #tpu.memory_space<vmem>>
      %dma_wait3A_58 = tpu.memref_squeeze %dma_wait3A_57 : memref<1x128xi32, #tpu.memory_space<vmem>> -> memref<128xi32, #tpu.memory_space<vmem>>
      %dma_wait3A_59 = arith.constant 0 : i32
      %dma_wait3A_60 = arith.constant 0 : i32
      %dma_wait3A_61 = tpu.memref_slice %arg11[%dma_wait3A_59, %dma_wait3A_60] : memref<50176x8xf32, #tpu.memory_space<vmem_shared>> -> memref<50176x8xf32, #tpu.memory_space<vmem_shared>>
      tpu.wait_indirect_dma semaphore(%arg16 : memref<!tpu.dma_semaphore, #tpu.memory_space<semaphore_mem>>) src(%dma_wait3A_55 : memref<128x8xf32, #tpu.memory_space<vmem>>) dst(%dma_wait3A_61 : memref<50176x8xf32, #tpu.memory_space<vmem_shared>>)
      %dma_wait3A_62 = arith.constant 0 : i32
      %dma_wait3A_63 = arith.constant 1 : i32
      %dma_wait3A_64 = arith.constant 13 : i32
      %dma_wait3A_65 = arith.constant 0 : i32
      %dma_wait3A_66 = arith.constant 0 : i32
      %dma_wait3A_67 = tpu.memref_slice %arg10[%dma_wait3A_62, %dma_wait3A_63, %dma_wait3A_65, %dma_wait3A_66] : memref<2x2x128x8xf32, #tpu.memory_space<vmem>> -> memref<1x1x128x8xf32, #tpu.memory_space<vmem>>
      %dma_wait3A_68 = tpu.memref_squeeze %dma_wait3A_67 : memref<1x1x128x8xf32, #tpu.memory_space<vmem>> -> memref<128x8xf32, #tpu.memory_space<vmem>>
      %dma_wait3A_69 = arith.constant 0 : i32
      %dma_wait3A_70 = tpu.memref_slice %arg7[%dma_wait3A_64, %dma_wait3A_69] : memref<16x128xi32, #tpu.memory_space<vmem>> -> memref<1x128xi32, #tpu.memory_space<vmem>>
      %dma_wait3A_71 = tpu.memref_squeeze %dma_wait3A_70 : memref<1x128xi32, #tpu.memory_space<vmem>> -> memref<128xi32, #tpu.memory_space<vmem>>
      %dma_wait3A_72 = arith.constant 0 : i32
      %dma_wait3A_73 = arith.constant 0 : i32
      %dma_wait3A_74 = tpu.memref_slice %arg11[%dma_wait3A_72, %dma_wait3A_73] : memref<50176x8xf32, #tpu.memory_space<vmem_shared>> -> memref<50176x8xf32, #tpu.memory_space<vmem_shared>>
      tpu.wait_indirect_dma semaphore(%arg17 : memref<!tpu.dma_semaphore, #tpu.memory_space<semaphore_mem>>) src(%dma_wait3A_68 : memref<128x8xf32, #tpu.memory_space<vmem>>) dst(%dma_wait3A_74 : memref<50176x8xf32, #tpu.memory_space<vmem_shared>>)
      %dma_wait3A_75 = arith.constant 1 : i32
      %dma_wait3A_76 = arith.constant 0 : i32
      %dma_wait3A_77 = arith.constant 14 : i32
      %dma_wait3A_78 = arith.constant 0 : i32
      %dma_wait3A_79 = arith.constant 0 : i32
      %dma_wait3A_80 = tpu.memref_slice %arg10[%dma_wait3A_75, %dma_wait3A_76, %dma_wait3A_78, %dma_wait3A_79] : memref<2x2x128x8xf32, #tpu.memory_space<vmem>> -> memref<1x1x128x8xf32, #tpu.memory_space<vmem>>
      %dma_wait3A_81 = tpu.memref_squeeze %dma_wait3A_80 : memref<1x1x128x8xf32, #tpu.memory_space<vmem>> -> memref<128x8xf32, #tpu.memory_space<vmem>>
      %dma_wait3A_82 = arith.constant 0 : i32
      %dma_wait3A_83 = tpu.memref_slice %arg7[%dma_wait3A_77, %dma_wait3A_82] : memref<16x128xi32, #tpu.memory_space<vmem>> -> memref<1x128xi32, #tpu.memory_space<vmem>>
      %dma_wait3A_84 = tpu.memref_squeeze %dma_wait3A_83 : memref<1x128xi32, #tpu.memory_space<vmem>> -> memref<128xi32, #tpu.memory_space<vmem>>
      %dma_wait3A_85 = arith.constant 0 : i32
      %dma_wait3A_86 = arith.constant 0 : i32
      %dma_wait3A_87 = tpu.memref_slice %arg11[%dma_wait3A_85, %dma_wait3A_86] : memref<50176x8xf32, #tpu.memory_space<vmem_shared>> -> memref<50176x8xf32, #tpu.memory_space<vmem_shared>>
      tpu.wait_indirect_dma semaphore(%arg18 : memref<!tpu.dma_semaphore, #tpu.memory_space<semaphore_mem>>) src(%dma_wait3A_81 : memref<128x8xf32, #tpu.memory_space<vmem>>) dst(%dma_wait3A_87 : memref<50176x8xf32, #tpu.memory_space<vmem_shared>>)
      %dma_wait3A_88 = arith.constant 1 : i32
      %dma_wait3A_89 = arith.constant 1 : i32
      %dma_wait3A_90 = arith.constant 15 : i32
      %dma_wait3A_91 = arith.constant 0 : i32
      %dma_wait3A_92 = arith.constant 0 : i32
      %dma_wait3A_93 = tpu.memref_slice %arg10[%dma_wait3A_88, %dma_wait3A_89, %dma_wait3A_91, %dma_wait3A_92] : memref<2x2x128x8xf32, #tpu.memory_space<vmem>> -> memref<1x1x128x8xf32, #tpu.memory_space<vmem>>
      %dma_wait3A_94 = tpu.memref_squeeze %dma_wait3A_93 : memref<1x1x128x8xf32, #tpu.memory_space<vmem>> -> memref<128x8xf32, #tpu.memory_space<vmem>>
      %dma_wait3A_95 = arith.constant 0 : i32
      %dma_wait3A_96 = tpu.memref_slice %arg7[%dma_wait3A_90, %dma_wait3A_95] : memref<16x128xi32, #tpu.memory_space<vmem>> -> memref<1x128xi32, #tpu.memory_space<vmem>>
      %dma_wait3A_97 = tpu.memref_squeeze %dma_wait3A_96 : memref<1x128xi32, #tpu.memory_space<vmem>> -> memref<128xi32, #tpu.memory_space<vmem>>
      %dma_wait3A_98 = arith.constant 0 : i32
      %dma_wait3A_99 = arith.constant 0 : i32
      %dma_wait3A_100 = tpu.memref_slice %arg11[%dma_wait3A_98, %dma_wait3A_99] : memref<50176x8xf32, #tpu.memory_space<vmem_shared>> -> memref<50176x8xf32, #tpu.memory_space<vmem_shared>>
      tpu.wait_indirect_dma semaphore(%arg19 : memref<!tpu.dma_semaphore, #tpu.memory_space<semaphore_mem>>) src(%dma_wait3A_94 : memref<128x8xf32, #tpu.memory_space<vmem>>) dst(%dma_wait3A_100 : memref<50176x8xf32, #tpu.memory_space<vmem_shared>>)
    }
    %scan3A_10 = arith.constant 12 : i32
    %lt3A = arith.constant 10 : i32
    %lt3A_11 = arith.cmpi slt, %add3A, %lt3A : i32
    %jit3A = arith.constant 1 : i32
    %jit3A_12 = arith.constant 0 : i32
    %select_n3A = arith.select %lt3A_11, %jit3A, %jit3A_12 : i32
    %add3A_13 = arith.constant 3 : i32
    %add3A_14 = arith.addi %add3A_13, %select_n3A : i32
    %gt3A = arith.constant 0 : i32
    %gt3A_15 = arith.cmpi sgt, %add3A_14, %gt3A : i32
    %convert_element_type3A = arith.extui %gt3A_15 : i1 to i32
    %cond3A = arith.constant 0 : i32
    %cond3A_16 = arith.cmpi ne, %convert_element_type3A, %cond3A : i32
    scf.if %cond3A_16 {
      %add3A_33 = arith.constant 192 : i32
      %add3A_34 = arith.addi %add3A_4, %add3A_33 : i32
      %add3A_35 = arith.constant 0 : i32
      %add3A_36 = arith.addi %add3A_34, %add3A_35 : i32
      %run_scoped3A = arith.constant 0 : i32
      "tpu.region"() ({
        %run_scoped3A_69 = tpu.sem_alloc : memref<!tpu.dma_semaphore, #tpu.memory_space<semaphore_mem>>
        %dma_start3A_70 = arith.constant 0 : i32
        %dma_start3A_71 = tpu.memref_slice %arg3[%run_scoped3A, %add3A_36, %dma_start3A_70] : memref<2x6250x128xi32, #tpu.memory_space<hbm>> -> memref<1x1x128xi32, #tpu.memory_space<hbm>>
        %dma_start3A_72 = tpu.memref_squeeze %dma_start3A_71 : memref<1x1x128xi32, #tpu.memory_space<hbm>> -> memref<1x128xi32, #tpu.memory_space<hbm>>
        %dma_start3A_73 = arith.constant 0 : i32
        %dma_start3A_74 = tpu.memref_slice %arg3[%run_scoped3A, %add3A_36, %dma_start3A_73] : memref<2x6250x128xi32, #tpu.memory_space<hbm>> -> memref<1x1x128xi32, #tpu.memory_space<hbm>>
        %dma_start3A_75 = tpu.memref_squeeze %dma_start3A_74 : memref<1x1x128xi32, #tpu.memory_space<hbm>> -> memref<1x128xi32, #tpu.memory_space<hbm>>
        tpu.enqueue_dma source(%dma_start3A_75 : memref<1x128xi32, #tpu.memory_space<hbm>>) target(%arg8 : memref<1x128xi32, #tpu.memory_space<vmem>>) target_semaphore(%run_scoped3A_69 : memref<!tpu.dma_semaphore, #tpu.memory_space<semaphore_mem>>)
        %dma_wait3A_76 = arith.constant 0 : i32
        %dma_wait3A_77 = tpu.memref_slice %arg3[%run_scoped3A, %add3A_36, %dma_wait3A_76] : memref<2x6250x128xi32, #tpu.memory_space<hbm>> -> memref<1x1x128xi32, #tpu.memory_space<hbm>>
        %dma_wait3A_78 = tpu.memref_squeeze %dma_wait3A_77 : memref<1x1x128xi32, #tpu.memory_space<hbm>> -> memref<1x128xi32, #tpu.memory_space<hbm>>
        %dma_wait3A_79 = arith.constant 0 : i32
        %dma_wait3A_80 = tpu.memref_slice %arg3[%run_scoped3A, %add3A_36, %dma_wait3A_79] : memref<2x6250x128xi32, #tpu.memory_space<hbm>> -> memref<1x1x128xi32, #tpu.memory_space<hbm>>
        %dma_wait3A_81 = tpu.memref_squeeze %dma_wait3A_80 : memref<1x1x128xi32, #tpu.memory_space<hbm>> -> memref<1x128xi32, #tpu.memory_space<hbm>>
        tpu.wait_dma2 semaphore(%run_scoped3A_69 : memref<!tpu.dma_semaphore, #tpu.memory_space<semaphore_mem>>) src(%dma_wait3A_81 : memref<1x128xi32, #tpu.memory_space<hbm>>) dst(%arg8 : memref<1x128xi32, #tpu.memory_space<vmem>>)
        tpu.yield
      }) : () -> ()
      %add3A_37 = arith.constant 192 : i32
      %add3A_38 = arith.addi %add3A_4, %add3A_37 : i32
      %add3A_39 = arith.constant 0 : i32
      %add3A_40 = arith.addi %add3A_38, %add3A_39 : i32
      %run_scoped3A_41 = arith.constant 1 : i32
      "tpu.region"() ({
        %run_scoped3A_69 = tpu.sem_alloc : memref<!tpu.dma_semaphore, #tpu.memory_space<semaphore_mem>>
        %dma_start3A_70 = arith.constant 0 : i32
        %dma_start3A_71 = tpu.memref_slice %arg3[%run_scoped3A_41, %add3A_40, %dma_start3A_70] : memref<2x6250x128xi32, #tpu.memory_space<hbm>> -> memref<1x1x128xi32, #tpu.memory_space<hbm>>
        %dma_start3A_72 = tpu.memref_squeeze %dma_start3A_71 : memref<1x1x128xi32, #tpu.memory_space<hbm>> -> memref<1x128xi32, #tpu.memory_space<hbm>>
        %dma_start3A_73 = arith.constant 0 : i32
        %dma_start3A_74 = tpu.memref_slice %arg3[%run_scoped3A_41, %add3A_40, %dma_start3A_73] : memref<2x6250x128xi32, #tpu.memory_space<hbm>> -> memref<1x1x128xi32, #tpu.memory_space<hbm>>
        %dma_start3A_75 = tpu.memref_squeeze %dma_start3A_74 : memref<1x1x128xi32, #tpu.memory_space<hbm>> -> memref<1x128xi32, #tpu.memory_space<hbm>>
        tpu.enqueue_dma source(%dma_start3A_75 : memref<1x128xi32, #tpu.memory_space<hbm>>) target(%arg9 : memref<1x128xi32, #tpu.memory_space<vmem>>) target_semaphore(%run_scoped3A_69 : memref<!tpu.dma_semaphore, #tpu.memory_space<semaphore_mem>>)
        %dma_wait3A_76 = arith.constant 0 : i32
        %dma_wait3A_77 = tpu.memref_slice %arg3[%run_scoped3A_41, %add3A_40, %dma_wait3A_76] : memref<2x6250x128xi32, #tpu.memory_space<hbm>> -> memref<1x1x128xi32, #tpu.memory_space<hbm>>
        %dma_wait3A_78 = tpu.memref_squeeze %dma_wait3A_77 : memref<1x1x128xi32, #tpu.memory_space<hbm>> -> memref<1x128xi32, #tpu.memory_space<hbm>>
        %dma_wait3A_79 = arith.constant 0 : i32
        %dma_wait3A_80 = tpu.memref_slice %arg3[%run_scoped3A_41, %add3A_40, %dma_wait3A_79] : memref<2x6250x128xi32, #tpu.memory_space<hbm>> -> memref<1x1x128xi32, #tpu.memory_space<hbm>>
        %dma_wait3A_81 = tpu.memref_squeeze %dma_wait3A_80 : memref<1x1x128xi32, #tpu.memory_space<hbm>> -> memref<1x128xi32, #tpu.memory_space<hbm>>
        tpu.wait_dma2 semaphore(%run_scoped3A_69 : memref<!tpu.dma_semaphore, #tpu.memory_space<semaphore_mem>>) src(%dma_wait3A_81 : memref<1x128xi32, #tpu.memory_space<hbm>>) dst(%arg9 : memref<1x128xi32, #tpu.memory_space<vmem>>)
        tpu.yield
      }) : () -> ()
      %dma_start3A = arith.constant 0 : i32
      %dma_start3A_42 = arith.constant 0 : i32
      %dma_start3A_43 = arith.constant 0 : i32
      %dma_start3A_44 = arith.constant 0 : i32
      %dma_start3A_45 = arith.constant 0 : i32
      %dma_start3A_46 = tpu.memref_slice %arg10[%dma_start3A_42, %dma_start3A_43, %dma_start3A_44, %dma_start3A_45] : memref<2x2x128x8xf32, #tpu.memory_space<vmem>> -> memref<1x1x128x8xf32, #tpu.memory_space<vmem>>
      %dma_start3A_47 = tpu.memref_squeeze %dma_start3A_46 : memref<1x1x128x8xf32, #tpu.memory_space<vmem>> -> memref<128x8xf32, #tpu.memory_space<vmem>>
      %dma_start3A_48 = arith.constant 0 : i32
      %dma_start3A_49 = tpu.memref_slice %arg8[%dma_start3A, %dma_start3A_48] : memref<1x128xi32, #tpu.memory_space<vmem>> -> memref<1x128xi32, #tpu.memory_space<vmem>>
      %dma_start3A_50 = tpu.memref_squeeze %dma_start3A_49 : memref<1x128xi32, #tpu.memory_space<vmem>> -> memref<128xi32, #tpu.memory_space<vmem>>
      %dma_start3A_51 = arith.constant 0 : i32
      %dma_start3A_52 = arith.constant 0 : i32
      %dma_start3A_53 = tpu.memref_slice %arg2[%dma_start3A_51, %dma_start3A_52] : memref<50176x8xf32, #tpu.memory_space<hbm>> -> memref<50176x8xf32, #tpu.memory_space<hbm>>
      tpu.enqueue_indirect_dma source(%dma_start3A_53 : memref<50176x8xf32, #tpu.memory_space<hbm>>) target(%dma_start3A_47 : memref<128x8xf32, #tpu.memory_space<vmem>>) offsets(%dma_start3A_50 : memref<128xi32, #tpu.memory_space<vmem>>) semaphore(%arg12 : memref<!tpu.dma_semaphore, #tpu.memory_space<semaphore_mem>>)
      %dma_wait3A = arith.constant 0 : i32
      %dma_wait3A_54 = arith.constant 0 : i32
      %dma_wait3A_55 = arith.constant 0 : i32
      %dma_wait3A_56 = arith.constant 0 : i32
      %dma_wait3A_57 = arith.constant 0 : i32
      %dma_wait3A_58 = tpu.memref_slice %arg10[%dma_wait3A_54, %dma_wait3A_55, %dma_wait3A_56, %dma_wait3A_57] : memref<2x2x128x8xf32, #tpu.memory_space<vmem>> -> memref<1x1x128x8xf32, #tpu.memory_space<vmem>>
      %dma_wait3A_59 = tpu.memref_squeeze %dma_wait3A_58 : memref<1x1x128x8xf32, #tpu.memory_space<vmem>> -> memref<128x8xf32, #tpu.memory_space<vmem>>
      %dma_wait3A_60 = arith.constant 0 : i32
      %dma_wait3A_61 = tpu.memref_slice %arg8[%dma_wait3A, %dma_wait3A_60] : memref<1x128xi32, #tpu.memory_space<vmem>> -> memref<1x128xi32, #tpu.memory_space<vmem>>
      %dma_wait3A_62 = tpu.memref_squeeze %dma_wait3A_61 : memref<1x128xi32, #tpu.memory_space<vmem>> -> memref<128xi32, #tpu.memory_space<vmem>>
      %dma_wait3A_63 = arith.constant 0 : i32
      %dma_wait3A_64 = arith.constant 0 : i32
      %dma_wait3A_65 = tpu.memref_slice %arg2[%dma_wait3A_63, %dma_wait3A_64] : memref<50176x8xf32, #tpu.memory_space<hbm>> -> memref<50176x8xf32, #tpu.memory_space<hbm>>
      tpu.wait_indirect_dma semaphore(%arg12 : memref<!tpu.dma_semaphore, #tpu.memory_space<semaphore_mem>>) src(%dma_wait3A_65 : memref<50176x8xf32, #tpu.memory_space<hbm>>) dst(%dma_wait3A_59 : memref<128x8xf32, #tpu.memory_space<vmem>>)
      %run_scoped3A_66 = arith.constant 0 : i32
      %run_scoped3A_67 = arith.constant 0 : i32
      %run_scoped3A_68 = arith.constant 0 : i32
      "tpu.region"() ({
        %run_scoped3A_69 = tpu.sem_alloc : memref<!tpu.dma_semaphore, #tpu.memory_space<semaphore_mem>>
        %dma_start3A_70 = arith.constant 0 : i32
        %dma_start3A_71 = arith.constant 0 : i32
        %dma_start3A_72 = tpu.memref_slice %arg10[%run_scoped3A_66, %run_scoped3A_67, %dma_start3A_70, %dma_start3A_71] : memref<2x2x128x8xf32, #tpu.memory_space<vmem>> -> memref<1x1x128x8xf32, #tpu.memory_space<vmem>>
        %dma_start3A_73 = tpu.memref_squeeze %dma_start3A_72 : memref<1x1x128x8xf32, #tpu.memory_space<vmem>> -> memref<128x8xf32, #tpu.memory_space<vmem>>
        %dma_start3A_74 = arith.constant 0 : i32
        %dma_start3A_75 = tpu.memref_slice %arg9[%run_scoped3A_68, %dma_start3A_74] : memref<1x128xi32, #tpu.memory_space<vmem>> -> memref<1x128xi32, #tpu.memory_space<vmem>>
        %dma_start3A_76 = tpu.memref_squeeze %dma_start3A_75 : memref<1x128xi32, #tpu.memory_space<vmem>> -> memref<128xi32, #tpu.memory_space<vmem>>
        %dma_start3A_77 = arith.constant 0 : i32
        %dma_start3A_78 = arith.constant 0 : i32
        %dma_start3A_79 = tpu.memref_slice %arg11[%dma_start3A_77, %dma_start3A_78] : memref<50176x8xf32, #tpu.memory_space<vmem_shared>> -> memref<50176x8xf32, #tpu.memory_space<vmem_shared>>
        tpu.enqueue_indirect_dma source(%dma_start3A_73 : memref<128x8xf32, #tpu.memory_space<vmem>>) target(%dma_start3A_79 : memref<50176x8xf32, #tpu.memory_space<vmem_shared>>) offsets(%dma_start3A_76 : memref<128xi32, #tpu.memory_space<vmem>>) semaphore(%run_scoped3A_69 : memref<!tpu.dma_semaphore, #tpu.memory_space<semaphore_mem>>) {add = true}
        %dma_wait3A_80 = arith.constant 0 : i32
        %dma_wait3A_81 = arith.constant 0 : i32
        %dma_wait3A_82 = tpu.memref_slice %arg10[%run_scoped3A_66, %run_scoped3A_67, %dma_wait3A_80, %dma_wait3A_81] : memref<2x2x128x8xf32, #tpu.memory_space<vmem>> -> memref<1x1x128x8xf32, #tpu.memory_space<vmem>>
        %dma_wait3A_83 = tpu.memref_squeeze %dma_wait3A_82 : memref<1x1x128x8xf32, #tpu.memory_space<vmem>> -> memref<128x8xf32, #tpu.memory_space<vmem>>
        %dma_wait3A_84 = arith.constant 0 : i32
        %dma_wait3A_85 = tpu.memref_slice %arg9[%run_scoped3A_68, %dma_wait3A_84] : memref<1x128xi32, #tpu.memory_space<vmem>> -> memref<1x128xi32, #tpu.memory_space<vmem>>
        %dma_wait3A_86 = tpu.memref_squeeze %dma_wait3A_85 : memref<1x128xi32, #tpu.memory_space<vmem>> -> memref<128xi32, #tpu.memory_space<vmem>>
        %dma_wait3A_87 = arith.constant 0 : i32
        %dma_wait3A_88 = arith.constant 0 : i32
        %dma_wait3A_89 = tpu.memref_slice %arg11[%dma_wait3A_87, %dma_wait3A_88] : memref<50176x8xf32, #tpu.memory_space<vmem_shared>> -> memref<50176x8xf32, #tpu.memory_space<vmem_shared>>
        tpu.wait_indirect_dma semaphore(%run_scoped3A_69 : memref<!tpu.dma_semaphore, #tpu.memory_space<semaphore_mem>>) src(%dma_wait3A_83 : memref<128x8xf32, #tpu.memory_space<vmem>>) dst(%dma_wait3A_89 : memref<50176x8xf32, #tpu.memory_space<vmem_shared>>)
        tpu.yield
      }) : () -> ()
    } else {
    }
    %gt3A_17 = arith.constant 1 : i32
    %gt3A_18 = arith.cmpi sgt, %add3A_14, %gt3A_17 : i32
    %convert_element_type3A_19 = arith.extui %gt3A_18 : i1 to i32
    %cond3A_20 = arith.constant 0 : i32
    %cond3A_21 = arith.cmpi ne, %convert_element_type3A_19, %cond3A_20 : i32
    scf.if %cond3A_21 {
      %add3A_33 = arith.constant 192 : i32
      %add3A_34 = arith.addi %add3A_4, %add3A_33 : i32
      %add3A_35 = arith.constant 1 : i32
      %add3A_36 = arith.addi %add3A_34, %add3A_35 : i32
      %run_scoped3A = arith.constant 0 : i32
      "tpu.region"() ({
        %run_scoped3A_69 = tpu.sem_alloc : memref<!tpu.dma_semaphore, #tpu.memory_space<semaphore_mem>>
        %dma_start3A_70 = arith.constant 0 : i32
        %dma_start3A_71 = tpu.memref_slice %arg3[%run_scoped3A, %add3A_36, %dma_start3A_70] : memref<2x6250x128xi32, #tpu.memory_space<hbm>> -> memref<1x1x128xi32, #tpu.memory_space<hbm>>
        %dma_start3A_72 = tpu.memref_squeeze %dma_start3A_71 : memref<1x1x128xi32, #tpu.memory_space<hbm>> -> memref<1x128xi32, #tpu.memory_space<hbm>>
        %dma_start3A_73 = arith.constant 0 : i32
        %dma_start3A_74 = tpu.memref_slice %arg3[%run_scoped3A, %add3A_36, %dma_start3A_73] : memref<2x6250x128xi32, #tpu.memory_space<hbm>> -> memref<1x1x128xi32, #tpu.memory_space<hbm>>
        %dma_start3A_75 = tpu.memref_squeeze %dma_start3A_74 : memref<1x1x128xi32, #tpu.memory_space<hbm>> -> memref<1x128xi32, #tpu.memory_space<hbm>>
        tpu.enqueue_dma source(%dma_start3A_75 : memref<1x128xi32, #tpu.memory_space<hbm>>) target(%arg8 : memref<1x128xi32, #tpu.memory_space<vmem>>) target_semaphore(%run_scoped3A_69 : memref<!tpu.dma_semaphore, #tpu.memory_space<semaphore_mem>>)
        %dma_wait3A_76 = arith.constant 0 : i32
        %dma_wait3A_77 = tpu.memref_slice %arg3[%run_scoped3A, %add3A_36, %dma_wait3A_76] : memref<2x6250x128xi32, #tpu.memory_space<hbm>> -> memref<1x1x128xi32, #tpu.memory_space<hbm>>
        %dma_wait3A_78 = tpu.memref_squeeze %dma_wait3A_77 : memref<1x1x128xi32, #tpu.memory_space<hbm>> -> memref<1x128xi32, #tpu.memory_space<hbm>>
        %dma_wait3A_79 = arith.constant 0 : i32
        %dma_wait3A_80 = tpu.memref_slice %arg3[%run_scoped3A, %add3A_36, %dma_wait3A_79] : memref<2x6250x128xi32, #tpu.memory_space<hbm>> -> memref<1x1x128xi32, #tpu.memory_space<hbm>>
        %dma_wait3A_81 = tpu.memref_squeeze %dma_wait3A_80 : memref<1x1x128xi32, #tpu.memory_space<hbm>> -> memref<1x128xi32, #tpu.memory_space<hbm>>
        tpu.wait_dma2 semaphore(%run_scoped3A_69 : memref<!tpu.dma_semaphore, #tpu.memory_space<semaphore_mem>>) src(%dma_wait3A_81 : memref<1x128xi32, #tpu.memory_space<hbm>>) dst(%arg8 : memref<1x128xi32, #tpu.memory_space<vmem>>)
        tpu.yield
      }) : () -> ()
      %add3A_37 = arith.constant 192 : i32
      %add3A_38 = arith.addi %add3A_4, %add3A_37 : i32
      %add3A_39 = arith.constant 1 : i32
      %add3A_40 = arith.addi %add3A_38, %add3A_39 : i32
      %run_scoped3A_41 = arith.constant 1 : i32
      "tpu.region"() ({
        %run_scoped3A_69 = tpu.sem_alloc : memref<!tpu.dma_semaphore, #tpu.memory_space<semaphore_mem>>
        %dma_start3A_70 = arith.constant 0 : i32
        %dma_start3A_71 = tpu.memref_slice %arg3[%run_scoped3A_41, %add3A_40, %dma_start3A_70] : memref<2x6250x128xi32, #tpu.memory_space<hbm>> -> memref<1x1x128xi32, #tpu.memory_space<hbm>>
        %dma_start3A_72 = tpu.memref_squeeze %dma_start3A_71 : memref<1x1x128xi32, #tpu.memory_space<hbm>> -> memref<1x128xi32, #tpu.memory_space<hbm>>
        %dma_start3A_73 = arith.constant 0 : i32
        %dma_start3A_74 = tpu.memref_slice %arg3[%run_scoped3A_41, %add3A_40, %dma_start3A_73] : memref<2x6250x128xi32, #tpu.memory_space<hbm>> -> memref<1x1x128xi32, #tpu.memory_space<hbm>>
        %dma_start3A_75 = tpu.memref_squeeze %dma_start3A_74 : memref<1x1x128xi32, #tpu.memory_space<hbm>> -> memref<1x128xi32, #tpu.memory_space<hbm>>
        tpu.enqueue_dma source(%dma_start3A_75 : memref<1x128xi32, #tpu.memory_space<hbm>>) target(%arg9 : memref<1x128xi32, #tpu.memory_space<vmem>>) target_semaphore(%run_scoped3A_69 : memref<!tpu.dma_semaphore, #tpu.memory_space<semaphore_mem>>)
        %dma_wait3A_76 = arith.constant 0 : i32
        %dma_wait3A_77 = tpu.memref_slice %arg3[%run_scoped3A_41, %add3A_40, %dma_wait3A_76] : memref<2x6250x128xi32, #tpu.memory_space<hbm>> -> memref<1x1x128xi32, #tpu.memory_space<hbm>>
        %dma_wait3A_78 = tpu.memref_squeeze %dma_wait3A_77 : memref<1x1x128xi32, #tpu.memory_space<hbm>> -> memref<1x128xi32, #tpu.memory_space<hbm>>
        %dma_wait3A_79 = arith.constant 0 : i32
        %dma_wait3A_80 = tpu.memref_slice %arg3[%run_scoped3A_41, %add3A_40, %dma_wait3A_79] : memref<2x6250x128xi32, #tpu.memory_space<hbm>> -> memref<1x1x128xi32, #tpu.memory_space<hbm>>
        %dma_wait3A_81 = tpu.memref_squeeze %dma_wait3A_80 : memref<1x1x128xi32, #tpu.memory_space<hbm>> -> memref<1x128xi32, #tpu.memory_space<hbm>>
        tpu.wait_dma2 semaphore(%run_scoped3A_69 : memref<!tpu.dma_semaphore, #tpu.memory_space<semaphore_mem>>) src(%dma_wait3A_81 : memref<1x128xi32, #tpu.memory_space<hbm>>) dst(%arg9 : memref<1x128xi32, #tpu.memory_space<vmem>>)
        tpu.yield
      }) : () -> ()
      %dma_start3A = arith.constant 0 : i32
      %dma_start3A_42 = arith.constant 0 : i32
      %dma_start3A_43 = arith.constant 0 : i32
      %dma_start3A_44 = arith.constant 0 : i32
      %dma_start3A_45 = arith.constant 0 : i32
      %dma_start3A_46 = tpu.memref_slice %arg10[%dma_start3A_42, %dma_start3A_43, %dma_start3A_44, %dma_start3A_45] : memref<2x2x128x8xf32, #tpu.memory_space<vmem>> -> memref<1x1x128x8xf32, #tpu.memory_space<vmem>>
      %dma_start3A_47 = tpu.memref_squeeze %dma_start3A_46 : memref<1x1x128x8xf32, #tpu.memory_space<vmem>> -> memref<128x8xf32, #tpu.memory_space<vmem>>
      %dma_start3A_48 = arith.constant 0 : i32
      %dma_start3A_49 = tpu.memref_slice %arg8[%dma_start3A, %dma_start3A_48] : memref<1x128xi32, #tpu.memory_space<vmem>> -> memref<1x128xi32, #tpu.memory_space<vmem>>
      %dma_start3A_50 = tpu.memref_squeeze %dma_start3A_49 : memref<1x128xi32, #tpu.memory_space<vmem>> -> memref<128xi32, #tpu.memory_space<vmem>>
      %dma_start3A_51 = arith.constant 0 : i32
      %dma_start3A_52 = arith.constant 0 : i32
      %dma_start3A_53 = tpu.memref_slice %arg2[%dma_start3A_51, %dma_start3A_52] : memref<50176x8xf32, #tpu.memory_space<hbm>> -> memref<50176x8xf32, #tpu.memory_space<hbm>>
      tpu.enqueue_indirect_dma source(%dma_start3A_53 : memref<50176x8xf32, #tpu.memory_space<hbm>>) target(%dma_start3A_47 : memref<128x8xf32, #tpu.memory_space<vmem>>) offsets(%dma_start3A_50 : memref<128xi32, #tpu.memory_space<vmem>>) semaphore(%arg12 : memref<!tpu.dma_semaphore, #tpu.memory_space<semaphore_mem>>)
      %dma_wait3A = arith.constant 0 : i32
      %dma_wait3A_54 = arith.constant 0 : i32
      %dma_wait3A_55 = arith.constant 0 : i32
      %dma_wait3A_56 = arith.constant 0 : i32
      %dma_wait3A_57 = arith.constant 0 : i32
      %dma_wait3A_58 = tpu.memref_slice %arg10[%dma_wait3A_54, %dma_wait3A_55, %dma_wait3A_56, %dma_wait3A_57] : memref<2x2x128x8xf32, #tpu.memory_space<vmem>> -> memref<1x1x128x8xf32, #tpu.memory_space<vmem>>
      %dma_wait3A_59 = tpu.memref_squeeze %dma_wait3A_58 : memref<1x1x128x8xf32, #tpu.memory_space<vmem>> -> memref<128x8xf32, #tpu.memory_space<vmem>>
      %dma_wait3A_60 = arith.constant 0 : i32
      %dma_wait3A_61 = tpu.memref_slice %arg8[%dma_wait3A, %dma_wait3A_60] : memref<1x128xi32, #tpu.memory_space<vmem>> -> memref<1x128xi32, #tpu.memory_space<vmem>>
      %dma_wait3A_62 = tpu.memref_squeeze %dma_wait3A_61 : memref<1x128xi32, #tpu.memory_space<vmem>> -> memref<128xi32, #tpu.memory_space<vmem>>
      %dma_wait3A_63 = arith.constant 0 : i32
      %dma_wait3A_64 = arith.constant 0 : i32
      %dma_wait3A_65 = tpu.memref_slice %arg2[%dma_wait3A_63, %dma_wait3A_64] : memref<50176x8xf32, #tpu.memory_space<hbm>> -> memref<50176x8xf32, #tpu.memory_space<hbm>>
      tpu.wait_indirect_dma semaphore(%arg12 : memref<!tpu.dma_semaphore, #tpu.memory_space<semaphore_mem>>) src(%dma_wait3A_65 : memref<50176x8xf32, #tpu.memory_space<hbm>>) dst(%dma_wait3A_59 : memref<128x8xf32, #tpu.memory_space<vmem>>)
      %run_scoped3A_66 = arith.constant 0 : i32
      %run_scoped3A_67 = arith.constant 0 : i32
      %run_scoped3A_68 = arith.constant 0 : i32
      "tpu.region"() ({
        %run_scoped3A_69 = tpu.sem_alloc : memref<!tpu.dma_semaphore, #tpu.memory_space<semaphore_mem>>
        %dma_start3A_70 = arith.constant 0 : i32
        %dma_start3A_71 = arith.constant 0 : i32
        %dma_start3A_72 = tpu.memref_slice %arg10[%run_scoped3A_66, %run_scoped3A_67, %dma_start3A_70, %dma_start3A_71] : memref<2x2x128x8xf32, #tpu.memory_space<vmem>> -> memref<1x1x128x8xf32, #tpu.memory_space<vmem>>
        %dma_start3A_73 = tpu.memref_squeeze %dma_start3A_72 : memref<1x1x128x8xf32, #tpu.memory_space<vmem>> -> memref<128x8xf32, #tpu.memory_space<vmem>>
        %dma_start3A_74 = arith.constant 0 : i32
        %dma_start3A_75 = tpu.memref_slice %arg9[%run_scoped3A_68, %dma_start3A_74] : memref<1x128xi32, #tpu.memory_space<vmem>> -> memref<1x128xi32, #tpu.memory_space<vmem>>
        %dma_start3A_76 = tpu.memref_squeeze %dma_start3A_75 : memref<1x128xi32, #tpu.memory_space<vmem>> -> memref<128xi32, #tpu.memory_space<vmem>>
        %dma_start3A_77 = arith.constant 0 : i32
        %dma_start3A_78 = arith.constant 0 : i32
        %dma_start3A_79 = tpu.memref_slice %arg11[%dma_start3A_77, %dma_start3A_78] : memref<50176x8xf32, #tpu.memory_space<vmem_shared>> -> memref<50176x8xf32, #tpu.memory_space<vmem_shared>>
        tpu.enqueue_indirect_dma source(%dma_start3A_73 : memref<128x8xf32, #tpu.memory_space<vmem>>) target(%dma_start3A_79 : memref<50176x8xf32, #tpu.memory_space<vmem_shared>>) offsets(%dma_start3A_76 : memref<128xi32, #tpu.memory_space<vmem>>) semaphore(%run_scoped3A_69 : memref<!tpu.dma_semaphore, #tpu.memory_space<semaphore_mem>>) {add = true}
        %dma_wait3A_80 = arith.constant 0 : i32
        %dma_wait3A_81 = arith.constant 0 : i32
        %dma_wait3A_82 = tpu.memref_slice %arg10[%run_scoped3A_66, %run_scoped3A_67, %dma_wait3A_80, %dma_wait3A_81] : memref<2x2x128x8xf32, #tpu.memory_space<vmem>> -> memref<1x1x128x8xf32, #tpu.memory_space<vmem>>
        %dma_wait3A_83 = tpu.memref_squeeze %dma_wait3A_82 : memref<1x1x128x8xf32, #tpu.memory_space<vmem>> -> memref<128x8xf32, #tpu.memory_space<vmem>>
        %dma_wait3A_84 = arith.constant 0 : i32
        %dma_wait3A_85 = tpu.memref_slice %arg9[%run_scoped3A_68, %dma_wait3A_84] : memref<1x128xi32, #tpu.memory_space<vmem>> -> memref<1x128xi32, #tpu.memory_space<vmem>>
        %dma_wait3A_86 = tpu.memref_squeeze %dma_wait3A_85 : memref<1x128xi32, #tpu.memory_space<vmem>> -> memref<128xi32, #tpu.memory_space<vmem>>
        %dma_wait3A_87 = arith.constant 0 : i32
        %dma_wait3A_88 = arith.constant 0 : i32
        %dma_wait3A_89 = tpu.memref_slice %arg11[%dma_wait3A_87, %dma_wait3A_88] : memref<50176x8xf32, #tpu.memory_space<vmem_shared>> -> memref<50176x8xf32, #tpu.memory_space<vmem_shared>>
        tpu.wait_indirect_dma semaphore(%run_scoped3A_69 : memref<!tpu.dma_semaphore, #tpu.memory_space<semaphore_mem>>) src(%dma_wait3A_83 : memref<128x8xf32, #tpu.memory_space<vmem>>) dst(%dma_wait3A_89 : memref<50176x8xf32, #tpu.memory_space<vmem_shared>>)
        tpu.yield
      }) : () -> ()
    } else {
    }
    %gt3A_22 = arith.constant 2 : i32
    %gt3A_23 = arith.cmpi sgt, %add3A_14, %gt3A_22 : i32
    %convert_element_type3A_24 = arith.extui %gt3A_23 : i1 to i32
    %cond3A_25 = arith.constant 0 : i32
    %cond3A_26 = arith.cmpi ne, %convert_element_type3A_24, %cond3A_25 : i32
    scf.if %cond3A_26 {
      %add3A_33 = arith.constant 192 : i32
      %add3A_34 = arith.addi %add3A_4, %add3A_33 : i32
      %add3A_35 = arith.constant 2 : i32
      %add3A_36 = arith.addi %add3A_34, %add3A_35 : i32
      %run_scoped3A = arith.constant 0 : i32
      "tpu.region"() ({
        %run_scoped3A_69 = tpu.sem_alloc : memref<!tpu.dma_semaphore, #tpu.memory_space<semaphore_mem>>
        %dma_start3A_70 = arith.constant 0 : i32
        %dma_start3A_71 = tpu.memref_slice %arg3[%run_scoped3A, %add3A_36, %dma_start3A_70] : memref<2x6250x128xi32, #tpu.memory_space<hbm>> -> memref<1x1x128xi32, #tpu.memory_space<hbm>>
        %dma_start3A_72 = tpu.memref_squeeze %dma_start3A_71 : memref<1x1x128xi32, #tpu.memory_space<hbm>> -> memref<1x128xi32, #tpu.memory_space<hbm>>
        %dma_start3A_73 = arith.constant 0 : i32
        %dma_start3A_74 = tpu.memref_slice %arg3[%run_scoped3A, %add3A_36, %dma_start3A_73] : memref<2x6250x128xi32, #tpu.memory_space<hbm>> -> memref<1x1x128xi32, #tpu.memory_space<hbm>>
        %dma_start3A_75 = tpu.memref_squeeze %dma_start3A_74 : memref<1x1x128xi32, #tpu.memory_space<hbm>> -> memref<1x128xi32, #tpu.memory_space<hbm>>
        tpu.enqueue_dma source(%dma_start3A_75 : memref<1x128xi32, #tpu.memory_space<hbm>>) target(%arg8 : memref<1x128xi32, #tpu.memory_space<vmem>>) target_semaphore(%run_scoped3A_69 : memref<!tpu.dma_semaphore, #tpu.memory_space<semaphore_mem>>)
        %dma_wait3A_76 = arith.constant 0 : i32
        %dma_wait3A_77 = tpu.memref_slice %arg3[%run_scoped3A, %add3A_36, %dma_wait3A_76] : memref<2x6250x128xi32, #tpu.memory_space<hbm>> -> memref<1x1x128xi32, #tpu.memory_space<hbm>>
        %dma_wait3A_78 = tpu.memref_squeeze %dma_wait3A_77 : memref<1x1x128xi32, #tpu.memory_space<hbm>> -> memref<1x128xi32, #tpu.memory_space<hbm>>
        %dma_wait3A_79 = arith.constant 0 : i32
        %dma_wait3A_80 = tpu.memref_slice %arg3[%run_scoped3A, %add3A_36, %dma_wait3A_79] : memref<2x6250x128xi32, #tpu.memory_space<hbm>> -> memref<1x1x128xi32, #tpu.memory_space<hbm>>
        %dma_wait3A_81 = tpu.memref_squeeze %dma_wait3A_80 : memref<1x1x128xi32, #tpu.memory_space<hbm>> -> memref<1x128xi32, #tpu.memory_space<hbm>>
        tpu.wait_dma2 semaphore(%run_scoped3A_69 : memref<!tpu.dma_semaphore, #tpu.memory_space<semaphore_mem>>) src(%dma_wait3A_81 : memref<1x128xi32, #tpu.memory_space<hbm>>) dst(%arg8 : memref<1x128xi32, #tpu.memory_space<vmem>>)
        tpu.yield
      }) : () -> ()
      %add3A_37 = arith.constant 192 : i32
      %add3A_38 = arith.addi %add3A_4, %add3A_37 : i32
      %add3A_39 = arith.constant 2 : i32
      %add3A_40 = arith.addi %add3A_38, %add3A_39 : i32
      %run_scoped3A_41 = arith.constant 1 : i32
      "tpu.region"() ({
        %run_scoped3A_69 = tpu.sem_alloc : memref<!tpu.dma_semaphore, #tpu.memory_space<semaphore_mem>>
        %dma_start3A_70 = arith.constant 0 : i32
        %dma_start3A_71 = tpu.memref_slice %arg3[%run_scoped3A_41, %add3A_40, %dma_start3A_70] : memref<2x6250x128xi32, #tpu.memory_space<hbm>> -> memref<1x1x128xi32, #tpu.memory_space<hbm>>
        %dma_start3A_72 = tpu.memref_squeeze %dma_start3A_71 : memref<1x1x128xi32, #tpu.memory_space<hbm>> -> memref<1x128xi32, #tpu.memory_space<hbm>>
        %dma_start3A_73 = arith.constant 0 : i32
        %dma_start3A_74 = tpu.memref_slice %arg3[%run_scoped3A_41, %add3A_40, %dma_start3A_73] : memref<2x6250x128xi32, #tpu.memory_space<hbm>> -> memref<1x1x128xi32, #tpu.memory_space<hbm>>
        %dma_start3A_75 = tpu.memref_squeeze %dma_start3A_74 : memref<1x1x128xi32, #tpu.memory_space<hbm>> -> memref<1x128xi32, #tpu.memory_space<hbm>>
        tpu.enqueue_dma source(%dma_start3A_75 : memref<1x128xi32, #tpu.memory_space<hbm>>) target(%arg9 : memref<1x128xi32, #tpu.memory_space<vmem>>) target_semaphore(%run_scoped3A_69 : memref<!tpu.dma_semaphore, #tpu.memory_space<semaphore_mem>>)
        %dma_wait3A_76 = arith.constant 0 : i32
        %dma_wait3A_77 = tpu.memref_slice %arg3[%run_scoped3A_41, %add3A_40, %dma_wait3A_76] : memref<2x6250x128xi32, #tpu.memory_space<hbm>> -> memref<1x1x128xi32, #tpu.memory_space<hbm>>
        %dma_wait3A_78 = tpu.memref_squeeze %dma_wait3A_77 : memref<1x1x128xi32, #tpu.memory_space<hbm>> -> memref<1x128xi32, #tpu.memory_space<hbm>>
        %dma_wait3A_79 = arith.constant 0 : i32
        %dma_wait3A_80 = tpu.memref_slice %arg3[%run_scoped3A_41, %add3A_40, %dma_wait3A_79] : memref<2x6250x128xi32, #tpu.memory_space<hbm>> -> memref<1x1x128xi32, #tpu.memory_space<hbm>>
        %dma_wait3A_81 = tpu.memref_squeeze %dma_wait3A_80 : memref<1x1x128xi32, #tpu.memory_space<hbm>> -> memref<1x128xi32, #tpu.memory_space<hbm>>
        tpu.wait_dma2 semaphore(%run_scoped3A_69 : memref<!tpu.dma_semaphore, #tpu.memory_space<semaphore_mem>>) src(%dma_wait3A_81 : memref<1x128xi32, #tpu.memory_space<hbm>>) dst(%arg9 : memref<1x128xi32, #tpu.memory_space<vmem>>)
        tpu.yield
      }) : () -> ()
      %dma_start3A = arith.constant 0 : i32
      %dma_start3A_42 = arith.constant 0 : i32
      %dma_start3A_43 = arith.constant 0 : i32
      %dma_start3A_44 = arith.constant 0 : i32
      %dma_start3A_45 = arith.constant 0 : i32
      %dma_start3A_46 = tpu.memref_slice %arg10[%dma_start3A_42, %dma_start3A_43, %dma_start3A_44, %dma_start3A_45] : memref<2x2x128x8xf32, #tpu.memory_space<vmem>> -> memref<1x1x128x8xf32, #tpu.memory_space<vmem>>
      %dma_start3A_47 = tpu.memref_squeeze %dma_start3A_46 : memref<1x1x128x8xf32, #tpu.memory_space<vmem>> -> memref<128x8xf32, #tpu.memory_space<vmem>>
      %dma_start3A_48 = arith.constant 0 : i32
      %dma_start3A_49 = tpu.memref_slice %arg8[%dma_start3A, %dma_start3A_48] : memref<1x128xi32, #tpu.memory_space<vmem>> -> memref<1x128xi32, #tpu.memory_space<vmem>>
      %dma_start3A_50 = tpu.memref_squeeze %dma_start3A_49 : memref<1x128xi32, #tpu.memory_space<vmem>> -> memref<128xi32, #tpu.memory_space<vmem>>
      %dma_start3A_51 = arith.constant 0 : i32
      %dma_start3A_52 = arith.constant 0 : i32
      %dma_start3A_53 = tpu.memref_slice %arg2[%dma_start3A_51, %dma_start3A_52] : memref<50176x8xf32, #tpu.memory_space<hbm>> -> memref<50176x8xf32, #tpu.memory_space<hbm>>
      tpu.enqueue_indirect_dma source(%dma_start3A_53 : memref<50176x8xf32, #tpu.memory_space<hbm>>) target(%dma_start3A_47 : memref<128x8xf32, #tpu.memory_space<vmem>>) offsets(%dma_start3A_50 : memref<128xi32, #tpu.memory_space<vmem>>) semaphore(%arg12 : memref<!tpu.dma_semaphore, #tpu.memory_space<semaphore_mem>>)
      %dma_wait3A = arith.constant 0 : i32
      %dma_wait3A_54 = arith.constant 0 : i32
      %dma_wait3A_55 = arith.constant 0 : i32
      %dma_wait3A_56 = arith.constant 0 : i32
      %dma_wait3A_57 = arith.constant 0 : i32
      %dma_wait3A_58 = tpu.memref_slice %arg10[%dma_wait3A_54, %dma_wait3A_55, %dma_wait3A_56, %dma_wait3A_57] : memref<2x2x128x8xf32, #tpu.memory_space<vmem>> -> memref<1x1x128x8xf32, #tpu.memory_space<vmem>>
      %dma_wait3A_59 = tpu.memref_squeeze %dma_wait3A_58 : memref<1x1x128x8xf32, #tpu.memory_space<vmem>> -> memref<128x8xf32, #tpu.memory_space<vmem>>
      %dma_wait3A_60 = arith.constant 0 : i32
      %dma_wait3A_61 = tpu.memref_slice %arg8[%dma_wait3A, %dma_wait3A_60] : memref<1x128xi32, #tpu.memory_space<vmem>> -> memref<1x128xi32, #tpu.memory_space<vmem>>
      %dma_wait3A_62 = tpu.memref_squeeze %dma_wait3A_61 : memref<1x128xi32, #tpu.memory_space<vmem>> -> memref<128xi32, #tpu.memory_space<vmem>>
      %dma_wait3A_63 = arith.constant 0 : i32
      %dma_wait3A_64 = arith.constant 0 : i32
      %dma_wait3A_65 = tpu.memref_slice %arg2[%dma_wait3A_63, %dma_wait3A_64] : memref<50176x8xf32, #tpu.memory_space<hbm>> -> memref<50176x8xf32, #tpu.memory_space<hbm>>
      tpu.wait_indirect_dma semaphore(%arg12 : memref<!tpu.dma_semaphore, #tpu.memory_space<semaphore_mem>>) src(%dma_wait3A_65 : memref<50176x8xf32, #tpu.memory_space<hbm>>) dst(%dma_wait3A_59 : memref<128x8xf32, #tpu.memory_space<vmem>>)
      %run_scoped3A_66 = arith.constant 0 : i32
      %run_scoped3A_67 = arith.constant 0 : i32
      %run_scoped3A_68 = arith.constant 0 : i32
      "tpu.region"() ({
        %run_scoped3A_69 = tpu.sem_alloc : memref<!tpu.dma_semaphore, #tpu.memory_space<semaphore_mem>>
        %dma_start3A_70 = arith.constant 0 : i32
        %dma_start3A_71 = arith.constant 0 : i32
        %dma_start3A_72 = tpu.memref_slice %arg10[%run_scoped3A_66, %run_scoped3A_67, %dma_start3A_70, %dma_start3A_71] : memref<2x2x128x8xf32, #tpu.memory_space<vmem>> -> memref<1x1x128x8xf32, #tpu.memory_space<vmem>>
        %dma_start3A_73 = tpu.memref_squeeze %dma_start3A_72 : memref<1x1x128x8xf32, #tpu.memory_space<vmem>> -> memref<128x8xf32, #tpu.memory_space<vmem>>
        %dma_start3A_74 = arith.constant 0 : i32
        %dma_start3A_75 = tpu.memref_slice %arg9[%run_scoped3A_68, %dma_start3A_74] : memref<1x128xi32, #tpu.memory_space<vmem>> -> memref<1x128xi32, #tpu.memory_space<vmem>>
        %dma_start3A_76 = tpu.memref_squeeze %dma_start3A_75 : memref<1x128xi32, #tpu.memory_space<vmem>> -> memref<128xi32, #tpu.memory_space<vmem>>
        %dma_start3A_77 = arith.constant 0 : i32
        %dma_start3A_78 = arith.constant 0 : i32
        %dma_start3A_79 = tpu.memref_slice %arg11[%dma_start3A_77, %dma_start3A_78] : memref<50176x8xf32, #tpu.memory_space<vmem_shared>> -> memref<50176x8xf32, #tpu.memory_space<vmem_shared>>
        tpu.enqueue_indirect_dma source(%dma_start3A_73 : memref<128x8xf32, #tpu.memory_space<vmem>>) target(%dma_start3A_79 : memref<50176x8xf32, #tpu.memory_space<vmem_shared>>) offsets(%dma_start3A_76 : memref<128xi32, #tpu.memory_space<vmem>>) semaphore(%run_scoped3A_69 : memref<!tpu.dma_semaphore, #tpu.memory_space<semaphore_mem>>) {add = true}
        %dma_wait3A_80 = arith.constant 0 : i32
        %dma_wait3A_81 = arith.constant 0 : i32
        %dma_wait3A_82 = tpu.memref_slice %arg10[%run_scoped3A_66, %run_scoped3A_67, %dma_wait3A_80, %dma_wait3A_81] : memref<2x2x128x8xf32, #tpu.memory_space<vmem>> -> memref<1x1x128x8xf32, #tpu.memory_space<vmem>>
        %dma_wait3A_83 = tpu.memref_squeeze %dma_wait3A_82 : memref<1x1x128x8xf32, #tpu.memory_space<vmem>> -> memref<128x8xf32, #tpu.memory_space<vmem>>
        %dma_wait3A_84 = arith.constant 0 : i32
        %dma_wait3A_85 = tpu.memref_slice %arg9[%run_scoped3A_68, %dma_wait3A_84] : memref<1x128xi32, #tpu.memory_space<vmem>> -> memref<1x128xi32, #tpu.memory_space<vmem>>
        %dma_wait3A_86 = tpu.memref_squeeze %dma_wait3A_85 : memref<1x128xi32, #tpu.memory_space<vmem>> -> memref<128xi32, #tpu.memory_space<vmem>>
        %dma_wait3A_87 = arith.constant 0 : i32
        %dma_wait3A_88 = arith.constant 0 : i32
        %dma_wait3A_89 = tpu.memref_slice %arg11[%dma_wait3A_87, %dma_wait3A_88] : memref<50176x8xf32, #tpu.memory_space<vmem_shared>> -> memref<50176x8xf32, #tpu.memory_space<vmem_shared>>
        tpu.wait_indirect_dma semaphore(%run_scoped3A_69 : memref<!tpu.dma_semaphore, #tpu.memory_space<semaphore_mem>>) src(%dma_wait3A_83 : memref<128x8xf32, #tpu.memory_space<vmem>>) dst(%dma_wait3A_89 : memref<50176x8xf32, #tpu.memory_space<vmem_shared>>)
        tpu.yield
      }) : () -> ()
    } else {
    }
    %gt3A_27 = arith.constant 3 : i32
    %gt3A_28 = arith.cmpi sgt, %add3A_14, %gt3A_27 : i32
    %convert_element_type3A_29 = arith.extui %gt3A_28 : i1 to i32
    %cond3A_30 = arith.constant 0 : i32
    %cond3A_31 = arith.cmpi ne, %convert_element_type3A_29, %cond3A_30 : i32
    scf.if %cond3A_31 {
      %add3A_33 = arith.constant 192 : i32
      %add3A_34 = arith.addi %add3A_4, %add3A_33 : i32
      %add3A_35 = arith.constant 3 : i32
      %add3A_36 = arith.addi %add3A_34, %add3A_35 : i32
      %run_scoped3A = arith.constant 0 : i32
      "tpu.region"() ({
        %run_scoped3A_69 = tpu.sem_alloc : memref<!tpu.dma_semaphore, #tpu.memory_space<semaphore_mem>>
        %dma_start3A_70 = arith.constant 0 : i32
        %dma_start3A_71 = tpu.memref_slice %arg3[%run_scoped3A, %add3A_36, %dma_start3A_70] : memref<2x6250x128xi32, #tpu.memory_space<hbm>> -> memref<1x1x128xi32, #tpu.memory_space<hbm>>
        %dma_start3A_72 = tpu.memref_squeeze %dma_start3A_71 : memref<1x1x128xi32, #tpu.memory_space<hbm>> -> memref<1x128xi32, #tpu.memory_space<hbm>>
        %dma_start3A_73 = arith.constant 0 : i32
        %dma_start3A_74 = tpu.memref_slice %arg3[%run_scoped3A, %add3A_36, %dma_start3A_73] : memref<2x6250x128xi32, #tpu.memory_space<hbm>> -> memref<1x1x128xi32, #tpu.memory_space<hbm>>
        %dma_start3A_75 = tpu.memref_squeeze %dma_start3A_74 : memref<1x1x128xi32, #tpu.memory_space<hbm>> -> memref<1x128xi32, #tpu.memory_space<hbm>>
        tpu.enqueue_dma source(%dma_start3A_75 : memref<1x128xi32, #tpu.memory_space<hbm>>) target(%arg8 : memref<1x128xi32, #tpu.memory_space<vmem>>) target_semaphore(%run_scoped3A_69 : memref<!tpu.dma_semaphore, #tpu.memory_space<semaphore_mem>>)
        %dma_wait3A_76 = arith.constant 0 : i32
        %dma_wait3A_77 = tpu.memref_slice %arg3[%run_scoped3A, %add3A_36, %dma_wait3A_76] : memref<2x6250x128xi32, #tpu.memory_space<hbm>> -> memref<1x1x128xi32, #tpu.memory_space<hbm>>
        %dma_wait3A_78 = tpu.memref_squeeze %dma_wait3A_77 : memref<1x1x128xi32, #tpu.memory_space<hbm>> -> memref<1x128xi32, #tpu.memory_space<hbm>>
        %dma_wait3A_79 = arith.constant 0 : i32
        %dma_wait3A_80 = tpu.memref_slice %arg3[%run_scoped3A, %add3A_36, %dma_wait3A_79] : memref<2x6250x128xi32, #tpu.memory_space<hbm>> -> memref<1x1x128xi32, #tpu.memory_space<hbm>>
        %dma_wait3A_81 = tpu.memref_squeeze %dma_wait3A_80 : memref<1x1x128xi32, #tpu.memory_space<hbm>> -> memref<1x128xi32, #tpu.memory_space<hbm>>
        tpu.wait_dma2 semaphore(%run_scoped3A_69 : memref<!tpu.dma_semaphore, #tpu.memory_space<semaphore_mem>>) src(%dma_wait3A_81 : memref<1x128xi32, #tpu.memory_space<hbm>>) dst(%arg8 : memref<1x128xi32, #tpu.memory_space<vmem>>)
        tpu.yield
      }) : () -> ()
      %add3A_37 = arith.constant 192 : i32
      %add3A_38 = arith.addi %add3A_4, %add3A_37 : i32
      %add3A_39 = arith.constant 3 : i32
      %add3A_40 = arith.addi %add3A_38, %add3A_39 : i32
      %run_scoped3A_41 = arith.constant 1 : i32
      "tpu.region"() ({
        %run_scoped3A_69 = tpu.sem_alloc : memref<!tpu.dma_semaphore, #tpu.memory_space<semaphore_mem>>
        %dma_start3A_70 = arith.constant 0 : i32
        %dma_start3A_71 = tpu.memref_slice %arg3[%run_scoped3A_41, %add3A_40, %dma_start3A_70] : memref<2x6250x128xi32, #tpu.memory_space<hbm>> -> memref<1x1x128xi32, #tpu.memory_space<hbm>>
        %dma_start3A_72 = tpu.memref_squeeze %dma_start3A_71 : memref<1x1x128xi32, #tpu.memory_space<hbm>> -> memref<1x128xi32, #tpu.memory_space<hbm>>
        %dma_start3A_73 = arith.constant 0 : i32
        %dma_start3A_74 = tpu.memref_slice %arg3[%run_scoped3A_41, %add3A_40, %dma_start3A_73] : memref<2x6250x128xi32, #tpu.memory_space<hbm>> -> memref<1x1x128xi32, #tpu.memory_space<hbm>>
        %dma_start3A_75 = tpu.memref_squeeze %dma_start3A_74 : memref<1x1x128xi32, #tpu.memory_space<hbm>> -> memref<1x128xi32, #tpu.memory_space<hbm>>
        tpu.enqueue_dma source(%dma_start3A_75 : memref<1x128xi32, #tpu.memory_space<hbm>>) target(%arg9 : memref<1x128xi32, #tpu.memory_space<vmem>>) target_semaphore(%run_scoped3A_69 : memref<!tpu.dma_semaphore, #tpu.memory_space<semaphore_mem>>)
        %dma_wait3A_76 = arith.constant 0 : i32
        %dma_wait3A_77 = tpu.memref_slice %arg3[%run_scoped3A_41, %add3A_40, %dma_wait3A_76] : memref<2x6250x128xi32, #tpu.memory_space<hbm>> -> memref<1x1x128xi32, #tpu.memory_space<hbm>>
        %dma_wait3A_78 = tpu.memref_squeeze %dma_wait3A_77 : memref<1x1x128xi32, #tpu.memory_space<hbm>> -> memref<1x128xi32, #tpu.memory_space<hbm>>
        %dma_wait3A_79 = arith.constant 0 : i32
        %dma_wait3A_80 = tpu.memref_slice %arg3[%run_scoped3A_41, %add3A_40, %dma_wait3A_79] : memref<2x6250x128xi32, #tpu.memory_space<hbm>> -> memref<1x1x128xi32, #tpu.memory_space<hbm>>
        %dma_wait3A_81 = tpu.memref_squeeze %dma_wait3A_80 : memref<1x1x128xi32, #tpu.memory_space<hbm>> -> memref<1x128xi32, #tpu.memory_space<hbm>>
        tpu.wait_dma2 semaphore(%run_scoped3A_69 : memref<!tpu.dma_semaphore, #tpu.memory_space<semaphore_mem>>) src(%dma_wait3A_81 : memref<1x128xi32, #tpu.memory_space<hbm>>) dst(%arg9 : memref<1x128xi32, #tpu.memory_space<vmem>>)
        tpu.yield
      }) : () -> ()
      %dma_start3A = arith.constant 0 : i32
      %dma_start3A_42 = arith.constant 0 : i32
      %dma_start3A_43 = arith.constant 0 : i32
      %dma_start3A_44 = arith.constant 0 : i32
      %dma_start3A_45 = arith.constant 0 : i32
      %dma_start3A_46 = tpu.memref_slice %arg10[%dma_start3A_42, %dma_start3A_43, %dma_start3A_44, %dma_start3A_45] : memref<2x2x128x8xf32, #tpu.memory_space<vmem>> -> memref<1x1x128x8xf32, #tpu.memory_space<vmem>>
      %dma_start3A_47 = tpu.memref_squeeze %dma_start3A_46 : memref<1x1x128x8xf32, #tpu.memory_space<vmem>> -> memref<128x8xf32, #tpu.memory_space<vmem>>
      %dma_start3A_48 = arith.constant 0 : i32
      %dma_start3A_49 = tpu.memref_slice %arg8[%dma_start3A, %dma_start3A_48] : memref<1x128xi32, #tpu.memory_space<vmem>> -> memref<1x128xi32, #tpu.memory_space<vmem>>
      %dma_start3A_50 = tpu.memref_squeeze %dma_start3A_49 : memref<1x128xi32, #tpu.memory_space<vmem>> -> memref<128xi32, #tpu.memory_space<vmem>>
      %dma_start3A_51 = arith.constant 0 : i32
      %dma_start3A_52 = arith.constant 0 : i32
      %dma_start3A_53 = tpu.memref_slice %arg2[%dma_start3A_51, %dma_start3A_52] : memref<50176x8xf32, #tpu.memory_space<hbm>> -> memref<50176x8xf32, #tpu.memory_space<hbm>>
      tpu.enqueue_indirect_dma source(%dma_start3A_53 : memref<50176x8xf32, #tpu.memory_space<hbm>>) target(%dma_start3A_47 : memref<128x8xf32, #tpu.memory_space<vmem>>) offsets(%dma_start3A_50 : memref<128xi32, #tpu.memory_space<vmem>>) semaphore(%arg12 : memref<!tpu.dma_semaphore, #tpu.memory_space<semaphore_mem>>)
      %dma_wait3A = arith.constant 0 : i32
      %dma_wait3A_54 = arith.constant 0 : i32
      %dma_wait3A_55 = arith.constant 0 : i32
      %dma_wait3A_56 = arith.constant 0 : i32
      %dma_wait3A_57 = arith.constant 0 : i32
      %dma_wait3A_58 = tpu.memref_slice %arg10[%dma_wait3A_54, %dma_wait3A_55, %dma_wait3A_56, %dma_wait3A_57] : memref<2x2x128x8xf32, #tpu.memory_space<vmem>> -> memref<1x1x128x8xf32, #tpu.memory_space<vmem>>
      %dma_wait3A_59 = tpu.memref_squeeze %dma_wait3A_58 : memref<1x1x128x8xf32, #tpu.memory_space<vmem>> -> memref<128x8xf32, #tpu.memory_space<vmem>>
      %dma_wait3A_60 = arith.constant 0 : i32
      %dma_wait3A_61 = tpu.memref_slice %arg8[%dma_wait3A, %dma_wait3A_60] : memref<1x128xi32, #tpu.memory_space<vmem>> -> memref<1x128xi32, #tpu.memory_space<vmem>>
      %dma_wait3A_62 = tpu.memref_squeeze %dma_wait3A_61 : memref<1x128xi32, #tpu.memory_space<vmem>> -> memref<128xi32, #tpu.memory_space<vmem>>
      %dma_wait3A_63 = arith.constant 0 : i32
      %dma_wait3A_64 = arith.constant 0 : i32
      %dma_wait3A_65 = tpu.memref_slice %arg2[%dma_wait3A_63, %dma_wait3A_64] : memref<50176x8xf32, #tpu.memory_space<hbm>> -> memref<50176x8xf32, #tpu.memory_space<hbm>>
      tpu.wait_indirect_dma semaphore(%arg12 : memref<!tpu.dma_semaphore, #tpu.memory_space<semaphore_mem>>) src(%dma_wait3A_65 : memref<50176x8xf32, #tpu.memory_space<hbm>>) dst(%dma_wait3A_59 : memref<128x8xf32, #tpu.memory_space<vmem>>)
      %run_scoped3A_66 = arith.constant 0 : i32
      %run_scoped3A_67 = arith.constant 0 : i32
      %run_scoped3A_68 = arith.constant 0 : i32
      "tpu.region"() ({
        %run_scoped3A_69 = tpu.sem_alloc : memref<!tpu.dma_semaphore, #tpu.memory_space<semaphore_mem>>
        %dma_start3A_70 = arith.constant 0 : i32
        %dma_start3A_71 = arith.constant 0 : i32
        %dma_start3A_72 = tpu.memref_slice %arg10[%run_scoped3A_66, %run_scoped3A_67, %dma_start3A_70, %dma_start3A_71] : memref<2x2x128x8xf32, #tpu.memory_space<vmem>> -> memref<1x1x128x8xf32, #tpu.memory_space<vmem>>
        %dma_start3A_73 = tpu.memref_squeeze %dma_start3A_72 : memref<1x1x128x8xf32, #tpu.memory_space<vmem>> -> memref<128x8xf32, #tpu.memory_space<vmem>>
        %dma_start3A_74 = arith.constant 0 : i32
        %dma_start3A_75 = tpu.memref_slice %arg9[%run_scoped3A_68, %dma_start3A_74] : memref<1x128xi32, #tpu.memory_space<vmem>> -> memref<1x128xi32, #tpu.memory_space<vmem>>
        %dma_start3A_76 = tpu.memref_squeeze %dma_start3A_75 : memref<1x128xi32, #tpu.memory_space<vmem>> -> memref<128xi32, #tpu.memory_space<vmem>>
        %dma_start3A_77 = arith.constant 0 : i32
        %dma_start3A_78 = arith.constant 0 : i32
        %dma_start3A_79 = tpu.memref_slice %arg11[%dma_start3A_77, %dma_start3A_78] : memref<50176x8xf32, #tpu.memory_space<vmem_shared>> -> memref<50176x8xf32, #tpu.memory_space<vmem_shared>>
        tpu.enqueue_indirect_dma source(%dma_start3A_73 : memref<128x8xf32, #tpu.memory_space<vmem>>) target(%dma_start3A_79 : memref<50176x8xf32, #tpu.memory_space<vmem_shared>>) offsets(%dma_start3A_76 : memref<128xi32, #tpu.memory_space<vmem>>) semaphore(%run_scoped3A_69 : memref<!tpu.dma_semaphore, #tpu.memory_space<semaphore_mem>>) {add = true}
        %dma_wait3A_80 = arith.constant 0 : i32
        %dma_wait3A_81 = arith.constant 0 : i32
        %dma_wait3A_82 = tpu.memref_slice %arg10[%run_scoped3A_66, %run_scoped3A_67, %dma_wait3A_80, %dma_wait3A_81] : memref<2x2x128x8xf32, #tpu.memory_space<vmem>> -> memref<1x1x128x8xf32, #tpu.memory_space<vmem>>
        %dma_wait3A_83 = tpu.memref_squeeze %dma_wait3A_82 : memref<1x1x128x8xf32, #tpu.memory_space<vmem>> -> memref<128x8xf32, #tpu.memory_space<vmem>>
        %dma_wait3A_84 = arith.constant 0 : i32
        %dma_wait3A_85 = tpu.memref_slice %arg9[%run_scoped3A_68, %dma_wait3A_84] : memref<1x128xi32, #tpu.memory_space<vmem>> -> memref<1x128xi32, #tpu.memory_space<vmem>>
        %dma_wait3A_86 = tpu.memref_squeeze %dma_wait3A_85 : memref<1x128xi32, #tpu.memory_space<vmem>> -> memref<128xi32, #tpu.memory_space<vmem>>
        %dma_wait3A_87 = arith.constant 0 : i32
        %dma_wait3A_88 = arith.constant 0 : i32
        %dma_wait3A_89 = tpu.memref_slice %arg11[%dma_wait3A_87, %dma_wait3A_88] : memref<50176x8xf32, #tpu.memory_space<vmem_shared>> -> memref<50176x8xf32, #tpu.memory_space<vmem_shared>>
        tpu.wait_indirect_dma semaphore(%run_scoped3A_69 : memref<!tpu.dma_semaphore, #tpu.memory_space<semaphore_mem>>) src(%dma_wait3A_83 : memref<128x8xf32, #tpu.memory_space<vmem>>) dst(%dma_wait3A_89 : memref<50176x8xf32, #tpu.memory_space<vmem_shared>>)
        tpu.yield
      }) : () -> ()
    } else {
    }
    %barrier3A_32 = arith.constant 0 : index
    tpu.barrier barrier_id(%barrier3A_32)
    "tpu.region"() ({
      %run_scoped3A = tpu.sem_alloc : memref<!tpu.dma_semaphore, #tpu.memory_space<semaphore_mem>>
      %dma_start3A = arith.constant 0 : i32
      %dma_start3A_33 = tpu.memref_slice %arg5[%arg0, %mul3A_6, %dma_start3A] : memref<2x50176x8xf32, #tpu.memory_space<hbm>> -> memref<1x3136x8xf32, #tpu.memory_space<hbm>>
      %dma_start3A_34 = tpu.memref_squeeze %dma_start3A_33 : memref<1x3136x8xf32, #tpu.memory_space<hbm>> -> memref<3136x8xf32, #tpu.memory_space<hbm>>
      %dma_start3A_35 = arith.constant 0 : i32
      %dma_start3A_36 = tpu.memref_slice %arg11[%mul3A_6, %dma_start3A_35] : memref<50176x8xf32, #tpu.memory_space<vmem_shared>> -> memref<3136x8xf32, #tpu.memory_space<vmem_shared>>
      tpu.enqueue_dma source(%dma_start3A_36 : memref<3136x8xf32, #tpu.memory_space<vmem_shared>>) target(%dma_start3A_34 : memref<3136x8xf32, #tpu.memory_space<hbm>>) target_semaphore(%run_scoped3A : memref<!tpu.dma_semaphore, #tpu.memory_space<semaphore_mem>>)
      %dma_wait3A = arith.constant 0 : i32
      %dma_wait3A_37 = tpu.memref_slice %arg5[%arg0, %mul3A_6, %dma_wait3A] : memref<2x50176x8xf32, #tpu.memory_space<hbm>> -> memref<1x3136x8xf32, #tpu.memory_space<hbm>>
      %dma_wait3A_38 = tpu.memref_squeeze %dma_wait3A_37 : memref<1x3136x8xf32, #tpu.memory_space<hbm>> -> memref<3136x8xf32, #tpu.memory_space<hbm>>
      %dma_wait3A_39 = arith.constant 0 : i32
      %dma_wait3A_40 = tpu.memref_slice %arg11[%mul3A_6, %dma_wait3A_39] : memref<50176x8xf32, #tpu.memory_space<vmem_shared>> -> memref<3136x8xf32, #tpu.memory_space<vmem_shared>>
      tpu.wait_dma2 semaphore(%run_scoped3A : memref<!tpu.dma_semaphore, #tpu.memory_space<semaphore_mem>>) src(%dma_wait3A_40 : memref<3136x8xf32, #tpu.memory_space<vmem_shared>>) dst(%dma_wait3A_38 : memref<3136x8xf32, #tpu.memory_space<hbm>>)
      tpu.yield
    }) : () -> ()
    return
  }
}

#map = affine_map<(d0, d1) -> (0, 0)>
#map1 = affine_map<(d0, d1) -> (0, 0, 0)>
module attributes {stable_mosaic.version = 14 : i64} {
  func.func @body(%arg0: i32, %arg1: i32, %arg2: memref<50176x32xf32, #tpu.memory_space<hbm>>, %arg3: memref<2x6250x128xi32, #tpu.memory_space<hbm>>, %arg4: memref<50176x32xf32, #tpu.memory_space<hbm>>, %arg5: memref<2x50176x32xf32, #tpu.memory_space<hbm>>, %arg6: memref<16x128xi32, #tpu.memory_space<vmem>>, %arg7: memref<16x128xi32, #tpu.memory_space<vmem>>, %arg8: memref<1x128xi32, #tpu.memory_space<vmem>>, %arg9: memref<1x128xi32, #tpu.memory_space<vmem>>, %arg10: memref<2x2x128x32xf32, #tpu.memory_space<vmem>>, %arg11: memref<50176x32xf32, #tpu.memory_space<vmem_shared>>, %arg12: memref<!tpu.dma_semaphore, #tpu.memory_space<semaphore_mem>>, %arg13: memref<!tpu.dma_semaphore, #tpu.memory_space<semaphore_mem>>, %arg14: memref<!tpu.dma_semaphore, #tpu.memory_space<semaphore_mem>>, %arg15: memref<!tpu.dma_semaphore, #tpu.memory_space<semaphore_mem>>, %arg16: memref<!tpu.dma_semaphore, #tpu.memory_space<semaphore_mem>>, %arg17: memref<!tpu.dma_semaphore, #tpu.memory_space<semaphore_mem>>, %arg18: memref<!tpu.dma_semaphore, #tpu.memory_space<semaphore_mem>>, %arg19: memref<!tpu.dma_semaphore, #tpu.memory_space<semaphore_mem>>) attributes {dimension_semantics = [#tpu.dimension_semantics<core_parallel>, #tpu.dimension_semantics<subcore_parallel>], iteration_bounds = array<i64: 2, 16>, scalar_prefetch = 0 : i64, scratch_operands = 14 : i64, tpu.core_type = #tpu.core_type<sc_vector_subcore>, window_params = [{transform_indices = #map}, {transform_indices = #map1}, {transform_indices = #map}, {transform_indices = #map1}]} {
    %mul3A = arith.constant 2 : i32
    %mul3A_0 = arith.muli %arg1, %mul3A : i32
    %add3A = arith.addi %mul3A_0, %arg0 : i32
    %mul3A_1 = arith.constant 195 : i32
    %mul3A_2 = arith.muli %add3A, %mul3A_1 : i32
    %min3A = arith.constant 10 : i32
    %min3A_3 = arith.minsi %add3A, %min3A : i32
    %add3A_4 = arith.addi %mul3A_2, %min3A_3 : i32
    %mul3A_5 = arith.constant 3136 : i32
    %mul3A_6 = arith.muli %arg1, %mul3A_5 : i32
    "tpu.region"() ({
      %run_scoped3A = tpu.sem_alloc : memref<!tpu.dma_semaphore, #tpu.memory_space<semaphore_mem>>
      %dma_start3A = arith.constant 0 : i32
      %dma_start3A_33 = tpu.memref_slice %arg11[%mul3A_6, %dma_start3A] : memref<50176x32xf32, #tpu.memory_space<vmem_shared>> -> memref<3136x32xf32, #tpu.memory_space<vmem_shared>>
      %dma_start3A_34 = arith.constant 0 : i32
      %dma_start3A_35 = tpu.memref_slice %arg4[%mul3A_6, %dma_start3A_34] : memref<50176x32xf32, #tpu.memory_space<hbm>> -> memref<3136x32xf32, #tpu.memory_space<hbm>>
      tpu.enqueue_dma source(%dma_start3A_35 : memref<3136x32xf32, #tpu.memory_space<hbm>>) target(%dma_start3A_33 : memref<3136x32xf32, #tpu.memory_space<vmem_shared>>) target_semaphore(%run_scoped3A : memref<!tpu.dma_semaphore, #tpu.memory_space<semaphore_mem>>)
      %dma_wait3A = arith.constant 0 : i32
      %dma_wait3A_36 = tpu.memref_slice %arg11[%mul3A_6, %dma_wait3A] : memref<50176x32xf32, #tpu.memory_space<vmem_shared>> -> memref<3136x32xf32, #tpu.memory_space<vmem_shared>>
      %dma_wait3A_37 = arith.constant 0 : i32
      %dma_wait3A_38 = tpu.memref_slice %arg4[%mul3A_6, %dma_wait3A_37] : memref<50176x32xf32, #tpu.memory_space<hbm>> -> memref<3136x32xf32, #tpu.memory_space<hbm>>
      tpu.wait_dma2 semaphore(%run_scoped3A : memref<!tpu.dma_semaphore, #tpu.memory_space<semaphore_mem>>) src(%dma_wait3A_38 : memref<3136x32xf32, #tpu.memory_space<hbm>>) dst(%dma_wait3A_36 : memref<3136x32xf32, #tpu.memory_space<vmem_shared>>)
      tpu.yield
    }) : () -> ()
    %barrier3A = arith.constant 0 : index
    tpu.barrier barrier_id(%barrier3A)
    %scan3A = arith.constant 0 : i32
    %scan3A_7 = arith.constant 12 : i32
    %scan3A_8 = arith.addi %scan3A, %scan3A_7 : i32
    %scan3A_9 = arith.constant 1 : i32
    scf.for %scan3A_33 = %scan3A to %scan3A_8 step %scan3A_9  : i32 {
      %mul3A_34 = arith.constant 1 : i32
      %mul3A_35 = arith.muli %scan3A_33, %mul3A_34 : i32
      %add3A_36 = arith.constant 0 : i32
      %add3A_37 = arith.addi %add3A_36, %mul3A_35 : i32
      %mul3A_38 = arith.constant 16 : i32
      %mul3A_39 = arith.muli %add3A_37, %mul3A_38 : i32
      %add3A_40 = arith.addi %add3A_4, %mul3A_39 : i32
      %run_scoped3A = arith.constant 0 : i32
      "tpu.region"() ({
        %run_scoped3A_101 = tpu.sem_alloc : memref<!tpu.dma_semaphore, #tpu.memory_space<semaphore_mem>>
        %dma_start3A = arith.constant 0 : i32
        %dma_start3A_102 = tpu.memref_slice %arg3[%run_scoped3A, %add3A_40, %dma_start3A] : memref<2x6250x128xi32, #tpu.memory_space<hbm>> -> memref<1x16x128xi32, #tpu.memory_space<hbm>>
        %dma_start3A_103 = tpu.memref_squeeze %dma_start3A_102 : memref<1x16x128xi32, #tpu.memory_space<hbm>> -> memref<16x128xi32, #tpu.memory_space<hbm>>
        %dma_start3A_104 = arith.constant 0 : i32
        %dma_start3A_105 = tpu.memref_slice %arg3[%run_scoped3A, %add3A_40, %dma_start3A_104] : memref<2x6250x128xi32, #tpu.memory_space<hbm>> -> memref<1x16x128xi32, #tpu.memory_space<hbm>>
        %dma_start3A_106 = tpu.memref_squeeze %dma_start3A_105 : memref<1x16x128xi32, #tpu.memory_space<hbm>> -> memref<16x128xi32, #tpu.memory_space<hbm>>
        tpu.enqueue_dma source(%dma_start3A_106 : memref<16x128xi32, #tpu.memory_space<hbm>>) target(%arg6 : memref<16x128xi32, #tpu.memory_space<vmem>>) target_semaphore(%run_scoped3A_101 : memref<!tpu.dma_semaphore, #tpu.memory_space<semaphore_mem>>)
        %dma_wait3A_107 = arith.constant 0 : i32
        %dma_wait3A_108 = tpu.memref_slice %arg3[%run_scoped3A, %add3A_40, %dma_wait3A_107] : memref<2x6250x128xi32, #tpu.memory_space<hbm>> -> memref<1x16x128xi32, #tpu.memory_space<hbm>>
        %dma_wait3A_109 = tpu.memref_squeeze %dma_wait3A_108 : memref<1x16x128xi32, #tpu.memory_space<hbm>> -> memref<16x128xi32, #tpu.memory_space<hbm>>
        %dma_wait3A_110 = arith.constant 0 : i32
        %dma_wait3A_111 = tpu.memref_slice %arg3[%run_scoped3A, %add3A_40, %dma_wait3A_110] : memref<2x6250x128xi32, #tpu.memory_space<hbm>> -> memref<1x16x128xi32, #tpu.memory_space<hbm>>
        %dma_wait3A_112 = tpu.memref_squeeze %dma_wait3A_111 : memref<1x16x128xi32, #tpu.memory_space<hbm>> -> memref<16x128xi32, #tpu.memory_space<hbm>>
        tpu.wait_dma2 semaphore(%run_scoped3A_101 : memref<!tpu.dma_semaphore, #tpu.memory_space<semaphore_mem>>) src(%dma_wait3A_112 : memref<16x128xi32, #tpu.memory_space<hbm>>) dst(%arg6 : memref<16x128xi32, #tpu.memory_space<vmem>>)
        tpu.yield
      }) : () -> ()
      %mul3A_41 = arith.constant 16 : i32
      %mul3A_42 = arith.muli %add3A_37, %mul3A_41 : i32
      %add3A_43 = arith.addi %add3A_4, %mul3A_42 : i32
      %run_scoped3A_44 = arith.constant 1 : i32
      "tpu.region"() ({
        %run_scoped3A_101 = tpu.sem_alloc : memref<!tpu.dma_semaphore, #tpu.memory_space<semaphore_mem>>
        %dma_start3A = arith.constant 0 : i32
        %dma_start3A_102 = tpu.memref_slice %arg3[%run_scoped3A_44, %add3A_43, %dma_start3A] : memref<2x6250x128xi32, #tpu.memory_space<hbm>> -> memref<1x16x128xi32, #tpu.memory_space<hbm>>
        %dma_start3A_103 = tpu.memref_squeeze %dma_start3A_102 : memref<1x16x128xi32, #tpu.memory_space<hbm>> -> memref<16x128xi32, #tpu.memory_space<hbm>>
        %dma_start3A_104 = arith.constant 0 : i32
        %dma_start3A_105 = tpu.memref_slice %arg3[%run_scoped3A_44, %add3A_43, %dma_start3A_104] : memref<2x6250x128xi32, #tpu.memory_space<hbm>> -> memref<1x16x128xi32, #tpu.memory_space<hbm>>
        %dma_start3A_106 = tpu.memref_squeeze %dma_start3A_105 : memref<1x16x128xi32, #tpu.memory_space<hbm>> -> memref<16x128xi32, #tpu.memory_space<hbm>>
        tpu.enqueue_dma source(%dma_start3A_106 : memref<16x128xi32, #tpu.memory_space<hbm>>) target(%arg7 : memref<16x128xi32, #tpu.memory_space<vmem>>) target_semaphore(%run_scoped3A_101 : memref<!tpu.dma_semaphore, #tpu.memory_space<semaphore_mem>>)
        %dma_wait3A_107 = arith.constant 0 : i32
        %dma_wait3A_108 = tpu.memref_slice %arg3[%run_scoped3A_44, %add3A_43, %dma_wait3A_107] : memref<2x6250x128xi32, #tpu.memory_space<hbm>> -> memref<1x16x128xi32, #tpu.memory_space<hbm>>
        %dma_wait3A_109 = tpu.memref_squeeze %dma_wait3A_108 : memref<1x16x128xi32, #tpu.memory_space<hbm>> -> memref<16x128xi32, #tpu.memory_space<hbm>>
        %dma_wait3A_110 = arith.constant 0 : i32
        %dma_wait3A_111 = tpu.memref_slice %arg3[%run_scoped3A_44, %add3A_43, %dma_wait3A_110] : memref<2x6250x128xi32, #tpu.memory_space<hbm>> -> memref<1x16x128xi32, #tpu.memory_space<hbm>>
        %dma_wait3A_112 = tpu.memref_squeeze %dma_wait3A_111 : memref<1x16x128xi32, #tpu.memory_space<hbm>> -> memref<16x128xi32, #tpu.memory_space<hbm>>
        tpu.wait_dma2 semaphore(%run_scoped3A_101 : memref<!tpu.dma_semaphore, #tpu.memory_space<semaphore_mem>>) src(%dma_wait3A_112 : memref<16x128xi32, #tpu.memory_space<hbm>>) dst(%arg7 : memref<16x128xi32, #tpu.memory_space<vmem>>)
        tpu.yield
      }) : () -> ()
      %scan3A_45 = arith.constant 0 : i32
      %scan3A_46 = arith.constant 4 : i32
      %scan3A_47 = arith.addi %scan3A_45, %scan3A_46 : i32
      %scan3A_48 = arith.constant 1 : i32
      scf.for %scan3A_101 = %scan3A_45 to %scan3A_47 step %scan3A_48  : i32 {
        %mul3A_102 = arith.constant 1 : i32
        %mul3A_103 = arith.muli %scan3A_101, %mul3A_102 : i32
        %add3A_104 = arith.constant 0 : i32
        %add3A_105 = arith.addi %add3A_104, %mul3A_103 : i32
        %mul3A_106 = arith.constant 2 : i32
        %mul3A_107 = arith.muli %mul3A_106, %add3A_105 : i32
        %add3A_108 = arith.constant 0 : i32
        %add3A_109 = arith.addi %mul3A_107, %add3A_108 : i32
        %mul3A_110 = arith.constant 2 : i32
        %mul3A_111 = arith.muli %add3A_109, %mul3A_110 : i32
        %gt3A_112 = arith.constant 0 : i32
        %gt3A_113 = arith.cmpi sgt, %add3A_105, %gt3A_112 : i32
        %convert_element_type3A_114 = arith.extui %gt3A_113 : i1 to i32
        %cond3A_115 = arith.constant 0 : i32
        %cond3A_116 = arith.cmpi ne, %convert_element_type3A_114, %cond3A_115 : i32
        scf.if %cond3A_116 {
          %add3A_295 = arith.constant 0 : i32
          %add3A_296 = arith.addi %mul3A_111, %add3A_295 : i32
          %dma_wait3A_297 = arith.constant 0 : i32
          %dma_wait3A_298 = arith.constant 0 : i32
          %dma_wait3A_299 = arith.constant 0 : i32
          %dma_wait3A_300 = arith.constant 0 : i32
          %dma_wait3A_301 = tpu.memref_slice %arg10[%dma_wait3A_297, %dma_wait3A_298, %dma_wait3A_299, %dma_wait3A_300] : memref<2x2x128x32xf32, #tpu.memory_space<vmem>> -> memref<1x1x128x32xf32, #tpu.memory_space<vmem>>
          %dma_wait3A_302 = tpu.memref_squeeze %dma_wait3A_301 : memref<1x1x128x32xf32, #tpu.memory_space<vmem>> -> memref<128x32xf32, #tpu.memory_space<vmem>>
          %dma_wait3A_303 = arith.constant 0 : i32
          %dma_wait3A_304 = tpu.memref_slice %arg7[%add3A_296, %dma_wait3A_303] : memref<16x128xi32, #tpu.memory_space<vmem>> -> memref<1x128xi32, #tpu.memory_space<vmem>>
          %dma_wait3A_305 = tpu.memref_squeeze %dma_wait3A_304 : memref<1x128xi32, #tpu.memory_space<vmem>> -> memref<128xi32, #tpu.memory_space<vmem>>
          %dma_wait3A_306 = arith.constant 0 : i32
          %dma_wait3A_307 = arith.constant 0 : i32
          %dma_wait3A_308 = tpu.memref_slice %arg11[%dma_wait3A_306, %dma_wait3A_307] : memref<50176x32xf32, #tpu.memory_space<vmem_shared>> -> memref<50176x32xf32, #tpu.memory_space<vmem_shared>>
          tpu.wait_indirect_dma semaphore(%arg16 : memref<!tpu.dma_semaphore, #tpu.memory_space<semaphore_mem>>) src(%dma_wait3A_302 : memref<128x32xf32, #tpu.memory_space<vmem>>) dst(%dma_wait3A_308 : memref<50176x32xf32, #tpu.memory_space<vmem_shared>>)
          %add3A_309 = arith.constant 1 : i32
          %add3A_310 = arith.addi %mul3A_111, %add3A_309 : i32
          %dma_wait3A_311 = arith.constant 0 : i32
          %dma_wait3A_312 = arith.constant 1 : i32
          %dma_wait3A_313 = arith.constant 0 : i32
          %dma_wait3A_314 = arith.constant 0 : i32
          %dma_wait3A_315 = tpu.memref_slice %arg10[%dma_wait3A_311, %dma_wait3A_312, %dma_wait3A_313, %dma_wait3A_314] : memref<2x2x128x32xf32, #tpu.memory_space<vmem>> -> memref<1x1x128x32xf32, #tpu.memory_space<vmem>>
          %dma_wait3A_316 = tpu.memref_squeeze %dma_wait3A_315 : memref<1x1x128x32xf32, #tpu.memory_space<vmem>> -> memref<128x32xf32, #tpu.memory_space<vmem>>
          %dma_wait3A_317 = arith.constant 0 : i32
          %dma_wait3A_318 = tpu.memref_slice %arg7[%add3A_310, %dma_wait3A_317] : memref<16x128xi32, #tpu.memory_space<vmem>> -> memref<1x128xi32, #tpu.memory_space<vmem>>
          %dma_wait3A_319 = tpu.memref_squeeze %dma_wait3A_318 : memref<1x128xi32, #tpu.memory_space<vmem>> -> memref<128xi32, #tpu.memory_space<vmem>>
          %dma_wait3A_320 = arith.constant 0 : i32
          %dma_wait3A_321 = arith.constant 0 : i32
          %dma_wait3A_322 = tpu.memref_slice %arg11[%dma_wait3A_320, %dma_wait3A_321] : memref<50176x32xf32, #tpu.memory_space<vmem_shared>> -> memref<50176x32xf32, #tpu.memory_space<vmem_shared>>
          tpu.wait_indirect_dma semaphore(%arg17 : memref<!tpu.dma_semaphore, #tpu.memory_space<semaphore_mem>>) src(%dma_wait3A_316 : memref<128x32xf32, #tpu.memory_space<vmem>>) dst(%dma_wait3A_322 : memref<50176x32xf32, #tpu.memory_space<vmem_shared>>)
        } else {
        }
        %add3A_117 = arith.constant 0 : i32
        %add3A_118 = arith.addi %mul3A_111, %add3A_117 : i32
        %dma_start3A = arith.constant 0 : i32
        %dma_start3A_119 = arith.constant 0 : i32
        %dma_start3A_120 = arith.constant 0 : i32
        %dma_start3A_121 = arith.constant 0 : i32
        %dma_start3A_122 = tpu.memref_slice %arg10[%dma_start3A, %dma_start3A_119, %dma_start3A_120, %dma_start3A_121] : memref<2x2x128x32xf32, #tpu.memory_space<vmem>> -> memref<1x1x128x32xf32, #tpu.memory_space<vmem>>
        %dma_start3A_123 = tpu.memref_squeeze %dma_start3A_122 : memref<1x1x128x32xf32, #tpu.memory_space<vmem>> -> memref<128x32xf32, #tpu.memory_space<vmem>>
        %dma_start3A_124 = arith.constant 0 : i32
        %dma_start3A_125 = tpu.memref_slice %arg6[%add3A_118, %dma_start3A_124] : memref<16x128xi32, #tpu.memory_space<vmem>> -> memref<1x128xi32, #tpu.memory_space<vmem>>
        %dma_start3A_126 = tpu.memref_squeeze %dma_start3A_125 : memref<1x128xi32, #tpu.memory_space<vmem>> -> memref<128xi32, #tpu.memory_space<vmem>>
        %dma_start3A_127 = arith.constant 0 : i32
        %dma_start3A_128 = arith.constant 0 : i32
        %dma_start3A_129 = tpu.memref_slice %arg2[%dma_start3A_127, %dma_start3A_128] : memref<50176x32xf32, #tpu.memory_space<hbm>> -> memref<50176x32xf32, #tpu.memory_space<hbm>>
        tpu.enqueue_indirect_dma source(%dma_start3A_129 : memref<50176x32xf32, #tpu.memory_space<hbm>>) target(%dma_start3A_123 : memref<128x32xf32, #tpu.memory_space<vmem>>) offsets(%dma_start3A_126 : memref<128xi32, #tpu.memory_space<vmem>>) semaphore(%arg12 : memref<!tpu.dma_semaphore, #tpu.memory_space<semaphore_mem>>)
        %add3A_130 = arith.constant 1 : i32
        %add3A_131 = arith.addi %mul3A_111, %add3A_130 : i32
        %dma_start3A_132 = arith.constant 0 : i32
        %dma_start3A_133 = arith.constant 1 : i32
        %dma_start3A_134 = arith.constant 0 : i32
        %dma_start3A_135 = arith.constant 0 : i32
        %dma_start3A_136 = tpu.memref_slice %arg10[%dma_start3A_132, %dma_start3A_133, %dma_start3A_134, %dma_start3A_135] : memref<2x2x128x32xf32, #tpu.memory_space<vmem>> -> memref<1x1x128x32xf32, #tpu.memory_space<vmem>>
        %dma_start3A_137 = tpu.memref_squeeze %dma_start3A_136 : memref<1x1x128x32xf32, #tpu.memory_space<vmem>> -> memref<128x32xf32, #tpu.memory_space<vmem>>
        %dma_start3A_138 = arith.constant 0 : i32
        %dma_start3A_139 = tpu.memref_slice %arg6[%add3A_131, %dma_start3A_138] : memref<16x128xi32, #tpu.memory_space<vmem>> -> memref<1x128xi32, #tpu.memory_space<vmem>>
        %dma_start3A_140 = tpu.memref_squeeze %dma_start3A_139 : memref<1x128xi32, #tpu.memory_space<vmem>> -> memref<128xi32, #tpu.memory_space<vmem>>
        %dma_start3A_141 = arith.constant 0 : i32
        %dma_start3A_142 = arith.constant 0 : i32
        %dma_start3A_143 = tpu.memref_slice %arg2[%dma_start3A_141, %dma_start3A_142] : memref<50176x32xf32, #tpu.memory_space<hbm>> -> memref<50176x32xf32, #tpu.memory_space<hbm>>
        tpu.enqueue_indirect_dma source(%dma_start3A_143 : memref<50176x32xf32, #tpu.memory_space<hbm>>) target(%dma_start3A_137 : memref<128x32xf32, #tpu.memory_space<vmem>>) offsets(%dma_start3A_140 : memref<128xi32, #tpu.memory_space<vmem>>) semaphore(%arg13 : memref<!tpu.dma_semaphore, #tpu.memory_space<semaphore_mem>>)
        %add3A_144 = arith.constant 0 : i32
        %add3A_145 = arith.addi %mul3A_111, %add3A_144 : i32
        %dma_wait3A_146 = arith.constant 0 : i32
        %dma_wait3A_147 = arith.constant 0 : i32
        %dma_wait3A_148 = arith.constant 0 : i32
        %dma_wait3A_149 = arith.constant 0 : i32
        %dma_wait3A_150 = tpu.memref_slice %arg10[%dma_wait3A_146, %dma_wait3A_147, %dma_wait3A_148, %dma_wait3A_149] : memref<2x2x128x32xf32, #tpu.memory_space<vmem>> -> memref<1x1x128x32xf32, #tpu.memory_space<vmem>>
        %dma_wait3A_151 = tpu.memref_squeeze %dma_wait3A_150 : memref<1x1x128x32xf32, #tpu.memory_space<vmem>> -> memref<128x32xf32, #tpu.memory_space<vmem>>
        %dma_wait3A_152 = arith.constant 0 : i32
        %dma_wait3A_153 = tpu.memref_slice %arg6[%add3A_145, %dma_wait3A_152] : memref<16x128xi32, #tpu.memory_space<vmem>> -> memref<1x128xi32, #tpu.memory_space<vmem>>
        %dma_wait3A_154 = tpu.memref_squeeze %dma_wait3A_153 : memref<1x128xi32, #tpu.memory_space<vmem>> -> memref<128xi32, #tpu.memory_space<vmem>>
        %dma_wait3A_155 = arith.constant 0 : i32
        %dma_wait3A_156 = arith.constant 0 : i32
        %dma_wait3A_157 = tpu.memref_slice %arg2[%dma_wait3A_155, %dma_wait3A_156] : memref<50176x32xf32, #tpu.memory_space<hbm>> -> memref<50176x32xf32, #tpu.memory_space<hbm>>
        tpu.wait_indirect_dma semaphore(%arg12 : memref<!tpu.dma_semaphore, #tpu.memory_space<semaphore_mem>>) src(%dma_wait3A_157 : memref<50176x32xf32, #tpu.memory_space<hbm>>) dst(%dma_wait3A_151 : memref<128x32xf32, #tpu.memory_space<vmem>>)
        %add3A_158 = arith.constant 0 : i32
        %add3A_159 = arith.addi %mul3A_111, %add3A_158 : i32
        %dma_start3A_160 = arith.constant 0 : i32
        %dma_start3A_161 = arith.constant 0 : i32
        %dma_start3A_162 = arith.constant 0 : i32
        %dma_start3A_163 = arith.constant 0 : i32
        %dma_start3A_164 = tpu.memref_slice %arg10[%dma_start3A_160, %dma_start3A_161, %dma_start3A_162, %dma_start3A_163] : memref<2x2x128x32xf32, #tpu.memory_space<vmem>> -> memref<1x1x128x32xf32, #tpu.memory_space<vmem>>
        %dma_start3A_165 = tpu.memref_squeeze %dma_start3A_164 : memref<1x1x128x32xf32, #tpu.memory_space<vmem>> -> memref<128x32xf32, #tpu.memory_space<vmem>>
        %dma_start3A_166 = arith.constant 0 : i32
        %dma_start3A_167 = tpu.memref_slice %arg7[%add3A_159, %dma_start3A_166] : memref<16x128xi32, #tpu.memory_space<vmem>> -> memref<1x128xi32, #tpu.memory_space<vmem>>
        %dma_start3A_168 = tpu.memref_squeeze %dma_start3A_167 : memref<1x128xi32, #tpu.memory_space<vmem>> -> memref<128xi32, #tpu.memory_space<vmem>>
        %dma_start3A_169 = arith.constant 0 : i32
        %dma_start3A_170 = arith.constant 0 : i32
        %dma_start3A_171 = tpu.memref_slice %arg11[%dma_start3A_169, %dma_start3A_170] : memref<50176x32xf32, #tpu.memory_space<vmem_shared>> -> memref<50176x32xf32, #tpu.memory_space<vmem_shared>>
        tpu.enqueue_indirect_dma source(%dma_start3A_165 : memref<128x32xf32, #tpu.memory_space<vmem>>) target(%dma_start3A_171 : memref<50176x32xf32, #tpu.memory_space<vmem_shared>>) offsets(%dma_start3A_168 : memref<128xi32, #tpu.memory_space<vmem>>) semaphore(%arg16 : memref<!tpu.dma_semaphore, #tpu.memory_space<semaphore_mem>>) {add = true}
        %add3A_172 = arith.constant 1 : i32
        %add3A_173 = arith.addi %mul3A_111, %add3A_172 : i32
        %dma_wait3A_174 = arith.constant 0 : i32
        %dma_wait3A_175 = arith.constant 1 : i32
        %dma_wait3A_176 = arith.constant 0 : i32
        %dma_wait3A_177 = arith.constant 0 : i32
        %dma_wait3A_178 = tpu.memref_slice %arg10[%dma_wait3A_174, %dma_wait3A_175, %dma_wait3A_176, %dma_wait3A_177] : memref<2x2x128x32xf32, #tpu.memory_space<vmem>> -> memref<1x1x128x32xf32, #tpu.memory_space<vmem>>
        %dma_wait3A_179 = tpu.memref_squeeze %dma_wait3A_178 : memref<1x1x128x32xf32, #tpu.memory_space<vmem>> -> memref<128x32xf32, #tpu.memory_space<vmem>>
        %dma_wait3A_180 = arith.constant 0 : i32
        %dma_wait3A_181 = tpu.memref_slice %arg6[%add3A_173, %dma_wait3A_180] : memref<16x128xi32, #tpu.memory_space<vmem>> -> memref<1x128xi32, #tpu.memory_space<vmem>>
        %dma_wait3A_182 = tpu.memref_squeeze %dma_wait3A_181 : memref<1x128xi32, #tpu.memory_space<vmem>> -> memref<128xi32, #tpu.memory_space<vmem>>
        %dma_wait3A_183 = arith.constant 0 : i32
        %dma_wait3A_184 = arith.constant 0 : i32
        %dma_wait3A_185 = tpu.memref_slice %arg2[%dma_wait3A_183, %dma_wait3A_184] : memref<50176x32xf32, #tpu.memory_space<hbm>> -> memref<50176x32xf32, #tpu.memory_space<hbm>>
        tpu.wait_indirect_dma semaphore(%arg13 : memref<!tpu.dma_semaphore, #tpu.memory_space<semaphore_mem>>) src(%dma_wait3A_185 : memref<50176x32xf32, #tpu.memory_space<hbm>>) dst(%dma_wait3A_179 : memref<128x32xf32, #tpu.memory_space<vmem>>)
        %add3A_186 = arith.constant 1 : i32
        %add3A_187 = arith.addi %mul3A_111, %add3A_186 : i32
        %dma_start3A_188 = arith.constant 0 : i32
        %dma_start3A_189 = arith.constant 1 : i32
        %dma_start3A_190 = arith.constant 0 : i32
        %dma_start3A_191 = arith.constant 0 : i32
        %dma_start3A_192 = tpu.memref_slice %arg10[%dma_start3A_188, %dma_start3A_189, %dma_start3A_190, %dma_start3A_191] : memref<2x2x128x32xf32, #tpu.memory_space<vmem>> -> memref<1x1x128x32xf32, #tpu.memory_space<vmem>>
        %dma_start3A_193 = tpu.memref_squeeze %dma_start3A_192 : memref<1x1x128x32xf32, #tpu.memory_space<vmem>> -> memref<128x32xf32, #tpu.memory_space<vmem>>
        %dma_start3A_194 = arith.constant 0 : i32
        %dma_start3A_195 = tpu.memref_slice %arg7[%add3A_187, %dma_start3A_194] : memref<16x128xi32, #tpu.memory_space<vmem>> -> memref<1x128xi32, #tpu.memory_space<vmem>>
        %dma_start3A_196 = tpu.memref_squeeze %dma_start3A_195 : memref<1x128xi32, #tpu.memory_space<vmem>> -> memref<128xi32, #tpu.memory_space<vmem>>
        %dma_start3A_197 = arith.constant 0 : i32
        %dma_start3A_198 = arith.constant 0 : i32
        %dma_start3A_199 = tpu.memref_slice %arg11[%dma_start3A_197, %dma_start3A_198] : memref<50176x32xf32, #tpu.memory_space<vmem_shared>> -> memref<50176x32xf32, #tpu.memory_space<vmem_shared>>
        tpu.enqueue_indirect_dma source(%dma_start3A_193 : memref<128x32xf32, #tpu.memory_space<vmem>>) target(%dma_start3A_199 : memref<50176x32xf32, #tpu.memory_space<vmem_shared>>) offsets(%dma_start3A_196 : memref<128xi32, #tpu.memory_space<vmem>>) semaphore(%arg17 : memref<!tpu.dma_semaphore, #tpu.memory_space<semaphore_mem>>) {add = true}
        %mul3A_200 = arith.constant 2 : i32
        %mul3A_201 = arith.muli %mul3A_200, %add3A_105 : i32
        %add3A_202 = arith.constant 1 : i32
        %add3A_203 = arith.addi %mul3A_201, %add3A_202 : i32
        %mul3A_204 = arith.constant 2 : i32
        %mul3A_205 = arith.muli %add3A_203, %mul3A_204 : i32
        %gt3A_206 = arith.constant 0 : i32
        %gt3A_207 = arith.cmpi sgt, %add3A_105, %gt3A_206 : i32
        %convert_element_type3A_208 = arith.extui %gt3A_207 : i1 to i32
        %cond3A_209 = arith.constant 0 : i32
        %cond3A_210 = arith.cmpi ne, %convert_element_type3A_208, %cond3A_209 : i32
        scf.if %cond3A_210 {
          %add3A_295 = arith.constant 0 : i32
          %add3A_296 = arith.addi %mul3A_205, %add3A_295 : i32
          %dma_wait3A_297 = arith.constant 1 : i32
          %dma_wait3A_298 = arith.constant 0 : i32
          %dma_wait3A_299 = arith.constant 0 : i32
          %dma_wait3A_300 = arith.constant 0 : i32
          %dma_wait3A_301 = tpu.memref_slice %arg10[%dma_wait3A_297, %dma_wait3A_298, %dma_wait3A_299, %dma_wait3A_300] : memref<2x2x128x32xf32, #tpu.memory_space<vmem>> -> memref<1x1x128x32xf32, #tpu.memory_space<vmem>>
          %dma_wait3A_302 = tpu.memref_squeeze %dma_wait3A_301 : memref<1x1x128x32xf32, #tpu.memory_space<vmem>> -> memref<128x32xf32, #tpu.memory_space<vmem>>
          %dma_wait3A_303 = arith.constant 0 : i32
          %dma_wait3A_304 = tpu.memref_slice %arg7[%add3A_296, %dma_wait3A_303] : memref<16x128xi32, #tpu.memory_space<vmem>> -> memref<1x128xi32, #tpu.memory_space<vmem>>
          %dma_wait3A_305 = tpu.memref_squeeze %dma_wait3A_304 : memref<1x128xi32, #tpu.memory_space<vmem>> -> memref<128xi32, #tpu.memory_space<vmem>>
          %dma_wait3A_306 = arith.constant 0 : i32
          %dma_wait3A_307 = arith.constant 0 : i32
          %dma_wait3A_308 = tpu.memref_slice %arg11[%dma_wait3A_306, %dma_wait3A_307] : memref<50176x32xf32, #tpu.memory_space<vmem_shared>> -> memref<50176x32xf32, #tpu.memory_space<vmem_shared>>
          tpu.wait_indirect_dma semaphore(%arg18 : memref<!tpu.dma_semaphore, #tpu.memory_space<semaphore_mem>>) src(%dma_wait3A_302 : memref<128x32xf32, #tpu.memory_space<vmem>>) dst(%dma_wait3A_308 : memref<50176x32xf32, #tpu.memory_space<vmem_shared>>)
          %add3A_309 = arith.constant 1 : i32
          %add3A_310 = arith.addi %mul3A_205, %add3A_309 : i32
          %dma_wait3A_311 = arith.constant 1 : i32
          %dma_wait3A_312 = arith.constant 1 : i32
          %dma_wait3A_313 = arith.constant 0 : i32
          %dma_wait3A_314 = arith.constant 0 : i32
          %dma_wait3A_315 = tpu.memref_slice %arg10[%dma_wait3A_311, %dma_wait3A_312, %dma_wait3A_313, %dma_wait3A_314] : memref<2x2x128x32xf32, #tpu.memory_space<vmem>> -> memref<1x1x128x32xf32, #tpu.memory_space<vmem>>
          %dma_wait3A_316 = tpu.memref_squeeze %dma_wait3A_315 : memref<1x1x128x32xf32, #tpu.memory_space<vmem>> -> memref<128x32xf32, #tpu.memory_space<vmem>>
          %dma_wait3A_317 = arith.constant 0 : i32
          %dma_wait3A_318 = tpu.memref_slice %arg7[%add3A_310, %dma_wait3A_317] : memref<16x128xi32, #tpu.memory_space<vmem>> -> memref<1x128xi32, #tpu.memory_space<vmem>>
          %dma_wait3A_319 = tpu.memref_squeeze %dma_wait3A_318 : memref<1x128xi32, #tpu.memory_space<vmem>> -> memref<128xi32, #tpu.memory_space<vmem>>
          %dma_wait3A_320 = arith.constant 0 : i32
          %dma_wait3A_321 = arith.constant 0 : i32
          %dma_wait3A_322 = tpu.memref_slice %arg11[%dma_wait3A_320, %dma_wait3A_321] : memref<50176x32xf32, #tpu.memory_space<vmem_shared>> -> memref<50176x32xf32, #tpu.memory_space<vmem_shared>>
          tpu.wait_indirect_dma semaphore(%arg19 : memref<!tpu.dma_semaphore, #tpu.memory_space<semaphore_mem>>) src(%dma_wait3A_316 : memref<128x32xf32, #tpu.memory_space<vmem>>) dst(%dma_wait3A_322 : memref<50176x32xf32, #tpu.memory_space<vmem_shared>>)
        } else {
        }
        %add3A_211 = arith.constant 0 : i32
        %add3A_212 = arith.addi %mul3A_205, %add3A_211 : i32
        %dma_start3A_213 = arith.constant 1 : i32
        %dma_start3A_214 = arith.constant 0 : i32
        %dma_start3A_215 = arith.constant 0 : i32
        %dma_start3A_216 = arith.constant 0 : i32
        %dma_start3A_217 = tpu.memref_slice %arg10[%dma_start3A_213, %dma_start3A_214, %dma_start3A_215, %dma_start3A_216] : memref<2x2x128x32xf32, #tpu.memory_space<vmem>> -> memref<1x1x128x32xf32, #tpu.memory_space<vmem>>
        %dma_start3A_218 = tpu.memref_squeeze %dma_start3A_217 : memref<1x1x128x32xf32, #tpu.memory_space<vmem>> -> memref<128x32xf32, #tpu.memory_space<vmem>>
        %dma_start3A_219 = arith.constant 0 : i32
        %dma_start3A_220 = tpu.memref_slice %arg6[%add3A_212, %dma_start3A_219] : memref<16x128xi32, #tpu.memory_space<vmem>> -> memref<1x128xi32, #tpu.memory_space<vmem>>
        %dma_start3A_221 = tpu.memref_squeeze %dma_start3A_220 : memref<1x128xi32, #tpu.memory_space<vmem>> -> memref<128xi32, #tpu.memory_space<vmem>>
        %dma_start3A_222 = arith.constant 0 : i32
        %dma_start3A_223 = arith.constant 0 : i32
        %dma_start3A_224 = tpu.memref_slice %arg2[%dma_start3A_222, %dma_start3A_223] : memref<50176x32xf32, #tpu.memory_space<hbm>> -> memref<50176x32xf32, #tpu.memory_space<hbm>>
        tpu.enqueue_indirect_dma source(%dma_start3A_224 : memref<50176x32xf32, #tpu.memory_space<hbm>>) target(%dma_start3A_218 : memref<128x32xf32, #tpu.memory_space<vmem>>) offsets(%dma_start3A_221 : memref<128xi32, #tpu.memory_space<vmem>>) semaphore(%arg14 : memref<!tpu.dma_semaphore, #tpu.memory_space<semaphore_mem>>)
        %add3A_225 = arith.constant 1 : i32
        %add3A_226 = arith.addi %mul3A_205, %add3A_225 : i32
        %dma_start3A_227 = arith.constant 1 : i32
        %dma_start3A_228 = arith.constant 1 : i32
        %dma_start3A_229 = arith.constant 0 : i32
        %dma_start3A_230 = arith.constant 0 : i32
        %dma_start3A_231 = tpu.memref_slice %arg10[%dma_start3A_227, %dma_start3A_228, %dma_start3A_229, %dma_start3A_230] : memref<2x2x128x32xf32, #tpu.memory_space<vmem>> -> memref<1x1x128x32xf32, #tpu.memory_space<vmem>>
        %dma_start3A_232 = tpu.memref_squeeze %dma_start3A_231 : memref<1x1x128x32xf32, #tpu.memory_space<vmem>> -> memref<128x32xf32, #tpu.memory_space<vmem>>
        %dma_start3A_233 = arith.constant 0 : i32
        %dma_start3A_234 = tpu.memref_slice %arg6[%add3A_226, %dma_start3A_233] : memref<16x128xi32, #tpu.memory_space<vmem>> -> memref<1x128xi32, #tpu.memory_space<vmem>>
        %dma_start3A_235 = tpu.memref_squeeze %dma_start3A_234 : memref<1x128xi32, #tpu.memory_space<vmem>> -> memref<128xi32, #tpu.memory_space<vmem>>
        %dma_start3A_236 = arith.constant 0 : i32
        %dma_start3A_237 = arith.constant 0 : i32
        %dma_start3A_238 = tpu.memref_slice %arg2[%dma_start3A_236, %dma_start3A_237] : memref<50176x32xf32, #tpu.memory_space<hbm>> -> memref<50176x32xf32, #tpu.memory_space<hbm>>
        tpu.enqueue_indirect_dma source(%dma_start3A_238 : memref<50176x32xf32, #tpu.memory_space<hbm>>) target(%dma_start3A_232 : memref<128x32xf32, #tpu.memory_space<vmem>>) offsets(%dma_start3A_235 : memref<128xi32, #tpu.memory_space<vmem>>) semaphore(%arg15 : memref<!tpu.dma_semaphore, #tpu.memory_space<semaphore_mem>>)
        %add3A_239 = arith.constant 0 : i32
        %add3A_240 = arith.addi %mul3A_205, %add3A_239 : i32
        %dma_wait3A_241 = arith.constant 1 : i32
        %dma_wait3A_242 = arith.constant 0 : i32
        %dma_wait3A_243 = arith.constant 0 : i32
        %dma_wait3A_244 = arith.constant 0 : i32
        %dma_wait3A_245 = tpu.memref_slice %arg10[%dma_wait3A_241, %dma_wait3A_242, %dma_wait3A_243, %dma_wait3A_244] : memref<2x2x128x32xf32, #tpu.memory_space<vmem>> -> memref<1x1x128x32xf32, #tpu.memory_space<vmem>>
        %dma_wait3A_246 = tpu.memref_squeeze %dma_wait3A_245 : memref<1x1x128x32xf32, #tpu.memory_space<vmem>> -> memref<128x32xf32, #tpu.memory_space<vmem>>
        %dma_wait3A_247 = arith.constant 0 : i32
        %dma_wait3A_248 = tpu.memref_slice %arg6[%add3A_240, %dma_wait3A_247] : memref<16x128xi32, #tpu.memory_space<vmem>> -> memref<1x128xi32, #tpu.memory_space<vmem>>
        %dma_wait3A_249 = tpu.memref_squeeze %dma_wait3A_248 : memref<1x128xi32, #tpu.memory_space<vmem>> -> memref<128xi32, #tpu.memory_space<vmem>>
        %dma_wait3A_250 = arith.constant 0 : i32
        %dma_wait3A_251 = arith.constant 0 : i32
        %dma_wait3A_252 = tpu.memref_slice %arg2[%dma_wait3A_250, %dma_wait3A_251] : memref<50176x32xf32, #tpu.memory_space<hbm>> -> memref<50176x32xf32, #tpu.memory_space<hbm>>
        tpu.wait_indirect_dma semaphore(%arg14 : memref<!tpu.dma_semaphore, #tpu.memory_space<semaphore_mem>>) src(%dma_wait3A_252 : memref<50176x32xf32, #tpu.memory_space<hbm>>) dst(%dma_wait3A_246 : memref<128x32xf32, #tpu.memory_space<vmem>>)
        %add3A_253 = arith.constant 0 : i32
        %add3A_254 = arith.addi %mul3A_205, %add3A_253 : i32
        %dma_start3A_255 = arith.constant 1 : i32
        %dma_start3A_256 = arith.constant 0 : i32
        %dma_start3A_257 = arith.constant 0 : i32
        %dma_start3A_258 = arith.constant 0 : i32
        %dma_start3A_259 = tpu.memref_slice %arg10[%dma_start3A_255, %dma_start3A_256, %dma_start3A_257, %dma_start3A_258] : memref<2x2x128x32xf32, #tpu.memory_space<vmem>> -> memref<1x1x128x32xf32, #tpu.memory_space<vmem>>
        %dma_start3A_260 = tpu.memref_squeeze %dma_start3A_259 : memref<1x1x128x32xf32, #tpu.memory_space<vmem>> -> memref<128x32xf32, #tpu.memory_space<vmem>>
        %dma_start3A_261 = arith.constant 0 : i32
        %dma_start3A_262 = tpu.memref_slice %arg7[%add3A_254, %dma_start3A_261] : memref<16x128xi32, #tpu.memory_space<vmem>> -> memref<1x128xi32, #tpu.memory_space<vmem>>
        %dma_start3A_263 = tpu.memref_squeeze %dma_start3A_262 : memref<1x128xi32, #tpu.memory_space<vmem>> -> memref<128xi32, #tpu.memory_space<vmem>>
        %dma_start3A_264 = arith.constant 0 : i32
        %dma_start3A_265 = arith.constant 0 : i32
        %dma_start3A_266 = tpu.memref_slice %arg11[%dma_start3A_264, %dma_start3A_265] : memref<50176x32xf32, #tpu.memory_space<vmem_shared>> -> memref<50176x32xf32, #tpu.memory_space<vmem_shared>>
        tpu.enqueue_indirect_dma source(%dma_start3A_260 : memref<128x32xf32, #tpu.memory_space<vmem>>) target(%dma_start3A_266 : memref<50176x32xf32, #tpu.memory_space<vmem_shared>>) offsets(%dma_start3A_263 : memref<128xi32, #tpu.memory_space<vmem>>) semaphore(%arg18 : memref<!tpu.dma_semaphore, #tpu.memory_space<semaphore_mem>>) {add = true}
        %add3A_267 = arith.constant 1 : i32
        %add3A_268 = arith.addi %mul3A_205, %add3A_267 : i32
        %dma_wait3A_269 = arith.constant 1 : i32
        %dma_wait3A_270 = arith.constant 1 : i32
        %dma_wait3A_271 = arith.constant 0 : i32
        %dma_wait3A_272 = arith.constant 0 : i32
        %dma_wait3A_273 = tpu.memref_slice %arg10[%dma_wait3A_269, %dma_wait3A_270, %dma_wait3A_271, %dma_wait3A_272] : memref<2x2x128x32xf32, #tpu.memory_space<vmem>> -> memref<1x1x128x32xf32, #tpu.memory_space<vmem>>
        %dma_wait3A_274 = tpu.memref_squeeze %dma_wait3A_273 : memref<1x1x128x32xf32, #tpu.memory_space<vmem>> -> memref<128x32xf32, #tpu.memory_space<vmem>>
        %dma_wait3A_275 = arith.constant 0 : i32
        %dma_wait3A_276 = tpu.memref_slice %arg6[%add3A_268, %dma_wait3A_275] : memref<16x128xi32, #tpu.memory_space<vmem>> -> memref<1x128xi32, #tpu.memory_space<vmem>>
        %dma_wait3A_277 = tpu.memref_squeeze %dma_wait3A_276 : memref<1x128xi32, #tpu.memory_space<vmem>> -> memref<128xi32, #tpu.memory_space<vmem>>
        %dma_wait3A_278 = arith.constant 0 : i32
        %dma_wait3A_279 = arith.constant 0 : i32
        %dma_wait3A_280 = tpu.memref_slice %arg2[%dma_wait3A_278, %dma_wait3A_279] : memref<50176x32xf32, #tpu.memory_space<hbm>> -> memref<50176x32xf32, #tpu.memory_space<hbm>>
        tpu.wait_indirect_dma semaphore(%arg15 : memref<!tpu.dma_semaphore, #tpu.memory_space<semaphore_mem>>) src(%dma_wait3A_280 : memref<50176x32xf32, #tpu.memory_space<hbm>>) dst(%dma_wait3A_274 : memref<128x32xf32, #tpu.memory_space<vmem>>)
        %add3A_281 = arith.constant 1 : i32
        %add3A_282 = arith.addi %mul3A_205, %add3A_281 : i32
        %dma_start3A_283 = arith.constant 1 : i32
        %dma_start3A_284 = arith.constant 1 : i32
        %dma_start3A_285 = arith.constant 0 : i32
        %dma_start3A_286 = arith.constant 0 : i32
        %dma_start3A_287 = tpu.memref_slice %arg10[%dma_start3A_283, %dma_start3A_284, %dma_start3A_285, %dma_start3A_286] : memref<2x2x128x32xf32, #tpu.memory_space<vmem>> -> memref<1x1x128x32xf32, #tpu.memory_space<vmem>>
        %dma_start3A_288 = tpu.memref_squeeze %dma_start3A_287 : memref<1x1x128x32xf32, #tpu.memory_space<vmem>> -> memref<128x32xf32, #tpu.memory_space<vmem>>
        %dma_start3A_289 = arith.constant 0 : i32
        %dma_start3A_290 = tpu.memref_slice %arg7[%add3A_282, %dma_start3A_289] : memref<16x128xi32, #tpu.memory_space<vmem>> -> memref<1x128xi32, #tpu.memory_space<vmem>>
        %dma_start3A_291 = tpu.memref_squeeze %dma_start3A_290 : memref<1x128xi32, #tpu.memory_space<vmem>> -> memref<128xi32, #tpu.memory_space<vmem>>
        %dma_start3A_292 = arith.constant 0 : i32
        %dma_start3A_293 = arith.constant 0 : i32
        %dma_start3A_294 = tpu.memref_slice %arg11[%dma_start3A_292, %dma_start3A_293] : memref<50176x32xf32, #tpu.memory_space<vmem_shared>> -> memref<50176x32xf32, #tpu.memory_space<vmem_shared>>
        tpu.enqueue_indirect_dma source(%dma_start3A_288 : memref<128x32xf32, #tpu.memory_space<vmem>>) target(%dma_start3A_294 : memref<50176x32xf32, #tpu.memory_space<vmem_shared>>) offsets(%dma_start3A_291 : memref<128xi32, #tpu.memory_space<vmem>>) semaphore(%arg19 : memref<!tpu.dma_semaphore, #tpu.memory_space<semaphore_mem>>) {add = true}
      }
      %scan3A_49 = arith.constant 4 : i32
      %dma_wait3A = arith.constant 0 : i32
      %dma_wait3A_50 = arith.constant 0 : i32
      %dma_wait3A_51 = arith.constant 12 : i32
      %dma_wait3A_52 = arith.constant 0 : i32
      %dma_wait3A_53 = arith.constant 0 : i32
      %dma_wait3A_54 = tpu.memref_slice %arg10[%dma_wait3A, %dma_wait3A_50, %dma_wait3A_52, %dma_wait3A_53] : memref<2x2x128x32xf32, #tpu.memory_space<vmem>> -> memref<1x1x128x32xf32, #tpu.memory_space<vmem>>
      %dma_wait3A_55 = tpu.memref_squeeze %dma_wait3A_54 : memref<1x1x128x32xf32, #tpu.memory_space<vmem>> -> memref<128x32xf32, #tpu.memory_space<vmem>>
      %dma_wait3A_56 = arith.constant 0 : i32
      %dma_wait3A_57 = tpu.memref_slice %arg7[%dma_wait3A_51, %dma_wait3A_56] : memref<16x128xi32, #tpu.memory_space<vmem>> -> memref<1x128xi32, #tpu.memory_space<vmem>>
      %dma_wait3A_58 = tpu.memref_squeeze %dma_wait3A_57 : memref<1x128xi32, #tpu.memory_space<vmem>> -> memref<128xi32, #tpu.memory_space<vmem>>
      %dma_wait3A_59 = arith.constant 0 : i32
      %dma_wait3A_60 = arith.constant 0 : i32
      %dma_wait3A_61 = tpu.memref_slice %arg11[%dma_wait3A_59, %dma_wait3A_60] : memref<50176x32xf32, #tpu.memory_space<vmem_shared>> -> memref<50176x32xf32, #tpu.memory_space<vmem_shared>>
      tpu.wait_indirect_dma semaphore(%arg16 : memref<!tpu.dma_semaphore, #tpu.memory_space<semaphore_mem>>) src(%dma_wait3A_55 : memref<128x32xf32, #tpu.memory_space<vmem>>) dst(%dma_wait3A_61 : memref<50176x32xf32, #tpu.memory_space<vmem_shared>>)
      %dma_wait3A_62 = arith.constant 0 : i32
      %dma_wait3A_63 = arith.constant 1 : i32
      %dma_wait3A_64 = arith.constant 13 : i32
      %dma_wait3A_65 = arith.constant 0 : i32
      %dma_wait3A_66 = arith.constant 0 : i32
      %dma_wait3A_67 = tpu.memref_slice %arg10[%dma_wait3A_62, %dma_wait3A_63, %dma_wait3A_65, %dma_wait3A_66] : memref<2x2x128x32xf32, #tpu.memory_space<vmem>> -> memref<1x1x128x32xf32, #tpu.memory_space<vmem>>
      %dma_wait3A_68 = tpu.memref_squeeze %dma_wait3A_67 : memref<1x1x128x32xf32, #tpu.memory_space<vmem>> -> memref<128x32xf32, #tpu.memory_space<vmem>>
      %dma_wait3A_69 = arith.constant 0 : i32
      %dma_wait3A_70 = tpu.memref_slice %arg7[%dma_wait3A_64, %dma_wait3A_69] : memref<16x128xi32, #tpu.memory_space<vmem>> -> memref<1x128xi32, #tpu.memory_space<vmem>>
      %dma_wait3A_71 = tpu.memref_squeeze %dma_wait3A_70 : memref<1x128xi32, #tpu.memory_space<vmem>> -> memref<128xi32, #tpu.memory_space<vmem>>
      %dma_wait3A_72 = arith.constant 0 : i32
      %dma_wait3A_73 = arith.constant 0 : i32
      %dma_wait3A_74 = tpu.memref_slice %arg11[%dma_wait3A_72, %dma_wait3A_73] : memref<50176x32xf32, #tpu.memory_space<vmem_shared>> -> memref<50176x32xf32, #tpu.memory_space<vmem_shared>>
      tpu.wait_indirect_dma semaphore(%arg17 : memref<!tpu.dma_semaphore, #tpu.memory_space<semaphore_mem>>) src(%dma_wait3A_68 : memref<128x32xf32, #tpu.memory_space<vmem>>) dst(%dma_wait3A_74 : memref<50176x32xf32, #tpu.memory_space<vmem_shared>>)
      %dma_wait3A_75 = arith.constant 1 : i32
      %dma_wait3A_76 = arith.constant 0 : i32
      %dma_wait3A_77 = arith.constant 14 : i32
      %dma_wait3A_78 = arith.constant 0 : i32
      %dma_wait3A_79 = arith.constant 0 : i32
      %dma_wait3A_80 = tpu.memref_slice %arg10[%dma_wait3A_75, %dma_wait3A_76, %dma_wait3A_78, %dma_wait3A_79] : memref<2x2x128x32xf32, #tpu.memory_space<vmem>> -> memref<1x1x128x32xf32, #tpu.memory_space<vmem>>
      %dma_wait3A_81 = tpu.memref_squeeze %dma_wait3A_80 : memref<1x1x128x32xf32, #tpu.memory_space<vmem>> -> memref<128x32xf32, #tpu.memory_space<vmem>>
      %dma_wait3A_82 = arith.constant 0 : i32
      %dma_wait3A_83 = tpu.memref_slice %arg7[%dma_wait3A_77, %dma_wait3A_82] : memref<16x128xi32, #tpu.memory_space<vmem>> -> memref<1x128xi32, #tpu.memory_space<vmem>>
      %dma_wait3A_84 = tpu.memref_squeeze %dma_wait3A_83 : memref<1x128xi32, #tpu.memory_space<vmem>> -> memref<128xi32, #tpu.memory_space<vmem>>
      %dma_wait3A_85 = arith.constant 0 : i32
      %dma_wait3A_86 = arith.constant 0 : i32
      %dma_wait3A_87 = tpu.memref_slice %arg11[%dma_wait3A_85, %dma_wait3A_86] : memref<50176x32xf32, #tpu.memory_space<vmem_shared>> -> memref<50176x32xf32, #tpu.memory_space<vmem_shared>>
      tpu.wait_indirect_dma semaphore(%arg18 : memref<!tpu.dma_semaphore, #tpu.memory_space<semaphore_mem>>) src(%dma_wait3A_81 : memref<128x32xf32, #tpu.memory_space<vmem>>) dst(%dma_wait3A_87 : memref<50176x32xf32, #tpu.memory_space<vmem_shared>>)
      %dma_wait3A_88 = arith.constant 1 : i32
      %dma_wait3A_89 = arith.constant 1 : i32
      %dma_wait3A_90 = arith.constant 15 : i32
      %dma_wait3A_91 = arith.constant 0 : i32
      %dma_wait3A_92 = arith.constant 0 : i32
      %dma_wait3A_93 = tpu.memref_slice %arg10[%dma_wait3A_88, %dma_wait3A_89, %dma_wait3A_91, %dma_wait3A_92] : memref<2x2x128x32xf32, #tpu.memory_space<vmem>> -> memref<1x1x128x32xf32, #tpu.memory_space<vmem>>
      %dma_wait3A_94 = tpu.memref_squeeze %dma_wait3A_93 : memref<1x1x128x32xf32, #tpu.memory_space<vmem>> -> memref<128x32xf32, #tpu.memory_space<vmem>>
      %dma_wait3A_95 = arith.constant 0 : i32
      %dma_wait3A_96 = tpu.memref_slice %arg7[%dma_wait3A_90, %dma_wait3A_95] : memref<16x128xi32, #tpu.memory_space<vmem>> -> memref<1x128xi32, #tpu.memory_space<vmem>>
      %dma_wait3A_97 = tpu.memref_squeeze %dma_wait3A_96 : memref<1x128xi32, #tpu.memory_space<vmem>> -> memref<128xi32, #tpu.memory_space<vmem>>
      %dma_wait3A_98 = arith.constant 0 : i32
      %dma_wait3A_99 = arith.constant 0 : i32
      %dma_wait3A_100 = tpu.memref_slice %arg11[%dma_wait3A_98, %dma_wait3A_99] : memref<50176x32xf32, #tpu.memory_space<vmem_shared>> -> memref<50176x32xf32, #tpu.memory_space<vmem_shared>>
      tpu.wait_indirect_dma semaphore(%arg19 : memref<!tpu.dma_semaphore, #tpu.memory_space<semaphore_mem>>) src(%dma_wait3A_94 : memref<128x32xf32, #tpu.memory_space<vmem>>) dst(%dma_wait3A_100 : memref<50176x32xf32, #tpu.memory_space<vmem_shared>>)
    }
    %scan3A_10 = arith.constant 12 : i32
    %lt3A = arith.constant 10 : i32
    %lt3A_11 = arith.cmpi slt, %add3A, %lt3A : i32
    %jit3A = arith.constant 1 : i32
    %jit3A_12 = arith.constant 0 : i32
    %select_n3A = arith.select %lt3A_11, %jit3A, %jit3A_12 : i32
    %add3A_13 = arith.constant 3 : i32
    %add3A_14 = arith.addi %add3A_13, %select_n3A : i32
    %gt3A = arith.constant 0 : i32
    %gt3A_15 = arith.cmpi sgt, %add3A_14, %gt3A : i32
    %convert_element_type3A = arith.extui %gt3A_15 : i1 to i32
    %cond3A = arith.constant 0 : i32
    %cond3A_16 = arith.cmpi ne, %convert_element_type3A, %cond3A : i32
    scf.if %cond3A_16 {
      %add3A_33 = arith.constant 192 : i32
      %add3A_34 = arith.addi %add3A_4, %add3A_33 : i32
      %add3A_35 = arith.constant 0 : i32
      %add3A_36 = arith.addi %add3A_34, %add3A_35 : i32
      %run_scoped3A = arith.constant 0 : i32
      "tpu.region"() ({
        %run_scoped3A_69 = tpu.sem_alloc : memref<!tpu.dma_semaphore, #tpu.memory_space<semaphore_mem>>
        %dma_start3A_70 = arith.constant 0 : i32
        %dma_start3A_71 = tpu.memref_slice %arg3[%run_scoped3A, %add3A_36, %dma_start3A_70] : memref<2x6250x128xi32, #tpu.memory_space<hbm>> -> memref<1x1x128xi32, #tpu.memory_space<hbm>>
        %dma_start3A_72 = tpu.memref_squeeze %dma_start3A_71 : memref<1x1x128xi32, #tpu.memory_space<hbm>> -> memref<1x128xi32, #tpu.memory_space<hbm>>
        %dma_start3A_73 = arith.constant 0 : i32
        %dma_start3A_74 = tpu.memref_slice %arg3[%run_scoped3A, %add3A_36, %dma_start3A_73] : memref<2x6250x128xi32, #tpu.memory_space<hbm>> -> memref<1x1x128xi32, #tpu.memory_space<hbm>>
        %dma_start3A_75 = tpu.memref_squeeze %dma_start3A_74 : memref<1x1x128xi32, #tpu.memory_space<hbm>> -> memref<1x128xi32, #tpu.memory_space<hbm>>
        tpu.enqueue_dma source(%dma_start3A_75 : memref<1x128xi32, #tpu.memory_space<hbm>>) target(%arg8 : memref<1x128xi32, #tpu.memory_space<vmem>>) target_semaphore(%run_scoped3A_69 : memref<!tpu.dma_semaphore, #tpu.memory_space<semaphore_mem>>)
        %dma_wait3A_76 = arith.constant 0 : i32
        %dma_wait3A_77 = tpu.memref_slice %arg3[%run_scoped3A, %add3A_36, %dma_wait3A_76] : memref<2x6250x128xi32, #tpu.memory_space<hbm>> -> memref<1x1x128xi32, #tpu.memory_space<hbm>>
        %dma_wait3A_78 = tpu.memref_squeeze %dma_wait3A_77 : memref<1x1x128xi32, #tpu.memory_space<hbm>> -> memref<1x128xi32, #tpu.memory_space<hbm>>
        %dma_wait3A_79 = arith.constant 0 : i32
        %dma_wait3A_80 = tpu.memref_slice %arg3[%run_scoped3A, %add3A_36, %dma_wait3A_79] : memref<2x6250x128xi32, #tpu.memory_space<hbm>> -> memref<1x1x128xi32, #tpu.memory_space<hbm>>
        %dma_wait3A_81 = tpu.memref_squeeze %dma_wait3A_80 : memref<1x1x128xi32, #tpu.memory_space<hbm>> -> memref<1x128xi32, #tpu.memory_space<hbm>>
        tpu.wait_dma2 semaphore(%run_scoped3A_69 : memref<!tpu.dma_semaphore, #tpu.memory_space<semaphore_mem>>) src(%dma_wait3A_81 : memref<1x128xi32, #tpu.memory_space<hbm>>) dst(%arg8 : memref<1x128xi32, #tpu.memory_space<vmem>>)
        tpu.yield
      }) : () -> ()
      %add3A_37 = arith.constant 192 : i32
      %add3A_38 = arith.addi %add3A_4, %add3A_37 : i32
      %add3A_39 = arith.constant 0 : i32
      %add3A_40 = arith.addi %add3A_38, %add3A_39 : i32
      %run_scoped3A_41 = arith.constant 1 : i32
      "tpu.region"() ({
        %run_scoped3A_69 = tpu.sem_alloc : memref<!tpu.dma_semaphore, #tpu.memory_space<semaphore_mem>>
        %dma_start3A_70 = arith.constant 0 : i32
        %dma_start3A_71 = tpu.memref_slice %arg3[%run_scoped3A_41, %add3A_40, %dma_start3A_70] : memref<2x6250x128xi32, #tpu.memory_space<hbm>> -> memref<1x1x128xi32, #tpu.memory_space<hbm>>
        %dma_start3A_72 = tpu.memref_squeeze %dma_start3A_71 : memref<1x1x128xi32, #tpu.memory_space<hbm>> -> memref<1x128xi32, #tpu.memory_space<hbm>>
        %dma_start3A_73 = arith.constant 0 : i32
        %dma_start3A_74 = tpu.memref_slice %arg3[%run_scoped3A_41, %add3A_40, %dma_start3A_73] : memref<2x6250x128xi32, #tpu.memory_space<hbm>> -> memref<1x1x128xi32, #tpu.memory_space<hbm>>
        %dma_start3A_75 = tpu.memref_squeeze %dma_start3A_74 : memref<1x1x128xi32, #tpu.memory_space<hbm>> -> memref<1x128xi32, #tpu.memory_space<hbm>>
        tpu.enqueue_dma source(%dma_start3A_75 : memref<1x128xi32, #tpu.memory_space<hbm>>) target(%arg9 : memref<1x128xi32, #tpu.memory_space<vmem>>) target_semaphore(%run_scoped3A_69 : memref<!tpu.dma_semaphore, #tpu.memory_space<semaphore_mem>>)
        %dma_wait3A_76 = arith.constant 0 : i32
        %dma_wait3A_77 = tpu.memref_slice %arg3[%run_scoped3A_41, %add3A_40, %dma_wait3A_76] : memref<2x6250x128xi32, #tpu.memory_space<hbm>> -> memref<1x1x128xi32, #tpu.memory_space<hbm>>
        %dma_wait3A_78 = tpu.memref_squeeze %dma_wait3A_77 : memref<1x1x128xi32, #tpu.memory_space<hbm>> -> memref<1x128xi32, #tpu.memory_space<hbm>>
        %dma_wait3A_79 = arith.constant 0 : i32
        %dma_wait3A_80 = tpu.memref_slice %arg3[%run_scoped3A_41, %add3A_40, %dma_wait3A_79] : memref<2x6250x128xi32, #tpu.memory_space<hbm>> -> memref<1x1x128xi32, #tpu.memory_space<hbm>>
        %dma_wait3A_81 = tpu.memref_squeeze %dma_wait3A_80 : memref<1x1x128xi32, #tpu.memory_space<hbm>> -> memref<1x128xi32, #tpu.memory_space<hbm>>
        tpu.wait_dma2 semaphore(%run_scoped3A_69 : memref<!tpu.dma_semaphore, #tpu.memory_space<semaphore_mem>>) src(%dma_wait3A_81 : memref<1x128xi32, #tpu.memory_space<hbm>>) dst(%arg9 : memref<1x128xi32, #tpu.memory_space<vmem>>)
        tpu.yield
      }) : () -> ()
      %dma_start3A = arith.constant 0 : i32
      %dma_start3A_42 = arith.constant 0 : i32
      %dma_start3A_43 = arith.constant 0 : i32
      %dma_start3A_44 = arith.constant 0 : i32
      %dma_start3A_45 = arith.constant 0 : i32
      %dma_start3A_46 = tpu.memref_slice %arg10[%dma_start3A_42, %dma_start3A_43, %dma_start3A_44, %dma_start3A_45] : memref<2x2x128x32xf32, #tpu.memory_space<vmem>> -> memref<1x1x128x32xf32, #tpu.memory_space<vmem>>
      %dma_start3A_47 = tpu.memref_squeeze %dma_start3A_46 : memref<1x1x128x32xf32, #tpu.memory_space<vmem>> -> memref<128x32xf32, #tpu.memory_space<vmem>>
      %dma_start3A_48 = arith.constant 0 : i32
      %dma_start3A_49 = tpu.memref_slice %arg8[%dma_start3A, %dma_start3A_48] : memref<1x128xi32, #tpu.memory_space<vmem>> -> memref<1x128xi32, #tpu.memory_space<vmem>>
      %dma_start3A_50 = tpu.memref_squeeze %dma_start3A_49 : memref<1x128xi32, #tpu.memory_space<vmem>> -> memref<128xi32, #tpu.memory_space<vmem>>
      %dma_start3A_51 = arith.constant 0 : i32
      %dma_start3A_52 = arith.constant 0 : i32
      %dma_start3A_53 = tpu.memref_slice %arg2[%dma_start3A_51, %dma_start3A_52] : memref<50176x32xf32, #tpu.memory_space<hbm>> -> memref<50176x32xf32, #tpu.memory_space<hbm>>
      tpu.enqueue_indirect_dma source(%dma_start3A_53 : memref<50176x32xf32, #tpu.memory_space<hbm>>) target(%dma_start3A_47 : memref<128x32xf32, #tpu.memory_space<vmem>>) offsets(%dma_start3A_50 : memref<128xi32, #tpu.memory_space<vmem>>) semaphore(%arg12 : memref<!tpu.dma_semaphore, #tpu.memory_space<semaphore_mem>>)
      %dma_wait3A = arith.constant 0 : i32
      %dma_wait3A_54 = arith.constant 0 : i32
      %dma_wait3A_55 = arith.constant 0 : i32
      %dma_wait3A_56 = arith.constant 0 : i32
      %dma_wait3A_57 = arith.constant 0 : i32
      %dma_wait3A_58 = tpu.memref_slice %arg10[%dma_wait3A_54, %dma_wait3A_55, %dma_wait3A_56, %dma_wait3A_57] : memref<2x2x128x32xf32, #tpu.memory_space<vmem>> -> memref<1x1x128x32xf32, #tpu.memory_space<vmem>>
      %dma_wait3A_59 = tpu.memref_squeeze %dma_wait3A_58 : memref<1x1x128x32xf32, #tpu.memory_space<vmem>> -> memref<128x32xf32, #tpu.memory_space<vmem>>
      %dma_wait3A_60 = arith.constant 0 : i32
      %dma_wait3A_61 = tpu.memref_slice %arg8[%dma_wait3A, %dma_wait3A_60] : memref<1x128xi32, #tpu.memory_space<vmem>> -> memref<1x128xi32, #tpu.memory_space<vmem>>
      %dma_wait3A_62 = tpu.memref_squeeze %dma_wait3A_61 : memref<1x128xi32, #tpu.memory_space<vmem>> -> memref<128xi32, #tpu.memory_space<vmem>>
      %dma_wait3A_63 = arith.constant 0 : i32
      %dma_wait3A_64 = arith.constant 0 : i32
      %dma_wait3A_65 = tpu.memref_slice %arg2[%dma_wait3A_63, %dma_wait3A_64] : memref<50176x32xf32, #tpu.memory_space<hbm>> -> memref<50176x32xf32, #tpu.memory_space<hbm>>
      tpu.wait_indirect_dma semaphore(%arg12 : memref<!tpu.dma_semaphore, #tpu.memory_space<semaphore_mem>>) src(%dma_wait3A_65 : memref<50176x32xf32, #tpu.memory_space<hbm>>) dst(%dma_wait3A_59 : memref<128x32xf32, #tpu.memory_space<vmem>>)
      %run_scoped3A_66 = arith.constant 0 : i32
      %run_scoped3A_67 = arith.constant 0 : i32
      %run_scoped3A_68 = arith.constant 0 : i32
      "tpu.region"() ({
        %run_scoped3A_69 = tpu.sem_alloc : memref<!tpu.dma_semaphore, #tpu.memory_space<semaphore_mem>>
        %dma_start3A_70 = arith.constant 0 : i32
        %dma_start3A_71 = arith.constant 0 : i32
        %dma_start3A_72 = tpu.memref_slice %arg10[%run_scoped3A_66, %run_scoped3A_67, %dma_start3A_70, %dma_start3A_71] : memref<2x2x128x32xf32, #tpu.memory_space<vmem>> -> memref<1x1x128x32xf32, #tpu.memory_space<vmem>>
        %dma_start3A_73 = tpu.memref_squeeze %dma_start3A_72 : memref<1x1x128x32xf32, #tpu.memory_space<vmem>> -> memref<128x32xf32, #tpu.memory_space<vmem>>
        %dma_start3A_74 = arith.constant 0 : i32
        %dma_start3A_75 = tpu.memref_slice %arg9[%run_scoped3A_68, %dma_start3A_74] : memref<1x128xi32, #tpu.memory_space<vmem>> -> memref<1x128xi32, #tpu.memory_space<vmem>>
        %dma_start3A_76 = tpu.memref_squeeze %dma_start3A_75 : memref<1x128xi32, #tpu.memory_space<vmem>> -> memref<128xi32, #tpu.memory_space<vmem>>
        %dma_start3A_77 = arith.constant 0 : i32
        %dma_start3A_78 = arith.constant 0 : i32
        %dma_start3A_79 = tpu.memref_slice %arg11[%dma_start3A_77, %dma_start3A_78] : memref<50176x32xf32, #tpu.memory_space<vmem_shared>> -> memref<50176x32xf32, #tpu.memory_space<vmem_shared>>
        tpu.enqueue_indirect_dma source(%dma_start3A_73 : memref<128x32xf32, #tpu.memory_space<vmem>>) target(%dma_start3A_79 : memref<50176x32xf32, #tpu.memory_space<vmem_shared>>) offsets(%dma_start3A_76 : memref<128xi32, #tpu.memory_space<vmem>>) semaphore(%run_scoped3A_69 : memref<!tpu.dma_semaphore, #tpu.memory_space<semaphore_mem>>) {add = true}
        %dma_wait3A_80 = arith.constant 0 : i32
        %dma_wait3A_81 = arith.constant 0 : i32
        %dma_wait3A_82 = tpu.memref_slice %arg10[%run_scoped3A_66, %run_scoped3A_67, %dma_wait3A_80, %dma_wait3A_81] : memref<2x2x128x32xf32, #tpu.memory_space<vmem>> -> memref<1x1x128x32xf32, #tpu.memory_space<vmem>>
        %dma_wait3A_83 = tpu.memref_squeeze %dma_wait3A_82 : memref<1x1x128x32xf32, #tpu.memory_space<vmem>> -> memref<128x32xf32, #tpu.memory_space<vmem>>
        %dma_wait3A_84 = arith.constant 0 : i32
        %dma_wait3A_85 = tpu.memref_slice %arg9[%run_scoped3A_68, %dma_wait3A_84] : memref<1x128xi32, #tpu.memory_space<vmem>> -> memref<1x128xi32, #tpu.memory_space<vmem>>
        %dma_wait3A_86 = tpu.memref_squeeze %dma_wait3A_85 : memref<1x128xi32, #tpu.memory_space<vmem>> -> memref<128xi32, #tpu.memory_space<vmem>>
        %dma_wait3A_87 = arith.constant 0 : i32
        %dma_wait3A_88 = arith.constant 0 : i32
        %dma_wait3A_89 = tpu.memref_slice %arg11[%dma_wait3A_87, %dma_wait3A_88] : memref<50176x32xf32, #tpu.memory_space<vmem_shared>> -> memref<50176x32xf32, #tpu.memory_space<vmem_shared>>
        tpu.wait_indirect_dma semaphore(%run_scoped3A_69 : memref<!tpu.dma_semaphore, #tpu.memory_space<semaphore_mem>>) src(%dma_wait3A_83 : memref<128x32xf32, #tpu.memory_space<vmem>>) dst(%dma_wait3A_89 : memref<50176x32xf32, #tpu.memory_space<vmem_shared>>)
        tpu.yield
      }) : () -> ()
    } else {
    }
    %gt3A_17 = arith.constant 1 : i32
    %gt3A_18 = arith.cmpi sgt, %add3A_14, %gt3A_17 : i32
    %convert_element_type3A_19 = arith.extui %gt3A_18 : i1 to i32
    %cond3A_20 = arith.constant 0 : i32
    %cond3A_21 = arith.cmpi ne, %convert_element_type3A_19, %cond3A_20 : i32
    scf.if %cond3A_21 {
      %add3A_33 = arith.constant 192 : i32
      %add3A_34 = arith.addi %add3A_4, %add3A_33 : i32
      %add3A_35 = arith.constant 1 : i32
      %add3A_36 = arith.addi %add3A_34, %add3A_35 : i32
      %run_scoped3A = arith.constant 0 : i32
      "tpu.region"() ({
        %run_scoped3A_69 = tpu.sem_alloc : memref<!tpu.dma_semaphore, #tpu.memory_space<semaphore_mem>>
        %dma_start3A_70 = arith.constant 0 : i32
        %dma_start3A_71 = tpu.memref_slice %arg3[%run_scoped3A, %add3A_36, %dma_start3A_70] : memref<2x6250x128xi32, #tpu.memory_space<hbm>> -> memref<1x1x128xi32, #tpu.memory_space<hbm>>
        %dma_start3A_72 = tpu.memref_squeeze %dma_start3A_71 : memref<1x1x128xi32, #tpu.memory_space<hbm>> -> memref<1x128xi32, #tpu.memory_space<hbm>>
        %dma_start3A_73 = arith.constant 0 : i32
        %dma_start3A_74 = tpu.memref_slice %arg3[%run_scoped3A, %add3A_36, %dma_start3A_73] : memref<2x6250x128xi32, #tpu.memory_space<hbm>> -> memref<1x1x128xi32, #tpu.memory_space<hbm>>
        %dma_start3A_75 = tpu.memref_squeeze %dma_start3A_74 : memref<1x1x128xi32, #tpu.memory_space<hbm>> -> memref<1x128xi32, #tpu.memory_space<hbm>>
        tpu.enqueue_dma source(%dma_start3A_75 : memref<1x128xi32, #tpu.memory_space<hbm>>) target(%arg8 : memref<1x128xi32, #tpu.memory_space<vmem>>) target_semaphore(%run_scoped3A_69 : memref<!tpu.dma_semaphore, #tpu.memory_space<semaphore_mem>>)
        %dma_wait3A_76 = arith.constant 0 : i32
        %dma_wait3A_77 = tpu.memref_slice %arg3[%run_scoped3A, %add3A_36, %dma_wait3A_76] : memref<2x6250x128xi32, #tpu.memory_space<hbm>> -> memref<1x1x128xi32, #tpu.memory_space<hbm>>
        %dma_wait3A_78 = tpu.memref_squeeze %dma_wait3A_77 : memref<1x1x128xi32, #tpu.memory_space<hbm>> -> memref<1x128xi32, #tpu.memory_space<hbm>>
        %dma_wait3A_79 = arith.constant 0 : i32
        %dma_wait3A_80 = tpu.memref_slice %arg3[%run_scoped3A, %add3A_36, %dma_wait3A_79] : memref<2x6250x128xi32, #tpu.memory_space<hbm>> -> memref<1x1x128xi32, #tpu.memory_space<hbm>>
        %dma_wait3A_81 = tpu.memref_squeeze %dma_wait3A_80 : memref<1x1x128xi32, #tpu.memory_space<hbm>> -> memref<1x128xi32, #tpu.memory_space<hbm>>
        tpu.wait_dma2 semaphore(%run_scoped3A_69 : memref<!tpu.dma_semaphore, #tpu.memory_space<semaphore_mem>>) src(%dma_wait3A_81 : memref<1x128xi32, #tpu.memory_space<hbm>>) dst(%arg8 : memref<1x128xi32, #tpu.memory_space<vmem>>)
        tpu.yield
      }) : () -> ()
      %add3A_37 = arith.constant 192 : i32
      %add3A_38 = arith.addi %add3A_4, %add3A_37 : i32
      %add3A_39 = arith.constant 1 : i32
      %add3A_40 = arith.addi %add3A_38, %add3A_39 : i32
      %run_scoped3A_41 = arith.constant 1 : i32
      "tpu.region"() ({
        %run_scoped3A_69 = tpu.sem_alloc : memref<!tpu.dma_semaphore, #tpu.memory_space<semaphore_mem>>
        %dma_start3A_70 = arith.constant 0 : i32
        %dma_start3A_71 = tpu.memref_slice %arg3[%run_scoped3A_41, %add3A_40, %dma_start3A_70] : memref<2x6250x128xi32, #tpu.memory_space<hbm>> -> memref<1x1x128xi32, #tpu.memory_space<hbm>>
        %dma_start3A_72 = tpu.memref_squeeze %dma_start3A_71 : memref<1x1x128xi32, #tpu.memory_space<hbm>> -> memref<1x128xi32, #tpu.memory_space<hbm>>
        %dma_start3A_73 = arith.constant 0 : i32
        %dma_start3A_74 = tpu.memref_slice %arg3[%run_scoped3A_41, %add3A_40, %dma_start3A_73] : memref<2x6250x128xi32, #tpu.memory_space<hbm>> -> memref<1x1x128xi32, #tpu.memory_space<hbm>>
        %dma_start3A_75 = tpu.memref_squeeze %dma_start3A_74 : memref<1x1x128xi32, #tpu.memory_space<hbm>> -> memref<1x128xi32, #tpu.memory_space<hbm>>
        tpu.enqueue_dma source(%dma_start3A_75 : memref<1x128xi32, #tpu.memory_space<hbm>>) target(%arg9 : memref<1x128xi32, #tpu.memory_space<vmem>>) target_semaphore(%run_scoped3A_69 : memref<!tpu.dma_semaphore, #tpu.memory_space<semaphore_mem>>)
        %dma_wait3A_76 = arith.constant 0 : i32
        %dma_wait3A_77 = tpu.memref_slice %arg3[%run_scoped3A_41, %add3A_40, %dma_wait3A_76] : memref<2x6250x128xi32, #tpu.memory_space<hbm>> -> memref<1x1x128xi32, #tpu.memory_space<hbm>>
        %dma_wait3A_78 = tpu.memref_squeeze %dma_wait3A_77 : memref<1x1x128xi32, #tpu.memory_space<hbm>> -> memref<1x128xi32, #tpu.memory_space<hbm>>
        %dma_wait3A_79 = arith.constant 0 : i32
        %dma_wait3A_80 = tpu.memref_slice %arg3[%run_scoped3A_41, %add3A_40, %dma_wait3A_79] : memref<2x6250x128xi32, #tpu.memory_space<hbm>> -> memref<1x1x128xi32, #tpu.memory_space<hbm>>
        %dma_wait3A_81 = tpu.memref_squeeze %dma_wait3A_80 : memref<1x1x128xi32, #tpu.memory_space<hbm>> -> memref<1x128xi32, #tpu.memory_space<hbm>>
        tpu.wait_dma2 semaphore(%run_scoped3A_69 : memref<!tpu.dma_semaphore, #tpu.memory_space<semaphore_mem>>) src(%dma_wait3A_81 : memref<1x128xi32, #tpu.memory_space<hbm>>) dst(%arg9 : memref<1x128xi32, #tpu.memory_space<vmem>>)
        tpu.yield
      }) : () -> ()
      %dma_start3A = arith.constant 0 : i32
      %dma_start3A_42 = arith.constant 0 : i32
      %dma_start3A_43 = arith.constant 0 : i32
      %dma_start3A_44 = arith.constant 0 : i32
      %dma_start3A_45 = arith.constant 0 : i32
      %dma_start3A_46 = tpu.memref_slice %arg10[%dma_start3A_42, %dma_start3A_43, %dma_start3A_44, %dma_start3A_45] : memref<2x2x128x32xf32, #tpu.memory_space<vmem>> -> memref<1x1x128x32xf32, #tpu.memory_space<vmem>>
      %dma_start3A_47 = tpu.memref_squeeze %dma_start3A_46 : memref<1x1x128x32xf32, #tpu.memory_space<vmem>> -> memref<128x32xf32, #tpu.memory_space<vmem>>
      %dma_start3A_48 = arith.constant 0 : i32
      %dma_start3A_49 = tpu.memref_slice %arg8[%dma_start3A, %dma_start3A_48] : memref<1x128xi32, #tpu.memory_space<vmem>> -> memref<1x128xi32, #tpu.memory_space<vmem>>
      %dma_start3A_50 = tpu.memref_squeeze %dma_start3A_49 : memref<1x128xi32, #tpu.memory_space<vmem>> -> memref<128xi32, #tpu.memory_space<vmem>>
      %dma_start3A_51 = arith.constant 0 : i32
      %dma_start3A_52 = arith.constant 0 : i32
      %dma_start3A_53 = tpu.memref_slice %arg2[%dma_start3A_51, %dma_start3A_52] : memref<50176x32xf32, #tpu.memory_space<hbm>> -> memref<50176x32xf32, #tpu.memory_space<hbm>>
      tpu.enqueue_indirect_dma source(%dma_start3A_53 : memref<50176x32xf32, #tpu.memory_space<hbm>>) target(%dma_start3A_47 : memref<128x32xf32, #tpu.memory_space<vmem>>) offsets(%dma_start3A_50 : memref<128xi32, #tpu.memory_space<vmem>>) semaphore(%arg12 : memref<!tpu.dma_semaphore, #tpu.memory_space<semaphore_mem>>)
      %dma_wait3A = arith.constant 0 : i32
      %dma_wait3A_54 = arith.constant 0 : i32
      %dma_wait3A_55 = arith.constant 0 : i32
      %dma_wait3A_56 = arith.constant 0 : i32
      %dma_wait3A_57 = arith.constant 0 : i32
      %dma_wait3A_58 = tpu.memref_slice %arg10[%dma_wait3A_54, %dma_wait3A_55, %dma_wait3A_56, %dma_wait3A_57] : memref<2x2x128x32xf32, #tpu.memory_space<vmem>> -> memref<1x1x128x32xf32, #tpu.memory_space<vmem>>
      %dma_wait3A_59 = tpu.memref_squeeze %dma_wait3A_58 : memref<1x1x128x32xf32, #tpu.memory_space<vmem>> -> memref<128x32xf32, #tpu.memory_space<vmem>>
      %dma_wait3A_60 = arith.constant 0 : i32
      %dma_wait3A_61 = tpu.memref_slice %arg8[%dma_wait3A, %dma_wait3A_60] : memref<1x128xi32, #tpu.memory_space<vmem>> -> memref<1x128xi32, #tpu.memory_space<vmem>>
      %dma_wait3A_62 = tpu.memref_squeeze %dma_wait3A_61 : memref<1x128xi32, #tpu.memory_space<vmem>> -> memref<128xi32, #tpu.memory_space<vmem>>
      %dma_wait3A_63 = arith.constant 0 : i32
      %dma_wait3A_64 = arith.constant 0 : i32
      %dma_wait3A_65 = tpu.memref_slice %arg2[%dma_wait3A_63, %dma_wait3A_64] : memref<50176x32xf32, #tpu.memory_space<hbm>> -> memref<50176x32xf32, #tpu.memory_space<hbm>>
      tpu.wait_indirect_dma semaphore(%arg12 : memref<!tpu.dma_semaphore, #tpu.memory_space<semaphore_mem>>) src(%dma_wait3A_65 : memref<50176x32xf32, #tpu.memory_space<hbm>>) dst(%dma_wait3A_59 : memref<128x32xf32, #tpu.memory_space<vmem>>)
      %run_scoped3A_66 = arith.constant 0 : i32
      %run_scoped3A_67 = arith.constant 0 : i32
      %run_scoped3A_68 = arith.constant 0 : i32
      "tpu.region"() ({
        %run_scoped3A_69 = tpu.sem_alloc : memref<!tpu.dma_semaphore, #tpu.memory_space<semaphore_mem>>
        %dma_start3A_70 = arith.constant 0 : i32
        %dma_start3A_71 = arith.constant 0 : i32
        %dma_start3A_72 = tpu.memref_slice %arg10[%run_scoped3A_66, %run_scoped3A_67, %dma_start3A_70, %dma_start3A_71] : memref<2x2x128x32xf32, #tpu.memory_space<vmem>> -> memref<1x1x128x32xf32, #tpu.memory_space<vmem>>
        %dma_start3A_73 = tpu.memref_squeeze %dma_start3A_72 : memref<1x1x128x32xf32, #tpu.memory_space<vmem>> -> memref<128x32xf32, #tpu.memory_space<vmem>>
        %dma_start3A_74 = arith.constant 0 : i32
        %dma_start3A_75 = tpu.memref_slice %arg9[%run_scoped3A_68, %dma_start3A_74] : memref<1x128xi32, #tpu.memory_space<vmem>> -> memref<1x128xi32, #tpu.memory_space<vmem>>
        %dma_start3A_76 = tpu.memref_squeeze %dma_start3A_75 : memref<1x128xi32, #tpu.memory_space<vmem>> -> memref<128xi32, #tpu.memory_space<vmem>>
        %dma_start3A_77 = arith.constant 0 : i32
        %dma_start3A_78 = arith.constant 0 : i32
        %dma_start3A_79 = tpu.memref_slice %arg11[%dma_start3A_77, %dma_start3A_78] : memref<50176x32xf32, #tpu.memory_space<vmem_shared>> -> memref<50176x32xf32, #tpu.memory_space<vmem_shared>>
        tpu.enqueue_indirect_dma source(%dma_start3A_73 : memref<128x32xf32, #tpu.memory_space<vmem>>) target(%dma_start3A_79 : memref<50176x32xf32, #tpu.memory_space<vmem_shared>>) offsets(%dma_start3A_76 : memref<128xi32, #tpu.memory_space<vmem>>) semaphore(%run_scoped3A_69 : memref<!tpu.dma_semaphore, #tpu.memory_space<semaphore_mem>>) {add = true}
        %dma_wait3A_80 = arith.constant 0 : i32
        %dma_wait3A_81 = arith.constant 0 : i32
        %dma_wait3A_82 = tpu.memref_slice %arg10[%run_scoped3A_66, %run_scoped3A_67, %dma_wait3A_80, %dma_wait3A_81] : memref<2x2x128x32xf32, #tpu.memory_space<vmem>> -> memref<1x1x128x32xf32, #tpu.memory_space<vmem>>
        %dma_wait3A_83 = tpu.memref_squeeze %dma_wait3A_82 : memref<1x1x128x32xf32, #tpu.memory_space<vmem>> -> memref<128x32xf32, #tpu.memory_space<vmem>>
        %dma_wait3A_84 = arith.constant 0 : i32
        %dma_wait3A_85 = tpu.memref_slice %arg9[%run_scoped3A_68, %dma_wait3A_84] : memref<1x128xi32, #tpu.memory_space<vmem>> -> memref<1x128xi32, #tpu.memory_space<vmem>>
        %dma_wait3A_86 = tpu.memref_squeeze %dma_wait3A_85 : memref<1x128xi32, #tpu.memory_space<vmem>> -> memref<128xi32, #tpu.memory_space<vmem>>
        %dma_wait3A_87 = arith.constant 0 : i32
        %dma_wait3A_88 = arith.constant 0 : i32
        %dma_wait3A_89 = tpu.memref_slice %arg11[%dma_wait3A_87, %dma_wait3A_88] : memref<50176x32xf32, #tpu.memory_space<vmem_shared>> -> memref<50176x32xf32, #tpu.memory_space<vmem_shared>>
        tpu.wait_indirect_dma semaphore(%run_scoped3A_69 : memref<!tpu.dma_semaphore, #tpu.memory_space<semaphore_mem>>) src(%dma_wait3A_83 : memref<128x32xf32, #tpu.memory_space<vmem>>) dst(%dma_wait3A_89 : memref<50176x32xf32, #tpu.memory_space<vmem_shared>>)
        tpu.yield
      }) : () -> ()
    } else {
    }
    %gt3A_22 = arith.constant 2 : i32
    %gt3A_23 = arith.cmpi sgt, %add3A_14, %gt3A_22 : i32
    %convert_element_type3A_24 = arith.extui %gt3A_23 : i1 to i32
    %cond3A_25 = arith.constant 0 : i32
    %cond3A_26 = arith.cmpi ne, %convert_element_type3A_24, %cond3A_25 : i32
    scf.if %cond3A_26 {
      %add3A_33 = arith.constant 192 : i32
      %add3A_34 = arith.addi %add3A_4, %add3A_33 : i32
      %add3A_35 = arith.constant 2 : i32
      %add3A_36 = arith.addi %add3A_34, %add3A_35 : i32
      %run_scoped3A = arith.constant 0 : i32
      "tpu.region"() ({
        %run_scoped3A_69 = tpu.sem_alloc : memref<!tpu.dma_semaphore, #tpu.memory_space<semaphore_mem>>
        %dma_start3A_70 = arith.constant 0 : i32
        %dma_start3A_71 = tpu.memref_slice %arg3[%run_scoped3A, %add3A_36, %dma_start3A_70] : memref<2x6250x128xi32, #tpu.memory_space<hbm>> -> memref<1x1x128xi32, #tpu.memory_space<hbm>>
        %dma_start3A_72 = tpu.memref_squeeze %dma_start3A_71 : memref<1x1x128xi32, #tpu.memory_space<hbm>> -> memref<1x128xi32, #tpu.memory_space<hbm>>
        %dma_start3A_73 = arith.constant 0 : i32
        %dma_start3A_74 = tpu.memref_slice %arg3[%run_scoped3A, %add3A_36, %dma_start3A_73] : memref<2x6250x128xi32, #tpu.memory_space<hbm>> -> memref<1x1x128xi32, #tpu.memory_space<hbm>>
        %dma_start3A_75 = tpu.memref_squeeze %dma_start3A_74 : memref<1x1x128xi32, #tpu.memory_space<hbm>> -> memref<1x128xi32, #tpu.memory_space<hbm>>
        tpu.enqueue_dma source(%dma_start3A_75 : memref<1x128xi32, #tpu.memory_space<hbm>>) target(%arg8 : memref<1x128xi32, #tpu.memory_space<vmem>>) target_semaphore(%run_scoped3A_69 : memref<!tpu.dma_semaphore, #tpu.memory_space<semaphore_mem>>)
        %dma_wait3A_76 = arith.constant 0 : i32
        %dma_wait3A_77 = tpu.memref_slice %arg3[%run_scoped3A, %add3A_36, %dma_wait3A_76] : memref<2x6250x128xi32, #tpu.memory_space<hbm>> -> memref<1x1x128xi32, #tpu.memory_space<hbm>>
        %dma_wait3A_78 = tpu.memref_squeeze %dma_wait3A_77 : memref<1x1x128xi32, #tpu.memory_space<hbm>> -> memref<1x128xi32, #tpu.memory_space<hbm>>
        %dma_wait3A_79 = arith.constant 0 : i32
        %dma_wait3A_80 = tpu.memref_slice %arg3[%run_scoped3A, %add3A_36, %dma_wait3A_79] : memref<2x6250x128xi32, #tpu.memory_space<hbm>> -> memref<1x1x128xi32, #tpu.memory_space<hbm>>
        %dma_wait3A_81 = tpu.memref_squeeze %dma_wait3A_80 : memref<1x1x128xi32, #tpu.memory_space<hbm>> -> memref<1x128xi32, #tpu.memory_space<hbm>>
        tpu.wait_dma2 semaphore(%run_scoped3A_69 : memref<!tpu.dma_semaphore, #tpu.memory_space<semaphore_mem>>) src(%dma_wait3A_81 : memref<1x128xi32, #tpu.memory_space<hbm>>) dst(%arg8 : memref<1x128xi32, #tpu.memory_space<vmem>>)
        tpu.yield
      }) : () -> ()
      %add3A_37 = arith.constant 192 : i32
      %add3A_38 = arith.addi %add3A_4, %add3A_37 : i32
      %add3A_39 = arith.constant 2 : i32
      %add3A_40 = arith.addi %add3A_38, %add3A_39 : i32
      %run_scoped3A_41 = arith.constant 1 : i32
      "tpu.region"() ({
        %run_scoped3A_69 = tpu.sem_alloc : memref<!tpu.dma_semaphore, #tpu.memory_space<semaphore_mem>>
        %dma_start3A_70 = arith.constant 0 : i32
        %dma_start3A_71 = tpu.memref_slice %arg3[%run_scoped3A_41, %add3A_40, %dma_start3A_70] : memref<2x6250x128xi32, #tpu.memory_space<hbm>> -> memref<1x1x128xi32, #tpu.memory_space<hbm>>
        %dma_start3A_72 = tpu.memref_squeeze %dma_start3A_71 : memref<1x1x128xi32, #tpu.memory_space<hbm>> -> memref<1x128xi32, #tpu.memory_space<hbm>>
        %dma_start3A_73 = arith.constant 0 : i32
        %dma_start3A_74 = tpu.memref_slice %arg3[%run_scoped3A_41, %add3A_40, %dma_start3A_73] : memref<2x6250x128xi32, #tpu.memory_space<hbm>> -> memref<1x1x128xi32, #tpu.memory_space<hbm>>
        %dma_start3A_75 = tpu.memref_squeeze %dma_start3A_74 : memref<1x1x128xi32, #tpu.memory_space<hbm>> -> memref<1x128xi32, #tpu.memory_space<hbm>>
        tpu.enqueue_dma source(%dma_start3A_75 : memref<1x128xi32, #tpu.memory_space<hbm>>) target(%arg9 : memref<1x128xi32, #tpu.memory_space<vmem>>) target_semaphore(%run_scoped3A_69 : memref<!tpu.dma_semaphore, #tpu.memory_space<semaphore_mem>>)
        %dma_wait3A_76 = arith.constant 0 : i32
        %dma_wait3A_77 = tpu.memref_slice %arg3[%run_scoped3A_41, %add3A_40, %dma_wait3A_76] : memref<2x6250x128xi32, #tpu.memory_space<hbm>> -> memref<1x1x128xi32, #tpu.memory_space<hbm>>
        %dma_wait3A_78 = tpu.memref_squeeze %dma_wait3A_77 : memref<1x1x128xi32, #tpu.memory_space<hbm>> -> memref<1x128xi32, #tpu.memory_space<hbm>>
        %dma_wait3A_79 = arith.constant 0 : i32
        %dma_wait3A_80 = tpu.memref_slice %arg3[%run_scoped3A_41, %add3A_40, %dma_wait3A_79] : memref<2x6250x128xi32, #tpu.memory_space<hbm>> -> memref<1x1x128xi32, #tpu.memory_space<hbm>>
        %dma_wait3A_81 = tpu.memref_squeeze %dma_wait3A_80 : memref<1x1x128xi32, #tpu.memory_space<hbm>> -> memref<1x128xi32, #tpu.memory_space<hbm>>
        tpu.wait_dma2 semaphore(%run_scoped3A_69 : memref<!tpu.dma_semaphore, #tpu.memory_space<semaphore_mem>>) src(%dma_wait3A_81 : memref<1x128xi32, #tpu.memory_space<hbm>>) dst(%arg9 : memref<1x128xi32, #tpu.memory_space<vmem>>)
        tpu.yield
      }) : () -> ()
      %dma_start3A = arith.constant 0 : i32
      %dma_start3A_42 = arith.constant 0 : i32
      %dma_start3A_43 = arith.constant 0 : i32
      %dma_start3A_44 = arith.constant 0 : i32
      %dma_start3A_45 = arith.constant 0 : i32
      %dma_start3A_46 = tpu.memref_slice %arg10[%dma_start3A_42, %dma_start3A_43, %dma_start3A_44, %dma_start3A_45] : memref<2x2x128x32xf32, #tpu.memory_space<vmem>> -> memref<1x1x128x32xf32, #tpu.memory_space<vmem>>
      %dma_start3A_47 = tpu.memref_squeeze %dma_start3A_46 : memref<1x1x128x32xf32, #tpu.memory_space<vmem>> -> memref<128x32xf32, #tpu.memory_space<vmem>>
      %dma_start3A_48 = arith.constant 0 : i32
      %dma_start3A_49 = tpu.memref_slice %arg8[%dma_start3A, %dma_start3A_48] : memref<1x128xi32, #tpu.memory_space<vmem>> -> memref<1x128xi32, #tpu.memory_space<vmem>>
      %dma_start3A_50 = tpu.memref_squeeze %dma_start3A_49 : memref<1x128xi32, #tpu.memory_space<vmem>> -> memref<128xi32, #tpu.memory_space<vmem>>
      %dma_start3A_51 = arith.constant 0 : i32
      %dma_start3A_52 = arith.constant 0 : i32
      %dma_start3A_53 = tpu.memref_slice %arg2[%dma_start3A_51, %dma_start3A_52] : memref<50176x32xf32, #tpu.memory_space<hbm>> -> memref<50176x32xf32, #tpu.memory_space<hbm>>
      tpu.enqueue_indirect_dma source(%dma_start3A_53 : memref<50176x32xf32, #tpu.memory_space<hbm>>) target(%dma_start3A_47 : memref<128x32xf32, #tpu.memory_space<vmem>>) offsets(%dma_start3A_50 : memref<128xi32, #tpu.memory_space<vmem>>) semaphore(%arg12 : memref<!tpu.dma_semaphore, #tpu.memory_space<semaphore_mem>>)
      %dma_wait3A = arith.constant 0 : i32
      %dma_wait3A_54 = arith.constant 0 : i32
      %dma_wait3A_55 = arith.constant 0 : i32
      %dma_wait3A_56 = arith.constant 0 : i32
      %dma_wait3A_57 = arith.constant 0 : i32
      %dma_wait3A_58 = tpu.memref_slice %arg10[%dma_wait3A_54, %dma_wait3A_55, %dma_wait3A_56, %dma_wait3A_57] : memref<2x2x128x32xf32, #tpu.memory_space<vmem>> -> memref<1x1x128x32xf32, #tpu.memory_space<vmem>>
      %dma_wait3A_59 = tpu.memref_squeeze %dma_wait3A_58 : memref<1x1x128x32xf32, #tpu.memory_space<vmem>> -> memref<128x32xf32, #tpu.memory_space<vmem>>
      %dma_wait3A_60 = arith.constant 0 : i32
      %dma_wait3A_61 = tpu.memref_slice %arg8[%dma_wait3A, %dma_wait3A_60] : memref<1x128xi32, #tpu.memory_space<vmem>> -> memref<1x128xi32, #tpu.memory_space<vmem>>
      %dma_wait3A_62 = tpu.memref_squeeze %dma_wait3A_61 : memref<1x128xi32, #tpu.memory_space<vmem>> -> memref<128xi32, #tpu.memory_space<vmem>>
      %dma_wait3A_63 = arith.constant 0 : i32
      %dma_wait3A_64 = arith.constant 0 : i32
      %dma_wait3A_65 = tpu.memref_slice %arg2[%dma_wait3A_63, %dma_wait3A_64] : memref<50176x32xf32, #tpu.memory_space<hbm>> -> memref<50176x32xf32, #tpu.memory_space<hbm>>
      tpu.wait_indirect_dma semaphore(%arg12 : memref<!tpu.dma_semaphore, #tpu.memory_space<semaphore_mem>>) src(%dma_wait3A_65 : memref<50176x32xf32, #tpu.memory_space<hbm>>) dst(%dma_wait3A_59 : memref<128x32xf32, #tpu.memory_space<vmem>>)
      %run_scoped3A_66 = arith.constant 0 : i32
      %run_scoped3A_67 = arith.constant 0 : i32
      %run_scoped3A_68 = arith.constant 0 : i32
      "tpu.region"() ({
        %run_scoped3A_69 = tpu.sem_alloc : memref<!tpu.dma_semaphore, #tpu.memory_space<semaphore_mem>>
        %dma_start3A_70 = arith.constant 0 : i32
        %dma_start3A_71 = arith.constant 0 : i32
        %dma_start3A_72 = tpu.memref_slice %arg10[%run_scoped3A_66, %run_scoped3A_67, %dma_start3A_70, %dma_start3A_71] : memref<2x2x128x32xf32, #tpu.memory_space<vmem>> -> memref<1x1x128x32xf32, #tpu.memory_space<vmem>>
        %dma_start3A_73 = tpu.memref_squeeze %dma_start3A_72 : memref<1x1x128x32xf32, #tpu.memory_space<vmem>> -> memref<128x32xf32, #tpu.memory_space<vmem>>
        %dma_start3A_74 = arith.constant 0 : i32
        %dma_start3A_75 = tpu.memref_slice %arg9[%run_scoped3A_68, %dma_start3A_74] : memref<1x128xi32, #tpu.memory_space<vmem>> -> memref<1x128xi32, #tpu.memory_space<vmem>>
        %dma_start3A_76 = tpu.memref_squeeze %dma_start3A_75 : memref<1x128xi32, #tpu.memory_space<vmem>> -> memref<128xi32, #tpu.memory_space<vmem>>
        %dma_start3A_77 = arith.constant 0 : i32
        %dma_start3A_78 = arith.constant 0 : i32
        %dma_start3A_79 = tpu.memref_slice %arg11[%dma_start3A_77, %dma_start3A_78] : memref<50176x32xf32, #tpu.memory_space<vmem_shared>> -> memref<50176x32xf32, #tpu.memory_space<vmem_shared>>
        tpu.enqueue_indirect_dma source(%dma_start3A_73 : memref<128x32xf32, #tpu.memory_space<vmem>>) target(%dma_start3A_79 : memref<50176x32xf32, #tpu.memory_space<vmem_shared>>) offsets(%dma_start3A_76 : memref<128xi32, #tpu.memory_space<vmem>>) semaphore(%run_scoped3A_69 : memref<!tpu.dma_semaphore, #tpu.memory_space<semaphore_mem>>) {add = true}
        %dma_wait3A_80 = arith.constant 0 : i32
        %dma_wait3A_81 = arith.constant 0 : i32
        %dma_wait3A_82 = tpu.memref_slice %arg10[%run_scoped3A_66, %run_scoped3A_67, %dma_wait3A_80, %dma_wait3A_81] : memref<2x2x128x32xf32, #tpu.memory_space<vmem>> -> memref<1x1x128x32xf32, #tpu.memory_space<vmem>>
        %dma_wait3A_83 = tpu.memref_squeeze %dma_wait3A_82 : memref<1x1x128x32xf32, #tpu.memory_space<vmem>> -> memref<128x32xf32, #tpu.memory_space<vmem>>
        %dma_wait3A_84 = arith.constant 0 : i32
        %dma_wait3A_85 = tpu.memref_slice %arg9[%run_scoped3A_68, %dma_wait3A_84] : memref<1x128xi32, #tpu.memory_space<vmem>> -> memref<1x128xi32, #tpu.memory_space<vmem>>
        %dma_wait3A_86 = tpu.memref_squeeze %dma_wait3A_85 : memref<1x128xi32, #tpu.memory_space<vmem>> -> memref<128xi32, #tpu.memory_space<vmem>>
        %dma_wait3A_87 = arith.constant 0 : i32
        %dma_wait3A_88 = arith.constant 0 : i32
        %dma_wait3A_89 = tpu.memref_slice %arg11[%dma_wait3A_87, %dma_wait3A_88] : memref<50176x32xf32, #tpu.memory_space<vmem_shared>> -> memref<50176x32xf32, #tpu.memory_space<vmem_shared>>
        tpu.wait_indirect_dma semaphore(%run_scoped3A_69 : memref<!tpu.dma_semaphore, #tpu.memory_space<semaphore_mem>>) src(%dma_wait3A_83 : memref<128x32xf32, #tpu.memory_space<vmem>>) dst(%dma_wait3A_89 : memref<50176x32xf32, #tpu.memory_space<vmem_shared>>)
        tpu.yield
      }) : () -> ()
    } else {
    }
    %gt3A_27 = arith.constant 3 : i32
    %gt3A_28 = arith.cmpi sgt, %add3A_14, %gt3A_27 : i32
    %convert_element_type3A_29 = arith.extui %gt3A_28 : i1 to i32
    %cond3A_30 = arith.constant 0 : i32
    %cond3A_31 = arith.cmpi ne, %convert_element_type3A_29, %cond3A_30 : i32
    scf.if %cond3A_31 {
      %add3A_33 = arith.constant 192 : i32
      %add3A_34 = arith.addi %add3A_4, %add3A_33 : i32
      %add3A_35 = arith.constant 3 : i32
      %add3A_36 = arith.addi %add3A_34, %add3A_35 : i32
      %run_scoped3A = arith.constant 0 : i32
      "tpu.region"() ({
        %run_scoped3A_69 = tpu.sem_alloc : memref<!tpu.dma_semaphore, #tpu.memory_space<semaphore_mem>>
        %dma_start3A_70 = arith.constant 0 : i32
        %dma_start3A_71 = tpu.memref_slice %arg3[%run_scoped3A, %add3A_36, %dma_start3A_70] : memref<2x6250x128xi32, #tpu.memory_space<hbm>> -> memref<1x1x128xi32, #tpu.memory_space<hbm>>
        %dma_start3A_72 = tpu.memref_squeeze %dma_start3A_71 : memref<1x1x128xi32, #tpu.memory_space<hbm>> -> memref<1x128xi32, #tpu.memory_space<hbm>>
        %dma_start3A_73 = arith.constant 0 : i32
        %dma_start3A_74 = tpu.memref_slice %arg3[%run_scoped3A, %add3A_36, %dma_start3A_73] : memref<2x6250x128xi32, #tpu.memory_space<hbm>> -> memref<1x1x128xi32, #tpu.memory_space<hbm>>
        %dma_start3A_75 = tpu.memref_squeeze %dma_start3A_74 : memref<1x1x128xi32, #tpu.memory_space<hbm>> -> memref<1x128xi32, #tpu.memory_space<hbm>>
        tpu.enqueue_dma source(%dma_start3A_75 : memref<1x128xi32, #tpu.memory_space<hbm>>) target(%arg8 : memref<1x128xi32, #tpu.memory_space<vmem>>) target_semaphore(%run_scoped3A_69 : memref<!tpu.dma_semaphore, #tpu.memory_space<semaphore_mem>>)
        %dma_wait3A_76 = arith.constant 0 : i32
        %dma_wait3A_77 = tpu.memref_slice %arg3[%run_scoped3A, %add3A_36, %dma_wait3A_76] : memref<2x6250x128xi32, #tpu.memory_space<hbm>> -> memref<1x1x128xi32, #tpu.memory_space<hbm>>
        %dma_wait3A_78 = tpu.memref_squeeze %dma_wait3A_77 : memref<1x1x128xi32, #tpu.memory_space<hbm>> -> memref<1x128xi32, #tpu.memory_space<hbm>>
        %dma_wait3A_79 = arith.constant 0 : i32
        %dma_wait3A_80 = tpu.memref_slice %arg3[%run_scoped3A, %add3A_36, %dma_wait3A_79] : memref<2x6250x128xi32, #tpu.memory_space<hbm>> -> memref<1x1x128xi32, #tpu.memory_space<hbm>>
        %dma_wait3A_81 = tpu.memref_squeeze %dma_wait3A_80 : memref<1x1x128xi32, #tpu.memory_space<hbm>> -> memref<1x128xi32, #tpu.memory_space<hbm>>
        tpu.wait_dma2 semaphore(%run_scoped3A_69 : memref<!tpu.dma_semaphore, #tpu.memory_space<semaphore_mem>>) src(%dma_wait3A_81 : memref<1x128xi32, #tpu.memory_space<hbm>>) dst(%arg8 : memref<1x128xi32, #tpu.memory_space<vmem>>)
        tpu.yield
      }) : () -> ()
      %add3A_37 = arith.constant 192 : i32
      %add3A_38 = arith.addi %add3A_4, %add3A_37 : i32
      %add3A_39 = arith.constant 3 : i32
      %add3A_40 = arith.addi %add3A_38, %add3A_39 : i32
      %run_scoped3A_41 = arith.constant 1 : i32
      "tpu.region"() ({
        %run_scoped3A_69 = tpu.sem_alloc : memref<!tpu.dma_semaphore, #tpu.memory_space<semaphore_mem>>
        %dma_start3A_70 = arith.constant 0 : i32
        %dma_start3A_71 = tpu.memref_slice %arg3[%run_scoped3A_41, %add3A_40, %dma_start3A_70] : memref<2x6250x128xi32, #tpu.memory_space<hbm>> -> memref<1x1x128xi32, #tpu.memory_space<hbm>>
        %dma_start3A_72 = tpu.memref_squeeze %dma_start3A_71 : memref<1x1x128xi32, #tpu.memory_space<hbm>> -> memref<1x128xi32, #tpu.memory_space<hbm>>
        %dma_start3A_73 = arith.constant 0 : i32
        %dma_start3A_74 = tpu.memref_slice %arg3[%run_scoped3A_41, %add3A_40, %dma_start3A_73] : memref<2x6250x128xi32, #tpu.memory_space<hbm>> -> memref<1x1x128xi32, #tpu.memory_space<hbm>>
        %dma_start3A_75 = tpu.memref_squeeze %dma_start3A_74 : memref<1x1x128xi32, #tpu.memory_space<hbm>> -> memref<1x128xi32, #tpu.memory_space<hbm>>
        tpu.enqueue_dma source(%dma_start3A_75 : memref<1x128xi32, #tpu.memory_space<hbm>>) target(%arg9 : memref<1x128xi32, #tpu.memory_space<vmem>>) target_semaphore(%run_scoped3A_69 : memref<!tpu.dma_semaphore, #tpu.memory_space<semaphore_mem>>)
        %dma_wait3A_76 = arith.constant 0 : i32
        %dma_wait3A_77 = tpu.memref_slice %arg3[%run_scoped3A_41, %add3A_40, %dma_wait3A_76] : memref<2x6250x128xi32, #tpu.memory_space<hbm>> -> memref<1x1x128xi32, #tpu.memory_space<hbm>>
        %dma_wait3A_78 = tpu.memref_squeeze %dma_wait3A_77 : memref<1x1x128xi32, #tpu.memory_space<hbm>> -> memref<1x128xi32, #tpu.memory_space<hbm>>
        %dma_wait3A_79 = arith.constant 0 : i32
        %dma_wait3A_80 = tpu.memref_slice %arg3[%run_scoped3A_41, %add3A_40, %dma_wait3A_79] : memref<2x6250x128xi32, #tpu.memory_space<hbm>> -> memref<1x1x128xi32, #tpu.memory_space<hbm>>
        %dma_wait3A_81 = tpu.memref_squeeze %dma_wait3A_80 : memref<1x1x128xi32, #tpu.memory_space<hbm>> -> memref<1x128xi32, #tpu.memory_space<hbm>>
        tpu.wait_dma2 semaphore(%run_scoped3A_69 : memref<!tpu.dma_semaphore, #tpu.memory_space<semaphore_mem>>) src(%dma_wait3A_81 : memref<1x128xi32, #tpu.memory_space<hbm>>) dst(%arg9 : memref<1x128xi32, #tpu.memory_space<vmem>>)
        tpu.yield
      }) : () -> ()
      %dma_start3A = arith.constant 0 : i32
      %dma_start3A_42 = arith.constant 0 : i32
      %dma_start3A_43 = arith.constant 0 : i32
      %dma_start3A_44 = arith.constant 0 : i32
      %dma_start3A_45 = arith.constant 0 : i32
      %dma_start3A_46 = tpu.memref_slice %arg10[%dma_start3A_42, %dma_start3A_43, %dma_start3A_44, %dma_start3A_45] : memref<2x2x128x32xf32, #tpu.memory_space<vmem>> -> memref<1x1x128x32xf32, #tpu.memory_space<vmem>>
      %dma_start3A_47 = tpu.memref_squeeze %dma_start3A_46 : memref<1x1x128x32xf32, #tpu.memory_space<vmem>> -> memref<128x32xf32, #tpu.memory_space<vmem>>
      %dma_start3A_48 = arith.constant 0 : i32
      %dma_start3A_49 = tpu.memref_slice %arg8[%dma_start3A, %dma_start3A_48] : memref<1x128xi32, #tpu.memory_space<vmem>> -> memref<1x128xi32, #tpu.memory_space<vmem>>
      %dma_start3A_50 = tpu.memref_squeeze %dma_start3A_49 : memref<1x128xi32, #tpu.memory_space<vmem>> -> memref<128xi32, #tpu.memory_space<vmem>>
      %dma_start3A_51 = arith.constant 0 : i32
      %dma_start3A_52 = arith.constant 0 : i32
      %dma_start3A_53 = tpu.memref_slice %arg2[%dma_start3A_51, %dma_start3A_52] : memref<50176x32xf32, #tpu.memory_space<hbm>> -> memref<50176x32xf32, #tpu.memory_space<hbm>>
      tpu.enqueue_indirect_dma source(%dma_start3A_53 : memref<50176x32xf32, #tpu.memory_space<hbm>>) target(%dma_start3A_47 : memref<128x32xf32, #tpu.memory_space<vmem>>) offsets(%dma_start3A_50 : memref<128xi32, #tpu.memory_space<vmem>>) semaphore(%arg12 : memref<!tpu.dma_semaphore, #tpu.memory_space<semaphore_mem>>)
      %dma_wait3A = arith.constant 0 : i32
      %dma_wait3A_54 = arith.constant 0 : i32
      %dma_wait3A_55 = arith.constant 0 : i32
      %dma_wait3A_56 = arith.constant 0 : i32
      %dma_wait3A_57 = arith.constant 0 : i32
      %dma_wait3A_58 = tpu.memref_slice %arg10[%dma_wait3A_54, %dma_wait3A_55, %dma_wait3A_56, %dma_wait3A_57] : memref<2x2x128x32xf32, #tpu.memory_space<vmem>> -> memref<1x1x128x32xf32, #tpu.memory_space<vmem>>
      %dma_wait3A_59 = tpu.memref_squeeze %dma_wait3A_58 : memref<1x1x128x32xf32, #tpu.memory_space<vmem>> -> memref<128x32xf32, #tpu.memory_space<vmem>>
      %dma_wait3A_60 = arith.constant 0 : i32
      %dma_wait3A_61 = tpu.memref_slice %arg8[%dma_wait3A, %dma_wait3A_60] : memref<1x128xi32, #tpu.memory_space<vmem>> -> memref<1x128xi32, #tpu.memory_space<vmem>>
      %dma_wait3A_62 = tpu.memref_squeeze %dma_wait3A_61 : memref<1x128xi32, #tpu.memory_space<vmem>> -> memref<128xi32, #tpu.memory_space<vmem>>
      %dma_wait3A_63 = arith.constant 0 : i32
      %dma_wait3A_64 = arith.constant 0 : i32
      %dma_wait3A_65 = tpu.memref_slice %arg2[%dma_wait3A_63, %dma_wait3A_64] : memref<50176x32xf32, #tpu.memory_space<hbm>> -> memref<50176x32xf32, #tpu.memory_space<hbm>>
      tpu.wait_indirect_dma semaphore(%arg12 : memref<!tpu.dma_semaphore, #tpu.memory_space<semaphore_mem>>) src(%dma_wait3A_65 : memref<50176x32xf32, #tpu.memory_space<hbm>>) dst(%dma_wait3A_59 : memref<128x32xf32, #tpu.memory_space<vmem>>)
      %run_scoped3A_66 = arith.constant 0 : i32
      %run_scoped3A_67 = arith.constant 0 : i32
      %run_scoped3A_68 = arith.constant 0 : i32
      "tpu.region"() ({
        %run_scoped3A_69 = tpu.sem_alloc : memref<!tpu.dma_semaphore, #tpu.memory_space<semaphore_mem>>
        %dma_start3A_70 = arith.constant 0 : i32
        %dma_start3A_71 = arith.constant 0 : i32
        %dma_start3A_72 = tpu.memref_slice %arg10[%run_scoped3A_66, %run_scoped3A_67, %dma_start3A_70, %dma_start3A_71] : memref<2x2x128x32xf32, #tpu.memory_space<vmem>> -> memref<1x1x128x32xf32, #tpu.memory_space<vmem>>
        %dma_start3A_73 = tpu.memref_squeeze %dma_start3A_72 : memref<1x1x128x32xf32, #tpu.memory_space<vmem>> -> memref<128x32xf32, #tpu.memory_space<vmem>>
        %dma_start3A_74 = arith.constant 0 : i32
        %dma_start3A_75 = tpu.memref_slice %arg9[%run_scoped3A_68, %dma_start3A_74] : memref<1x128xi32, #tpu.memory_space<vmem>> -> memref<1x128xi32, #tpu.memory_space<vmem>>
        %dma_start3A_76 = tpu.memref_squeeze %dma_start3A_75 : memref<1x128xi32, #tpu.memory_space<vmem>> -> memref<128xi32, #tpu.memory_space<vmem>>
        %dma_start3A_77 = arith.constant 0 : i32
        %dma_start3A_78 = arith.constant 0 : i32
        %dma_start3A_79 = tpu.memref_slice %arg11[%dma_start3A_77, %dma_start3A_78] : memref<50176x32xf32, #tpu.memory_space<vmem_shared>> -> memref<50176x32xf32, #tpu.memory_space<vmem_shared>>
        tpu.enqueue_indirect_dma source(%dma_start3A_73 : memref<128x32xf32, #tpu.memory_space<vmem>>) target(%dma_start3A_79 : memref<50176x32xf32, #tpu.memory_space<vmem_shared>>) offsets(%dma_start3A_76 : memref<128xi32, #tpu.memory_space<vmem>>) semaphore(%run_scoped3A_69 : memref<!tpu.dma_semaphore, #tpu.memory_space<semaphore_mem>>) {add = true}
        %dma_wait3A_80 = arith.constant 0 : i32
        %dma_wait3A_81 = arith.constant 0 : i32
        %dma_wait3A_82 = tpu.memref_slice %arg10[%run_scoped3A_66, %run_scoped3A_67, %dma_wait3A_80, %dma_wait3A_81] : memref<2x2x128x32xf32, #tpu.memory_space<vmem>> -> memref<1x1x128x32xf32, #tpu.memory_space<vmem>>
        %dma_wait3A_83 = tpu.memref_squeeze %dma_wait3A_82 : memref<1x1x128x32xf32, #tpu.memory_space<vmem>> -> memref<128x32xf32, #tpu.memory_space<vmem>>
        %dma_wait3A_84 = arith.constant 0 : i32
        %dma_wait3A_85 = tpu.memref_slice %arg9[%run_scoped3A_68, %dma_wait3A_84] : memref<1x128xi32, #tpu.memory_space<vmem>> -> memref<1x128xi32, #tpu.memory_space<vmem>>
        %dma_wait3A_86 = tpu.memref_squeeze %dma_wait3A_85 : memref<1x128xi32, #tpu.memory_space<vmem>> -> memref<128xi32, #tpu.memory_space<vmem>>
        %dma_wait3A_87 = arith.constant 0 : i32
        %dma_wait3A_88 = arith.constant 0 : i32
        %dma_wait3A_89 = tpu.memref_slice %arg11[%dma_wait3A_87, %dma_wait3A_88] : memref<50176x32xf32, #tpu.memory_space<vmem_shared>> -> memref<50176x32xf32, #tpu.memory_space<vmem_shared>>
        tpu.wait_indirect_dma semaphore(%run_scoped3A_69 : memref<!tpu.dma_semaphore, #tpu.memory_space<semaphore_mem>>) src(%dma_wait3A_83 : memref<128x32xf32, #tpu.memory_space<vmem>>) dst(%dma_wait3A_89 : memref<50176x32xf32, #tpu.memory_space<vmem_shared>>)
        tpu.yield
      }) : () -> ()
    } else {
    }
    %barrier3A_32 = arith.constant 0 : index
    tpu.barrier barrier_id(%barrier3A_32)
    "tpu.region"() ({
      %run_scoped3A = tpu.sem_alloc : memref<!tpu.dma_semaphore, #tpu.memory_space<semaphore_mem>>
      %dma_start3A = arith.constant 0 : i32
      %dma_start3A_33 = tpu.memref_slice %arg5[%arg0, %mul3A_6, %dma_start3A] : memref<2x50176x32xf32, #tpu.memory_space<hbm>> -> memref<1x3136x32xf32, #tpu.memory_space<hbm>>
      %dma_start3A_34 = tpu.memref_squeeze %dma_start3A_33 : memref<1x3136x32xf32, #tpu.memory_space<hbm>> -> memref<3136x32xf32, #tpu.memory_space<hbm>>
      %dma_start3A_35 = arith.constant 0 : i32
      %dma_start3A_36 = tpu.memref_slice %arg11[%mul3A_6, %dma_start3A_35] : memref<50176x32xf32, #tpu.memory_space<vmem_shared>> -> memref<3136x32xf32, #tpu.memory_space<vmem_shared>>
      tpu.enqueue_dma source(%dma_start3A_36 : memref<3136x32xf32, #tpu.memory_space<vmem_shared>>) target(%dma_start3A_34 : memref<3136x32xf32, #tpu.memory_space<hbm>>) target_semaphore(%run_scoped3A : memref<!tpu.dma_semaphore, #tpu.memory_space<semaphore_mem>>)
      %dma_wait3A = arith.constant 0 : i32
      %dma_wait3A_37 = tpu.memref_slice %arg5[%arg0, %mul3A_6, %dma_wait3A] : memref<2x50176x32xf32, #tpu.memory_space<hbm>> -> memref<1x3136x32xf32, #tpu.memory_space<hbm>>
      %dma_wait3A_38 = tpu.memref_squeeze %dma_wait3A_37 : memref<1x3136x32xf32, #tpu.memory_space<hbm>> -> memref<3136x32xf32, #tpu.memory_space<hbm>>
      %dma_wait3A_39 = arith.constant 0 : i32
      %dma_wait3A_40 = tpu.memref_slice %arg11[%mul3A_6, %dma_wait3A_39] : memref<50176x32xf32, #tpu.memory_space<vmem_shared>> -> memref<3136x32xf32, #tpu.memory_space<vmem_shared>>
      tpu.wait_dma2 semaphore(%run_scoped3A : memref<!tpu.dma_semaphore, #tpu.memory_space<semaphore_mem>>) src(%dma_wait3A_40 : memref<3136x32xf32, #tpu.memory_space<vmem_shared>>) dst(%dma_wait3A_38 : memref<3136x32xf32, #tpu.memory_space<hbm>>)
      tpu.yield
    }) : () -> ()
    return
  }
}

module attributes {stable_mosaic.version = 14 : i64} {
  func.func @_prep_body(%arg0: memref<3136x48xf32, #tpu.memory_space<vmem>>, %arg1: memref<1x3xf32, #tpu.memory_space<vmem>>, %arg2: memref<1x3xf32, #tpu.memory_space<vmem>>, %arg3: memref<3136x128xf32, #tpu.memory_space<vmem>>) attributes {dimension_semantics = [], scalar_prefetch = 0 : i64, scratch_operands = 0 : i64, tpu.core_type = #tpu.core_type<tc>} {
    %get3A = arith.constant 0 : index
    %get3A_0 = arith.constant 0 : index
    %get3A_1 = vector.load %arg0[%get3A, %get3A_0] : memref<3136x48xf32, #tpu.memory_space<vmem>>, vector<3136x48xf32>
    %iota3A = tpu.iota {dimensions = array<i32: 0>} : vector<48x128xi32>
    %iota3A_2 = tpu.iota {dimensions = array<i32: 1>} : vector<48x128xi32>
    %jit3A = arith.constant 3 : i32
    %div3A = vector.broadcast %jit3A : i32 to vector<48x128xi32>
    %div3A_3 = arith.divsi %iota3A, %div3A : vector<48x128xi32>
    %sign3A = arith.constant 0 : i32
    %sign3A_4 = vector.broadcast %sign3A : i32 to vector<48x128xi32>
    %sign3A_5 = arith.cmpi sgt, %iota3A, %sign3A_4 : vector<48x128xi32>
    %sign3A_6 = arith.extui %sign3A_5 : vector<48x128xi1> to vector<48x128xi32>
    %sign3A_7 = arith.constant 0 : i32
    %sign3A_8 = vector.broadcast %sign3A_7 : i32 to vector<48x128xi32>
    %sign3A_9 = arith.cmpi slt, %iota3A, %sign3A_8 : vector<48x128xi32>
    %sign3A_10 = arith.extui %sign3A_9 : vector<48x128xi1> to vector<48x128xi32>
    %sign3A_11 = arith.subi %sign3A_6, %sign3A_10 : vector<48x128xi32>
    %sign3A_12 = arith.constant 0 : i32
    %sign3A_13 = arith.cmpi sgt, %jit3A, %sign3A_12 : i32
    %sign3A_14 = arith.extui %sign3A_13 : i1 to i32
    %sign3A_15 = arith.constant 0 : i32
    %sign3A_16 = arith.cmpi slt, %jit3A, %sign3A_15 : i32
    %sign3A_17 = arith.extui %sign3A_16 : i1 to i32
    %sign3A_18 = arith.subi %sign3A_14, %sign3A_17 : i32
    %ne3A = vector.broadcast %sign3A_18 : i32 to vector<48x128xi32>
    %ne3A_19 = arith.cmpi ne, %sign3A_11, %ne3A : vector<48x128xi32>
    %rem3A = vector.broadcast %jit3A : i32 to vector<48x128xi32>
    %rem3A_20 = arith.remsi %iota3A, %rem3A : vector<48x128xi32>
    %ne3A_21 = arith.constant 0 : i32
    %ne3A_22 = vector.broadcast %ne3A_21 : i32 to vector<48x128xi32>
    %ne3A_23 = arith.cmpi ne, %rem3A_20, %ne3A_22 : vector<48x128xi32>
    %and3A = arith.andi %ne3A_19, %ne3A_23 : vector<48x128xi1>
    %sub3A = arith.constant 1 : i32
    %sub3A_24 = vector.broadcast %sub3A : i32 to vector<48x128xi32>
    %sub3A_25 = arith.subi %div3A_3, %sub3A_24 : vector<48x128xi32>
    %select_n3A = arith.select %and3A, %sub3A_25, %div3A_3 : vector<48x128xi1>, vector<48x128xi32>
    %mul3A = arith.constant 8 : i32
    %mul3A_26 = vector.broadcast %mul3A : i32 to vector<48x128xi32>
    %mul3A_27 = arith.muli %select_n3A, %mul3A_26 : vector<48x128xi32>
    %jit3A_28 = arith.constant 3 : i32
    %eq3A = arith.constant 0 : i32
    %eq3A_29 = arith.cmpi eq, %jit3A_28, %eq3A : i32
    %jit3A_30 = arith.constant 1 : i32
    %select_n3A_31 = arith.select %eq3A_29, %jit3A_30, %jit3A_28 : i32
    %rem3A_32 = vector.broadcast %select_n3A_31 : i32 to vector<48x128xi32>
    %rem3A_33 = arith.remsi %iota3A, %rem3A_32 : vector<48x128xi32>
    %ne3A_34 = arith.constant 0 : i32
    %ne3A_35 = vector.broadcast %ne3A_34 : i32 to vector<48x128xi32>
    %ne3A_36 = arith.cmpi ne, %rem3A_33, %ne3A_35 : vector<48x128xi32>
    %lt3A = arith.constant 0 : i32
    %lt3A_37 = vector.broadcast %lt3A : i32 to vector<48x128xi32>
    %lt3A_38 = arith.cmpi slt, %rem3A_33, %lt3A_37 : vector<48x128xi32>
    %lt3A_39 = arith.constant 0 : i32
    %lt3A_40 = arith.cmpi slt, %select_n3A_31, %lt3A_39 : i32
    %ne3A_41 = vector.broadcast %lt3A_40 : i1 to vector<48x128xi1>
    %ne3A_42 = vector.broadcast %ne3A_41 : vector<48x128xi1> to vector<48x128xi1>
    %ne3A_43 = arith.xori %lt3A_38, %ne3A_42 : vector<48x128xi1>
    %and3A_44 = arith.andi %ne3A_43, %ne3A_36 : vector<48x128xi1>
    %add3A = vector.broadcast %select_n3A_31 : i32 to vector<48x128xi32>
    %add3A_45 = arith.addi %rem3A_33, %add3A : vector<48x128xi32>
    %select_n3A_46 = arith.select %and3A_44, %add3A_45, %rem3A_33 : vector<48x128xi1>, vector<48x128xi32>
    %add3A_47 = arith.addi %mul3A_27, %select_n3A_46 : vector<48x128xi32>
    %eq3A_48 = arith.cmpi eq, %iota3A_2, %add3A_47 : vector<48x128xi32>
    %convert_element_type3A = arith.extui %eq3A_48 : vector<48x128xi1> to vector<48x128xi32>
    %convert_element_type3A_49 = arith.sitofp %convert_element_type3A : vector<48x128xi32> to vector<48x128xf32>
    %dot_general3A = arith.constant dense<0.000000e+00> : vector<3136x128xf32>
    %dot_general3A_50 = tpu.matmul %get3A_1, %convert_element_type3A_49, %dot_general3A {dimension_numbers = #tpu.dot_dimension_numbers<[1], [0], [0], [1], [0, 0, 1, 1], [], []>, transpose_lhs_hint = false} : vector<3136x48xf32>, vector<48x128xf32>, vector<3136x128xf32> -> vector<3136x128xf32>
    %reduce_sum3A = arith.constant dense<0.000000e+00> : vector<128xf32>
    %reduce_sum3A_51 = vector.multi_reduction <add>, %dot_general3A_50, %reduce_sum3A [0] : vector<3136x128xf32> to vector<128xf32>
    %broadcast_in_dim3A = vector.shape_cast %reduce_sum3A_51 : vector<128xf32> to vector<1x128xf32>
    %mul3A_52 = arith.mulf %dot_general3A_50, %dot_general3A_50 : vector<3136x128xf32>
    %reduce_sum3A_53 = arith.constant dense<0.000000e+00> : vector<128xf32>
    %reduce_sum3A_54 = vector.multi_reduction <add>, %mul3A_52, %reduce_sum3A_53 [0] : vector<3136x128xf32> to vector<128xf32>
    %broadcast_in_dim3A_55 = vector.shape_cast %reduce_sum3A_54 : vector<128xf32> to vector<1x128xf32>
    %iota3A_56 = tpu.iota {dimensions = array<i32: 0>} : vector<128x128xi32>
    %jit3A_57 = arith.constant 8 : i32
    %eq3A_58 = arith.constant 0 : i32
    %eq3A_59 = arith.cmpi eq, %jit3A_57, %eq3A_58 : i32
    %jit3A_60 = arith.constant 1 : i32
    %select_n3A_61 = arith.select %eq3A_59, %jit3A_60, %jit3A_57 : i32
    %rem3A_62 = vector.broadcast %select_n3A_61 : i32 to vector<128x128xi32>
    %rem3A_63 = arith.remsi %iota3A_56, %rem3A_62 : vector<128x128xi32>
    %ne3A_64 = arith.constant 0 : i32
    %ne3A_65 = vector.broadcast %ne3A_64 : i32 to vector<128x128xi32>
    %ne3A_66 = arith.cmpi ne, %rem3A_63, %ne3A_65 : vector<128x128xi32>
    %lt3A_67 = arith.constant 0 : i32
    %lt3A_68 = vector.broadcast %lt3A_67 : i32 to vector<128x128xi32>
    %lt3A_69 = arith.cmpi slt, %rem3A_63, %lt3A_68 : vector<128x128xi32>
    %lt3A_70 = arith.constant 0 : i32
    %lt3A_71 = arith.cmpi slt, %select_n3A_61, %lt3A_70 : i32
    %ne3A_72 = vector.broadcast %lt3A_71 : i1 to vector<128x128xi1>
    %ne3A_73 = vector.broadcast %ne3A_72 : vector<128x128xi1> to vector<128x128xi1>
    %ne3A_74 = arith.xori %lt3A_69, %ne3A_73 : vector<128x128xi1>
    %and3A_75 = arith.andi %ne3A_74, %ne3A_66 : vector<128x128xi1>
    %add3A_76 = vector.broadcast %select_n3A_61 : i32 to vector<128x128xi32>
    %add3A_77 = arith.addi %rem3A_63, %add3A_76 : vector<128x128xi32>
    %select_n3A_78 = arith.select %and3A_75, %add3A_77, %rem3A_63 : vector<128x128xi1>, vector<128x128xi32>
    %iota3A_79 = tpu.iota {dimensions = array<i32: 1>} : vector<128x128xi32>
    %jit3A_80 = arith.constant 8 : i32
    %eq3A_81 = arith.constant 0 : i32
    %eq3A_82 = arith.cmpi eq, %jit3A_80, %eq3A_81 : i32
    %jit3A_83 = arith.constant 1 : i32
    %select_n3A_84 = arith.select %eq3A_82, %jit3A_83, %jit3A_80 : i32
    %rem3A_85 = vector.broadcast %select_n3A_84 : i32 to vector<128x128xi32>
    %rem3A_86 = arith.remsi %iota3A_79, %rem3A_85 : vector<128x128xi32>
    %ne3A_87 = arith.constant 0 : i32
    %ne3A_88 = vector.broadcast %ne3A_87 : i32 to vector<128x128xi32>
    %ne3A_89 = arith.cmpi ne, %rem3A_86, %ne3A_88 : vector<128x128xi32>
    %lt3A_90 = arith.constant 0 : i32
    %lt3A_91 = vector.broadcast %lt3A_90 : i32 to vector<128x128xi32>
    %lt3A_92 = arith.cmpi slt, %rem3A_86, %lt3A_91 : vector<128x128xi32>
    %lt3A_93 = arith.constant 0 : i32
    %lt3A_94 = arith.cmpi slt, %select_n3A_84, %lt3A_93 : i32
    %ne3A_95 = vector.broadcast %lt3A_94 : i1 to vector<128x128xi1>
    %ne3A_96 = vector.broadcast %ne3A_95 : vector<128x128xi1> to vector<128x128xi1>
    %ne3A_97 = arith.xori %lt3A_92, %ne3A_96 : vector<128x128xi1>
    %and3A_98 = arith.andi %ne3A_97, %ne3A_89 : vector<128x128xi1>
    %add3A_99 = vector.broadcast %select_n3A_84 : i32 to vector<128x128xi32>
    %add3A_100 = arith.addi %rem3A_86, %add3A_99 : vector<128x128xi32>
    %select_n3A_101 = arith.select %and3A_98, %add3A_100, %rem3A_86 : vector<128x128xi1>, vector<128x128xi32>
    %eq3A_102 = arith.cmpi eq, %select_n3A_78, %select_n3A_101 : vector<128x128xi32>
    %convert_element_type3A_103 = arith.extui %eq3A_102 : vector<128x128xi1> to vector<128x128xi32>
    %convert_element_type3A_104 = arith.sitofp %convert_element_type3A_103 : vector<128x128xi32> to vector<128x128xf32>
    %dot_general3A_105 = arith.constant dense<0.000000e+00> : vector<1x128xf32>
    %dot_general3A_106 = tpu.matmul %broadcast_in_dim3A, %convert_element_type3A_104, %dot_general3A_105 {dimension_numbers = #tpu.dot_dimension_numbers<[1], [0], [0], [1], [0, 0, 1, 1], [], []>, transpose_lhs_hint = false} : vector<1x128xf32>, vector<128x128xf32>, vector<1x128xf32> -> vector<1x128xf32>
    %mul3A_107 = arith.constant 2.000000e-05 : f32
    %mul3A_108 = vector.broadcast %mul3A_107 : f32 to vector<1x128xf32>
    %mul3A_109 = arith.mulf %dot_general3A_106, %mul3A_108 : vector<1x128xf32>
    %dot_general3A_110 = arith.constant dense<0.000000e+00> : vector<1x128xf32>
    %dot_general3A_111 = tpu.matmul %broadcast_in_dim3A_55, %convert_element_type3A_104, %dot_general3A_110 {dimension_numbers = #tpu.dot_dimension_numbers<[1], [0], [0], [1], [0, 0, 1, 1], [], []>, transpose_lhs_hint = false} : vector<1x128xf32>, vector<128x128xf32>, vector<1x128xf32> -> vector<1x128xf32>
    %mul3A_112 = arith.constant 2.000000e-05 : f32
    %mul3A_113 = vector.broadcast %mul3A_112 : f32 to vector<1x128xf32>
    %mul3A_114 = arith.mulf %dot_general3A_111, %mul3A_113 : vector<1x128xf32>
    %mul3A_115 = arith.mulf %mul3A_109, %mul3A_109 : vector<1x128xf32>
    %sub3A_116 = arith.subf %mul3A_114, %mul3A_115 : vector<1x128xf32>
    %add3A_117 = arith.constant 9.99999974E-6 : f32
    %add3A_118 = vector.broadcast %add3A_117 : f32 to vector<1x128xf32>
    %add3A_119 = arith.addf %sub3A_116, %add3A_118 : vector<1x128xf32>
    %rsqrt3A = math.rsqrt %add3A_119 : vector<1x128xf32>
    %get3A_120 = arith.constant 0 : index
    %get3A_121 = arith.constant 0 : index
    %get3A_122 = vector.load %arg1[%get3A_120, %get3A_121] : memref<1x3xf32, #tpu.memory_space<vmem>>, vector<1x3xf32>
    %broadcast_in_dim3A_123 = arith.constant 0.000000e+00 : f32
    %broadcast_in_dim3A_124 = vector.broadcast %broadcast_in_dim3A_123 : f32 to vector<1x5xf32>
    %concatenate3A = tpu.concatenate %get3A_122, %broadcast_in_dim3A_124 in 1 : vector<1x3xf32>, vector<1x5xf32> -> vector<1x8xf32>
    %get3A_125 = arith.constant 0 : index
    %get3A_126 = arith.constant 0 : index
    %get3A_127 = vector.load %arg2[%get3A_125, %get3A_126] : memref<1x3xf32, #tpu.memory_space<vmem>>, vector<1x3xf32>
    %broadcast_in_dim3A_128 = arith.constant 1.000000e+00 : f32
    %broadcast_in_dim3A_129 = vector.broadcast %broadcast_in_dim3A_128 : f32 to vector<1x1xf32>
    %broadcast_in_dim3A_130 = arith.constant 0.000000e+00 : f32
    %broadcast_in_dim3A_131 = vector.broadcast %broadcast_in_dim3A_130 : f32 to vector<1x4xf32>
    %concatenate3A_132 = tpu.concatenate %get3A_127, %broadcast_in_dim3A_129, %broadcast_in_dim3A_131 in 1 : vector<1x3xf32>, vector<1x1xf32>, vector<1x4xf32> -> vector<1x8xf32>
    %concatenate3A_133 = tpu.concatenate %concatenate3A, %concatenate3A, %concatenate3A, %concatenate3A, %concatenate3A, %concatenate3A, %concatenate3A, %concatenate3A, %concatenate3A, %concatenate3A, %concatenate3A, %concatenate3A, %concatenate3A, %concatenate3A, %concatenate3A, %concatenate3A in 1 : vector<1x8xf32>, vector<1x8xf32>, vector<1x8xf32>, vector<1x8xf32>, vector<1x8xf32>, vector<1x8xf32>, vector<1x8xf32>, vector<1x8xf32>, vector<1x8xf32>, vector<1x8xf32>, vector<1x8xf32>, vector<1x8xf32>, vector<1x8xf32>, vector<1x8xf32>, vector<1x8xf32>, vector<1x8xf32> -> vector<1x128xf32>
    %concatenate3A_134 = tpu.concatenate %concatenate3A_132, %concatenate3A_132, %concatenate3A_132, %concatenate3A_132, %concatenate3A_132, %concatenate3A_132, %concatenate3A_132, %concatenate3A_132, %concatenate3A_132, %concatenate3A_132, %concatenate3A_132, %concatenate3A_132, %concatenate3A_132, %concatenate3A_132, %concatenate3A_132, %concatenate3A_132 in 1 : vector<1x8xf32>, vector<1x8xf32>, vector<1x8xf32>, vector<1x8xf32>, vector<1x8xf32>, vector<1x8xf32>, vector<1x8xf32>, vector<1x8xf32>, vector<1x8xf32>, vector<1x8xf32>, vector<1x8xf32>, vector<1x8xf32>, vector<1x8xf32>, vector<1x8xf32>, vector<1x8xf32>, vector<1x8xf32> -> vector<1x128xf32>
    %sub3A_135 = vector.broadcast %mul3A_109 : vector<1x128xf32> to vector<3136x128xf32>
    %sub3A_136 = arith.subf %dot_general3A_50, %sub3A_135 : vector<3136x128xf32>
    %mul3A_137 = vector.broadcast %rsqrt3A : vector<1x128xf32> to vector<3136x128xf32>
    %mul3A_138 = arith.mulf %sub3A_136, %mul3A_137 : vector<3136x128xf32>
    %mul3A_139 = vector.broadcast %concatenate3A_133 : vector<1x128xf32> to vector<3136x128xf32>
    %mul3A_140 = arith.mulf %mul3A_138, %mul3A_139 : vector<3136x128xf32>
    %add3A_141 = vector.broadcast %concatenate3A_134 : vector<1x128xf32> to vector<3136x128xf32>
    %add3A_142 = arith.addf %mul3A_140, %add3A_141 : vector<3136x128xf32>
    %swap3A = arith.constant 0 : index
    %swap3A_143 = arith.constant 0 : index
    %swap3A_144 = vector.load %arg3[%swap3A, %swap3A_143] : memref<3136x128xf32, #tpu.memory_space<vmem>>, vector<3136x128xf32>
    tpu.vector_store %arg3[%swap3A, %swap3A_143], %add3A_142 {strides = array<i32>} : memref<3136x128xf32, #tpu.memory_space<vmem>>, vector<3136x128xf32>,
    return
  }
}

module attributes {stable_mosaic.version = 14 : i64} {
  func.func @_layer1_body(%arg0: i32, %arg1: memref<2x1792x8xf32, #tpu.memory_space<vmem>>, %arg2: memref<1792x8xf32, #tpu.memory_space<vmem>>, %arg3: memref<3x128xf32, #tpu.memory_space<vmem>>, %arg4: memref<3x128xf32, #tpu.memory_space<vmem>>, %arg5: memref<1x128xf32, #tpu.memory_space<vmem>>, %arg6: memref<128x32xf32, #tpu.memory_space<vmem>>, %arg7: memref<128x32xf32, #tpu.memory_space<vmem>>, %arg8: memref<1x32xf32, #tpu.memory_space<vmem>>, %arg9: memref<1792x64xf32, #tpu.memory_space<vmem>>) attributes {dimension_semantics = [#tpu.dimension_semantics<arbitrary>], iteration_bounds = array<i64: 28>, scalar_prefetch = 0 : i64, scratch_operands = 0 : i64, tpu.core_type = #tpu.core_type<tc>, window_params = [{transform_indices = @transform_0, window_bounds = array<i64: 2, 1792, 8>}, {transform_indices = @transform_1, window_bounds = array<i64: 1792, 8>}, {pipeline_mode = #tpu.pipeline_mode<synchronous>, transform_indices = @transform_2, window_bounds = array<i64: 3, 128>}, {pipeline_mode = #tpu.pipeline_mode<synchronous>, transform_indices = @transform_3, window_bounds = array<i64: 3, 128>}, {pipeline_mode = #tpu.pipeline_mode<synchronous>, transform_indices = @transform_4, window_bounds = array<i64: 1, 128>}, {pipeline_mode = #tpu.pipeline_mode<synchronous>, transform_indices = @transform_5, window_bounds = array<i64: 128, 32>}, {pipeline_mode = #tpu.pipeline_mode<synchronous>, transform_indices = @transform_6, window_bounds = array<i64: 128, 32>}, {pipeline_mode = #tpu.pipeline_mode<synchronous>, transform_indices = @transform_7, window_bounds = array<i64: 1, 32>}, {transform_indices = @transform_8, window_bounds = array<i64: 1792, 64>}]} {
    %get3A = arith.constant 0 : index
    %get3A_0 = arith.constant 0 : index
    %get3A_1 = arith.constant 0 : index
    %get3A_2 = vector.load %arg1[%get3A, %get3A_0, %get3A_1] : memref<2x1792x8xf32, #tpu.memory_space<vmem>>, vector<1x1792x8xf32>
    %get3A_3 = vector.shape_cast %get3A_2 : vector<1x1792x8xf32> to vector<1792x8xf32>
    %get3A_4 = arith.constant 1 : index
    %get3A_5 = arith.constant 0 : index
    %get3A_6 = arith.constant 0 : index
    %get3A_7 = vector.load %arg1[%get3A_4, %get3A_5, %get3A_6] : memref<2x1792x8xf32, #tpu.memory_space<vmem>>, vector<1x1792x8xf32>
    %get3A_8 = vector.shape_cast %get3A_7 : vector<1x1792x8xf32> to vector<1792x8xf32>
    %add3A = arith.addf %get3A_3, %get3A_8 : vector<1792x8xf32>
    %slice3A = vector.extract_strided_slice %add3A {offsets = [0, 3], sizes = [1792, 1], strides = [1, 1]} : vector<1792x8xf32> to vector<1792x1xf32>
    %max3A = arith.constant 1.000000e+00 : f32
    %max3A_9 = vector.broadcast %max3A : f32 to vector<1792x1xf32>
    %max3A_10 = arith.maximumf %slice3A, %max3A_9 : vector<1792x1xf32>
    %div3A = vector.broadcast %max3A_10 : vector<1792x1xf32> to vector<1792x8xf32>
    %div3A_11 = arith.divf %add3A, %div3A : vector<1792x8xf32>
    %slice3A_12 = vector.extract_strided_slice %div3A_11 {offsets = [0, 0], sizes = [1792, 3], strides = [1, 1]} : vector<1792x8xf32> to vector<1792x3xf32>
    %get3A_13 = arith.constant 0 : index
    %get3A_14 = arith.constant 0 : index
    %get3A_15 = vector.load %arg2[%get3A_13, %get3A_14] : memref<1792x8xf32, #tpu.memory_space<vmem>>, vector<1792x8xf32>
    %slice3A_16 = vector.extract_strided_slice %get3A_15 {offsets = [0, 0], sizes = [1792, 3], strides = [1, 1]} : vector<1792x8xf32> to vector<1792x3xf32>
    %get3A_17 = arith.constant 0 : index
    %get3A_18 = arith.constant 0 : index
    %get3A_19 = vector.load %arg3[%get3A_17, %get3A_18] : memref<3x128xf32, #tpu.memory_space<vmem>>, vector<3x128xf32>
    %dot_general3A = arith.constant dense<0.000000e+00> : vector<1792x128xf32>
    %dot_general3A_20 = tpu.matmul %slice3A_12, %get3A_19, %dot_general3A {dimension_numbers = #tpu.dot_dimension_numbers<[1], [0], [0], [1], [0, 0, 1, 1], [], []>, transpose_lhs_hint = false} : vector<1792x3xf32>, vector<3x128xf32>, vector<1792x128xf32> -> vector<1792x128xf32>
    %get3A_21 = arith.constant 0 : index
    %get3A_22 = arith.constant 0 : index
    %get3A_23 = vector.load %arg5[%get3A_21, %get3A_22] : memref<1x128xf32, #tpu.memory_space<vmem>>, vector<1x128xf32>
    %add3A_24 = vector.broadcast %get3A_23 : vector<1x128xf32> to vector<1792x128xf32>
    %add3A_25 = arith.addf %dot_general3A_20, %add3A_24 : vector<1792x128xf32>
    %get3A_26 = arith.constant 0 : index
    %get3A_27 = arith.constant 0 : index
    %get3A_28 = vector.load %arg4[%get3A_26, %get3A_27] : memref<3x128xf32, #tpu.memory_space<vmem>>, vector<3x128xf32>
    %dot_general3A_29 = arith.constant dense<0.000000e+00> : vector<1792x128xf32>
    %dot_general3A_30 = tpu.matmul %slice3A_16, %get3A_28, %dot_general3A_29 {dimension_numbers = #tpu.dot_dimension_numbers<[1], [0], [0], [1], [0, 0, 1, 1], [], []>, transpose_lhs_hint = false} : vector<1792x3xf32>, vector<3x128xf32>, vector<1792x128xf32> -> vector<1792x128xf32>
    %add3A_31 = arith.addf %add3A_25, %dot_general3A_30 : vector<1792x128xf32>
    %gt3A = arith.constant 0.000000e+00 : f32
    %gt3A_32 = vector.broadcast %gt3A : f32 to vector<1792x128xf32>
    %gt3A_33 = arith.cmpf ogt, %add3A_31, %gt3A_32 : vector<1792x128xf32>
    %mul3A = arith.constant 0.00999999977 : f32
    %mul3A_34 = vector.broadcast %mul3A : f32 to vector<1792x128xf32>
    %mul3A_35 = arith.mulf %mul3A_34, %add3A_31 : vector<1792x128xf32>
    %select_n3A = arith.select %gt3A_33, %add3A_31, %mul3A_35 : vector<1792x128xi1>, vector<1792x128xf32>
    %get3A_36 = arith.constant 0 : index
    %get3A_37 = arith.constant 0 : index
    %get3A_38 = vector.load %arg6[%get3A_36, %get3A_37] : memref<128x32xf32, #tpu.memory_space<vmem>>, vector<128x32xf32>
    %dot_general3A_39 = arith.constant dense<0.000000e+00> : vector<1792x32xf32>
    %dot_general3A_40 = tpu.matmul %select_n3A, %get3A_38, %dot_general3A_39 {dimension_numbers = #tpu.dot_dimension_numbers<[1], [0], [0], [1], [0, 0, 1, 1], [], []>, transpose_lhs_hint = false} : vector<1792x128xf32>, vector<128x32xf32>, vector<1792x32xf32> -> vector<1792x32xf32>
    %get3A_41 = arith.constant 0 : index
    %get3A_42 = arith.constant 0 : index
    %get3A_43 = vector.load %arg7[%get3A_41, %get3A_42] : memref<128x32xf32, #tpu.memory_space<vmem>>, vector<128x32xf32>
    %dot_general3A_44 = arith.constant dense<0.000000e+00> : vector<1792x32xf32>
    %dot_general3A_45 = tpu.matmul %select_n3A, %get3A_43, %dot_general3A_44 {dimension_numbers = #tpu.dot_dimension_numbers<[1], [0], [0], [1], [0, 0, 1, 1], [], []>, transpose_lhs_hint = false} : vector<1792x128xf32>, vector<128x32xf32>, vector<1792x32xf32> -> vector<1792x32xf32>
    %get3A_46 = arith.constant 0 : index
    %get3A_47 = arith.constant 0 : index
    %get3A_48 = vector.load %arg8[%get3A_46, %get3A_47] : memref<1x32xf32, #tpu.memory_space<vmem>>, vector<1x32xf32>
    %add3A_49 = vector.broadcast %get3A_48 : vector<1x32xf32> to vector<1792x32xf32>
    %add3A_50 = arith.addf %dot_general3A_45, %add3A_49 : vector<1792x32xf32>
    %concatenate3A = tpu.concatenate %dot_general3A_40, %add3A_50 in 1 : vector<1792x32xf32>, vector<1792x32xf32> -> vector<1792x64xf32>
    %swap3A = arith.constant 0 : index
    %swap3A_51 = arith.constant 0 : index
    %swap3A_52 = vector.load %arg9[%swap3A, %swap3A_51] : memref<1792x64xf32, #tpu.memory_space<vmem>>, vector<1792x64xf32>
    tpu.vector_store %arg9[%swap3A, %swap3A_51], %concatenate3A {strides = array<i32>} : memref<1792x64xf32, #tpu.memory_space<vmem>>, vector<1792x64xf32>,
    return
  }
  func.func @transform_0(%arg0: i32) -> (i32, i32, i32) {
    %c0_i32 = arith.constant 0 : i32
    %c0_i32_0 = arith.constant 0 : i32
    %c0_i32_1 = arith.constant 0 : i32
    return %c0_i32, %arg0, %c0_i32_0 : i32, i32, i32
  }
  func.func @transform_1(%arg0: i32) -> (i32, i32) {
    %c0_i32 = arith.constant 0 : i32
    %c0_i32_0 = arith.constant 0 : i32
    return %arg0, %c0_i32 : i32, i32
  }
  func.func @transform_2(%arg0: i32) -> (i32, i32) {
    %c0_i32 = arith.constant 0 : i32
    %c0_i32_0 = arith.constant 0 : i32
    %c0_i32_1 = arith.constant 0 : i32
    return %c0_i32, %c0_i32_0 : i32, i32
  }
  func.func @transform_3(%arg0: i32) -> (i32, i32) {
    %c0_i32 = arith.constant 0 : i32
    %c0_i32_0 = arith.constant 0 : i32
    %c0_i32_1 = arith.constant 0 : i32
    return %c0_i32, %c0_i32_0 : i32, i32
  }
  func.func @transform_4(%arg0: i32) -> (i32, i32) {
    %c0_i32 = arith.constant 0 : i32
    %c0_i32_0 = arith.constant 0 : i32
    %c0_i32_1 = arith.constant 0 : i32
    return %c0_i32, %c0_i32_0 : i32, i32
  }
  func.func @transform_5(%arg0: i32) -> (i32, i32) {
    %c0_i32 = arith.constant 0 : i32
    %c0_i32_0 = arith.constant 0 : i32
    %c0_i32_1 = arith.constant 0 : i32
    return %c0_i32, %c0_i32_0 : i32, i32
  }
  func.func @transform_6(%arg0: i32) -> (i32, i32) {
    %c0_i32 = arith.constant 0 : i32
    %c0_i32_0 = arith.constant 0 : i32
    %c0_i32_1 = arith.constant 0 : i32
    return %c0_i32, %c0_i32_0 : i32, i32
  }
  func.func @transform_7(%arg0: i32) -> (i32, i32) {
    %c0_i32 = arith.constant 0 : i32
    %c0_i32_0 = arith.constant 0 : i32
    %c0_i32_1 = arith.constant 0 : i32
    return %c0_i32, %c0_i32_0 : i32, i32
  }
  func.func @transform_8(%arg0: i32) -> (i32, i32) {
    %c0_i32 = arith.constant 0 : i32
    %c0_i32_0 = arith.constant 0 : i32
    return %arg0, %c0_i32 : i32, i32
  }
}

module attributes {stable_mosaic.version = 14 : i64} {
  func.func @_final_body(%arg0: i32, %arg1: memref<2x512x32xf32, #tpu.memory_space<vmem>>, %arg2: memref<2x512x8xf32, #tpu.memory_space<vmem>>, %arg3: memref<512x64xf32, #tpu.memory_space<vmem>>, %arg4: memref<512x1xi32, #tpu.memory_space<vmem>>, %arg5: memref<32x32xf32, #tpu.memory_space<vmem>>, %arg6: memref<1x32xf32, #tpu.memory_space<vmem>>, %arg7: memref<32x10xf32, #tpu.memory_space<vmem>>, %arg8: memref<1x10xf32, #tpu.memory_space<vmem>>, %arg9: memref<16x64xf32, #tpu.memory_space<vmem>>, %arg10: memref<16x128xf32, #tpu.memory_space<vmem>>) attributes {dimension_semantics = [#tpu.dimension_semantics<arbitrary>], iteration_bounds = array<i64: 98>, scalar_prefetch = 0 : i64, scratch_operands = 1 : i64, tpu.core_type = #tpu.core_type<tc>, window_params = [{transform_indices = @transform_0, window_bounds = array<i64: 2, 512, 32>}, {transform_indices = @transform_1, window_bounds = array<i64: 2, 512, 8>}, {transform_indices = @transform_2, window_bounds = array<i64: 512, 64>}, {transform_indices = @transform_3, window_bounds = array<i64: 512, 1>}, {pipeline_mode = #tpu.pipeline_mode<synchronous>, transform_indices = @transform_4, window_bounds = array<i64: 32, 32>}, {pipeline_mode = #tpu.pipeline_mode<synchronous>, transform_indices = @transform_5, window_bounds = array<i64: 1, 32>}, {pipeline_mode = #tpu.pipeline_mode<synchronous>, transform_indices = @transform_6, window_bounds = array<i64: 32, 10>}, {pipeline_mode = #tpu.pipeline_mode<synchronous>, transform_indices = @transform_7, window_bounds = array<i64: 1, 10>}, {pipeline_mode = #tpu.pipeline_mode<synchronous>, transform_indices = @transform_8, window_bounds = array<i64: 16, 64>}]} {
    %eq3A = arith.constant 0 : i32
    %eq3A_0 = arith.cmpi eq, %arg0, %eq3A : i32
    %convert_element_type3A = arith.extui %eq3A_0 : i1 to i32
    %cond3A = arith.constant 0 : i32
    %cond3A_1 = arith.cmpi ne, %convert_element_type3A, %cond3A : i32
    scf.if %cond3A_1 {
      %broadcast_in_dim3A = arith.constant -1.000000e+30 : f32
      %broadcast_in_dim3A_82 = vector.broadcast %broadcast_in_dim3A : f32 to vector<16x128xf32>
      %swap3A = arith.constant 0 : index
      %swap3A_83 = arith.constant 0 : index
      %swap3A_84 = vector.load %arg10[%swap3A, %swap3A_83] : memref<16x128xf32, #tpu.memory_space<vmem>>, vector<16x128xf32>
      tpu.vector_store %arg10[%swap3A, %swap3A_83], %broadcast_in_dim3A_82 {strides = array<i32>} : memref<16x128xf32, #tpu.memory_space<vmem>>, vector<16x128xf32>,
    } else {
    }
    %get3A = arith.constant 0 : index
    %get3A_2 = arith.constant 0 : index
    %get3A_3 = arith.constant 3 : index
    %get3A_4 = vector.load %arg2[%get3A, %get3A_2, %get3A_3] : memref<2x512x8xf32, #tpu.memory_space<vmem>>, vector<1x512x1xf32>
    %get3A_5 = vector.shape_cast %get3A_4 : vector<1x512x1xf32> to vector<512x1xf32>
    %get3A_6 = arith.constant 1 : index
    %get3A_7 = arith.constant 0 : index
    %get3A_8 = arith.constant 3 : index
    %get3A_9 = vector.load %arg2[%get3A_6, %get3A_7, %get3A_8] : memref<2x512x8xf32, #tpu.memory_space<vmem>>, vector<1x512x1xf32>
    %get3A_10 = vector.shape_cast %get3A_9 : vector<1x512x1xf32> to vector<512x1xf32>
    %add3A = arith.addf %get3A_5, %get3A_10 : vector<512x1xf32>
    %max3A = arith.constant 1.000000e+00 : f32
    %max3A_11 = vector.broadcast %max3A : f32 to vector<512x1xf32>
    %max3A_12 = arith.maximumf %add3A, %max3A_11 : vector<512x1xf32>
    %get3A_13 = arith.constant 0 : index
    %get3A_14 = arith.constant 0 : index
    %get3A_15 = arith.constant 0 : index
    %get3A_16 = vector.load %arg1[%get3A_13, %get3A_14, %get3A_15] : memref<2x512x32xf32, #tpu.memory_space<vmem>>, vector<1x512x32xf32>
    %get3A_17 = vector.shape_cast %get3A_16 : vector<1x512x32xf32> to vector<512x32xf32>
    %get3A_18 = arith.constant 1 : index
    %get3A_19 = arith.constant 0 : index
    %get3A_20 = arith.constant 0 : index
    %get3A_21 = vector.load %arg1[%get3A_18, %get3A_19, %get3A_20] : memref<2x512x32xf32, #tpu.memory_space<vmem>>, vector<1x512x32xf32>
    %get3A_22 = vector.shape_cast %get3A_21 : vector<1x512x32xf32> to vector<512x32xf32>
    %add3A_23 = arith.addf %get3A_17, %get3A_22 : vector<512x32xf32>
    %div3A = vector.broadcast %max3A_12 : vector<512x1xf32> to vector<512x32xf32>
    %div3A_24 = arith.divf %add3A_23, %div3A : vector<512x32xf32>
    %get3A_25 = arith.constant 0 : index
    %get3A_26 = arith.constant 0 : index
    %get3A_27 = vector.load %arg3[%get3A_25, %get3A_26] : memref<512x64xf32, #tpu.memory_space<vmem>>, vector<512x64xf32>
    %slice3A = vector.extract_strided_slice %get3A_27 {offsets = [0, 32], sizes = [512, 32], strides = [1, 1]} : vector<512x64xf32> to vector<512x32xf32>
    %add3A_28 = arith.addf %div3A_24, %slice3A : vector<512x32xf32>
    %gt3A = arith.constant 0.000000e+00 : f32
    %gt3A_29 = vector.broadcast %gt3A : f32 to vector<512x32xf32>
    %gt3A_30 = arith.cmpf ogt, %add3A_28, %gt3A_29 : vector<512x32xf32>
    %mul3A = arith.constant 0.00999999977 : f32
    %mul3A_31 = vector.broadcast %mul3A : f32 to vector<512x32xf32>
    %mul3A_32 = arith.mulf %mul3A_31, %add3A_28 : vector<512x32xf32>
    %select_n3A = arith.select %gt3A_30, %add3A_28, %mul3A_32 : vector<512x32xi1>, vector<512x32xf32>
    %get3A_33 = arith.constant 0 : index
    %get3A_34 = arith.constant 0 : index
    %get3A_35 = vector.load %arg4[%get3A_33, %get3A_34] : memref<512x1xi32, #tpu.memory_space<vmem>>, vector<512x1xi32>
    %get3A_36 = arith.constant 0 : index
    %get3A_37 = arith.constant 0 : index
    %get3A_38 = vector.load %arg4[%get3A_36, %get3A_37] : memref<512x1xi32, #tpu.memory_space<vmem>>, vector<1x1xi32>
    %get3A_39 = vector.extract %get3A_38[0, 0] : i32 from vector<1x1xi32>
    %get3A_40 = arith.constant 511 : index
    %get3A_41 = arith.constant 0 : index
    %get3A_42 = vector.load %arg4[%get3A_40, %get3A_41] : memref<512x1xi32, #tpu.memory_space<vmem>>, vector<1x1xi32>
    %get3A_43 = vector.extract %get3A_42[0, 0] : i32 from vector<1x1xi32>
    %iota3A = tpu.iota {dimensions = array<i32: 1>} : vector<1x128xi32>
    %jit3A = arith.constant 32 : i32
    %div3A_44 = vector.broadcast %jit3A : i32 to vector<1x128xi32>
    %div3A_45 = arith.divsi %iota3A, %div3A_44 : vector<1x128xi32>
    %sign3A = arith.constant 0 : i32
    %sign3A_46 = vector.broadcast %sign3A : i32 to vector<1x128xi32>
    %sign3A_47 = arith.cmpi sgt, %iota3A, %sign3A_46 : vector<1x128xi32>
    %sign3A_48 = arith.extui %sign3A_47 : vector<1x128xi1> to vector<1x128xi32>
    %sign3A_49 = arith.constant 0 : i32
    %sign3A_50 = vector.broadcast %sign3A_49 : i32 to vector<1x128xi32>
    %sign3A_51 = arith.cmpi slt, %iota3A, %sign3A_50 : vector<1x128xi32>
    %sign3A_52 = arith.extui %sign3A_51 : vector<1x128xi1> to vector<1x128xi32>
    %sign3A_53 = arith.subi %sign3A_48, %sign3A_52 : vector<1x128xi32>
    %sign3A_54 = arith.constant 0 : i32
    %sign3A_55 = arith.cmpi sgt, %jit3A, %sign3A_54 : i32
    %sign3A_56 = arith.extui %sign3A_55 : i1 to i32
    %sign3A_57 = arith.constant 0 : i32
    %sign3A_58 = arith.cmpi slt, %jit3A, %sign3A_57 : i32
    %sign3A_59 = arith.extui %sign3A_58 : i1 to i32
    %sign3A_60 = arith.subi %sign3A_56, %sign3A_59 : i32
    %ne3A = vector.broadcast %sign3A_60 : i32 to vector<1x128xi32>
    %ne3A_61 = arith.cmpi ne, %sign3A_53, %ne3A : vector<1x128xi32>
    %rem3A = vector.broadcast %jit3A : i32 to vector<1x128xi32>
    %rem3A_62 = arith.remsi %iota3A, %rem3A : vector<1x128xi32>
    %ne3A_63 = arith.constant 0 : i32
    %ne3A_64 = vector.broadcast %ne3A_63 : i32 to vector<1x128xi32>
    %ne3A_65 = arith.cmpi ne, %rem3A_62, %ne3A_64 : vector<1x128xi32>
    %and3A = arith.andi %ne3A_61, %ne3A_65 : vector<1x128xi1>
    %sub3A = arith.constant 1 : i32
    %sub3A_66 = vector.broadcast %sub3A : i32 to vector<1x128xi32>
    %sub3A_67 = arith.subi %div3A_45, %sub3A_66 : vector<1x128xi32>
    %select_n3A_68 = arith.select %and3A, %sub3A_67, %div3A_45 : vector<1x128xi1>, vector<1x128xi32>
    %eq3A_69 = arith.cmpi eq, %get3A_39, %get3A_43 : i32
    %convert_element_type3A_70 = arith.extui %eq3A_69 : i1 to i32
    %cond3A_71 = arith.constant 0 : i32
    %cond3A_72 = arith.cmpi ne, %convert_element_type3A_70, %cond3A_71 : i32
    scf.if %cond3A_72 {
      %reduce_max3A = arith.constant dense<0xFF800000> : vector<32xf32>
      %reduce_max3A_82 = vector.multi_reduction <maximumf>, %select_n3A, %reduce_max3A [0] : vector<512x32xf32> to vector<32xf32>
      %broadcast_in_dim3A = vector.shape_cast %reduce_max3A_82 : vector<32xf32> to vector<1x32xf32>
      %concatenate3A = tpu.concatenate %broadcast_in_dim3A, %broadcast_in_dim3A, %broadcast_in_dim3A, %broadcast_in_dim3A in 1 : vector<1x32xf32>, vector<1x32xf32>, vector<1x32xf32>, vector<1x32xf32> -> vector<1x128xf32>
      %iota3A_83 = tpu.iota {dimensions = array<i32: 0>} : vector<16x1xi32>
      %jit3A_84 = arith.constant 4 : i32
      %div3A_85 = arith.divsi %get3A_39, %jit3A_84 : i32
      %sign3A_86 = arith.constant 0 : i32
      %sign3A_87 = arith.cmpi sgt, %get3A_39, %sign3A_86 : i32
      %sign3A_88 = arith.extui %sign3A_87 : i1 to i32
      %sign3A_89 = arith.constant 0 : i32
      %sign3A_90 = arith.cmpi slt, %get3A_39, %sign3A_89 : i32
      %sign3A_91 = arith.extui %sign3A_90 : i1 to i32
      %sign3A_92 = arith.subi %sign3A_88, %sign3A_91 : i32
      %sign3A_93 = arith.constant 0 : i32
      %sign3A_94 = arith.cmpi sgt, %jit3A_84, %sign3A_93 : i32
      %sign3A_95 = arith.extui %sign3A_94 : i1 to i32
      %sign3A_96 = arith.constant 0 : i32
      %sign3A_97 = arith.cmpi slt, %jit3A_84, %sign3A_96 : i32
      %sign3A_98 = arith.extui %sign3A_97 : i1 to i32
      %sign3A_99 = arith.subi %sign3A_95, %sign3A_98 : i32
      %ne3A_100 = arith.cmpi ne, %sign3A_92, %sign3A_99 : i32
      %rem3A_101 = arith.remsi %get3A_39, %jit3A_84 : i32
      %ne3A_102 = arith.constant 0 : i32
      %ne3A_103 = arith.cmpi ne, %rem3A_101, %ne3A_102 : i32
      %and3A_104 = arith.andi %ne3A_100, %ne3A_103 : i1
      %sub3A_105 = arith.constant 1 : i32
      %sub3A_106 = arith.subi %div3A_85, %sub3A_105 : i32
      %select_n3A_107 = arith.select %and3A_104, %sub3A_106, %div3A_85 : i32
      %eq3A_108 = vector.broadcast %select_n3A_107 : i32 to vector<16x1xi32>
      %eq3A_109 = arith.cmpi eq, %iota3A_83, %eq3A_108 : vector<16x1xi32>
      %jit3A_110 = arith.constant 4 : i32
      %eq3A_111 = arith.constant 0 : i32
      %eq3A_112 = arith.cmpi eq, %jit3A_110, %eq3A_111 : i32
      %jit3A_113 = arith.constant 1 : i32
      %select_n3A_114 = arith.select %eq3A_112, %jit3A_113, %jit3A_110 : i32
      %rem3A_115 = arith.remsi %get3A_39, %select_n3A_114 : i32
      %ne3A_116 = arith.constant 0 : i32
      %ne3A_117 = arith.cmpi ne, %rem3A_115, %ne3A_116 : i32
      %lt3A = arith.constant 0 : i32
      %lt3A_118 = arith.cmpi slt, %rem3A_115, %lt3A : i32
      %lt3A_119 = arith.constant 0 : i32
      %lt3A_120 = arith.cmpi slt, %select_n3A_114, %lt3A_119 : i32
      %ne3A_121 = arith.xori %lt3A_118, %lt3A_120 : i1
      %and3A_122 = arith.andi %ne3A_121, %ne3A_117 : i1
      %add3A_123 = arith.addi %rem3A_115, %select_n3A_114 : i32
      %select_n3A_124 = arith.select %and3A_122, %add3A_123, %rem3A_115 : i32
      %eq3A_125 = vector.broadcast %select_n3A_124 : i32 to vector<1x128xi32>
      %eq3A_126 = arith.cmpi eq, %select_n3A_68, %eq3A_125 : vector<1x128xi32>
      %and3A_127 = vector.broadcast %eq3A_109 : vector<16x1xi1> to vector<16x128xi1>
      %and3A_128 = vector.broadcast %eq3A_126 : vector<1x128xi1> to vector<16x128xi1>
      %and3A_129 = arith.andi %and3A_127, %and3A_128 : vector<16x128xi1>
      %get3A_130 = arith.constant 0 : index
      %get3A_131 = arith.constant 0 : index
      %get3A_132 = vector.load %arg10[%get3A_130, %get3A_131] : memref<16x128xf32, #tpu.memory_space<vmem>>, vector<16x128xf32>
      %max3A_133 = vector.broadcast %concatenate3A : vector<1x128xf32> to vector<16x128xf32>
      %max3A_134 = arith.maximumf %get3A_132, %max3A_133 : vector<16x128xf32>
      %get3A_135 = arith.constant 0 : index
      %get3A_136 = arith.constant 0 : index
      %get3A_137 = vector.load %arg10[%get3A_135, %get3A_136] : memref<16x128xf32, #tpu.memory_space<vmem>>, vector<16x128xf32>
      %select_n3A_138 = arith.select %and3A_129, %max3A_134, %get3A_137 : vector<16x128xi1>, vector<16x128xf32>
      %swap3A = arith.constant 0 : index
      %swap3A_139 = arith.constant 0 : index
      %swap3A_140 = vector.load %arg10[%swap3A, %swap3A_139] : memref<16x128xf32, #tpu.memory_space<vmem>>, vector<16x128xf32>
      tpu.vector_store %arg10[%swap3A, %swap3A_139], %select_n3A_138 {strides = array<i32>} : memref<16x128xf32, #tpu.memory_space<vmem>>, vector<16x128xf32>,
    } else {
    }
    %ne3A_73 = arith.cmpi ne, %get3A_39, %get3A_43 : i32
    %convert_element_type3A_74 = arith.extui %ne3A_73 : i1 to i32
    %cond3A_75 = arith.constant 0 : i32
    %cond3A_76 = arith.cmpi ne, %convert_element_type3A_74, %cond3A_75 : i32
    scf.if %cond3A_76 {
      %concatenate3A = tpu.concatenate %select_n3A, %select_n3A, %select_n3A, %select_n3A in 1 : vector<512x32xf32>, vector<512x32xf32>, vector<512x32xf32>, vector<512x32xf32> -> vector<512x128xf32>
      %jit3A_82 = arith.constant 4 : i32
      %div3A_83 = arith.divsi %get3A_39, %jit3A_82 : i32
      %sign3A_84 = arith.constant 0 : i32
      %sign3A_85 = arith.cmpi sgt, %get3A_39, %sign3A_84 : i32
      %sign3A_86 = arith.extui %sign3A_85 : i1 to i32
      %sign3A_87 = arith.constant 0 : i32
      %sign3A_88 = arith.cmpi slt, %get3A_39, %sign3A_87 : i32
      %sign3A_89 = arith.extui %sign3A_88 : i1 to i32
      %sign3A_90 = arith.subi %sign3A_86, %sign3A_89 : i32
      %sign3A_91 = arith.constant 0 : i32
      %sign3A_92 = arith.cmpi sgt, %jit3A_82, %sign3A_91 : i32
      %sign3A_93 = arith.extui %sign3A_92 : i1 to i32
      %sign3A_94 = arith.constant 0 : i32
      %sign3A_95 = arith.cmpi slt, %jit3A_82, %sign3A_94 : i32
      %sign3A_96 = arith.extui %sign3A_95 : i1 to i32
      %sign3A_97 = arith.subi %sign3A_93, %sign3A_96 : i32
      %ne3A_98 = arith.cmpi ne, %sign3A_90, %sign3A_97 : i32
      %rem3A_99 = arith.remsi %get3A_39, %jit3A_82 : i32
      %ne3A_100 = arith.constant 0 : i32
      %ne3A_101 = arith.cmpi ne, %rem3A_99, %ne3A_100 : i32
      %and3A_102 = arith.andi %ne3A_98, %ne3A_101 : i1
      %sub3A_103 = arith.constant 1 : i32
      %sub3A_104 = arith.subi %div3A_83, %sub3A_103 : i32
      %select_n3A_105 = arith.select %and3A_102, %sub3A_104, %div3A_83 : i32
      %jit3A_106 = arith.constant 4 : i32
      %div3A_107 = arith.divsi %get3A_43, %jit3A_106 : i32
      %sign3A_108 = arith.constant 0 : i32
      %sign3A_109 = arith.cmpi sgt, %get3A_43, %sign3A_108 : i32
      %sign3A_110 = arith.extui %sign3A_109 : i1 to i32
      %sign3A_111 = arith.constant 0 : i32
      %sign3A_112 = arith.cmpi slt, %get3A_43, %sign3A_111 : i32
      %sign3A_113 = arith.extui %sign3A_112 : i1 to i32
      %sign3A_114 = arith.subi %sign3A_110, %sign3A_113 : i32
      %sign3A_115 = arith.constant 0 : i32
      %sign3A_116 = arith.cmpi sgt, %jit3A_106, %sign3A_115 : i32
      %sign3A_117 = arith.extui %sign3A_116 : i1 to i32
      %sign3A_118 = arith.constant 0 : i32
      %sign3A_119 = arith.cmpi slt, %jit3A_106, %sign3A_118 : i32
      %sign3A_120 = arith.extui %sign3A_119 : i1 to i32
      %sign3A_121 = arith.subi %sign3A_117, %sign3A_120 : i32
      %ne3A_122 = arith.cmpi ne, %sign3A_114, %sign3A_121 : i32
      %rem3A_123 = arith.remsi %get3A_43, %jit3A_106 : i32
      %ne3A_124 = arith.constant 0 : i32
      %ne3A_125 = arith.cmpi ne, %rem3A_123, %ne3A_124 : i32
      %and3A_126 = arith.andi %ne3A_122, %ne3A_125 : i1
      %sub3A_127 = arith.constant 1 : i32
      %sub3A_128 = arith.subi %div3A_107, %sub3A_127 : i32
      %select_n3A_129 = arith.select %and3A_126, %sub3A_128, %div3A_107 : i32
      %le3A = arith.constant 0 : i32
      %le3A_130 = arith.cmpi sle, %select_n3A_105, %le3A : i32
      %ge3A = arith.constant 0 : i32
      %ge3A_131 = arith.cmpi sge, %select_n3A_129, %ge3A : i32
      %and3A_132 = arith.andi %le3A_130, %ge3A_131 : i1
      %convert_element_type3A_133 = arith.extui %and3A_132 : i1 to i32
      %cond3A_134 = arith.constant 0 : i32
      %cond3A_135 = arith.cmpi ne, %convert_element_type3A_133, %cond3A_134 : i32
      scf.if %cond3A_135 {
        %add3A_256 = arith.constant 0 : i32
        %add3A_257 = vector.broadcast %add3A_256 : i32 to vector<1x128xi32>
        %add3A_258 = arith.addi %add3A_257, %select_n3A_68 : vector<1x128xi32>
        %eq3A_259 = vector.broadcast %get3A_35 : vector<512x1xi32> to vector<512x128xi32>
        %eq3A_260 = vector.broadcast %add3A_258 : vector<1x128xi32> to vector<512x128xi32>
        %eq3A_261 = arith.cmpi eq, %eq3A_259, %eq3A_260 : vector<512x128xi32>
        %jit3A_262 = arith.constant -1.000000e+30 : f32
        %broadcast_in_dim3A = vector.broadcast %jit3A_262 : f32 to vector<512x128xf32>
        %select_n3A_263 = arith.select %eq3A_261, %concatenate3A, %broadcast_in_dim3A : vector<512x128xi1>, vector<512x128xf32>
        %reduce_max3A = arith.constant dense<0xFF800000> : vector<128xf32>
        %reduce_max3A_264 = vector.multi_reduction <maximumf>, %select_n3A_263, %reduce_max3A [0] : vector<512x128xf32> to vector<128xf32>
        %broadcast_in_dim3A_265 = vector.shape_cast %reduce_max3A_264 : vector<128xf32> to vector<1x128xf32>
        %get3A_266 = arith.constant 0 : index
        %get3A_267 = arith.constant 0 : index
        %get3A_268 = vector.load %arg10[%get3A_266, %get3A_267] : memref<16x128xf32, #tpu.memory_space<vmem>>, vector<1x128xf32>
        %max3A_269 = arith.maximumf %get3A_268, %broadcast_in_dim3A_265 : vector<1x128xf32>
        %swap3A = arith.constant 0 : index
        %swap3A_270 = arith.constant 0 : index
        %swap3A_271 = vector.load %arg10[%swap3A, %swap3A_270] : memref<16x128xf32, #tpu.memory_space<vmem>>, vector<1x128xf32>
        tpu.vector_store %arg10[%swap3A, %swap3A_270], %max3A_269 {strides = array<i32>} : memref<16x128xf32, #tpu.memory_space<vmem>>, vector<1x128xf32>,
      } else {
      }
      %le3A_136 = arith.constant 1 : i32
      %le3A_137 = arith.cmpi sle, %select_n3A_105, %le3A_136 : i32
      %ge3A_138 = arith.constant 1 : i32
      %ge3A_139 = arith.cmpi sge, %select_n3A_129, %ge3A_138 : i32
      %and3A_140 = arith.andi %le3A_137, %ge3A_139 : i1
      %convert_element_type3A_141 = arith.extui %and3A_140 : i1 to i32
      %cond3A_142 = arith.constant 0 : i32
      %cond3A_143 = arith.cmpi ne, %convert_element_type3A_141, %cond3A_142 : i32
      scf.if %cond3A_143 {
        %add3A_256 = arith.constant 4 : i32
        %add3A_257 = vector.broadcast %add3A_256 : i32 to vector<1x128xi32>
        %add3A_258 = arith.addi %add3A_257, %select_n3A_68 : vector<1x128xi32>
        %eq3A_259 = vector.broadcast %get3A_35 : vector<512x1xi32> to vector<512x128xi32>
        %eq3A_260 = vector.broadcast %add3A_258 : vector<1x128xi32> to vector<512x128xi32>
        %eq3A_261 = arith.cmpi eq, %eq3A_259, %eq3A_260 : vector<512x128xi32>
        %jit3A_262 = arith.constant -1.000000e+30 : f32
        %broadcast_in_dim3A = vector.broadcast %jit3A_262 : f32 to vector<512x128xf32>
        %select_n3A_263 = arith.select %eq3A_261, %concatenate3A, %broadcast_in_dim3A : vector<512x128xi1>, vector<512x128xf32>
        %reduce_max3A = arith.constant dense<0xFF800000> : vector<128xf32>
        %reduce_max3A_264 = vector.multi_reduction <maximumf>, %select_n3A_263, %reduce_max3A [0] : vector<512x128xf32> to vector<128xf32>
        %broadcast_in_dim3A_265 = vector.shape_cast %reduce_max3A_264 : vector<128xf32> to vector<1x128xf32>
        %get3A_266 = arith.constant 1 : index
        %get3A_267 = arith.constant 0 : index
        %get3A_268 = vector.load %arg10[%get3A_266, %get3A_267] : memref<16x128xf32, #tpu.memory_space<vmem>>, vector<1x128xf32>
        %max3A_269 = arith.maximumf %get3A_268, %broadcast_in_dim3A_265 : vector<1x128xf32>
        %swap3A = arith.constant 1 : index
        %swap3A_270 = arith.constant 0 : index
        %swap3A_271 = vector.load %arg10[%swap3A, %swap3A_270] : memref<16x128xf32, #tpu.memory_space<vmem>>, vector<1x128xf32>
        tpu.vector_store %arg10[%swap3A, %swap3A_270], %max3A_269 {strides = array<i32>} : memref<16x128xf32, #tpu.memory_space<vmem>>, vector<1x128xf32>,
      } else {
      }
      %le3A_144 = arith.constant 2 : i32
      %le3A_145 = arith.cmpi sle, %select_n3A_105, %le3A_144 : i32
      %ge3A_146 = arith.constant 2 : i32
      %ge3A_147 = arith.cmpi sge, %select_n3A_129, %ge3A_146 : i32
      %and3A_148 = arith.andi %le3A_145, %ge3A_147 : i1
      %convert_element_type3A_149 = arith.extui %and3A_148 : i1 to i32
      %cond3A_150 = arith.constant 0 : i32
      %cond3A_151 = arith.cmpi ne, %convert_element_type3A_149, %cond3A_150 : i32
      scf.if %cond3A_151 {
        %add3A_256 = arith.constant 8 : i32
        %add3A_257 = vector.broadcast %add3A_256 : i32 to vector<1x128xi32>
        %add3A_258 = arith.addi %add3A_257, %select_n3A_68 : vector<1x128xi32>
        %eq3A_259 = vector.broadcast %get3A_35 : vector<512x1xi32> to vector<512x128xi32>
        %eq3A_260 = vector.broadcast %add3A_258 : vector<1x128xi32> to vector<512x128xi32>
        %eq3A_261 = arith.cmpi eq, %eq3A_259, %eq3A_260 : vector<512x128xi32>
        %jit3A_262 = arith.constant -1.000000e+30 : f32
        %broadcast_in_dim3A = vector.broadcast %jit3A_262 : f32 to vector<512x128xf32>
        %select_n3A_263 = arith.select %eq3A_261, %concatenate3A, %broadcast_in_dim3A : vector<512x128xi1>, vector<512x128xf32>
        %reduce_max3A = arith.constant dense<0xFF800000> : vector<128xf32>
        %reduce_max3A_264 = vector.multi_reduction <maximumf>, %select_n3A_263, %reduce_max3A [0] : vector<512x128xf32> to vector<128xf32>
        %broadcast_in_dim3A_265 = vector.shape_cast %reduce_max3A_264 : vector<128xf32> to vector<1x128xf32>
        %get3A_266 = arith.constant 2 : index
        %get3A_267 = arith.constant 0 : index
        %get3A_268 = vector.load %arg10[%get3A_266, %get3A_267] : memref<16x128xf32, #tpu.memory_space<vmem>>, vector<1x128xf32>
        %max3A_269 = arith.maximumf %get3A_268, %broadcast_in_dim3A_265 : vector<1x128xf32>
        %swap3A = arith.constant 2 : index
        %swap3A_270 = arith.constant 0 : index
        %swap3A_271 = vector.load %arg10[%swap3A, %swap3A_270] : memref<16x128xf32, #tpu.memory_space<vmem>>, vector<1x128xf32>
        tpu.vector_store %arg10[%swap3A, %swap3A_270], %max3A_269 {strides = array<i32>} : memref<16x128xf32, #tpu.memory_space<vmem>>, vector<1x128xf32>,
      } else {
      }
      %le3A_152 = arith.constant 3 : i32
      %le3A_153 = arith.cmpi sle, %select_n3A_105, %le3A_152 : i32
      %ge3A_154 = arith.constant 3 : i32
      %ge3A_155 = arith.cmpi sge, %select_n3A_129, %ge3A_154 : i32
      %and3A_156 = arith.andi %le3A_153, %ge3A_155 : i1
      %convert_element_type3A_157 = arith.extui %and3A_156 : i1 to i32
      %cond3A_158 = arith.constant 0 : i32
      %cond3A_159 = arith.cmpi ne, %convert_element_type3A_157, %cond3A_158 : i32
      scf.if %cond3A_159 {
        %add3A_256 = arith.constant 12 : i32
        %add3A_257 = vector.broadcast %add3A_256 : i32 to vector<1x128xi32>
        %add3A_258 = arith.addi %add3A_257, %select_n3A_68 : vector<1x128xi32>
        %eq3A_259 = vector.broadcast %get3A_35 : vector<512x1xi32> to vector<512x128xi32>
        %eq3A_260 = vector.broadcast %add3A_258 : vector<1x128xi32> to vector<512x128xi32>
        %eq3A_261 = arith.cmpi eq, %eq3A_259, %eq3A_260 : vector<512x128xi32>
        %jit3A_262 = arith.constant -1.000000e+30 : f32
        %broadcast_in_dim3A = vector.broadcast %jit3A_262 : f32 to vector<512x128xf32>
        %select_n3A_263 = arith.select %eq3A_261, %concatenate3A, %broadcast_in_dim3A : vector<512x128xi1>, vector<512x128xf32>
        %reduce_max3A = arith.constant dense<0xFF800000> : vector<128xf32>
        %reduce_max3A_264 = vector.multi_reduction <maximumf>, %select_n3A_263, %reduce_max3A [0] : vector<512x128xf32> to vector<128xf32>
        %broadcast_in_dim3A_265 = vector.shape_cast %reduce_max3A_264 : vector<128xf32> to vector<1x128xf32>
        %get3A_266 = arith.constant 3 : index
        %get3A_267 = arith.constant 0 : index
        %get3A_268 = vector.load %arg10[%get3A_266, %get3A_267] : memref<16x128xf32, #tpu.memory_space<vmem>>, vector<1x128xf32>
        %max3A_269 = arith.maximumf %get3A_268, %broadcast_in_dim3A_265 : vector<1x128xf32>
        %swap3A = arith.constant 3 : index
        %swap3A_270 = arith.constant 0 : index
        %swap3A_271 = vector.load %arg10[%swap3A, %swap3A_270] : memref<16x128xf32, #tpu.memory_space<vmem>>, vector<1x128xf32>
        tpu.vector_store %arg10[%swap3A, %swap3A_270], %max3A_269 {strides = array<i32>} : memref<16x128xf32, #tpu.memory_space<vmem>>, vector<1x128xf32>,
      } else {
      }
      %le3A_160 = arith.constant 4 : i32
      %le3A_161 = arith.cmpi sle, %select_n3A_105, %le3A_160 : i32
      %ge3A_162 = arith.constant 4 : i32
      %ge3A_163 = arith.cmpi sge, %select_n3A_129, %ge3A_162 : i32
      %and3A_164 = arith.andi %le3A_161, %ge3A_163 : i1
      %convert_element_type3A_165 = arith.extui %and3A_164 : i1 to i32
      %cond3A_166 = arith.constant 0 : i32
      %cond3A_167 = arith.cmpi ne, %convert_element_type3A_165, %cond3A_166 : i32
      scf.if %cond3A_167 {
        %add3A_256 = arith.constant 16 : i32
        %add3A_257 = vector.broadcast %add3A_256 : i32 to vector<1x128xi32>
        %add3A_258 = arith.addi %add3A_257, %select_n3A_68 : vector<1x128xi32>
        %eq3A_259 = vector.broadcast %get3A_35 : vector<512x1xi32> to vector<512x128xi32>
        %eq3A_260 = vector.broadcast %add3A_258 : vector<1x128xi32> to vector<512x128xi32>
        %eq3A_261 = arith.cmpi eq, %eq3A_259, %eq3A_260 : vector<512x128xi32>
        %jit3A_262 = arith.constant -1.000000e+30 : f32
        %broadcast_in_dim3A = vector.broadcast %jit3A_262 : f32 to vector<512x128xf32>
        %select_n3A_263 = arith.select %eq3A_261, %concatenate3A, %broadcast_in_dim3A : vector<512x128xi1>, vector<512x128xf32>
        %reduce_max3A = arith.constant dense<0xFF800000> : vector<128xf32>
        %reduce_max3A_264 = vector.multi_reduction <maximumf>, %select_n3A_263, %reduce_max3A [0] : vector<512x128xf32> to vector<128xf32>
        %broadcast_in_dim3A_265 = vector.shape_cast %reduce_max3A_264 : vector<128xf32> to vector<1x128xf32>
        %get3A_266 = arith.constant 4 : index
        %get3A_267 = arith.constant 0 : index
        %get3A_268 = vector.load %arg10[%get3A_266, %get3A_267] : memref<16x128xf32, #tpu.memory_space<vmem>>, vector<1x128xf32>
        %max3A_269 = arith.maximumf %get3A_268, %broadcast_in_dim3A_265 : vector<1x128xf32>
        %swap3A = arith.constant 4 : index
        %swap3A_270 = arith.constant 0 : index
        %swap3A_271 = vector.load %arg10[%swap3A, %swap3A_270] : memref<16x128xf32, #tpu.memory_space<vmem>>, vector<1x128xf32>
        tpu.vector_store %arg10[%swap3A, %swap3A_270], %max3A_269 {strides = array<i32>} : memref<16x128xf32, #tpu.memory_space<vmem>>, vector<1x128xf32>,
      } else {
      }
      %le3A_168 = arith.constant 5 : i32
      %le3A_169 = arith.cmpi sle, %select_n3A_105, %le3A_168 : i32
      %ge3A_170 = arith.constant 5 : i32
      %ge3A_171 = arith.cmpi sge, %select_n3A_129, %ge3A_170 : i32
      %and3A_172 = arith.andi %le3A_169, %ge3A_171 : i1
      %convert_element_type3A_173 = arith.extui %and3A_172 : i1 to i32
      %cond3A_174 = arith.constant 0 : i32
      %cond3A_175 = arith.cmpi ne, %convert_element_type3A_173, %cond3A_174 : i32
      scf.if %cond3A_175 {
        %add3A_256 = arith.constant 20 : i32
        %add3A_257 = vector.broadcast %add3A_256 : i32 to vector<1x128xi32>
        %add3A_258 = arith.addi %add3A_257, %select_n3A_68 : vector<1x128xi32>
        %eq3A_259 = vector.broadcast %get3A_35 : vector<512x1xi32> to vector<512x128xi32>
        %eq3A_260 = vector.broadcast %add3A_258 : vector<1x128xi32> to vector<512x128xi32>
        %eq3A_261 = arith.cmpi eq, %eq3A_259, %eq3A_260 : vector<512x128xi32>
        %jit3A_262 = arith.constant -1.000000e+30 : f32
        %broadcast_in_dim3A = vector.broadcast %jit3A_262 : f32 to vector<512x128xf32>
        %select_n3A_263 = arith.select %eq3A_261, %concatenate3A, %broadcast_in_dim3A : vector<512x128xi1>, vector<512x128xf32>
        %reduce_max3A = arith.constant dense<0xFF800000> : vector<128xf32>
        %reduce_max3A_264 = vector.multi_reduction <maximumf>, %select_n3A_263, %reduce_max3A [0] : vector<512x128xf32> to vector<128xf32>
        %broadcast_in_dim3A_265 = vector.shape_cast %reduce_max3A_264 : vector<128xf32> to vector<1x128xf32>
        %get3A_266 = arith.constant 5 : index
        %get3A_267 = arith.constant 0 : index
        %get3A_268 = vector.load %arg10[%get3A_266, %get3A_267] : memref<16x128xf32, #tpu.memory_space<vmem>>, vector<1x128xf32>
        %max3A_269 = arith.maximumf %get3A_268, %broadcast_in_dim3A_265 : vector<1x128xf32>
        %swap3A = arith.constant 5 : index
        %swap3A_270 = arith.constant 0 : index
        %swap3A_271 = vector.load %arg10[%swap3A, %swap3A_270] : memref<16x128xf32, #tpu.memory_space<vmem>>, vector<1x128xf32>
        tpu.vector_store %arg10[%swap3A, %swap3A_270], %max3A_269 {strides = array<i32>} : memref<16x128xf32, #tpu.memory_space<vmem>>, vector<1x128xf32>,
      } else {
      }
      %le3A_176 = arith.constant 6 : i32
      %le3A_177 = arith.cmpi sle, %select_n3A_105, %le3A_176 : i32
      %ge3A_178 = arith.constant 6 : i32
      %ge3A_179 = arith.cmpi sge, %select_n3A_129, %ge3A_178 : i32
      %and3A_180 = arith.andi %le3A_177, %ge3A_179 : i1
      %convert_element_type3A_181 = arith.extui %and3A_180 : i1 to i32
      %cond3A_182 = arith.constant 0 : i32
      %cond3A_183 = arith.cmpi ne, %convert_element_type3A_181, %cond3A_182 : i32
      scf.if %cond3A_183 {
        %add3A_256 = arith.constant 24 : i32
        %add3A_257 = vector.broadcast %add3A_256 : i32 to vector<1x128xi32>
        %add3A_258 = arith.addi %add3A_257, %select_n3A_68 : vector<1x128xi32>
        %eq3A_259 = vector.broadcast %get3A_35 : vector<512x1xi32> to vector<512x128xi32>
        %eq3A_260 = vector.broadcast %add3A_258 : vector<1x128xi32> to vector<512x128xi32>
        %eq3A_261 = arith.cmpi eq, %eq3A_259, %eq3A_260 : vector<512x128xi32>
        %jit3A_262 = arith.constant -1.000000e+30 : f32
        %broadcast_in_dim3A = vector.broadcast %jit3A_262 : f32 to vector<512x128xf32>
        %select_n3A_263 = arith.select %eq3A_261, %concatenate3A, %broadcast_in_dim3A : vector<512x128xi1>, vector<512x128xf32>
        %reduce_max3A = arith.constant dense<0xFF800000> : vector<128xf32>
        %reduce_max3A_264 = vector.multi_reduction <maximumf>, %select_n3A_263, %reduce_max3A [0] : vector<512x128xf32> to vector<128xf32>
        %broadcast_in_dim3A_265 = vector.shape_cast %reduce_max3A_264 : vector<128xf32> to vector<1x128xf32>
        %get3A_266 = arith.constant 6 : index
        %get3A_267 = arith.constant 0 : index
        %get3A_268 = vector.load %arg10[%get3A_266, %get3A_267] : memref<16x128xf32, #tpu.memory_space<vmem>>, vector<1x128xf32>
        %max3A_269 = arith.maximumf %get3A_268, %broadcast_in_dim3A_265 : vector<1x128xf32>
        %swap3A = arith.constant 6 : index
        %swap3A_270 = arith.constant 0 : index
        %swap3A_271 = vector.load %arg10[%swap3A, %swap3A_270] : memref<16x128xf32, #tpu.memory_space<vmem>>, vector<1x128xf32>
        tpu.vector_store %arg10[%swap3A, %swap3A_270], %max3A_269 {strides = array<i32>} : memref<16x128xf32, #tpu.memory_space<vmem>>, vector<1x128xf32>,
      } else {
      }
      %le3A_184 = arith.constant 7 : i32
      %le3A_185 = arith.cmpi sle, %select_n3A_105, %le3A_184 : i32
      %ge3A_186 = arith.constant 7 : i32
      %ge3A_187 = arith.cmpi sge, %select_n3A_129, %ge3A_186 : i32
      %and3A_188 = arith.andi %le3A_185, %ge3A_187 : i1
      %convert_element_type3A_189 = arith.extui %and3A_188 : i1 to i32
      %cond3A_190 = arith.constant 0 : i32
      %cond3A_191 = arith.cmpi ne, %convert_element_type3A_189, %cond3A_190 : i32
      scf.if %cond3A_191 {
        %add3A_256 = arith.constant 28 : i32
        %add3A_257 = vector.broadcast %add3A_256 : i32 to vector<1x128xi32>
        %add3A_258 = arith.addi %add3A_257, %select_n3A_68 : vector<1x128xi32>
        %eq3A_259 = vector.broadcast %get3A_35 : vector<512x1xi32> to vector<512x128xi32>
        %eq3A_260 = vector.broadcast %add3A_258 : vector<1x128xi32> to vector<512x128xi32>
        %eq3A_261 = arith.cmpi eq, %eq3A_259, %eq3A_260 : vector<512x128xi32>
        %jit3A_262 = arith.constant -1.000000e+30 : f32
        %broadcast_in_dim3A = vector.broadcast %jit3A_262 : f32 to vector<512x128xf32>
        %select_n3A_263 = arith.select %eq3A_261, %concatenate3A, %broadcast_in_dim3A : vector<512x128xi1>, vector<512x128xf32>
        %reduce_max3A = arith.constant dense<0xFF800000> : vector<128xf32>
        %reduce_max3A_264 = vector.multi_reduction <maximumf>, %select_n3A_263, %reduce_max3A [0] : vector<512x128xf32> to vector<128xf32>
        %broadcast_in_dim3A_265 = vector.shape_cast %reduce_max3A_264 : vector<128xf32> to vector<1x128xf32>
        %get3A_266 = arith.constant 7 : index
        %get3A_267 = arith.constant 0 : index
        %get3A_268 = vector.load %arg10[%get3A_266, %get3A_267] : memref<16x128xf32, #tpu.memory_space<vmem>>, vector<1x128xf32>
        %max3A_269 = arith.maximumf %get3A_268, %broadcast_in_dim3A_265 : vector<1x128xf32>
        %swap3A = arith.constant 7 : index
        %swap3A_270 = arith.constant 0 : index
        %swap3A_271 = vector.load %arg10[%swap3A, %swap3A_270] : memref<16x128xf32, #tpu.memory_space<vmem>>, vector<1x128xf32>
        tpu.vector_store %arg10[%swap3A, %swap3A_270], %max3A_269 {strides = array<i32>} : memref<16x128xf32, #tpu.memory_space<vmem>>, vector<1x128xf32>,
      } else {
      }
      %le3A_192 = arith.constant 8 : i32
      %le3A_193 = arith.cmpi sle, %select_n3A_105, %le3A_192 : i32
      %ge3A_194 = arith.constant 8 : i32
      %ge3A_195 = arith.cmpi sge, %select_n3A_129, %ge3A_194 : i32
      %and3A_196 = arith.andi %le3A_193, %ge3A_195 : i1
      %convert_element_type3A_197 = arith.extui %and3A_196 : i1 to i32
      %cond3A_198 = arith.constant 0 : i32
      %cond3A_199 = arith.cmpi ne, %convert_element_type3A_197, %cond3A_198 : i32
      scf.if %cond3A_199 {
        %add3A_256 = arith.constant 32 : i32
        %add3A_257 = vector.broadcast %add3A_256 : i32 to vector<1x128xi32>
        %add3A_258 = arith.addi %add3A_257, %select_n3A_68 : vector<1x128xi32>
        %eq3A_259 = vector.broadcast %get3A_35 : vector<512x1xi32> to vector<512x128xi32>
        %eq3A_260 = vector.broadcast %add3A_258 : vector<1x128xi32> to vector<512x128xi32>
        %eq3A_261 = arith.cmpi eq, %eq3A_259, %eq3A_260 : vector<512x128xi32>
        %jit3A_262 = arith.constant -1.000000e+30 : f32
        %broadcast_in_dim3A = vector.broadcast %jit3A_262 : f32 to vector<512x128xf32>
        %select_n3A_263 = arith.select %eq3A_261, %concatenate3A, %broadcast_in_dim3A : vector<512x128xi1>, vector<512x128xf32>
        %reduce_max3A = arith.constant dense<0xFF800000> : vector<128xf32>
        %reduce_max3A_264 = vector.multi_reduction <maximumf>, %select_n3A_263, %reduce_max3A [0] : vector<512x128xf32> to vector<128xf32>
        %broadcast_in_dim3A_265 = vector.shape_cast %reduce_max3A_264 : vector<128xf32> to vector<1x128xf32>
        %get3A_266 = arith.constant 8 : index
        %get3A_267 = arith.constant 0 : index
        %get3A_268 = vector.load %arg10[%get3A_266, %get3A_267] : memref<16x128xf32, #tpu.memory_space<vmem>>, vector<1x128xf32>
        %max3A_269 = arith.maximumf %get3A_268, %broadcast_in_dim3A_265 : vector<1x128xf32>
        %swap3A = arith.constant 8 : index
        %swap3A_270 = arith.constant 0 : index
        %swap3A_271 = vector.load %arg10[%swap3A, %swap3A_270] : memref<16x128xf32, #tpu.memory_space<vmem>>, vector<1x128xf32>
        tpu.vector_store %arg10[%swap3A, %swap3A_270], %max3A_269 {strides = array<i32>} : memref<16x128xf32, #tpu.memory_space<vmem>>, vector<1x128xf32>,
      } else {
      }
      %le3A_200 = arith.constant 9 : i32
      %le3A_201 = arith.cmpi sle, %select_n3A_105, %le3A_200 : i32
      %ge3A_202 = arith.constant 9 : i32
      %ge3A_203 = arith.cmpi sge, %select_n3A_129, %ge3A_202 : i32
      %and3A_204 = arith.andi %le3A_201, %ge3A_203 : i1
      %convert_element_type3A_205 = arith.extui %and3A_204 : i1 to i32
      %cond3A_206 = arith.constant 0 : i32
      %cond3A_207 = arith.cmpi ne, %convert_element_type3A_205, %cond3A_206 : i32
      scf.if %cond3A_207 {
        %add3A_256 = arith.constant 36 : i32
        %add3A_257 = vector.broadcast %add3A_256 : i32 to vector<1x128xi32>
        %add3A_258 = arith.addi %add3A_257, %select_n3A_68 : vector<1x128xi32>
        %eq3A_259 = vector.broadcast %get3A_35 : vector<512x1xi32> to vector<512x128xi32>
        %eq3A_260 = vector.broadcast %add3A_258 : vector<1x128xi32> to vector<512x128xi32>
        %eq3A_261 = arith.cmpi eq, %eq3A_259, %eq3A_260 : vector<512x128xi32>
        %jit3A_262 = arith.constant -1.000000e+30 : f32
        %broadcast_in_dim3A = vector.broadcast %jit3A_262 : f32 to vector<512x128xf32>
        %select_n3A_263 = arith.select %eq3A_261, %concatenate3A, %broadcast_in_dim3A : vector<512x128xi1>, vector<512x128xf32>
        %reduce_max3A = arith.constant dense<0xFF800000> : vector<128xf32>
        %reduce_max3A_264 = vector.multi_reduction <maximumf>, %select_n3A_263, %reduce_max3A [0] : vector<512x128xf32> to vector<128xf32>
        %broadcast_in_dim3A_265 = vector.shape_cast %reduce_max3A_264 : vector<128xf32> to vector<1x128xf32>
        %get3A_266 = arith.constant 9 : index
        %get3A_267 = arith.constant 0 : index
        %get3A_268 = vector.load %arg10[%get3A_266, %get3A_267] : memref<16x128xf32, #tpu.memory_space<vmem>>, vector<1x128xf32>
        %max3A_269 = arith.maximumf %get3A_268, %broadcast_in_dim3A_265 : vector<1x128xf32>
        %swap3A = arith.constant 9 : index
        %swap3A_270 = arith.constant 0 : index
        %swap3A_271 = vector.load %arg10[%swap3A, %swap3A_270] : memref<16x128xf32, #tpu.memory_space<vmem>>, vector<1x128xf32>
        tpu.vector_store %arg10[%swap3A, %swap3A_270], %max3A_269 {strides = array<i32>} : memref<16x128xf32, #tpu.memory_space<vmem>>, vector<1x128xf32>,
      } else {
      }
      %le3A_208 = arith.constant 10 : i32
      %le3A_209 = arith.cmpi sle, %select_n3A_105, %le3A_208 : i32
      %ge3A_210 = arith.constant 10 : i32
      %ge3A_211 = arith.cmpi sge, %select_n3A_129, %ge3A_210 : i32
      %and3A_212 = arith.andi %le3A_209, %ge3A_211 : i1
      %convert_element_type3A_213 = arith.extui %and3A_212 : i1 to i32
      %cond3A_214 = arith.constant 0 : i32
      %cond3A_215 = arith.cmpi ne, %convert_element_type3A_213, %cond3A_214 : i32
      scf.if %cond3A_215 {
        %add3A_256 = arith.constant 40 : i32
        %add3A_257 = vector.broadcast %add3A_256 : i32 to vector<1x128xi32>
        %add3A_258 = arith.addi %add3A_257, %select_n3A_68 : vector<1x128xi32>
        %eq3A_259 = vector.broadcast %get3A_35 : vector<512x1xi32> to vector<512x128xi32>
        %eq3A_260 = vector.broadcast %add3A_258 : vector<1x128xi32> to vector<512x128xi32>
        %eq3A_261 = arith.cmpi eq, %eq3A_259, %eq3A_260 : vector<512x128xi32>
        %jit3A_262 = arith.constant -1.000000e+30 : f32
        %broadcast_in_dim3A = vector.broadcast %jit3A_262 : f32 to vector<512x128xf32>
        %select_n3A_263 = arith.select %eq3A_261, %concatenate3A, %broadcast_in_dim3A : vector<512x128xi1>, vector<512x128xf32>
        %reduce_max3A = arith.constant dense<0xFF800000> : vector<128xf32>
        %reduce_max3A_264 = vector.multi_reduction <maximumf>, %select_n3A_263, %reduce_max3A [0] : vector<512x128xf32> to vector<128xf32>
        %broadcast_in_dim3A_265 = vector.shape_cast %reduce_max3A_264 : vector<128xf32> to vector<1x128xf32>
        %get3A_266 = arith.constant 10 : index
        %get3A_267 = arith.constant 0 : index
        %get3A_268 = vector.load %arg10[%get3A_266, %get3A_267] : memref<16x128xf32, #tpu.memory_space<vmem>>, vector<1x128xf32>
        %max3A_269 = arith.maximumf %get3A_268, %broadcast_in_dim3A_265 : vector<1x128xf32>
        %swap3A = arith.constant 10 : index
        %swap3A_270 = arith.constant 0 : index
        %swap3A_271 = vector.load %arg10[%swap3A, %swap3A_270] : memref<16x128xf32, #tpu.memory_space<vmem>>, vector<1x128xf32>
        tpu.vector_store %arg10[%swap3A, %swap3A_270], %max3A_269 {strides = array<i32>} : memref<16x128xf32, #tpu.memory_space<vmem>>, vector<1x128xf32>,
      } else {
      }
      %le3A_216 = arith.constant 11 : i32
      %le3A_217 = arith.cmpi sle, %select_n3A_105, %le3A_216 : i32
      %ge3A_218 = arith.constant 11 : i32
      %ge3A_219 = arith.cmpi sge, %select_n3A_129, %ge3A_218 : i32
      %and3A_220 = arith.andi %le3A_217, %ge3A_219 : i1
      %convert_element_type3A_221 = arith.extui %and3A_220 : i1 to i32
      %cond3A_222 = arith.constant 0 : i32
      %cond3A_223 = arith.cmpi ne, %convert_element_type3A_221, %cond3A_222 : i32
      scf.if %cond3A_223 {
        %add3A_256 = arith.constant 44 : i32
        %add3A_257 = vector.broadcast %add3A_256 : i32 to vector<1x128xi32>
        %add3A_258 = arith.addi %add3A_257, %select_n3A_68 : vector<1x128xi32>
        %eq3A_259 = vector.broadcast %get3A_35 : vector<512x1xi32> to vector<512x128xi32>
        %eq3A_260 = vector.broadcast %add3A_258 : vector<1x128xi32> to vector<512x128xi32>
        %eq3A_261 = arith.cmpi eq, %eq3A_259, %eq3A_260 : vector<512x128xi32>
        %jit3A_262 = arith.constant -1.000000e+30 : f32
        %broadcast_in_dim3A = vector.broadcast %jit3A_262 : f32 to vector<512x128xf32>
        %select_n3A_263 = arith.select %eq3A_261, %concatenate3A, %broadcast_in_dim3A : vector<512x128xi1>, vector<512x128xf32>
        %reduce_max3A = arith.constant dense<0xFF800000> : vector<128xf32>
        %reduce_max3A_264 = vector.multi_reduction <maximumf>, %select_n3A_263, %reduce_max3A [0] : vector<512x128xf32> to vector<128xf32>
        %broadcast_in_dim3A_265 = vector.shape_cast %reduce_max3A_264 : vector<128xf32> to vector<1x128xf32>
        %get3A_266 = arith.constant 11 : index
        %get3A_267 = arith.constant 0 : index
        %get3A_268 = vector.load %arg10[%get3A_266, %get3A_267] : memref<16x128xf32, #tpu.memory_space<vmem>>, vector<1x128xf32>
        %max3A_269 = arith.maximumf %get3A_268, %broadcast_in_dim3A_265 : vector<1x128xf32>
        %swap3A = arith.constant 11 : index
        %swap3A_270 = arith.constant 0 : index
        %swap3A_271 = vector.load %arg10[%swap3A, %swap3A_270] : memref<16x128xf32, #tpu.memory_space<vmem>>, vector<1x128xf32>
        tpu.vector_store %arg10[%swap3A, %swap3A_270], %max3A_269 {strides = array<i32>} : memref<16x128xf32, #tpu.memory_space<vmem>>, vector<1x128xf32>,
      } else {
      }
      %le3A_224 = arith.constant 12 : i32
      %le3A_225 = arith.cmpi sle, %select_n3A_105, %le3A_224 : i32
      %ge3A_226 = arith.constant 12 : i32
      %ge3A_227 = arith.cmpi sge, %select_n3A_129, %ge3A_226 : i32
      %and3A_228 = arith.andi %le3A_225, %ge3A_227 : i1
      %convert_element_type3A_229 = arith.extui %and3A_228 : i1 to i32
      %cond3A_230 = arith.constant 0 : i32
      %cond3A_231 = arith.cmpi ne, %convert_element_type3A_229, %cond3A_230 : i32
      scf.if %cond3A_231 {
        %add3A_256 = arith.constant 48 : i32
        %add3A_257 = vector.broadcast %add3A_256 : i32 to vector<1x128xi32>
        %add3A_258 = arith.addi %add3A_257, %select_n3A_68 : vector<1x128xi32>
        %eq3A_259 = vector.broadcast %get3A_35 : vector<512x1xi32> to vector<512x128xi32>
        %eq3A_260 = vector.broadcast %add3A_258 : vector<1x128xi32> to vector<512x128xi32>
        %eq3A_261 = arith.cmpi eq, %eq3A_259, %eq3A_260 : vector<512x128xi32>
        %jit3A_262 = arith.constant -1.000000e+30 : f32
        %broadcast_in_dim3A = vector.broadcast %jit3A_262 : f32 to vector<512x128xf32>
        %select_n3A_263 = arith.select %eq3A_261, %concatenate3A, %broadcast_in_dim3A : vector<512x128xi1>, vector<512x128xf32>
        %reduce_max3A = arith.constant dense<0xFF800000> : vector<128xf32>
        %reduce_max3A_264 = vector.multi_reduction <maximumf>, %select_n3A_263, %reduce_max3A [0] : vector<512x128xf32> to vector<128xf32>
        %broadcast_in_dim3A_265 = vector.shape_cast %reduce_max3A_264 : vector<128xf32> to vector<1x128xf32>
        %get3A_266 = arith.constant 12 : index
        %get3A_267 = arith.constant 0 : index
        %get3A_268 = vector.load %arg10[%get3A_266, %get3A_267] : memref<16x128xf32, #tpu.memory_space<vmem>>, vector<1x128xf32>
        %max3A_269 = arith.maximumf %get3A_268, %broadcast_in_dim3A_265 : vector<1x128xf32>
        %swap3A = arith.constant 12 : index
        %swap3A_270 = arith.constant 0 : index
        %swap3A_271 = vector.load %arg10[%swap3A, %swap3A_270] : memref<16x128xf32, #tpu.memory_space<vmem>>, vector<1x128xf32>
        tpu.vector_store %arg10[%swap3A, %swap3A_270], %max3A_269 {strides = array<i32>} : memref<16x128xf32, #tpu.memory_space<vmem>>, vector<1x128xf32>,
      } else {
      }
      %le3A_232 = arith.constant 13 : i32
      %le3A_233 = arith.cmpi sle, %select_n3A_105, %le3A_232 : i32
      %ge3A_234 = arith.constant 13 : i32
      %ge3A_235 = arith.cmpi sge, %select_n3A_129, %ge3A_234 : i32
      %and3A_236 = arith.andi %le3A_233, %ge3A_235 : i1
      %convert_element_type3A_237 = arith.extui %and3A_236 : i1 to i32
      %cond3A_238 = arith.constant 0 : i32
      %cond3A_239 = arith.cmpi ne, %convert_element_type3A_237, %cond3A_238 : i32
      scf.if %cond3A_239 {
        %add3A_256 = arith.constant 52 : i32
        %add3A_257 = vector.broadcast %add3A_256 : i32 to vector<1x128xi32>
        %add3A_258 = arith.addi %add3A_257, %select_n3A_68 : vector<1x128xi32>
        %eq3A_259 = vector.broadcast %get3A_35 : vector<512x1xi32> to vector<512x128xi32>
        %eq3A_260 = vector.broadcast %add3A_258 : vector<1x128xi32> to vector<512x128xi32>
        %eq3A_261 = arith.cmpi eq, %eq3A_259, %eq3A_260 : vector<512x128xi32>
        %jit3A_262 = arith.constant -1.000000e+30 : f32
        %broadcast_in_dim3A = vector.broadcast %jit3A_262 : f32 to vector<512x128xf32>
        %select_n3A_263 = arith.select %eq3A_261, %concatenate3A, %broadcast_in_dim3A : vector<512x128xi1>, vector<512x128xf32>
        %reduce_max3A = arith.constant dense<0xFF800000> : vector<128xf32>
        %reduce_max3A_264 = vector.multi_reduction <maximumf>, %select_n3A_263, %reduce_max3A [0] : vector<512x128xf32> to vector<128xf32>
        %broadcast_in_dim3A_265 = vector.shape_cast %reduce_max3A_264 : vector<128xf32> to vector<1x128xf32>
        %get3A_266 = arith.constant 13 : index
        %get3A_267 = arith.constant 0 : index
        %get3A_268 = vector.load %arg10[%get3A_266, %get3A_267] : memref<16x128xf32, #tpu.memory_space<vmem>>, vector<1x128xf32>
        %max3A_269 = arith.maximumf %get3A_268, %broadcast_in_dim3A_265 : vector<1x128xf32>
        %swap3A = arith.constant 13 : index
        %swap3A_270 = arith.constant 0 : index
        %swap3A_271 = vector.load %arg10[%swap3A, %swap3A_270] : memref<16x128xf32, #tpu.memory_space<vmem>>, vector<1x128xf32>
        tpu.vector_store %arg10[%swap3A, %swap3A_270], %max3A_269 {strides = array<i32>} : memref<16x128xf32, #tpu.memory_space<vmem>>, vector<1x128xf32>,
      } else {
      }
      %le3A_240 = arith.constant 14 : i32
      %le3A_241 = arith.cmpi sle, %select_n3A_105, %le3A_240 : i32
      %ge3A_242 = arith.constant 14 : i32
      %ge3A_243 = arith.cmpi sge, %select_n3A_129, %ge3A_242 : i32
      %and3A_244 = arith.andi %le3A_241, %ge3A_243 : i1
      %convert_element_type3A_245 = arith.extui %and3A_244 : i1 to i32
      %cond3A_246 = arith.constant 0 : i32
      %cond3A_247 = arith.cmpi ne, %convert_element_type3A_245, %cond3A_246 : i32
      scf.if %cond3A_247 {
        %add3A_256 = arith.constant 56 : i32
        %add3A_257 = vector.broadcast %add3A_256 : i32 to vector<1x128xi32>
        %add3A_258 = arith.addi %add3A_257, %select_n3A_68 : vector<1x128xi32>
        %eq3A_259 = vector.broadcast %get3A_35 : vector<512x1xi32> to vector<512x128xi32>
        %eq3A_260 = vector.broadcast %add3A_258 : vector<1x128xi32> to vector<512x128xi32>
        %eq3A_261 = arith.cmpi eq, %eq3A_259, %eq3A_260 : vector<512x128xi32>
        %jit3A_262 = arith.constant -1.000000e+30 : f32
        %broadcast_in_dim3A = vector.broadcast %jit3A_262 : f32 to vector<512x128xf32>
        %select_n3A_263 = arith.select %eq3A_261, %concatenate3A, %broadcast_in_dim3A : vector<512x128xi1>, vector<512x128xf32>
        %reduce_max3A = arith.constant dense<0xFF800000> : vector<128xf32>
        %reduce_max3A_264 = vector.multi_reduction <maximumf>, %select_n3A_263, %reduce_max3A [0] : vector<512x128xf32> to vector<128xf32>
        %broadcast_in_dim3A_265 = vector.shape_cast %reduce_max3A_264 : vector<128xf32> to vector<1x128xf32>
        %get3A_266 = arith.constant 14 : index
        %get3A_267 = arith.constant 0 : index
        %get3A_268 = vector.load %arg10[%get3A_266, %get3A_267] : memref<16x128xf32, #tpu.memory_space<vmem>>, vector<1x128xf32>
        %max3A_269 = arith.maximumf %get3A_268, %broadcast_in_dim3A_265 : vector<1x128xf32>
        %swap3A = arith.constant 14 : index
        %swap3A_270 = arith.constant 0 : index
        %swap3A_271 = vector.load %arg10[%swap3A, %swap3A_270] : memref<16x128xf32, #tpu.memory_space<vmem>>, vector<1x128xf32>
        tpu.vector_store %arg10[%swap3A, %swap3A_270], %max3A_269 {strides = array<i32>} : memref<16x128xf32, #tpu.memory_space<vmem>>, vector<1x128xf32>,
      } else {
      }
      %le3A_248 = arith.constant 15 : i32
      %le3A_249 = arith.cmpi sle, %select_n3A_105, %le3A_248 : i32
      %ge3A_250 = arith.constant 15 : i32
      %ge3A_251 = arith.cmpi sge, %select_n3A_129, %ge3A_250 : i32
      %and3A_252 = arith.andi %le3A_249, %ge3A_251 : i1
      %convert_element_type3A_253 = arith.extui %and3A_252 : i1 to i32
      %cond3A_254 = arith.constant 0 : i32
      %cond3A_255 = arith.cmpi ne, %convert_element_type3A_253, %cond3A_254 : i32
      scf.if %cond3A_255 {
        %add3A_256 = arith.constant 60 : i32
        %add3A_257 = vector.broadcast %add3A_256 : i32 to vector<1x128xi32>
        %add3A_258 = arith.addi %add3A_257, %select_n3A_68 : vector<1x128xi32>
        %eq3A_259 = vector.broadcast %get3A_35 : vector<512x1xi32> to vector<512x128xi32>
        %eq3A_260 = vector.broadcast %add3A_258 : vector<1x128xi32> to vector<512x128xi32>
        %eq3A_261 = arith.cmpi eq, %eq3A_259, %eq3A_260 : vector<512x128xi32>
        %jit3A_262 = arith.constant -1.000000e+30 : f32
        %broadcast_in_dim3A = vector.broadcast %jit3A_262 : f32 to vector<512x128xf32>
        %select_n3A_263 = arith.select %eq3A_261, %concatenate3A, %broadcast_in_dim3A : vector<512x128xi1>, vector<512x128xf32>
        %reduce_max3A = arith.constant dense<0xFF800000> : vector<128xf32>
        %reduce_max3A_264 = vector.multi_reduction <maximumf>, %select_n3A_263, %reduce_max3A [0] : vector<512x128xf32> to vector<128xf32>
        %broadcast_in_dim3A_265 = vector.shape_cast %reduce_max3A_264 : vector<128xf32> to vector<1x128xf32>
        %get3A_266 = arith.constant 15 : index
        %get3A_267 = arith.constant 0 : index
        %get3A_268 = vector.load %arg10[%get3A_266, %get3A_267] : memref<16x128xf32, #tpu.memory_space<vmem>>, vector<1x128xf32>
        %max3A_269 = arith.maximumf %get3A_268, %broadcast_in_dim3A_265 : vector<1x128xf32>
        %swap3A = arith.constant 15 : index
        %swap3A_270 = arith.constant 0 : index
        %swap3A_271 = vector.load %arg10[%swap3A, %swap3A_270] : memref<16x128xf32, #tpu.memory_space<vmem>>, vector<1x128xf32>
        tpu.vector_store %arg10[%swap3A, %swap3A_270], %max3A_269 {strides = array<i32>} : memref<16x128xf32, #tpu.memory_space<vmem>>, vector<1x128xf32>,
      } else {
      }
    } else {
    }
    %eq3A_77 = arith.constant 97 : i32
    %eq3A_78 = arith.cmpi eq, %arg0, %eq3A_77 : i32
    %convert_element_type3A_79 = arith.extui %eq3A_78 : i1 to i32
    %cond3A_80 = arith.constant 0 : i32
    %cond3A_81 = arith.cmpi ne, %convert_element_type3A_79, %cond3A_80 : i32
    scf.if %cond3A_81 {
      %get3A_82 = arith.constant 0 : index
      %get3A_83 = arith.constant 0 : index
      %get3A_84 = vector.load %arg5[%get3A_82, %get3A_83] : memref<32x32xf32, #tpu.memory_space<vmem>>, vector<32x32xf32>
      %concatenate3A = tpu.concatenate %get3A_84, %get3A_84, %get3A_84, %get3A_84 in 1 : vector<32x32xf32>, vector<32x32xf32>, vector<32x32xf32>, vector<32x32xf32> -> vector<32x128xf32>
      %concatenate3A_85 = tpu.concatenate %concatenate3A, %concatenate3A, %concatenate3A, %concatenate3A in 0 : vector<32x128xf32>, vector<32x128xf32>, vector<32x128xf32>, vector<32x128xf32> -> vector<128x128xf32>
      %iota3A_86 = tpu.iota {dimensions = array<i32: 0>} : vector<128x128xi32>
      %jit3A_87 = arith.constant 32 : i32
      %div3A_88 = vector.broadcast %jit3A_87 : i32 to vector<128x128xi32>
      %div3A_89 = arith.divsi %iota3A_86, %div3A_88 : vector<128x128xi32>
      %sign3A_90 = arith.constant 0 : i32
      %sign3A_91 = vector.broadcast %sign3A_90 : i32 to vector<128x128xi32>
      %sign3A_92 = arith.cmpi sgt, %iota3A_86, %sign3A_91 : vector<128x128xi32>
      %sign3A_93 = arith.extui %sign3A_92 : vector<128x128xi1> to vector<128x128xi32>
      %sign3A_94 = arith.constant 0 : i32
      %sign3A_95 = vector.broadcast %sign3A_94 : i32 to vector<128x128xi32>
      %sign3A_96 = arith.cmpi slt, %iota3A_86, %sign3A_95 : vector<128x128xi32>
      %sign3A_97 = arith.extui %sign3A_96 : vector<128x128xi1> to vector<128x128xi32>
      %sign3A_98 = arith.subi %sign3A_93, %sign3A_97 : vector<128x128xi32>
      %sign3A_99 = arith.constant 0 : i32
      %sign3A_100 = arith.cmpi sgt, %jit3A_87, %sign3A_99 : i32
      %sign3A_101 = arith.extui %sign3A_100 : i1 to i32
      %sign3A_102 = arith.constant 0 : i32
      %sign3A_103 = arith.cmpi slt, %jit3A_87, %sign3A_102 : i32
      %sign3A_104 = arith.extui %sign3A_103 : i1 to i32
      %sign3A_105 = arith.subi %sign3A_101, %sign3A_104 : i32
      %ne3A_106 = vector.broadcast %sign3A_105 : i32 to vector<128x128xi32>
      %ne3A_107 = arith.cmpi ne, %sign3A_98, %ne3A_106 : vector<128x128xi32>
      %rem3A_108 = vector.broadcast %jit3A_87 : i32 to vector<128x128xi32>
      %rem3A_109 = arith.remsi %iota3A_86, %rem3A_108 : vector<128x128xi32>
      %ne3A_110 = arith.constant 0 : i32
      %ne3A_111 = vector.broadcast %ne3A_110 : i32 to vector<128x128xi32>
      %ne3A_112 = arith.cmpi ne, %rem3A_109, %ne3A_111 : vector<128x128xi32>
      %and3A_113 = arith.andi %ne3A_107, %ne3A_112 : vector<128x128xi1>
      %sub3A_114 = arith.constant 1 : i32
      %sub3A_115 = vector.broadcast %sub3A_114 : i32 to vector<128x128xi32>
      %sub3A_116 = arith.subi %div3A_89, %sub3A_115 : vector<128x128xi32>
      %select_n3A_117 = arith.select %and3A_113, %sub3A_116, %div3A_89 : vector<128x128xi1>, vector<128x128xi32>
      %iota3A_118 = tpu.iota {dimensions = array<i32: 1>} : vector<128x128xi32>
      %jit3A_119 = arith.constant 32 : i32
      %div3A_120 = vector.broadcast %jit3A_119 : i32 to vector<128x128xi32>
      %div3A_121 = arith.divsi %iota3A_118, %div3A_120 : vector<128x128xi32>
      %sign3A_122 = arith.constant 0 : i32
      %sign3A_123 = vector.broadcast %sign3A_122 : i32 to vector<128x128xi32>
      %sign3A_124 = arith.cmpi sgt, %iota3A_118, %sign3A_123 : vector<128x128xi32>
      %sign3A_125 = arith.extui %sign3A_124 : vector<128x128xi1> to vector<128x128xi32>
      %sign3A_126 = arith.constant 0 : i32
      %sign3A_127 = vector.broadcast %sign3A_126 : i32 to vector<128x128xi32>
      %sign3A_128 = arith.cmpi slt, %iota3A_118, %sign3A_127 : vector<128x128xi32>
      %sign3A_129 = arith.extui %sign3A_128 : vector<128x128xi1> to vector<128x128xi32>
      %sign3A_130 = arith.subi %sign3A_125, %sign3A_129 : vector<128x128xi32>
      %sign3A_131 = arith.constant 0 : i32
      %sign3A_132 = arith.cmpi sgt, %jit3A_119, %sign3A_131 : i32
      %sign3A_133 = arith.extui %sign3A_132 : i1 to i32
      %sign3A_134 = arith.constant 0 : i32
      %sign3A_135 = arith.cmpi slt, %jit3A_119, %sign3A_134 : i32
      %sign3A_136 = arith.extui %sign3A_135 : i1 to i32
      %sign3A_137 = arith.subi %sign3A_133, %sign3A_136 : i32
      %ne3A_138 = vector.broadcast %sign3A_137 : i32 to vector<128x128xi32>
      %ne3A_139 = arith.cmpi ne, %sign3A_130, %ne3A_138 : vector<128x128xi32>
      %rem3A_140 = vector.broadcast %jit3A_119 : i32 to vector<128x128xi32>
      %rem3A_141 = arith.remsi %iota3A_118, %rem3A_140 : vector<128x128xi32>
      %ne3A_142 = arith.constant 0 : i32
      %ne3A_143 = vector.broadcast %ne3A_142 : i32 to vector<128x128xi32>
      %ne3A_144 = arith.cmpi ne, %rem3A_141, %ne3A_143 : vector<128x128xi32>
      %and3A_145 = arith.andi %ne3A_139, %ne3A_144 : vector<128x128xi1>
      %sub3A_146 = arith.constant 1 : i32
      %sub3A_147 = vector.broadcast %sub3A_146 : i32 to vector<128x128xi32>
      %sub3A_148 = arith.subi %div3A_121, %sub3A_147 : vector<128x128xi32>
      %select_n3A_149 = arith.select %and3A_145, %sub3A_148, %div3A_121 : vector<128x128xi1>, vector<128x128xi32>
      %eq3A_150 = arith.cmpi eq, %select_n3A_117, %select_n3A_149 : vector<128x128xi32>
      %jit3A_151 = arith.constant 0.000000e+00 : f32
      %broadcast_in_dim3A = vector.broadcast %jit3A_151 : f32 to vector<128x128xf32>
      %select_n3A_152 = arith.select %eq3A_150, %concatenate3A_85, %broadcast_in_dim3A : vector<128x128xi1>, vector<128x128xf32>
      %get3A_153 = arith.constant 0 : index
      %get3A_154 = arith.constant 0 : index
      %get3A_155 = vector.load %arg7[%get3A_153, %get3A_154] : memref<32x10xf32, #tpu.memory_space<vmem>>, vector<32x10xf32>
      %broadcast_in_dim3A_156 = arith.constant 0.000000e+00 : f32
      %broadcast_in_dim3A_157 = vector.broadcast %broadcast_in_dim3A_156 : f32 to vector<32x6xf32>
      %concatenate3A_158 = tpu.concatenate %get3A_155, %broadcast_in_dim3A_157 in 1 : vector<32x10xf32>, vector<32x6xf32> -> vector<32x16xf32>
      %concatenate3A_159 = tpu.concatenate %concatenate3A_158, %concatenate3A_158, %concatenate3A_158, %concatenate3A_158 in 1 : vector<32x16xf32>, vector<32x16xf32>, vector<32x16xf32>, vector<32x16xf32> -> vector<32x64xf32>
      %concatenate3A_160 = tpu.concatenate %concatenate3A_159, %concatenate3A_159, %concatenate3A_159, %concatenate3A_159 in 0 : vector<32x64xf32>, vector<32x64xf32>, vector<32x64xf32>, vector<32x64xf32> -> vector<128x64xf32>
      %iota3A_161 = tpu.iota {dimensions = array<i32: 0>} : vector<128x64xi32>
      %jit3A_162 = arith.constant 32 : i32
      %div3A_163 = vector.broadcast %jit3A_162 : i32 to vector<128x64xi32>
      %div3A_164 = arith.divsi %iota3A_161, %div3A_163 : vector<128x64xi32>
      %sign3A_165 = arith.constant 0 : i32
      %sign3A_166 = vector.broadcast %sign3A_165 : i32 to vector<128x64xi32>
      %sign3A_167 = arith.cmpi sgt, %iota3A_161, %sign3A_166 : vector<128x64xi32>
      %sign3A_168 = arith.extui %sign3A_167 : vector<128x64xi1> to vector<128x64xi32>
      %sign3A_169 = arith.constant 0 : i32
      %sign3A_170 = vector.broadcast %sign3A_169 : i32 to vector<128x64xi32>
      %sign3A_171 = arith.cmpi slt, %iota3A_161, %sign3A_170 : vector<128x64xi32>
      %sign3A_172 = arith.extui %sign3A_171 : vector<128x64xi1> to vector<128x64xi32>
      %sign3A_173 = arith.subi %sign3A_168, %sign3A_172 : vector<128x64xi32>
      %sign3A_174 = arith.constant 0 : i32
      %sign3A_175 = arith.cmpi sgt, %jit3A_162, %sign3A_174 : i32
      %sign3A_176 = arith.extui %sign3A_175 : i1 to i32
      %sign3A_177 = arith.constant 0 : i32
      %sign3A_178 = arith.cmpi slt, %jit3A_162, %sign3A_177 : i32
      %sign3A_179 = arith.extui %sign3A_178 : i1 to i32
      %sign3A_180 = arith.subi %sign3A_176, %sign3A_179 : i32
      %ne3A_181 = vector.broadcast %sign3A_180 : i32 to vector<128x64xi32>
      %ne3A_182 = arith.cmpi ne, %sign3A_173, %ne3A_181 : vector<128x64xi32>
      %rem3A_183 = vector.broadcast %jit3A_162 : i32 to vector<128x64xi32>
      %rem3A_184 = arith.remsi %iota3A_161, %rem3A_183 : vector<128x64xi32>
      %ne3A_185 = arith.constant 0 : i32
      %ne3A_186 = vector.broadcast %ne3A_185 : i32 to vector<128x64xi32>
      %ne3A_187 = arith.cmpi ne, %rem3A_184, %ne3A_186 : vector<128x64xi32>
      %and3A_188 = arith.andi %ne3A_182, %ne3A_187 : vector<128x64xi1>
      %sub3A_189 = arith.constant 1 : i32
      %sub3A_190 = vector.broadcast %sub3A_189 : i32 to vector<128x64xi32>
      %sub3A_191 = arith.subi %div3A_164, %sub3A_190 : vector<128x64xi32>
      %select_n3A_192 = arith.select %and3A_188, %sub3A_191, %div3A_164 : vector<128x64xi1>, vector<128x64xi32>
      %iota3A_193 = tpu.iota {dimensions = array<i32: 1>} : vector<128x64xi32>
      %jit3A_194 = arith.constant 16 : i32
      %div3A_195 = vector.broadcast %jit3A_194 : i32 to vector<128x64xi32>
      %div3A_196 = arith.divsi %iota3A_193, %div3A_195 : vector<128x64xi32>
      %sign3A_197 = arith.constant 0 : i32
      %sign3A_198 = vector.broadcast %sign3A_197 : i32 to vector<128x64xi32>
      %sign3A_199 = arith.cmpi sgt, %iota3A_193, %sign3A_198 : vector<128x64xi32>
      %sign3A_200 = arith.extui %sign3A_199 : vector<128x64xi1> to vector<128x64xi32>
      %sign3A_201 = arith.constant 0 : i32
      %sign3A_202 = vector.broadcast %sign3A_201 : i32 to vector<128x64xi32>
      %sign3A_203 = arith.cmpi slt, %iota3A_193, %sign3A_202 : vector<128x64xi32>
      %sign3A_204 = arith.extui %sign3A_203 : vector<128x64xi1> to vector<128x64xi32>
      %sign3A_205 = arith.subi %sign3A_200, %sign3A_204 : vector<128x64xi32>
      %sign3A_206 = arith.constant 0 : i32
      %sign3A_207 = arith.cmpi sgt, %jit3A_194, %sign3A_206 : i32
      %sign3A_208 = arith.extui %sign3A_207 : i1 to i32
      %sign3A_209 = arith.constant 0 : i32
      %sign3A_210 = arith.cmpi slt, %jit3A_194, %sign3A_209 : i32
      %sign3A_211 = arith.extui %sign3A_210 : i1 to i32
      %sign3A_212 = arith.subi %sign3A_208, %sign3A_211 : i32
      %ne3A_213 = vector.broadcast %sign3A_212 : i32 to vector<128x64xi32>
      %ne3A_214 = arith.cmpi ne, %sign3A_205, %ne3A_213 : vector<128x64xi32>
      %rem3A_215 = vector.broadcast %jit3A_194 : i32 to vector<128x64xi32>
      %rem3A_216 = arith.remsi %iota3A_193, %rem3A_215 : vector<128x64xi32>
      %ne3A_217 = arith.constant 0 : i32
      %ne3A_218 = vector.broadcast %ne3A_217 : i32 to vector<128x64xi32>
      %ne3A_219 = arith.cmpi ne, %rem3A_216, %ne3A_218 : vector<128x64xi32>
      %and3A_220 = arith.andi %ne3A_214, %ne3A_219 : vector<128x64xi1>
      %sub3A_221 = arith.constant 1 : i32
      %sub3A_222 = vector.broadcast %sub3A_221 : i32 to vector<128x64xi32>
      %sub3A_223 = arith.subi %div3A_196, %sub3A_222 : vector<128x64xi32>
      %select_n3A_224 = arith.select %and3A_220, %sub3A_223, %div3A_196 : vector<128x64xi1>, vector<128x64xi32>
      %eq3A_225 = arith.cmpi eq, %select_n3A_192, %select_n3A_224 : vector<128x64xi32>
      %jit3A_226 = arith.constant 0.000000e+00 : f32
      %broadcast_in_dim3A_227 = vector.broadcast %jit3A_226 : f32 to vector<128x64xf32>
      %select_n3A_228 = arith.select %eq3A_225, %concatenate3A_160, %broadcast_in_dim3A_227 : vector<128x64xi1>, vector<128x64xf32>
      %get3A_229 = arith.constant 0 : index
      %get3A_230 = arith.constant 0 : index
      %get3A_231 = vector.load %arg6[%get3A_229, %get3A_230] : memref<1x32xf32, #tpu.memory_space<vmem>>, vector<1x32xf32>
      %concatenate3A_232 = tpu.concatenate %get3A_231, %get3A_231, %get3A_231, %get3A_231 in 1 : vector<1x32xf32>, vector<1x32xf32>, vector<1x32xf32>, vector<1x32xf32> -> vector<1x128xf32>
      %get3A_233 = arith.constant 0 : index
      %get3A_234 = arith.constant 0 : index
      %get3A_235 = vector.load %arg8[%get3A_233, %get3A_234] : memref<1x10xf32, #tpu.memory_space<vmem>>, vector<1x10xf32>
      %broadcast_in_dim3A_236 = arith.constant 0.000000e+00 : f32
      %broadcast_in_dim3A_237 = vector.broadcast %broadcast_in_dim3A_236 : f32 to vector<1x6xf32>
      %concatenate3A_238 = tpu.concatenate %get3A_235, %broadcast_in_dim3A_237 in 1 : vector<1x10xf32>, vector<1x6xf32> -> vector<1x16xf32>
      %concatenate3A_239 = tpu.concatenate %concatenate3A_238, %concatenate3A_238, %concatenate3A_238, %concatenate3A_238 in 1 : vector<1x16xf32>, vector<1x16xf32>, vector<1x16xf32>, vector<1x16xf32> -> vector<1x64xf32>
      %iota3A_240 = tpu.iota {dimensions = array<i32: 0>} : vector<64x64xi32>
      %jit3A_241 = arith.constant 16 : i32
      %div3A_242 = vector.broadcast %jit3A_241 : i32 to vector<64x64xi32>
      %div3A_243 = arith.divsi %iota3A_240, %div3A_242 : vector<64x64xi32>
      %sign3A_244 = arith.constant 0 : i32
      %sign3A_245 = vector.broadcast %sign3A_244 : i32 to vector<64x64xi32>
      %sign3A_246 = arith.cmpi sgt, %iota3A_240, %sign3A_245 : vector<64x64xi32>
      %sign3A_247 = arith.extui %sign3A_246 : vector<64x64xi1> to vector<64x64xi32>
      %sign3A_248 = arith.constant 0 : i32
      %sign3A_249 = vector.broadcast %sign3A_248 : i32 to vector<64x64xi32>
      %sign3A_250 = arith.cmpi slt, %iota3A_240, %sign3A_249 : vector<64x64xi32>
      %sign3A_251 = arith.extui %sign3A_250 : vector<64x64xi1> to vector<64x64xi32>
      %sign3A_252 = arith.subi %sign3A_247, %sign3A_251 : vector<64x64xi32>
      %sign3A_253 = arith.constant 0 : i32
      %sign3A_254 = arith.cmpi sgt, %jit3A_241, %sign3A_253 : i32
      %sign3A_255 = arith.extui %sign3A_254 : i1 to i32
      %sign3A_256 = arith.constant 0 : i32
      %sign3A_257 = arith.cmpi slt, %jit3A_241, %sign3A_256 : i32
      %sign3A_258 = arith.extui %sign3A_257 : i1 to i32
      %sign3A_259 = arith.subi %sign3A_255, %sign3A_258 : i32
      %ne3A_260 = vector.broadcast %sign3A_259 : i32 to vector<64x64xi32>
      %ne3A_261 = arith.cmpi ne, %sign3A_252, %ne3A_260 : vector<64x64xi32>
      %rem3A_262 = vector.broadcast %jit3A_241 : i32 to vector<64x64xi32>
      %rem3A_263 = arith.remsi %iota3A_240, %rem3A_262 : vector<64x64xi32>
      %ne3A_264 = arith.constant 0 : i32
      %ne3A_265 = vector.broadcast %ne3A_264 : i32 to vector<64x64xi32>
      %ne3A_266 = arith.cmpi ne, %rem3A_263, %ne3A_265 : vector<64x64xi32>
      %and3A_267 = arith.andi %ne3A_261, %ne3A_266 : vector<64x64xi1>
      %sub3A_268 = arith.constant 1 : i32
      %sub3A_269 = vector.broadcast %sub3A_268 : i32 to vector<64x64xi32>
      %sub3A_270 = arith.subi %div3A_243, %sub3A_269 : vector<64x64xi32>
      %select_n3A_271 = arith.select %and3A_267, %sub3A_270, %div3A_243 : vector<64x64xi1>, vector<64x64xi32>
      %iota3A_272 = tpu.iota {dimensions = array<i32: 1>} : vector<64x64xi32>
      %jit3A_273 = arith.constant 16 : i32
      %div3A_274 = vector.broadcast %jit3A_273 : i32 to vector<64x64xi32>
      %div3A_275 = arith.divsi %iota3A_272, %div3A_274 : vector<64x64xi32>
      %sign3A_276 = arith.constant 0 : i32
      %sign3A_277 = vector.broadcast %sign3A_276 : i32 to vector<64x64xi32>
      %sign3A_278 = arith.cmpi sgt, %iota3A_272, %sign3A_277 : vector<64x64xi32>
      %sign3A_279 = arith.extui %sign3A_278 : vector<64x64xi1> to vector<64x64xi32>
      %sign3A_280 = arith.constant 0 : i32
      %sign3A_281 = vector.broadcast %sign3A_280 : i32 to vector<64x64xi32>
      %sign3A_282 = arith.cmpi slt, %iota3A_272, %sign3A_281 : vector<64x64xi32>
      %sign3A_283 = arith.extui %sign3A_282 : vector<64x64xi1> to vector<64x64xi32>
      %sign3A_284 = arith.subi %sign3A_279, %sign3A_283 : vector<64x64xi32>
      %sign3A_285 = arith.constant 0 : i32
      %sign3A_286 = arith.cmpi sgt, %jit3A_273, %sign3A_285 : i32
      %sign3A_287 = arith.extui %sign3A_286 : i1 to i32
      %sign3A_288 = arith.constant 0 : i32
      %sign3A_289 = arith.cmpi slt, %jit3A_273, %sign3A_288 : i32
      %sign3A_290 = arith.extui %sign3A_289 : i1 to i32
      %sign3A_291 = arith.subi %sign3A_287, %sign3A_290 : i32
      %ne3A_292 = vector.broadcast %sign3A_291 : i32 to vector<64x64xi32>
      %ne3A_293 = arith.cmpi ne, %sign3A_284, %ne3A_292 : vector<64x64xi32>
      %rem3A_294 = vector.broadcast %jit3A_273 : i32 to vector<64x64xi32>
      %rem3A_295 = arith.remsi %iota3A_272, %rem3A_294 : vector<64x64xi32>
      %ne3A_296 = arith.constant 0 : i32
      %ne3A_297 = vector.broadcast %ne3A_296 : i32 to vector<64x64xi32>
      %ne3A_298 = arith.cmpi ne, %rem3A_295, %ne3A_297 : vector<64x64xi32>
      %and3A_299 = arith.andi %ne3A_293, %ne3A_298 : vector<64x64xi1>
      %sub3A_300 = arith.constant 1 : i32
      %sub3A_301 = vector.broadcast %sub3A_300 : i32 to vector<64x64xi32>
      %sub3A_302 = arith.subi %div3A_275, %sub3A_301 : vector<64x64xi32>
      %select_n3A_303 = arith.select %and3A_299, %sub3A_302, %div3A_275 : vector<64x64xi1>, vector<64x64xi32>
      %eq3A_304 = arith.cmpi eq, %select_n3A_271, %select_n3A_303 : vector<64x64xi32>
      %convert_element_type3A_305 = arith.extui %eq3A_304 : vector<64x64xi1> to vector<64x64xi32>
      %convert_element_type3A_306 = arith.sitofp %convert_element_type3A_305 : vector<64x64xi32> to vector<64x64xf32>
      %get3A_307 = arith.constant 0 : index
      %get3A_308 = arith.constant 0 : index
      %get3A_309 = vector.load %arg10[%get3A_307, %get3A_308] : memref<16x128xf32, #tpu.memory_space<vmem>>, vector<16x128xf32>
      %dot_general3A = arith.constant dense<0.000000e+00> : vector<16x128xf32>
      %dot_general3A_310 = tpu.matmul %get3A_309, %select_n3A_152, %dot_general3A {dimension_numbers = #tpu.dot_dimension_numbers<[1], [0], [0], [1], [0, 0, 1, 1], [], []>, transpose_lhs_hint = false} : vector<16x128xf32>, vector<128x128xf32>, vector<16x128xf32> -> vector<16x128xf32>
      %add3A_311 = vector.broadcast %concatenate3A_232 : vector<1x128xf32> to vector<16x128xf32>
      %add3A_312 = arith.addf %dot_general3A_310, %add3A_311 : vector<16x128xf32>
      %gt3A_313 = arith.constant 0.000000e+00 : f32
      %gt3A_314 = vector.broadcast %gt3A_313 : f32 to vector<16x128xf32>
      %gt3A_315 = arith.cmpf ogt, %add3A_312, %gt3A_314 : vector<16x128xf32>
      %mul3A_316 = arith.constant 0.00999999977 : f32
      %mul3A_317 = vector.broadcast %mul3A_316 : f32 to vector<16x128xf32>
      %mul3A_318 = arith.mulf %mul3A_317, %add3A_312 : vector<16x128xf32>
      %select_n3A_319 = arith.select %gt3A_315, %add3A_312, %mul3A_318 : vector<16x128xi1>, vector<16x128xf32>
      %dot_general3A_320 = arith.constant dense<0.000000e+00> : vector<16x64xf32>
      %dot_general3A_321 = tpu.matmul %select_n3A_319, %select_n3A_228, %dot_general3A_320 {dimension_numbers = #tpu.dot_dimension_numbers<[1], [0], [0], [1], [0, 0, 1, 1], [], []>, transpose_lhs_hint = false} : vector<16x128xf32>, vector<128x64xf32>, vector<16x64xf32> -> vector<16x64xf32>
      %add3A_322 = vector.broadcast %concatenate3A_239 : vector<1x64xf32> to vector<16x64xf32>
      %add3A_323 = arith.addf %dot_general3A_321, %add3A_322 : vector<16x64xf32>
      %iota3A_324 = tpu.iota {dimensions = array<i32: 1>} : vector<1x64xi32>
      %jit3A_325 = arith.constant 16 : i32
      %eq3A_326 = arith.constant 0 : i32
      %eq3A_327 = arith.cmpi eq, %jit3A_325, %eq3A_326 : i32
      %jit3A_328 = arith.constant 1 : i32
      %select_n3A_329 = arith.select %eq3A_327, %jit3A_328, %jit3A_325 : i32
      %rem3A_330 = vector.broadcast %select_n3A_329 : i32 to vector<1x64xi32>
      %rem3A_331 = arith.remsi %iota3A_324, %rem3A_330 : vector<1x64xi32>
      %ne3A_332 = arith.constant 0 : i32
      %ne3A_333 = vector.broadcast %ne3A_332 : i32 to vector<1x64xi32>
      %ne3A_334 = arith.cmpi ne, %rem3A_331, %ne3A_333 : vector<1x64xi32>
      %lt3A = arith.constant 0 : i32
      %lt3A_335 = vector.broadcast %lt3A : i32 to vector<1x64xi32>
      %lt3A_336 = arith.cmpi slt, %rem3A_331, %lt3A_335 : vector<1x64xi32>
      %lt3A_337 = arith.constant 0 : i32
      %lt3A_338 = arith.cmpi slt, %select_n3A_329, %lt3A_337 : i32
      %ne3A_339 = vector.broadcast %lt3A_338 : i1 to vector<1x64xi1>
      %ne3A_340 = vector.broadcast %ne3A_339 : vector<1x64xi1> to vector<1x64xi1>
      %ne3A_341 = arith.xori %lt3A_336, %ne3A_340 : vector<1x64xi1>
      %and3A_342 = arith.andi %ne3A_341, %ne3A_334 : vector<1x64xi1>
      %add3A_343 = vector.broadcast %select_n3A_329 : i32 to vector<1x64xi32>
      %add3A_344 = arith.addi %rem3A_331, %add3A_343 : vector<1x64xi32>
      %select_n3A_345 = arith.select %and3A_342, %add3A_344, %rem3A_331 : vector<1x64xi1>, vector<1x64xi32>
      %lt3A_346 = arith.constant 10 : i32
      %lt3A_347 = vector.broadcast %lt3A_346 : i32 to vector<1x64xi32>
      %lt3A_348 = arith.cmpi slt, %select_n3A_345, %lt3A_347 : vector<1x64xi32>
      %jit3A_349 = arith.constant -1.000000e+30 : f32
      %broadcast_in_dim3A_350 = vector.shape_cast %lt3A_348 : vector<1x64xi1> to vector<1x64xi1>
      %broadcast_in_dim3A_351 = vector.broadcast %broadcast_in_dim3A_350 : vector<1x64xi1> to vector<16x64xi1>
      %broadcast_in_dim3A_352 = vector.broadcast %jit3A_349 : f32 to vector<16x64xf32>
      %select_n3A_353 = arith.select %broadcast_in_dim3A_351, %add3A_323, %broadcast_in_dim3A_352 : vector<16x64xi1>, vector<16x64xf32>
      %reduce_max3A = vector.shape_cast %select_n3A_353 : vector<16x64xf32> to vector<1x16x64xf32>
      %reduce_max3A_354 = arith.constant dense<0xFF800000> : vector<1xf32>
      %reduce_max3A_355 = vector.multi_reduction <maximumf>, %reduce_max3A, %reduce_max3A_354 [1, 2] : vector<1x16x64xf32> to vector<1xf32>
      %reduce_max3A_356 = vector.shape_cast %reduce_max3A_355 : vector<1xf32> to vector<1x1x1xf32>
      %reduce_max3A_357 = vector.extract %reduce_max3A_356[0, 0, 0] : f32 from vector<1x1x1xf32>
      %sub3A_358 = vector.broadcast %reduce_max3A_357 : f32 to vector<16x64xf32>
      %sub3A_359 = arith.subf %select_n3A_353, %sub3A_358 : vector<16x64xf32>
      %exp3A = math.exp %sub3A_359 : vector<16x64xf32>
      %dot_general3A_360 = arith.constant dense<0.000000e+00> : vector<16x64xf32>
      %dot_general3A_361 = tpu.matmul %exp3A, %convert_element_type3A_306, %dot_general3A_360 {dimension_numbers = #tpu.dot_dimension_numbers<[1], [0], [0], [1], [0, 0, 1, 1], [], []>, transpose_lhs_hint = false} : vector<16x64xf32>, vector<64x64xf32>, vector<16x64xf32> -> vector<16x64xf32>
      %div3A_362 = arith.divf %exp3A, %dot_general3A_361 : vector<16x64xf32>
      %swap3A = arith.constant 0 : index
      %swap3A_363 = arith.constant 0 : index
      %swap3A_364 = vector.load %arg9[%swap3A, %swap3A_363] : memref<16x64xf32, #tpu.memory_space<vmem>>, vector<16x64xf32>
      tpu.vector_store %arg9[%swap3A, %swap3A_363], %div3A_362 {strides = array<i32>} : memref<16x64xf32, #tpu.memory_space<vmem>>, vector<16x64xf32>,
    } else {
    }
    return
  }
  func.func @transform_0(%arg0: i32) -> (i32, i32, i32) {
    %c0_i32 = arith.constant 0 : i32
    %c0_i32_0 = arith.constant 0 : i32
    %c0_i32_1 = arith.constant 0 : i32
    return %c0_i32, %arg0, %c0_i32_0 : i32, i32, i32
  }
  func.func @transform_1(%arg0: i32) -> (i32, i32, i32) {
    %c0_i32 = arith.constant 0 : i32
    %c0_i32_0 = arith.constant 0 : i32
    %c0_i32_1 = arith.constant 0 : i32
    return %c0_i32, %arg0, %c0_i32_0 : i32, i32, i32
  }
  func.func @transform_2(%arg0: i32) -> (i32, i32) {
    %c0_i32 = arith.constant 0 : i32
    %c0_i32_0 = arith.constant 0 : i32
    return %arg0, %c0_i32 : i32, i32
  }
  func.func @transform_3(%arg0: i32) -> (i32, i32) {
    %c0_i32 = arith.constant 0 : i32
    %c0_i32_0 = arith.constant 0 : i32
    return %arg0, %c0_i32 : i32, i32
  }
  func.func @transform_4(%arg0: i32) -> (i32, i32) {
    %c0_i32 = arith.constant 0 : i32
    %c0_i32_0 = arith.constant 0 : i32
    %c0_i32_1 = arith.constant 0 : i32
    return %c0_i32, %c0_i32_0 : i32, i32
  }
  func.func @transform_5(%arg0: i32) -> (i32, i32) {
    %c0_i32 = arith.constant 0 : i32
    %c0_i32_0 = arith.constant 0 : i32
    %c0_i32_1 = arith.constant 0 : i32
    return %c0_i32, %c0_i32_0 : i32, i32
  }
  func.func @transform_6(%arg0: i32) -> (i32, i32) {
    %c0_i32 = arith.constant 0 : i32
    %c0_i32_0 = arith.constant 0 : i32
    %c0_i32_1 = arith.constant 0 : i32
    return %c0_i32, %c0_i32_0 : i32, i32
  }
  func.func @transform_7(%arg0: i32) -> (i32, i32) {
    %c0_i32 = arith.constant 0 : i32
    %c0_i32_0 = arith.constant 0 : i32
    %c0_i32_1 = arith.constant 0 : i32
    return %c0_i32, %c0_i32_0 : i32, i32
  }
  func.func @transform_8(%arg0: i32) -> (i32, i32) {
    %c0_i32 = arith.constant 0 : i32
    %c0_i32_0 = arith.constant 0 : i32
    %c0_i32_1 = arith.constant 0 : i32
    return %c0_i32, %c0_i32_0 : i32, i32
  }
}

</mosaic_0001>

<sc_bundles>
// kernel: kernel.10.cloned.1.call-start
scs
__scs_entry_jumppad:
0x0: {  	(pc) =	sbr.rel $0x88, $3  }
0x1: {  	(tag) =	ssettag $0x0;
	lr =	simm.s32 $0x1  }
0x2: {  	[smem:$0x3F92] =	sst lr;
	_ =	strace $0xD0000000  }
0x3: {  	_ = 	snop  }
0x4: {  	_ = 	snop  }
0x5: {  	_ = 	snop  }
0x6: {  	_ = 	snop  }
0x7: {  	_ = 	snop  }
__scs_overlays_trampoline_lowered:
0x8: {  	[smem:$0x3FA1] =	sst s0  }
0x9: {  	[smem:$0x3FA2] =	sst s1  }
0xa: {  	[smem:$0x3FA3] =	sst s2  }
0xb: {  	[smem:$0x3FA4] =	sst s3  }
0xc: {  	[smem:$0x3FA5] =	sst s4  }
0xd: {  	[smem:$0x3FA6] =	sst s5  }
0xe: {  	[smem:$0x3FA7] =	sst s6  }
0xf: {  	[smem:$0x3FA8] =	sst s7  }
0x10: {  	[smem:$0x3FA9] =	sst s8  }
0x11: {  	[smem:$0x3FAA] =	sst s9;
	s0 =	simm.s32 @!p0 $0x0  }
0x12: {  	s1 =	sld [smem:$0x3F90];
	s0 =	simm.s32 @p0 $0x1  }
0x13: {  	[smem:$0x3FAB] =	sst s0;
	s0 =	simm.s32 @!p1 $0x0  }
0x14: {  	s2 =	sld [smem:$0x3F8F];
	s0 =	simm.s32 @p1 $0x1  }
0x15: {  	[smem:$0x3FAC] =	sst s0;
	s0 =	simm.s32 @!p2 $0x0  }
0x16: {  	s3 =	sld [smem:$0x3FDB];
	s0 =	simm.s32 @p2 $0x1  }
0x17: {  	s4 =	simm.s32 $0x1BF5;
	[smem:$0x3FAE] =	sst s0  }
0x18: {  	s0 =	sld [smem:$0x3F91];
	_ =	swait.ge [sflag:s4], $0x0  }
0x19: {  	s7 =	sld [smem:$0x3F92]  }
0x1a: {  	s8 =	sadd.s32 $0xFFFFE003, lr  }
0x1b: {  	s9 =	sadd.s32 $0xFFFFFEF7, lr;
	s5 =	simm.s32 $0xFFFFFFFF;
	p2 =	slt.u32 s8, $0xFFFFF086  }
0x1c: {  	p1 =	slt.u32 s9, $0xF7A;
	s5 =	simm.s32 @!p2 $0x0  }
0x1d: {  	s5 =	simm.s32 @p1 $0x1;
	p0 =	seq.s32 s7, s2  }
0x1e: {  	s7 =	smul.u32 @!p0 $0xF7A, s2;
	p2 =	seq.s32 @!p0 s5, $0x0  }
0x1f: {  	s9 =	smul.u32 $0xF7A, s1;
	s8 =	simm.s32 @!p0 $0x1BF5;
	p2 =	por !p2, p0  }
0x20: {  	[sflag:s8] =	ssyncset.s32 @!p0 $0xFFFFF086;
	s6 =	sadd.s32 @!p0 s3, s7;
	s7 =	simm.s32 @!p0 $0x108  }
0x21: {  	s3 =	sadd.s32 s3, s9;
	s6 =	sadd.s32 @!p0 $0x88, s6;
	s7 =	simm.s32 @p2 $0x1082  }
0x22: {  	[simem:s7], [sflag:s8] =	dma.local @!p0 [hbm:s6], $0xF7A  }
0x23: {  	s9 =	sor.u32 $0xD0000000, s2;
	s6 =	simm.s32 $0x108;
	_ =	swait.ge @!p0 [sflag:s8], $0x0  }
0x24: {  	s3 =	sadd.s32 $0x88, s3;
	s6 =	simm.s32 @!p1 $0x1082;
	[sflag:s4] =	ssyncset.s32 $0xFFFFF086  }
0x25: {  	[simem:s6], [sflag:s4] =	dma.local [hbm:s3], $0xF7A  }
0x26: {  	[smem:$0x3F92] =	sst s1;
	(tag) =	ssettag s2;
	_ =	strace s9  }
0x27: {  	s1 =	sld [smem:$0x3FA2]  }
0x28: {  	s2 =	sld [smem:$0x3FA3]  }
0x29: {  	s4 =	sld [smem:$0x3FA5]  }
0x2a: {  	p0 =	seq.s32 s5, $0x0;
	s5 =	sld [smem:$0x3FA6]  }
0x2b: {  	s6 =	sld [smem:$0x3FA7]  }
0x2c: {  	s7 =	sld [smem:$0x3FA8]  }
0x2d: {  	s3 =	simm.s32 $0x108;
	s8 =	sld [smem:$0x3FA9]  }
0x2e: {  	s3 =	simm.s32 @!p0 $0x1082;
	s9 =	sld [smem:$0x3FAA]  }
0x2f: {  	lr =	sadd.s32 s0, s3;
	s0 =	sld [smem:$0x3FA1]  }
0x30: {  	s3 =	sld [smem:$0x3FA4]  }
0x31: {  	[smem:$0x3FAD] =	sst s10  }
0x32: {  	s10 =	sld [smem:$0x3FAB];
	_ =	sdelay $0x3  }
0x33: {  	p0 =	seq.s32 s10, $0x1;
	s10 =	sld [smem:$0x3FAD];
	_ =	sdelay $0x3  }
0x34: {  	[smem:$0x3FAD] =	sst s10  }
0x35: {  	s10 =	sld [smem:$0x3FAC];
	_ =	sdelay $0x3  }
0x36: {  	p1 =	seq.s32 s10, $0x1;
	s10 =	sld [smem:$0x3FAD];
	_ =	sdelay $0x3  }
0x37: {  	[smem:$0x3FAD] =	sst s10  }
0x38: {  	s10 =	sld [smem:$0x3FAE]  }
0x39: {  	_ = 	snop;
	(pc) =	sbr.ind lr, $3  }
0x3a: {  	_ = 	snop  }
0x3b: {  	_ = 	snop  }
0x3c: {  	p2 =	seq.s32 s10, $0x1;
	s10 =	sld [smem:$0x3FAD]  }
0x3d: {  	_ =	shalt  }
0x3e: {  	_ =	shalt  }
0x3f: {  	_ =	shalt  }
0x40: {  	_ =	shalt  }
0x41: {  	_ =	shalt  }
0x42: {  	_ =	shalt  }
0x43: {  	_ =	shalt  }
0x44: {  	_ =	shalt  }
0x45: {  	_ =	shalt  }
0x46: {  	_ =	shalt  }
0x47: {  	_ =	shalt  }
0x48: {  	_ =	shalt  }
0x49: {  	_ =	shalt  }
0x4a: {  	_ =	shalt  }
0x4b: {  	_ =	shalt  }
0x4c: {  	_ =	shalt  }
0x4d: {  	_ =	shalt  }
0x4e: {  	_ =	shalt  }
0x4f: {  	_ =	shalt  }
0x50: {  	_ =	shalt  }
0x51: {  	_ =	shalt  }
0x52: {  	_ =	shalt  }
0x53: {  	_ =	shalt  }
0x54: {  	_ =	shalt  }
0x55: {  	_ =	shalt  }
0x56: {  	_ =	shalt  }
0x57: {  	_ =	shalt  }
0x58: {  	_ =	shalt  }
0x59: {  	_ =	shalt  }
0x5a: {  	_ =	shalt  }
0x5b: {  	_ =	shalt  }
0x5c: {  	_ =	shalt  }
0x5d: {  	_ =	shalt  }
0x5e: {  	_ =	shalt  }
0x5f: {  	_ =	shalt  }
0x60: {  	_ =	shalt  }
0x61: {  	_ =	shalt  }
0x62: {  	_ =	shalt  }
0x63: {  	_ =	shalt  }
0x64: {  	_ =	shalt  }
0x65: {  	_ =	shalt  }
0x66: {  	_ =	shalt  }
0x67: {  	_ =	shalt  }
0x68: {  	_ =	shalt  }
0x69: {  	_ =	shalt  }
0x6a: {  	_ =	shalt  }
0x6b: {  	_ =	shalt  }
0x6c: {  	_ =	shalt  }
0x6d: {  	_ =	shalt  }
0x6e: {  	_ =	shalt  }
0x6f: {  	_ =	shalt  }
0x70: {  	_ =	shalt  }
0x71: {  	_ =	shalt  }
0x72: {  	_ =	shalt  }
0x73: {  	_ =	shalt  }
0x74: {  	_ =	shalt  }
0x75: {  	_ =	shalt  }
0x76: {  	_ =	shalt  }
0x77: {  	_ =	shalt  }
0x78: {  	_ =	shalt  }
0x79: {  	_ =	shalt  }
0x7a: {  	_ =	shalt  }
0x7b: {  	_ =	shalt  }
0x7c: {  	_ =	shalt  }
0x7d: {  	_ =	shalt  }
0x7e: {  	_ =	shalt  }
0x7f: {  	_ =	shalt  }
0x80: {  	_ =	shalt  }
0x81: {  	_ =	shalt  }
0x82: {  	_ =	shalt  }
0x83: {  	_ =	shalt  }
0x84: {  	_ =	shalt  }
0x85: {  	_ =	shalt  }
0x86: {  	_ =	shalt  }
0x87: {  	_ =	shalt  }
.Lfunc_end0:
.L_simem_size_0:
called_computation.1_lowered:
.L_overlay_start_0:
0x88: {  	s2 =	sld [smem:$0x3FD9]  }
0x89: {  	s3 =	sld [smem:$0x3FFE];
	_ =	sdelay $0x1  }
0x8a: {  	s1 =	srdreg.scid  }
0x8b: {  	s0 =	sand.u32 $0x1, s1  }
0x8c: {  	s16 =	sshll.u32 s0, $0xA;
	s2 =	sadd.s32 s3, s2  }
0x8d: {  	s2 =	sadd.s32 s2, s16  }
0x8e: {  	[smem:$0x3FB9] =	sst s2  }
0x8f: {  	_ = 	snop  }
0x90: {  	(tm) =	ssettm $0x1  }
0x91: {  	s17 =	sld [smem:$0x3FFB];
	_ =	sdelay $0x3  }
0x92: {  	_ =	strace s17  }
0x93: {  	s2 =	sld [smem:$0x3FFC];
	_ =	sdelay $0x3  }
0x94: {  	_ =	strace s2  }
0x95: {  	s2 =	sld [smem:$0x3FFD];
	_ =	sdelay $0x3  }
0x96: {  	_ =	strace s2  }
0x97: {  	_ =	strace $0x8FFFFFFF  }
0x98: {  	s18 =	sld [smem:$0x3FDB];
	_ =	sdelay $0x1  }
0x99: {  	s19 =	simm.s32 $_scs_section_size  }
0x9a: {  	s4 =	simm.s32 $_size__tile_overlayer_lowered;
	s5 =	simm.s32 $_tile_overlayer_lowered  }
0x9b: {  	s22 =	simm.s32 $0x1BFF;
	s21 =	sshll.u32 s5, $0x1;
	s2 =	sadd.s32 s19, s18  }
0x9c: {  	s6 =	simm.s32 $0x0;
	s20 =	sshll.u32 s4, $0x1;
	s4 =	sadd.s32 s21, s2  }
0x9d: {  	[timem:s6], [sflag:s22] =	dma.local [hbm:s4], s20  }
0x9e: {  	_ =	swait.ge [sflag:s22], s20  }
0x9f: {  	s3 =	ssub.s32 $0x0, s20;
	[sflag:s22] =	ssyncset.done $0x0  }
0xa0: {  	[sflag:s22] =	ssyncadd.s32 s3;
	_ =	sdelay $0x1  }
0xa1: {  	s23 =	simm.s32 $0x1B8B  }
0xa2: {  	_ =	swait.ge [sflag:s23], $0x1  }
0xa3: {  	[sflag:s23] =	ssyncset.done $0x0  }
0xa4: {  	s25 =	simm.s32 $0x1B8E;
	s24 =	sld [smem:$0x3FFE];
	[sflag:s23] =	ssyncadd.s32 $0xFFFFFFFF  }
0xa5: {  	s26 =	simm.s32 $execute0_lowered;
	[smem:$0x3FD2] =	sst s25  }
0xa6: {  	s4 =	sshll.u32 s26, $0x1;
	_ =	strace $0x80000049;
	[dreg:$0x1] =	wrdreg $0xFFFFFFFF  }
0xa7: {  	s28 =	simm.s32 $_size_execute0_lowered;
	s2 =	sadd.s32 s2, s4;
	[dreg:$0x0] =	wrdreg $0x0  }
0xa8: {  	s4 =	sshll.u32 s28, $0x1;
	[dreg:$0x2] =	wrdreg s2  }
0xa9: {  	[dreg:$0x3] =	wrdreg s4  }
0xaa: {  	[dreg:$0x4] =	wrdreg $0xC0  }
0xab: {  	_ =	task [dreg:s6], $0x5FFFF  }
0xac: {  	[dreg:$0x1] =	wrdreg $0xFFFFFFFF  }
0xad: {  	[dreg:$0x0] =	wrdreg $0x60  }
0xae: {  	[dreg:$0x2] =	wrdreg s24  }
0xaf: {  	[dreg:$0x3] =	wrdreg $0x51000  }
0xb0: {  	[dreg:$0x4] =	wrdreg $0x9  }
0xb1: {  	_ =	task.clear_ibuf [dreg:s6], $0x5FFFF;
	_ =	strace $0x90000049  }
0xb2: {  	s29 =	simm.s32 $0x9;
	_ =	strace $0x8000004B  }
0xb3: {  	_ =	swait.ge [sflag:s29], $0x1  }
0xb4: {  	[sflag:s29] =	ssyncadd.s32 $0xFFFFFFFF  }
0xb5: {  	_ =	strace $0x9000004B  }
0xb6: {  	_ =	sfence  }
0xb7: {  	s30 =	sld [smem:$0x0];
	_ =	sdelay $0x2  }
0xb8: {  	s31 =	sshll.u32 s1, $0xD;
	s1 =	sshrl.u32 s1, $0x2  }
0xb9: {  	s3 =	sand.u32 $0x4000, s31;
	s1 =	sadd.s32 s1, s30  }
0xba: {  	s0 =	sor.u32 s3, s0;
	s1 =	sshll.u32 s1, $0x11  }
0xbb: {  	s0 =	sor.u32 s1, s0  }
0xbc: {  	s0 =	sadd.s32 $0x8F2B, s0  }
0xbd: {  	[sflag:s0] =	ssyncadd.remote.s32 $0x1  }
0xbe: {  	_ =	sfence.sel $0xFFFF  }
0xbf: {  	[dreg:$0x0] =	wrdreg $0xFFFFFFFF;
	(pc) =	sbr.abs _section_cstart, $3  }
0xc0: {  	[dreg:$0x1] =	wrdreg $0xFFFFFFFF  }
0xc1: {  	_ =	task.clear_ibuf [dreg:s6], $0x2FFFF;
	_ =	strace $0x9FFFFFFF  }
0xc2: {  	(tm) =	ssettm $0x7FFFFFFF  }
0xc3: {  	_ =	shalt  }
tec
execute0_lowered:
.L_overlay_start_1:
0x0: {  	(tag) =	ssettag $0x1  }
0x1: {  	s0 =	rddreg [dreg:$0x0]  }
0x2: {  	s2 =	rddreg [dreg:$0x1]  }
0x3: {  	s3 =	simm.s32 $0x0;
	s13 =	stileid.u32;
	s4 =	srdreg.scid  }
0x4: {  	s17 =	simm.s32 $0x880;
	s18 =	simm.s32 $0x100;
	s19 =	simm.s32 $0x180  }
0x5: {  	s20 =	simm.s32 $0x900;
	s21 =	simm.s32 $0x980;
	s23 =	simm.s32 $0x200  }
0x6: {  	s25 =	simm.s32 $0x280;
	s28 =	simm.s32 $0x3;
	s29 =	simm.s32 $0x4  }
0x7: {  	s30 =	simm.s32 $0x5;
	s31 =	simm.s32 $0x6;
	[smem:$0x7FF] =	sst s3  }
0x8: {  	s1 =	smul.u32 $0x18800, s13;
	_ =	strace $0x8000004A;
	[dreg:$0x4] =	wrdreg s17  }
0x9: {  	s5 =	sand.u32 $0x1, s4;
	s4 =	sadd.s32 $0x33C00, s0;
	[dreg:$0x5] =	wrdreg s18  }
0xa: {  	s8 =	sadd.s32 $0x2E00, s0;
	s9 =	sshll.u32 s13, $0x1;
	[dreg:$0x6] =	wrdreg s19  }
0xb: {  	s10 =	smul.u32 $0x186, s13;
	s16 =	sshll.u32 s13, $0x6;
	[dreg:$0x7] =	wrdreg s20  }
0xc: {  	p0 =	sgt.u32 s13, $0x4;
	s13 =	simm.s32 $0xF00;
	[dreg:$0x8] =	wrdreg s21  }
0xd: {  	s7 =	smul.u32 $0x188000, s5;
	s9 =	sor.u32 s5, s9;
	[dreg:$0x9] =	wrdreg s23  }
0xe: {  	s12 =	smul.u32 $0xC3, s5;
	s5 =	ssub.s32 $0x2, s5;
	[dreg:$0xa] =	wrdreg s25  }
0xf: {  	s17 =	simm.s32 $0x380;
	s18 =	simm.s32 $0xB00;
	s19 =	simm.s32 $0xB80  }
0x10: {  	s20 =	simm.s32 $0x400;
	s21 =	simm.s32 $0x480;
	[dreg:$0xe] =	wrdreg s17  }
0x11: {  	s23 =	simm.s32 $0xC80;
	s25 =	simm.s32 $0x580;
	[dreg:$0xf] =	wrdreg s18  }
0x12: {  	s6 =	sshrl.u32 s1, $0x3;
	s11 =	smin.u32 s9, $0xA;
	[dreg:$0x10] =	wrdreg s19  }
0x13: {  	s9 =	smul.u32 $0xC3, s9;
	s26 =	sshrl.u32 s5, $0x1;
	[dreg:$0x11] =	wrdreg s20  }
0x14: {  	s18 =	simm.s32 $0x9;
	[dreg:$0x12] =	wrdreg s21;
	s19 =	simm.s32 $0x800  }
0x15: {  	s20 =	simm.s32 $0x80;
	[dreg:$0x14] =	wrdreg s23;
	s21 =	simm.s32 $0x1100  }
0x16: {  	[dreg:$0x16] =	wrdreg s25;
	s23 =	simm.s32 $0x1;
	s25 =	simm.s32 $0x3100  }
0x17: {  	s6 =	sadd.s32 s6, s0;
	s7 =	sadd.s32 s1, s7;
	s10 =	sadd.s32 s10, s11  }
0x18: {  	s5 =	ssub.s32 s5, s26;
	s10 =	sadd.s32 s12, s10;
	s6 =	sadd.s32 $0x64C00, s6  }
0x19: {  	s12 =	sadd.s32 s11, s9;
	s9 =	simm.s32 $0xA00;
	[dreg:$0x18] =	wrdreg s6  }
0x1a: {  	s7 =	sshrl.u32 s7, $0x3;
	s11 =	simm.s32 $0xA80;
	[dreg:$0xb] =	wrdreg s9  }
0x1b: {  	s5 =	smax.u32 s5, $0x1;
	s14 =	sshll.u32 s10, $0x4;
	[dreg:$0xc] =	wrdreg s11  }
0x1c: {  	s0 =	sadd.s32 s7, s0;
	[smem:$0x7FC] =	sst s5;
	s15 =	sadd.s32 s14, s8  }
0x1d: {  	s7 =	sshll.u32 s12, $0x4;
	s14 =	simm.s32 $0x300;
	[dreg:$0x3] =	wrdreg s15  }
0x1e: {  	s7 =	sadd.s32 s8, s7;
	s0 =	sadd.s32 $0x95C00, s0;
	[dreg:$0xd] =	wrdreg s14  }
0x1f: {  	s17 =	simm.s32 $0x0;
	s8 =	sadd.s32 $0xC00, s7;
	[smem:$0x7FB] =	sst s0  }
0x20: {  	s1 =	sadd.s32 s1, s2;
	s22 =	sadd.s32 $0x192A0, s7;
	[dreg:$0x1a] =	wrdreg s8  }
0x21: {  	s5 =	simm.s32 $0xD80;
	s24 =	sadd.s32 $0xC10, s7;
	[dreg:$0x1b] =	wrdreg s22  }
0x22: {  	s9 =	simm.s32 $0xE00;
	s26 =	sadd.s32 $0x192B0, s7;
	[dreg:$0x1c] =	wrdreg s24  }
0x23: {  	s11 =	simm.s32 $0x700;
	s10 =	sadd.s32 $0xC20, s7;
	[dreg:$0x1d] =	wrdreg s26  }
0x24: {  	s15 =	sor.u32 $0x1C09, s16;
	s12 =	sadd.s32 $0x192C0, s7;
	[dreg:$0x1e] =	wrdreg s10  }
0x25: {  	s16 =	sadd.s32 $0xC30, s7;
	s7 =	sadd.s32 $0x192D0, s7;
	[dreg:$0x1f] =	wrdreg s12  }
0x26: {  	s0 =	simm.s32 $0x7;
	s14 =	simm.s32 $0xF80;
	[smem:$0x7F9] =	sst s16  }
0x27: {  	[smem:$0x7FA] =	sst s7;
	s16 =	sshrl.u32 s1, $0x3;
	s22 =	simm.s32 $0xC00  }
0x28: {  	s24 =	simm.s32 $0x500;
	s26 =	simm.s32 $0xD00;
	[dreg:$0x19] =	wrdreg s15  }
0x29: {  	s1 =	simm.s32 $0x8;
	s7 =	simm.s32 $0x600;
	[dreg:$0x13] =	wrdreg s22  }
0x2a: {  	s8 =	simm.s32 $0x680;
	s10 =	simm.s32 $0xE80;
	[dreg:$0x15] =	wrdreg s24  }
0x2b: {  	s12 =	simm.s32 $0x780;
	s22 =	simm.s32 $0x2100;
	[dreg:$0x17] =	wrdreg s26  }
0x2c: {  	s24 =	simm.s32 $0x2;
	s26 =	simm.s32 $0x4100;
	[smem:$0x7FD] =	sst s16  }
.LBB2_1:
0x2d: {  	[smem:$0x7F8] =	sst s17  }
0x2e: {  	s6 =	rddreg [dreg:$0x18]  }
0x2f: {  	[spmem:s16], [sflag:s15] =	dma.local [hbm:s6], $0x3100  }
0x30: {  	_ =	swait.ge [sflag:s18], $0x3100  }
0x31: {  	[sflag:s18] =	ssyncset.done $0x0  }
0x32: {  	[sflag:s18] =	ssyncadd.s32 $0xFFFFCF00  }
0x33: {  	[bflag:$0x0] =	sbarrier.arrive $0xFFFF  }
0x34: {  	s6 =	rddreg [dreg:$0x3]  }
0x35: {  	s15 =	sadd.s32 $0x0, s6  }
0x36: {  	[tilespmem:s3], [sflag:$0x9] =	stream.linear.gather [hbm4b:s15+s3], $0x800, $0x38;
	[tilespmem:$0x1D900] =	vst v63  }
0x37: {  	_ =	swait.ge [sflag:s18], $0x800  }
0x38: {  	[sflag:s18] =	ssyncset.done $0x0  }
0x39: {  	s15 =	sadd.s32 $0x186A0, s15;
	[sflag:s18] =	ssyncadd.s32 $0xFFFFF800  }
0x3a: {  	[tilespmem:s19], [sflag:$0x9] =	stream.linear.gather [hbm4b:s15+s3], $0x800, $0x38;
	[tilespmem:$0x1D900] =	vst v63  }
0x3b: {  	_ =	swait.ge [sflag:s18], $0x800  }
0x3c: {  	[sflag:s18] =	ssyncset.done $0x0  }
0x3d: {  	[sflag:s18] =	ssyncadd.s32 $0xFFFFF800  }
0x3e: {  	[tilespmem:s21], [sflag:$0x1] =	stream.indirect.gather [hbm4b:s4+s20], $0x20, s3, s20, $0xb8;
	[tilespmem:$0x1D900] =	vst v63  }
0x3f: {  	_ = 	snop  }
0x40: {  	[tilespmem:s22], [sflag:$0x2] =	stream.indirect.gather [hbm4b:s4+s20], $0x20, s20, s20, $0xb8;
	[tilespmem:$0x1D900] =	vst v63  }
0x41: {  	_ =	swait.ge [sflag:s23], $0x1000  }
0x42: {  	[sflag:s23] =	ssyncset.done $0x0  }
0x43: {  	[sflag:s23] =	ssyncadd.s32 $0xFFFFF000  }
0x44: {  	[spmem:s2] =	stream.indirect.scatter.add.f32 [tilespmem:s21], [sflag:$0x5], $0x20, s19, s20, $0xb8;
	[tilespmem:$0x1D900] =	vst v63  }
0x45: {  	_ =	swait.ge [sflag:s24], $0x1000  }
0x46: {  	[sflag:s24] =	ssyncset.done $0x0  }
0x47: {  	s16 =	rddreg [dreg:$0x4];
	[sflag:s24] =	ssyncadd.s32 $0xFFFFF000  }
0x48: {  	[spmem:s2] =	stream.indirect.scatter.add.f32 [tilespmem:s22], [sflag:$0x6], $0x20, s16, s20, $0xb8;
	[tilespmem:$0x1D900] =	vst v63  }
0x49: {  	s17 =	rddreg [dreg:$0x5]  }
0x4a: {  	[tilespmem:s25], [sflag:$0x3] =	stream.indirect.gather [hbm4b:s4+s20], $0x20, s17, s20, $0xb8;
	[tilespmem:$0x1D900] =	vst v63  }
0x4b: {  	s6 =	rddreg [dreg:$0x6]  }
0x4c: {  	[tilespmem:s26], [sflag:$0x4] =	stream.indirect.gather [hbm4b:s4+s20], $0x20, s6, s20, $0xb8;
	[tilespmem:$0x1D900] =	vst v63  }
0x4d: {  	_ =	swait.ge [sflag:s28], $0x1000  }
0x4e: {  	[sflag:s28] =	ssyncset.done $0x0  }
0x4f: {  	s17 =	rddreg [dreg:$0x7];
	[sflag:s28] =	ssyncadd.s32 $0xFFFFF000  }
0x50: {  	[spmem:s2] =	stream.indirect.scatter.add.f32 [tilespmem:s25], [sflag:$0x7], $0x20, s17, s20, $0xb8;
	[tilespmem:$0x1D900] =	vst v63  }
0x51: {  	_ =	swait.ge [sflag:s29], $0x1000  }
0x52: {  	[sflag:s29] =	ssyncset.done $0x0  }
0x53: {  	s6 =	rddreg [dreg:$0x8];
	[sflag:s29] =	ssyncadd.s32 $0xFFFFF000  }
0x54: {  	[spmem:s2] =	stream.indirect.scatter.add.f32 [tilespmem:s26], [sflag:$0x8], $0x20, s6, s20, $0xb8;
	[tilespmem:$0x1D900] =	vst v63  }
0x55: {  	_ =	swait.ge [sflag:s30], $0x1000  }
0x56: {  	[sflag:s30] =	ssyncset.done $0x0  }
0x57: {  	[sflag:s30] =	ssyncadd.s32 $0xFFFFF000  }
0x58: {  	_ =	swait.ge [sflag:s31], $0x1000  }
0x59: {  	[sflag:s31] =	ssyncset.done $0x0  }
0x5a: {  	s16 =	rddreg [dreg:$0x9];
	[sflag:s31] =	ssyncadd.s32 $0xFFFFF000  }
0x5b: {  	[tilespmem:s21], [sflag:$0x1] =	stream.indirect.gather [hbm4b:s4+s20], $0x20, s16, s20, $0xb8;
	[tilespmem:$0x1D900] =	vst v63  }
0x5c: {  	s17 =	rddreg [dreg:$0xa]  }
0x5d: {  	[tilespmem:s22], [sflag:$0x2] =	stream.indirect.gather [hbm4b:s4+s20], $0x20, s17, s20, $0xb8;
	[tilespmem:$0x1D900] =	vst v63  }
0x5e: {  	_ =	swait.ge [sflag:s23], $0x1000  }
0x5f: {  	[sflag:s23] =	ssyncset.done $0x0  }
0x60: {  	s6 =	rddreg [dreg:$0xb];
	[sflag:s23] =	ssyncadd.s32 $0xFFFFF000  }
0x61: {  	[spmem:s2] =	stream.indirect.scatter.add.f32 [tilespmem:s21], [sflag:$0x5], $0x20, s6, s20, $0xb8;
	[tilespmem:$0x1D900] =	vst v63  }
0x62: {  	_ =	swait.ge [sflag:s24], $0x1000  }
0x63: {  	[sflag:s24] =	ssyncset.done $0x0  }
0x64: {  	s16 =	rddreg [dreg:$0xc];
	[sflag:s24] =	ssyncadd.s32 $0xFFFFF000  }
0x65: {  	[spmem:s2] =	stream.indirect.scatter.add.f32 [tilespmem:s22], [sflag:$0x6], $0x20, s16, s20, $0xb8;
	[tilespmem:$0x1D900] =	vst v63  }
0x66: {  	_ =	swait.ge [sflag:s0], $0x1000  }
0x67: {  	[sflag:s0] =	ssyncset.done $0x0  }
0x68: {  	[sflag:s0] =	ssyncadd.s32 $0xFFFFF000  }
0x69: {  	_ =	swait.ge [sflag:s1], $0x1000  }
0x6a: {  	[sflag:s1] =	ssyncset.done $0x0  }
0x6b: {  	s17 =	rddreg [dreg:$0xd];
	[sflag:s1] =	ssyncadd.s32 $0xFFFFF000  }
0x6c: {  	[tilespmem:s25], [sflag:$0x3] =	stream.indirect.gather [hbm4b:s4+s20], $0x20, s17, s20, $0xb8;
	[tilespmem:$0x1D900] =	vst v63  }
0x6d: {  	s6 =	rddreg [dreg:$0xe]  }
0x6e: {  	[tilespmem:s26], [sflag:$0x4] =	stream.indirect.gather [hbm4b:s4+s20], $0x20, s6, s20, $0xb8;
	[tilespmem:$0x1D900] =	vst v63  }
0x6f: {  	_ =	swait.ge [sflag:s28], $0x1000  }
0x70: {  	[sflag:s28] =	ssyncset.done $0x0  }
0x71: {  	s17 =	rddreg [dreg:$0xf];
	[sflag:s28] =	ssyncadd.s32 $0xFFFFF000  }
0x72: {  	[spmem:s2] =	stream.indirect.scatter.add.f32 [tilespmem:s25], [sflag:$0x7], $0x20, s17, s20, $0xb8;
	[tilespmem:$0x1D900] =	vst v63  }
0x73: {  	_ =	swait.ge [sflag:s29], $0x1000  }
0x74: {  	[sflag:s29] =	ssyncset.done $0x0  }
0x75: {  	s6 =	rddreg [dreg:$0x10];
	[sflag:s29] =	ssyncadd.s32 $0xFFFFF000  }
0x76: {  	[spmem:s2] =	stream.indirect.scatter.add.f32 [tilespmem:s26], [sflag:$0x8], $0x20, s6, s20, $0xb8;
	[tilespmem:$0x1D900] =	vst v63  }
0x77: {  	_ =	swait.ge [sflag:s30], $0x1000  }
0x78: {  	[sflag:s30] =	ssyncset.done $0x0  }
0x79: {  	[sflag:s30] =	ssyncadd.s32 $0xFFFFF000  }
0x7a: {  	_ =	swait.ge [sflag:s31], $0x1000  }
0x7b: {  	[sflag:s31] =	ssyncset.done $0x0  }
0x7c: {  	s16 =	rddreg [dreg:$0x11];
	[sflag:s31] =	ssyncadd.s32 $0xFFFFF000  }
0x7d: {  	[tilespmem:s21], [sflag:$0x1] =	stream.indirect.gather [hbm4b:s4+s20], $0x20, s16, s20, $0xb8;
	[tilespmem:$0x1D900] =	vst v63  }
0x7e: {  	s17 =	rddreg [dreg:$0x12]  }
0x7f: {  	[tilespmem:s22], [sflag:$0x2] =	stream.indirect.gather [hbm4b:s4+s20], $0x20, s17, s20, $0xb8;
	[tilespmem:$0x1D900] =	vst v63  }
0x80: {  	_ =	swait.ge [sflag:s23], $0x1000  }
0x81: {  	[sflag:s23] =	ssyncset.done $0x0  }
0x82: {  	s6 =	rddreg [dreg:$0x13];
	[sflag:s23] =	ssyncadd.s32 $0xFFFFF000  }
0x83: {  	[spmem:s2] =	stream.indirect.scatter.add.f32 [tilespmem:s21], [sflag:$0x5], $0x20, s6, s20, $0xb8;
	[tilespmem:$0x1D900] =	vst v63  }
0x84: {  	_ =	swait.ge [sflag:s24], $0x1000  }
0x85: {  	[sflag:s24] =	ssyncset.done $0x0  }
0x86: {  	s16 =	rddreg [dreg:$0x14];
	[sflag:s24] =	ssyncadd.s32 $0xFFFFF000  }
0x87: {  	[spmem:s2] =	stream.indirect.scatter.add.f32 [tilespmem:s22], [sflag:$0x6], $0x20, s16, s20, $0xb8;
	[tilespmem:$0x1D900] =	vst v63  }
0x88: {  	_ =	swait.ge [sflag:s0], $0x1000  }
0x89: {  	[sflag:s0] =	ssyncset.done $0x0  }
0x8a: {  	[sflag:s0] =	ssyncadd.s32 $0xFFFFF000  }
0x8b: {  	_ =	swait.ge [sflag:s1], $0x1000  }
0x8c: {  	[sflag:s1] =	ssyncset.done $0x0  }
0x8d: {  	s17 =	rddreg [dreg:$0x15];
	[sflag:s1] =	ssyncadd.s32 $0xFFFFF000  }
0x8e: {  	[tilespmem:s25], [sflag:$0x3] =	stream.indirect.gather [hbm4b:s4+s20], $0x20, s17, s20, $0xb8;
	[tilespmem:$0x1D900] =	vst v63  }
0x8f: {  	s6 =	rddreg [dreg:$0x16]  }
0x90: {  	[tilespmem:s26], [sflag:$0x4] =	stream.indirect.gather [hbm4b:s4+s20], $0x20, s6, s20, $0xb8;
	[tilespmem:$0x1D900] =	vst v63  }
0x91: {  	_ =	swait.ge [sflag:s28], $0x1000  }
0x92: {  	[sflag:s28] =	ssyncset.done $0x0  }
0x93: {  	s17 =	rddreg [dreg:$0x17];
	[sflag:s28] =	ssyncadd.s32 $0xFFFFF000  }
0x94: {  	[spmem:s2] =	stream.indirect.scatter.add.f32 [tilespmem:s25], [sflag:$0x7], $0x20, s17, s20, $0xb8;
	[tilespmem:$0x1D900] =	vst v63  }
0x95: {  	_ =	swait.ge [sflag:s29], $0x1000  }
0x96: {  	[sflag:s29] =	ssyncset.done $0x0  }
0x97: {  	[sflag:s29] =	ssyncadd.s32 $0xFFFFF000  }
0x98: {  	[spmem:s2] =	stream.indirect.scatter.add.f32 [tilespmem:s26], [sflag:$0x8], $0x20, s5, s20, $0xb8;
	[tilespmem:$0x1D900] =	vst v63  }
0x99: {  	_ =	swait.ge [sflag:s30], $0x1000  }
0x9a: {  	[sflag:s30] =	ssyncset.done $0x0  }
0x9b: {  	[sflag:s30] =	ssyncadd.s32 $0xFFFFF000  }
0x9c: {  	_ =	swait.ge [sflag:s31], $0x1000  }
0x9d: {  	[sflag:s31] =	ssyncset.done $0x0  }
0x9e: {  	[sflag:s31] =	ssyncadd.s32 $0xFFFFF000  }
0x9f: {  	[tilespmem:s21], [sflag:$0x1] =	stream.indirect.gather [hbm4b:s4+s20], $0x20, s7, s20, $0xb8;
	[tilespmem:$0x1D900] =	vst v63  }
0xa0: {  	_ = 	snop  }
0xa1: {  	[tilespmem:s22], [sflag:$0x2] =	stream.indirect.gather [hbm4b:s4+s20], $0x20, s8, s20, $0xb8;
	[tilespmem:$0x1D900] =	vst v63  }
0xa2: {  	_ =	swait.ge [sflag:s23], $0x1000  }
0xa3: {  	[sflag:s23] =	ssyncset.done $0x0  }
0xa4: {  	[sflag:s23] =	ssyncadd.s32 $0xFFFFF000  }
0xa5: {  	[spmem:s2] =	stream.indirect.scatter.add.f32 [tilespmem:s21], [sflag:$0x5], $0x20, s9, s20, $0xb8;
	[tilespmem:$0x1D900] =	vst v63  }
0xa6: {  	_ =	swait.ge [sflag:s24], $0x1000  }
0xa7: {  	[sflag:s24] =	ssyncset.done $0x0  }
0xa8: {  	[sflag:s24] =	ssyncadd.s32 $0xFFFFF000  }
0xa9: {  	[spmem:s2] =	stream.indirect.scatter.add.f32 [tilespmem:s22], [sflag:$0x6], $0x20, s10, s20, $0xb8;
	[tilespmem:$0x1D900] =	vst v63  }
0xaa: {  	_ =	swait.ge [sflag:s0], $0x1000  }
0xab: {  	[sflag:s0] =	ssyncset.done $0x0  }
0xac: {  	[sflag:s0] =	ssyncadd.s32 $0xFFFFF000  }
0xad: {  	_ =	swait.ge [sflag:s1], $0x1000  }
0xae: {  	[sflag:s1] =	ssyncset.done $0x0  }
0xaf: {  	[sflag:s1] =	ssyncadd.s32 $0xFFFFF000  }
0xb0: {  	[tilespmem:s25], [sflag:$0x3] =	stream.indirect.gather [hbm4b:s4+s20], $0x20, s11, s20, $0xb8;
	[tilespmem:$0x1D900] =	vst v63  }
0xb1: {  	_ = 	snop  }
0xb2: {  	[tilespmem:s26], [sflag:$0x4] =	stream.indirect.gather [hbm4b:s4+s20], $0x20, s12, s20, $0xb8;
	[tilespmem:$0x1D900] =	vst v63  }
0xb3: {  	_ =	swait.ge [sflag:s28], $0x1000  }
0xb4: {  	[sflag:s28] =	ssyncset.done $0x0  }
0xb5: {  	[sflag:s28] =	ssyncadd.s32 $0xFFFFF000  }
0xb6: {  	[spmem:s2] =	stream.indirect.scatter.add.f32 [tilespmem:s25], [sflag:$0x7], $0x20, s13, s20, $0xb8;
	[tilespmem:$0x1D900] =	vst v63  }
0xb7: {  	_ =	swait.ge [sflag:s29], $0x1000  }
0xb8: {  	[sflag:s29] =	ssyncset.done $0x0  }
0xb9: {  	[sflag:s29] =	ssyncadd.s32 $0xFFFFF000  }
0xba: {  	[spmem:s2] =	stream.indirect.scatter.add.f32 [tilespmem:s26], [sflag:$0x8], $0x20, s14, s20, $0xb8;
	[tilespmem:$0x1D900] =	vst v63  }
0xbb: {  	_ =	swait.ge [sflag:s30], $0x1000  }
0xbc: {  	[sflag:s30] =	ssyncset.done $0x0  }
0xbd: {  	[sflag:s30] =	ssyncadd.s32 $0xFFFFF000  }
0xbe: {  	_ =	swait.ge [sflag:s31], $0x1000  }
0xbf: {  	[sflag:s31] =	ssyncset.done $0x0  }
0xc0: {  	[sflag:s31] =	ssyncadd.s32 $0xFFFFF000  }
0xc1: {  	_ =	swait.ge [sflag:s0], $0x1000  }
0xc2: {  	[sflag:s0] =	ssyncset.done $0x0  }
0xc3: {  	[sflag:s0] =	ssyncadd.s32 $0xFFFFF000  }
0xc4: {  	s15 =	simm.s32 $0x200;
	_ =	swait.ge [sflag:s1], $0x1000  }
0xc5: {  	s17 =	simm.s32 $0x100;
	s16 =	rddreg [dreg:$0x3];
	[sflag:s1] =	ssyncset.done $0x0  }
.LBB2_2:
0xc6: {  	[sflag:s1] =	ssyncadd.s32 $0xFFFFF000;
	s16 =	sadd.s32 s17, s16  }
0xc7: {  	[tilespmem:s3], [sflag:$0x9] =	stream.linear.gather [hbm4b:s16+s3], $0x800, $0x38;
	[tilespmem:$0x1D900] =	vst v63  }
0xc8: {  	_ =	swait.ge [sflag:s18], $0x800  }
0xc9: {  	[sflag:s18] =	ssyncset.done $0x0  }
0xca: {  	s16 =	sadd.s32 $0x186A0, s16;
	[sflag:s18] =	ssyncadd.s32 $0xFFFFF800  }
0xcb: {  	[tilespmem:s19], [sflag:$0x9] =	stream.linear.gather [hbm4b:s16+s3], $0x800, $0x38;
	[tilespmem:$0x1D900] =	vst v63  }
0xcc: {  	_ =	swait.ge [sflag:s18], $0x800  }
0xcd: {  	[sflag:s18] =	ssyncset.done $0x0  }
0xce: {  	[sflag:s18] =	ssyncadd.s32 $0xFFFFF800  }
0xcf: {  	[tilespmem:s21], [sflag:$0x1] =	stream.indirect.gather [hbm4b:s4+s20], $0x20, s3, s20, $0xb8;
	[tilespmem:$0x1D900] =	vst v63  }
0xd0: {  	_ = 	snop  }
0xd1: {  	[tilespmem:s22], [sflag:$0x2] =	stream.indirect.gather [hbm4b:s4+s20], $0x20, s20, s20, $0xb8;
	[tilespmem:$0x1D900] =	vst v63  }
0xd2: {  	_ =	swait.ge [sflag:s23], $0x1000  }
0xd3: {  	[sflag:s23] =	ssyncset.done $0x0  }
0xd4: {  	[sflag:s23] =	ssyncadd.s32 $0xFFFFF000  }
0xd5: {  	[spmem:s2] =	stream.indirect.scatter.add.f32 [tilespmem:s21], [sflag:$0x5], $0x20, s19, s20, $0xb8;
	[tilespmem:$0x1D900] =	vst v63  }
0xd6: {  	_ =	swait.ge [sflag:s24], $0x1000  }
0xd7: {  	s6 =	smov.u32 s15;
	[sflag:s24] =	ssyncset.done $0x0  }
0xd8: {  	s17 =	smov.u32 s6;
	s6 =	rddreg [dreg:$0x4];
	[sflag:s24] =	ssyncadd.s32 $0xFFFFF000  }
0xd9: {  	[spmem:s2] =	stream.indirect.scatter.add.f32 [tilespmem:s22], [sflag:$0x6], $0x20, s6, s20, $0xb8;
	[tilespmem:$0x1D900] =	vst v63  }
0xda: {  	s16 =	rddreg [dreg:$0x5]  }
0xdb: {  	[tilespmem:s25], [sflag:$0x3] =	stream.indirect.gather [hbm4b:s4+s20], $0x20, s16, s20, $0xb8;
	[tilespmem:$0x1D900] =	vst v63  }
0xdc: {  	s6 =	rddreg [dreg:$0x6]  }
0xdd: {  	[tilespmem:s26], [sflag:$0x4] =	stream.indirect.gather [hbm4b:s4+s20], $0x20, s6, s20, $0xb8;
	[tilespmem:$0x1D900] =	vst v63  }
0xde: {  	_ =	swait.ge [sflag:s28], $0x1000  }
0xdf: {  	[sflag:s28] =	ssyncset.done $0x0  }
0xe0: {  	s16 =	rddreg [dreg:$0x7];
	[sflag:s28] =	ssyncadd.s32 $0xFFFFF000  }
0xe1: {  	[spmem:s2] =	stream.indirect.scatter.add.f32 [tilespmem:s25], [sflag:$0x7], $0x20, s16, s20, $0xb8;
	[tilespmem:$0x1D900] =	vst v63  }
0xe2: {  	_ =	swait.ge [sflag:s29], $0x1000  }
0xe3: {  	[sflag:s29] =	ssyncset.done $0x0  }
0xe4: {  	s16 =	rddreg [dreg:$0x8];
	[sflag:s29] =	ssyncadd.s32 $0xFFFFF000  }
0xe5: {  	[spmem:s2] =	stream.indirect.scatter.add.f32 [tilespmem:s26], [sflag:$0x8], $0x20, s16, s20, $0xb8;
	[tilespmem:$0x1D900] =	vst v63  }
0xe6: {  	_ =	swait.ge [sflag:s30], $0x1000  }
0xe7: {  	[sflag:s30] =	ssyncset.done $0x0  }
0xe8: {  	[sflag:s30] =	ssyncadd.s32 $0xFFFFF000  }
0xe9: {  	_ =	swait.ge [sflag:s31], $0x1000  }
0xea: {  	[sflag:s31] =	ssyncset.done $0x0  }
0xeb: {  	s6 =	rddreg [dreg:$0x9];
	[sflag:s31] =	ssyncadd.s32 $0xFFFFF000  }
0xec: {  	[tilespmem:s21], [sflag:$0x1] =	stream.indirect.gather [hbm4b:s4+s20], $0x20, s6, s20, $0xb8;
	[tilespmem:$0x1D900] =	vst v63  }
0xed: {  	s16 =	rddreg [dreg:$0xa]  }
0xee: {  	[tilespmem:s22], [sflag:$0x2] =	stream.indirect.gather [hbm4b:s4+s20], $0x20, s16, s20, $0xb8;
	[tilespmem:$0x1D900] =	vst v63  }
0xef: {  	_ =	swait.ge [sflag:s23], $0x1000  }
0xf0: {  	[sflag:s23] =	ssyncset.done $0x0  }
0xf1: {  	s16 =	rddreg [dreg:$0xb];
	[sflag:s23] =	ssyncadd.s32 $0xFFFFF000  }
0xf2: {  	[spmem:s2] =	stream.indirect.scatter.add.f32 [tilespmem:s21], [sflag:$0x5], $0x20, s16, s20, $0xb8;
	[tilespmem:$0x1D900] =	vst v63  }
0xf3: {  	_ =	swait.ge [sflag:s24], $0x1000  }
0xf4: {  	[sflag:s24] =	ssyncset.done $0x0  }
0xf5: {  	s16 =	rddreg [dreg:$0xc];
	[sflag:s24] =	ssyncadd.s32 $0xFFFFF000  }
0xf6: {  	[spmem:s2] =	stream.indirect.scatter.add.f32 [tilespmem:s22], [sflag:$0x6], $0x20, s16, s20, $0xb8;
	[tilespmem:$0x1D900] =	vst v63  }
0xf7: {  	_ =	swait.ge [sflag:s0], $0x1000  }
0xf8: {  	[sflag:s0] =	ssyncset.done $0x0  }
0xf9: {  	[sflag:s0] =	ssyncadd.s32 $0xFFFFF000  }
0xfa: {  	_ =	swait.ge [sflag:s1], $0x1000  }
0xfb: {  	[sflag:s1] =	ssyncset.done $0x0  }
0xfc: {  	s6 =	rddreg [dreg:$0xd];
	[sflag:s1] =	ssyncadd.s32 $0xFFFFF000  }
0xfd: {  	[tilespmem:s25], [sflag:$0x3] =	stream.indirect.gather [hbm4b:s4+s20], $0x20, s6, s20, $0xb8;
	[tilespmem:$0x1D900] =	vst v63  }
0xfe: {  	s16 =	rddreg [dreg:$0xe]  }
0xff: {  	[tilespmem:s26], [sflag:$0x4] =	stream.indirect.gather [hbm4b:s4+s20], $0x20, s16, s20, $0xb8;
	[tilespmem:$0x1D900] =	vst v63  }
0x100: {  	_ =	swait.ge [sflag:s28], $0x1000  }
0x101: {  	[sflag:s28] =	ssyncset.done $0x0  }
0x102: {  	s16 =	rddreg [dreg:$0xf];
	[sflag:s28] =	ssyncadd.s32 $0xFFFFF000  }
0x103: {  	[spmem:s2] =	stream.indirect.scatter.add.f32 [tilespmem:s25], [sflag:$0x7], $0x20, s16, s20, $0xb8;
	[tilespmem:$0x1D900] =	vst v63  }
0x104: {  	_ =	swait.ge [sflag:s29], $0x1000  }
0x105: {  	[sflag:s29] =	ssyncset.done $0x0  }
0x106: {  	s16 =	rddreg [dreg:$0x10];
	[sflag:s29] =	ssyncadd.s32 $0xFFFFF000  }
0x107: {  	[spmem:s2] =	stream.indirect.scatter.add.f32 [tilespmem:s26], [sflag:$0x8], $0x20, s16, s20, $0xb8;
	[tilespmem:$0x1D900] =	vst v63  }
0x108: {  	_ =	swait.ge [sflag:s30], $0x1000  }
0x109: {  	[sflag:s30] =	ssyncset.done $0x0  }
0x10a: {  	[sflag:s30] =	ssyncadd.s32 $0xFFFFF000  }
0x10b: {  	_ =	swait.ge [sflag:s31], $0x1000  }
0x10c: {  	[sflag:s31] =	ssyncset.done $0x0  }
0x10d: {  	s6 =	rddreg [dreg:$0x11];
	[sflag:s31] =	ssyncadd.s32 $0xFFFFF000  }
0x10e: {  	[tilespmem:s21], [sflag:$0x1] =	stream.indirect.gather [hbm4b:s4+s20], $0x20, s6, s20, $0xb8;
	[tilespmem:$0x1D900] =	vst v63  }
0x10f: {  	s16 =	rddreg [dreg:$0x12]  }
0x110: {  	[tilespmem:s22], [sflag:$0x2] =	stream.indirect.gather [hbm4b:s4+s20], $0x20, s16, s20, $0xb8;
	[tilespmem:$0x1D900] =	vst v63  }
0x111: {  	_ =	swait.ge [sflag:s23], $0x1000  }
0x112: {  	[sflag:s23] =	ssyncset.done $0x0  }
0x113: {  	s16 =	rddreg [dreg:$0x13];
	[sflag:s23] =	ssyncadd.s32 $0xFFFFF000  }
0x114: {  	[spmem:s2] =	stream.indirect.scatter.add.f32 [tilespmem:s21], [sflag:$0x5], $0x20, s16, s20, $0xb8;
	[tilespmem:$0x1D900] =	vst v63  }
0x115: {  	_ =	swait.ge [sflag:s24], $0x1000  }
0x116: {  	[sflag:s24] =	ssyncset.done $0x0  }
0x117: {  	s16 =	rddreg [dreg:$0x14];
	[sflag:s24] =	ssyncadd.s32 $0xFFFFF000  }
0x118: {  	[spmem:s2] =	stream.indirect.scatter.add.f32 [tilespmem:s22], [sflag:$0x6], $0x20, s16, s20, $0xb8;
	[tilespmem:$0x1D900] =	vst v63  }
0x119: {  	_ =	swait.ge [sflag:s0], $0x1000  }
0x11a: {  	[sflag:s0] =	ssyncset.done $0x0  }
0x11b: {  	[sflag:s0] =	ssyncadd.s32 $0xFFFFF000  }
0x11c: {  	_ =	swait.ge [sflag:s1], $0x1000  }
0x11d: {  	[sflag:s1] =	ssyncset.done $0x0  }
0x11e: {  	s6 =	rddreg [dreg:$0x15];
	[sflag:s1] =	ssyncadd.s32 $0xFFFFF000  }
0x11f: {  	[tilespmem:s25], [sflag:$0x3] =	stream.indirect.gather [hbm4b:s4+s20], $0x20, s6, s20, $0xb8;
	[tilespmem:$0x1D900] =	vst v63  }
0x120: {  	s16 =	rddreg [dreg:$0x16]  }
0x121: {  	[tilespmem:s26], [sflag:$0x4] =	stream.indirect.gather [hbm4b:s4+s20], $0x20, s16, s20, $0xb8;
	[tilespmem:$0x1D900] =	vst v63  }
0x122: {  	_ =	swait.ge [sflag:s28], $0x1000  }
0x123: {  	[sflag:s28] =	ssyncset.done $0x0  }
0x124: {  	s16 =	rddreg [dreg:$0x17];
	[sflag:s28] =	ssyncadd.s32 $0xFFFFF000  }
0x125: {  	[spmem:s2] =	stream.indirect.scatter.add.f32 [tilespmem:s25], [sflag:$0x7], $0x20, s16, s20, $0xb8;
	[tilespmem:$0x1D900] =	vst v63  }
0x126: {  	_ =	swait.ge [sflag:s29], $0x1000  }
0x127: {  	[sflag:s29] =	ssyncset.done $0x0  }
0x128: {  	[sflag:s29] =	ssyncadd.s32 $0xFFFFF000  }
0x129: {  	[spmem:s2] =	stream.indirect.scatter.add.f32 [tilespmem:s26], [sflag:$0x8], $0x20, s5, s20, $0xb8;
	[tilespmem:$0x1D900] =	vst v63  }
0x12a: {  	_ =	swait.ge [sflag:s30], $0x1000  }
0x12b: {  	[sflag:s30] =	ssyncset.done $0x0  }
0x12c: {  	[sflag:s30] =	ssyncadd.s32 $0xFFFFF000  }
0x12d: {  	_ =	swait.ge [sflag:s31], $0x1000  }
0x12e: {  	[sflag:s31] =	ssyncset.done $0x0  }
0x12f: {  	[sflag:s31] =	ssyncadd.s32 $0xFFFFF000  }
0x130: {  	[tilespmem:s21], [sflag:$0x1] =	stream.indirect.gather [hbm4b:s4+s20], $0x20, s7, s20, $0xb8;
	[tilespmem:$0x1D900] =	vst v63  }
0x131: {  	_ = 	snop  }
0x132: {  	[tilespmem:s22], [sflag:$0x2] =	stream.indirect.gather [hbm4b:s4+s20], $0x20, s8, s20, $0xb8;
	[tilespmem:$0x1D900] =	vst v63  }
0x133: {  	_ =	swait.ge [sflag:s23], $0x1000  }
0x134: {  	[sflag:s23] =	ssyncset.done $0x0  }
0x135: {  	[sflag:s23] =	ssyncadd.s32 $0xFFFFF000  }
0x136: {  	[spmem:s2] =	stream.indirect.scatter.add.f32 [tilespmem:s21], [sflag:$0x5], $0x20, s9, s20, $0xb8;
	[tilespmem:$0x1D900] =	vst v63  }
0x137: {  	_ =	swait.ge [sflag:s24], $0x1000  }
0x138: {  	[sflag:s24] =	ssyncset.done $0x0  }
0x139: {  	[sflag:s24] =	ssyncadd.s32 $0xFFFFF000  }
0x13a: {  	[spmem:s2] =	stream.indirect.scatter.add.f32 [tilespmem:s22], [sflag:$0x6], $0x20, s10, s20, $0xb8;
	[tilespmem:$0x1D900] =	vst v63  }
0x13b: {  	_ =	swait.ge [sflag:s0], $0x1000  }
0x13c: {  	[sflag:s0] =	ssyncset.done $0x0  }
0x13d: {  	[sflag:s0] =	ssyncadd.s32 $0xFFFFF000  }
0x13e: {  	_ =	swait.ge [sflag:s1], $0x1000  }
0x13f: {  	[sflag:s1] =	ssyncset.done $0x0  }
0x140: {  	[sflag:s1] =	ssyncadd.s32 $0xFFFFF000  }
0x141: {  	[tilespmem:s25], [sflag:$0x3] =	stream.indirect.gather [hbm4b:s4+s20], $0x20, s11, s20, $0xb8;
	[tilespmem:$0x1D900] =	vst v63  }
0x142: {  	_ = 	snop  }
0x143: {  	[tilespmem:s26], [sflag:$0x4] =	stream.indirect.gather [hbm4b:s4+s20], $0x20, s12, s20, $0xb8;
	[tilespmem:$0x1D900] =	vst v63  }
0x144: {  	_ =	swait.ge [sflag:s28], $0x1000  }
0x145: {  	[sflag:s28] =	ssyncset.done $0x0  }
0x146: {  	[sflag:s28] =	ssyncadd.s32 $0xFFFFF000  }
0x147: {  	[spmem:s2] =	stream.indirect.scatter.add.f32 [tilespmem:s25], [sflag:$0x7], $0x20, s13, s20, $0xb8;
	[tilespmem:$0x1D900] =	vst v63  }
0x148: {  	_ =	swait.ge [sflag:s29], $0x1000  }
0x149: {  	[sflag:s29] =	ssyncset.done $0x0  }
0x14a: {  	[sflag:s29] =	ssyncadd.s32 $0xFFFFF000  }
0x14b: {  	[spmem:s2] =	stream.indirect.scatter.add.f32 [tilespmem:s26], [sflag:$0x8], $0x20, s14, s20, $0xb8;
	[tilespmem:$0x1D900] =	vst v63  }
0x14c: {  	_ =	swait.ge [sflag:s30], $0x1000  }
0x14d: {  	[sflag:s30] =	ssyncset.done $0x0  }
0x14e: {  	[sflag:s30] =	ssyncadd.s32 $0xFFFFF000  }
0x14f: {  	_ =	swait.ge [sflag:s31], $0x1000  }
0x150: {  	[sflag:s31] =	ssyncset.done $0x0  }
0x151: {  	p1 =	sne.s32 s15, $0xB00;
	[sflag:s31] =	ssyncadd.s32 $0xFFFFF000  }
.Ltmp0:
0x152: {  	_ =	swait.ge [sflag:s0], $0x1000;
	(pc) =	sbr.rel @p1 .LBB2_2-.Ltmp0, $4  }
0x153: {  	[sflag:s0] =	ssyncset.done $0x0  }
0x154: {  	[sflag:s0] =	ssyncadd.s32 $0xFFFFF000  }
0x155: {  	_ =	swait.ge [sflag:s1], $0x1000  }
0x156: {  	s15 =	sadd.s32 $0x100, s15;
	s16 =	rddreg [dreg:$0x3];
	[sflag:s1] =	ssyncset.done $0x0  }
0x157: {  	[sflag:s1] =	ssyncadd.s32 $0xFFFFF000;
	s6 =	sadd.s32 s17, s16  }
0x158: {  	[tilespmem:s3], [sflag:$0x9] =	stream.linear.gather [hbm4b:s6+s3], $0x800, $0x38;
	[tilespmem:$0x1D900] =	vst v63  }
0x159: {  	_ =	swait.ge [sflag:s18], $0x800  }
0x15a: {  	[sflag:s18] =	ssyncset.done $0x0  }
0x15b: {  	s6 =	sadd.s32 $0x186A0, s6;
	[sflag:s18] =	ssyncadd.s32 $0xFFFFF800  }
0x15c: {  	[tilespmem:s19], [sflag:$0x9] =	stream.linear.gather [hbm4b:s6+s3], $0x800, $0x38;
	[tilespmem:$0x1D900] =	vst v63  }
0x15d: {  	_ =	swait.ge [sflag:s18], $0x800  }
0x15e: {  	[sflag:s18] =	ssyncset.done $0x0  }
0x15f: {  	[sflag:s18] =	ssyncadd.s32 $0xFFFFF800  }
0x160: {  	[tilespmem:s21], [sflag:$0x1] =	stream.indirect.gather [hbm4b:s4+s20], $0x20, s3, s20, $0xb8;
	[tilespmem:$0x1D900] =	vst v63  }
0x161: {  	_ = 	snop  }
0x162: {  	[tilespmem:s22], [sflag:$0x2] =	stream.indirect.gather [hbm4b:s4+s20], $0x20, s20, s20, $0xb8;
	[tilespmem:$0x1D900] =	vst v63  }
0x163: {  	_ =	swait.ge [sflag:s23], $0x1000  }
0x164: {  	[sflag:s23] =	ssyncset.done $0x0  }
0x165: {  	[sflag:s23] =	ssyncadd.s32 $0xFFFFF000  }
0x166: {  	[spmem:s2] =	stream.indirect.scatter.add.f32 [tilespmem:s21], [sflag:$0x5], $0x20, s19, s20, $0xb8;
	[tilespmem:$0x1D900] =	vst v63  }
0x167: {  	_ =	swait.ge [sflag:s24], $0x1000  }
0x168: {  	[sflag:s24] =	ssyncset.done $0x0  }
0x169: {  	s16 =	rddreg [dreg:$0x4];
	[sflag:s24] =	ssyncadd.s32 $0xFFFFF000  }
0x16a: {  	[spmem:s2] =	stream.indirect.scatter.add.f32 [tilespmem:s22], [sflag:$0x6], $0x20, s16, s20, $0xb8;
	[tilespmem:$0x1D900] =	vst v63  }
0x16b: {  	s15 =	rddreg [dreg:$0x5]  }
0x16c: {  	[tilespmem:s25], [sflag:$0x3] =	stream.indirect.gather [hbm4b:s4+s20], $0x20, s15, s20, $0xb8;
	[tilespmem:$0x1D900] =	vst v63  }
0x16d: {  	s17 =	rddreg [dreg:$0x6]  }
0x16e: {  	[tilespmem:s26], [sflag:$0x4] =	stream.indirect.gather [hbm4b:s4+s20], $0x20, s17, s20, $0xb8;
	[tilespmem:$0x1D900] =	vst v63  }
0x16f: {  	_ =	swait.ge [sflag:s28], $0x1000  }
0x170: {  	[sflag:s28] =	ssyncset.done $0x0  }
0x171: {  	s16 =	rddreg [dreg:$0x7];
	[sflag:s28] =	ssyncadd.s32 $0xFFFFF000  }
0x172: {  	[spmem:s2] =	stream.indirect.scatter.add.f32 [tilespmem:s25], [sflag:$0x7], $0x20, s16, s20, $0xb8;
	[tilespmem:$0x1D900] =	vst v63  }
0x173: {  	_ =	swait.ge [sflag:s29], $0x1000  }
0x174: {  	[sflag:s29] =	ssyncset.done $0x0  }
0x175: {  	s17 =	rddreg [dreg:$0x8];
	[sflag:s29] =	ssyncadd.s32 $0xFFFFF000  }
0x176: {  	[spmem:s2] =	stream.indirect.scatter.add.f32 [tilespmem:s26], [sflag:$0x8], $0x20, s17, s20, $0xb8;
	[tilespmem:$0x1D900] =	vst v63  }
0x177: {  	_ =	swait.ge [sflag:s30], $0x1000  }
0x178: {  	[sflag:s30] =	ssyncset.done $0x0  }
0x179: {  	[sflag:s30] =	ssyncadd.s32 $0xFFFFF000  }
0x17a: {  	_ =	swait.ge [sflag:s31], $0x1000  }
0x17b: {  	[sflag:s31] =	ssyncset.done $0x0  }
0x17c: {  	s15 =	rddreg [dreg:$0x9];
	[sflag:s31] =	ssyncadd.s32 $0xFFFFF000  }
0x17d: {  	[tilespmem:s21], [sflag:$0x1] =	stream.indirect.gather [hbm4b:s4+s20], $0x20, s15, s20, $0xb8;
	[tilespmem:$0x1D900] =	vst v63  }
0x17e: {  	s16 =	rddreg [dreg:$0xa]  }
0x17f: {  	[tilespmem:s22], [sflag:$0x2] =	stream.indirect.gather [hbm4b:s4+s20], $0x20, s16, s20, $0xb8;
	[tilespmem:$0x1D900] =	vst v63  }
0x180: {  	_ =	swait.ge [sflag:s23], $0x1000  }
0x181: {  	[sflag:s23] =	ssyncset.done $0x0  }
0x182: {  	s17 =	rddreg [dreg:$0xb];
	[sflag:s23] =	ssyncadd.s32 $0xFFFFF000  }
0x183: {  	[spmem:s2] =	stream.indirect.scatter.add.f32 [tilespmem:s21], [sflag:$0x5], $0x20, s17, s20, $0xb8;
	[tilespmem:$0x1D900] =	vst v63  }
0x184: {  	_ =	swait.ge [sflag:s24], $0x1000  }
0x185: {  	[sflag:s24] =	ssyncset.done $0x0  }
0x186: {  	s15 =	rddreg [dreg:$0xc];
	[sflag:s24] =	ssyncadd.s32 $0xFFFFF000  }
0x187: {  	[spmem:s2] =	stream.indirect.scatter.add.f32 [tilespmem:s22], [sflag:$0x6], $0x20, s15, s20, $0xb8;
	[tilespmem:$0x1D900] =	vst v63  }
0x188: {  	_ =	swait.ge [sflag:s0], $0x1000  }
0x189: {  	[sflag:s0] =	ssyncset.done $0x0  }
0x18a: {  	[sflag:s0] =	ssyncadd.s32 $0xFFFFF000  }
0x18b: {  	_ =	swait.ge [sflag:s1], $0x1000  }
0x18c: {  	[sflag:s1] =	ssyncset.done $0x0  }
0x18d: {  	s16 =	rddreg [dreg:$0xd];
	[sflag:s1] =	ssyncadd.s32 $0xFFFFF000  }
0x18e: {  	[tilespmem:s25], [sflag:$0x3] =	stream.indirect.gather [hbm4b:s4+s20], $0x20, s16, s20, $0xb8;
	[tilespmem:$0x1D900] =	vst v63  }
0x18f: {  	s17 =	rddreg [dreg:$0xe]  }
0x190: {  	[tilespmem:s26], [sflag:$0x4] =	stream.indirect.gather [hbm4b:s4+s20], $0x20, s17, s20, $0xb8;
	[tilespmem:$0x1D900] =	vst v63  }
0x191: {  	_ =	swait.ge [sflag:s28], $0x1000  }
0x192: {  	[sflag:s28] =	ssyncset.done $0x0  }
0x193: {  	s16 =	rddreg [dreg:$0xf];
	[sflag:s28] =	ssyncadd.s32 $0xFFFFF000  }
0x194: {  	[spmem:s2] =	stream.indirect.scatter.add.f32 [tilespmem:s25], [sflag:$0x7], $0x20, s16, s20, $0xb8;
	[tilespmem:$0x1D900] =	vst v63  }
0x195: {  	_ =	swait.ge [sflag:s29], $0x1000  }
0x196: {  	[sflag:s29] =	ssyncset.done $0x0  }
0x197: {  	s17 =	rddreg [dreg:$0x10];
	[sflag:s29] =	ssyncadd.s32 $0xFFFFF000  }
0x198: {  	[spmem:s2] =	stream.indirect.scatter.add.f32 [tilespmem:s26], [sflag:$0x8], $0x20, s17, s20, $0xb8;
	[tilespmem:$0x1D900] =	vst v63  }
0x199: {  	_ =	swait.ge [sflag:s30], $0x1000  }
0x19a: {  	[sflag:s30] =	ssyncset.done $0x0  }
0x19b: {  	[sflag:s30] =	ssyncadd.s32 $0xFFFFF000  }
0x19c: {  	_ =	swait.ge [sflag:s31], $0x1000  }
0x19d: {  	[sflag:s31] =	ssyncset.done $0x0  }
0x19e: {  	s15 =	rddreg [dreg:$0x11];
	[sflag:s31] =	ssyncadd.s32 $0xFFFFF000  }
0x19f: {  	[tilespmem:s21], [sflag:$0x1] =	stream.indirect.gather [hbm4b:s4+s20], $0x20, s15, s20, $0xb8;
	[tilespmem:$0x1D900] =	vst v63  }
0x1a0: {  	s16 =	rddreg [dreg:$0x12]  }
0x1a1: {  	[tilespmem:s22], [sflag:$0x2] =	stream.indirect.gather [hbm4b:s4+s20], $0x20, s16, s20, $0xb8;
	[tilespmem:$0x1D900] =	vst v63  }
0x1a2: {  	_ =	swait.ge [sflag:s23], $0x1000  }
0x1a3: {  	[sflag:s23] =	ssyncset.done $0x0  }
0x1a4: {  	s17 =	rddreg [dreg:$0x13];
	[sflag:s23] =	ssyncadd.s32 $0xFFFFF000  }
0x1a5: {  	[spmem:s2] =	stream.indirect.scatter.add.f32 [tilespmem:s21], [sflag:$0x5], $0x20, s17, s20, $0xb8;
	[tilespmem:$0x1D900] =	vst v63  }
0x1a6: {  	_ =	swait.ge [sflag:s24], $0x1000  }
0x1a7: {  	[sflag:s24] =	ssyncset.done $0x0  }
0x1a8: {  	s15 =	rddreg [dreg:$0x14];
	[sflag:s24] =	ssyncadd.s32 $0xFFFFF000  }
0x1a9: {  	[spmem:s2] =	stream.indirect.scatter.add.f32 [tilespmem:s22], [sflag:$0x6], $0x20, s15, s20, $0xb8;
	[tilespmem:$0x1D900] =	vst v63  }
0x1aa: {  	_ =	swait.ge [sflag:s0], $0x1000  }
0x1ab: {  	[sflag:s0] =	ssyncset.done $0x0  }
0x1ac: {  	[sflag:s0] =	ssyncadd.s32 $0xFFFFF000  }
0x1ad: {  	_ =	swait.ge [sflag:s1], $0x1000  }
0x1ae: {  	[sflag:s1] =	ssyncset.done $0x0  }
0x1af: {  	s16 =	rddreg [dreg:$0x15];
	[sflag:s1] =	ssyncadd.s32 $0xFFFFF000  }
0x1b0: {  	[tilespmem:s25], [sflag:$0x3] =	stream.indirect.gather [hbm4b:s4+s20], $0x20, s16, s20, $0xb8;
	[tilespmem:$0x1D900] =	vst v63  }
0x1b1: {  	s17 =	rddreg [dreg:$0x16]  }
0x1b2: {  	[tilespmem:s26], [sflag:$0x4] =	stream.indirect.gather [hbm4b:s4+s20], $0x20, s17, s20, $0xb8;
	[tilespmem:$0x1D900] =	vst v63  }
0x1b3: {  	_ =	swait.ge [sflag:s28], $0x1000  }
0x1b4: {  	[sflag:s28] =	ssyncset.done $0x0  }
0x1b5: {  	s15 =	rddreg [dreg:$0x17];
	[sflag:s28] =	ssyncadd.s32 $0xFFFFF000  }
0x1b6: {  	[spmem:s2] =	stream.indirect.scatter.add.f32 [tilespmem:s25], [sflag:$0x7], $0x20, s15, s20, $0xb8;
	[tilespmem:$0x1D900] =	vst v63  }
0x1b7: {  	_ =	swait.ge [sflag:s29], $0x1000  }
0x1b8: {  	[sflag:s29] =	ssyncset.done $0x0  }
0x1b9: {  	[sflag:s29] =	ssyncadd.s32 $0xFFFFF000  }
0x1ba: {  	[spmem:s2] =	stream.indirect.scatter.add.f32 [tilespmem:s26], [sflag:$0x8], $0x20, s5, s20, $0xb8;
	[tilespmem:$0x1D900] =	vst v63  }
0x1bb: {  	_ =	swait.ge [sflag:s30], $0x1000  }
0x1bc: {  	[sflag:s30] =	ssyncset.done $0x0  }
0x1bd: {  	[sflag:s30] =	ssyncadd.s32 $0xFFFFF000  }
0x1be: {  	_ =	swait.ge [sflag:s31], $0x1000  }
0x1bf: {  	[sflag:s31] =	ssyncset.done $0x0  }
0x1c0: {  	[sflag:s31] =	ssyncadd.s32 $0xFFFFF000  }
0x1c1: {  	[tilespmem:s21], [sflag:$0x1] =	stream.indirect.gather [hbm4b:s4+s20], $0x20, s7, s20, $0xb8;
	[tilespmem:$0x1D900] =	vst v63  }
0x1c2: {  	_ = 	snop  }
0x1c3: {  	[tilespmem:s22], [sflag:$0x2] =	stream.indirect.gather [hbm4b:s4+s20], $0x20, s8, s20, $0xb8;
	[tilespmem:$0x1D900] =	vst v63  }
0x1c4: {  	_ =	swait.ge [sflag:s23], $0x1000  }
0x1c5: {  	[sflag:s23] =	ssyncset.done $0x0  }
0x1c6: {  	[sflag:s23] =	ssyncadd.s32 $0xFFFFF000  }
0x1c7: {  	[spmem:s2] =	stream.indirect.scatter.add.f32 [tilespmem:s21], [sflag:$0x5], $0x20, s9, s20, $0xb8;
	[tilespmem:$0x1D900] =	vst v63  }
0x1c8: {  	_ =	swait.ge [sflag:s24], $0x1000  }
0x1c9: {  	[sflag:s24] =	ssyncset.done $0x0  }
0x1ca: {  	[sflag:s24] =	ssyncadd.s32 $0xFFFFF000  }
0x1cb: {  	[spmem:s2] =	stream.indirect.scatter.add.f32 [tilespmem:s22], [sflag:$0x6], $0x20, s10, s20, $0xb8;
	[tilespmem:$0x1D900] =	vst v63  }
0x1cc: {  	_ =	swait.ge [sflag:s0], $0x1000  }
0x1cd: {  	[sflag:s0] =	ssyncset.done $0x0  }
0x1ce: {  	[sflag:s0] =	ssyncadd.s32 $0xFFFFF000  }
0x1cf: {  	_ =	swait.ge [sflag:s1], $0x1000  }
0x1d0: {  	[sflag:s1] =	ssyncset.done $0x0  }
0x1d1: {  	[sflag:s1] =	ssyncadd.s32 $0xFFFFF000  }
0x1d2: {  	[tilespmem:s25], [sflag:$0x3] =	stream.indirect.gather [hbm4b:s4+s20], $0x20, s11, s20, $0xb8;
	[tilespmem:$0x1D900] =	vst v63  }
0x1d3: {  	_ = 	snop  }
0x1d4: {  	[tilespmem:s26], [sflag:$0x4] =	stream.indirect.gather [hbm4b:s4+s20], $0x20, s12, s20, $0xb8;
	[tilespmem:$0x1D900] =	vst v63  }
0x1d5: {  	_ =	swait.ge [sflag:s28], $0x1000  }
0x1d6: {  	[sflag:s28] =	ssyncset.done $0x0  }
0x1d7: {  	[sflag:s28] =	ssyncadd.s32 $0xFFFFF000  }
0x1d8: {  	[spmem:s2] =	stream.indirect.scatter.add.f32 [tilespmem:s25], [sflag:$0x7], $0x20, s13, s20, $0xb8;
	[tilespmem:$0x1D900] =	vst v63  }
0x1d9: {  	_ =	swait.ge [sflag:s29], $0x1000  }
0x1da: {  	[sflag:s29] =	ssyncset.done $0x0  }
0x1db: {  	[sflag:s29] =	ssyncadd.s32 $0xFFFFF000  }
0x1dc: {  	[spmem:s2] =	stream.indirect.scatter.add.f32 [tilespmem:s26], [sflag:$0x8], $0x20, s14, s20, $0xb8;
	[tilespmem:$0x1D900] =	vst v63  }
0x1dd: {  	_ =	swait.ge [sflag:s30], $0x1000  }
0x1de: {  	[sflag:s30] =	ssyncset.done $0x0  }
0x1df: {  	[sflag:s30] =	ssyncadd.s32 $0xFFFFF000  }
0x1e0: {  	_ =	swait.ge [sflag:s31], $0x1000  }
0x1e1: {  	[sflag:s31] =	ssyncset.done $0x0  }
0x1e2: {  	[sflag:s31] =	ssyncadd.s32 $0xFFFFF000  }
0x1e3: {  	_ =	swait.ge [sflag:s0], $0x1000  }
0x1e4: {  	[sflag:s0] =	ssyncset.done $0x0  }
0x1e5: {  	[sflag:s0] =	ssyncadd.s32 $0xFFFFF000  }
0x1e6: {  	_ =	swait.ge [sflag:s1], $0x1000  }
0x1e7: {  	[sflag:s1] =	ssyncset.done $0x0  }
0x1e8: {  	s15 =	simm.s32 $0x1000;
	s16 =	rddreg [dreg:$0x1a];
	[sflag:s1] =	ssyncadd.s32 $0xFFFFF000  }
0x1e9: {  	[tilespmem:s15], [sflag:$0x9] =	stream.linear.gather [hbm4b:s16+s3], $0x80, $0x38;
	[tilespmem:$0x1D900] =	vst v63  }
0x1ea: {  	_ =	swait.ge [sflag:s18], $0x80  }
0x1eb: {  	[sflag:s18] =	ssyncset.done $0x0  }
0x1ec: {  	s16 =	simm.s32 $0x1080;
	s17 =	rddreg [dreg:$0x1b];
	[sflag:s18] =	ssyncadd.s32 $0xFFFFFF80  }
0x1ed: {  	[tilespmem:s16], [sflag:$0x9] =	stream.linear.gather [hbm4b:s17+s3], $0x80, $0x38;
	[tilespmem:$0x1D900] =	vst v63  }
0x1ee: {  	_ =	swait.ge [sflag:s18], $0x80  }
0x1ef: {  	[sflag:s18] =	ssyncset.done $0x0  }
0x1f0: {  	[sflag:s18] =	ssyncadd.s32 $0xFFFFFF80  }
0x1f1: {  	[tilespmem:s21], [sflag:$0x1] =	stream.indirect.gather [hbm4b:s4+s20], $0x20, s15, s20, $0xb8;
	[tilespmem:$0x1D900] =	vst v63  }
0x1f2: {  	_ =	swait.ge [sflag:s23], $0x1000  }
0x1f3: {  	[sflag:s23] =	ssyncset.done $0x0  }
0x1f4: {  	[sflag:s23] =	ssyncadd.s32 $0xFFFFF000  }
0x1f5: {  	[spmem:s2] =	stream.indirect.scatter.add.f32 [tilespmem:s21], [sflag:$0x9], $0x20, s16, s20, $0xb8;
	[tilespmem:$0x1D900] =	vst v63  }
0x1f6: {  	_ =	swait.ge [sflag:s18], $0x1000  }
0x1f7: {  	[sflag:s18] =	ssyncset.done $0x0  }
0x1f8: {  	s17 =	rddreg [dreg:$0x1c];
	[sflag:s18] =	ssyncadd.s32 $0xFFFFF000  }
0x1f9: {  	[tilespmem:s15], [sflag:$0x9] =	stream.linear.gather [hbm4b:s17+s3], $0x80, $0x38;
	[tilespmem:$0x1D900] =	vst v63  }
0x1fa: {  	_ =	swait.ge [sflag:s18], $0x80  }
0x1fb: {  	[sflag:s18] =	ssyncset.done $0x0  }
0x1fc: {  	s17 =	rddreg [dreg:$0x1d];
	[sflag:s18] =	ssyncadd.s32 $0xFFFFFF80  }
0x1fd: {  	[tilespmem:s16], [sflag:$0x9] =	stream.linear.gather [hbm4b:s17+s3], $0x80, $0x38;
	[tilespmem:$0x1D900] =	vst v63  }
0x1fe: {  	_ =	swait.ge [sflag:s18], $0x80  }
0x1ff: {  	[sflag:s18] =	ssyncset.done $0x0  }
0x200: {  	[sflag:s18] =	ssyncadd.s32 $0xFFFFFF80  }
0x201: {  	[tilespmem:s21], [sflag:$0x1] =	stream.indirect.gather [hbm4b:s4+s20], $0x20, s15, s20, $0xb8;
	[tilespmem:$0x1D900] =	vst v63  }
0x202: {  	_ =	swait.ge [sflag:s23], $0x1000  }
0x203: {  	[sflag:s23] =	ssyncset.done $0x0  }
0x204: {  	[sflag:s23] =	ssyncadd.s32 $0xFFFFF000  }
0x205: {  	[spmem:s2] =	stream.indirect.scatter.add.f32 [tilespmem:s21], [sflag:$0x9], $0x20, s16, s20, $0xb8;
	[tilespmem:$0x1D900] =	vst v63  }
0x206: {  	_ =	swait.ge [sflag:s18], $0x1000  }
0x207: {  	[sflag:s18] =	ssyncset.done $0x0  }
0x208: {  	s17 =	rddreg [dreg:$0x1e];
	[sflag:s18] =	ssyncadd.s32 $0xFFFFF000  }
0x209: {  	[tilespmem:s15], [sflag:$0x9] =	stream.linear.gather [hbm4b:s17+s3], $0x80, $0x38;
	[tilespmem:$0x1D900] =	vst v63  }
0x20a: {  	_ =	swait.ge [sflag:s18], $0x80  }
0x20b: {  	[sflag:s18] =	ssyncset.done $0x0  }
0x20c: {  	s17 =	rddreg [dreg:$0x1f];
	[sflag:s18] =	ssyncadd.s32 $0xFFFFFF80  }
0x20d: {  	[tilespmem:s16], [sflag:$0x9] =	stream.linear.gather [hbm4b:s17+s3], $0x80, $0x38;
	[tilespmem:$0x1D900] =	vst v63  }
0x20e: {  	_ =	swait.ge [sflag:s18], $0x80  }
0x20f: {  	[sflag:s18] =	ssyncset.done $0x0  }
0x210: {  	[sflag:s18] =	ssyncadd.s32 $0xFFFFFF80  }
0x211: {  	[tilespmem:s21], [sflag:$0x1] =	stream.indirect.gather [hbm4b:s4+s20], $0x20, s15, s20, $0xb8;
	[tilespmem:$0x1D900] =	vst v63  }
0x212: {  	_ =	swait.ge [sflag:s23], $0x1000  }
0x213: {  	[sflag:s23] =	ssyncset.done $0x0  }
0x214: {  	[sflag:s23] =	ssyncadd.s32 $0xFFFFF000  }
0x215: {  	[spmem:s2] =	stream.indirect.scatter.add.f32 [tilespmem:s21], [sflag:$0x9], $0x20, s16, s20, $0xb8;
	[tilespmem:$0x1D900] =	vst v63  }
0x216: {  	_ =	swait.ge [sflag:s18], $0x1000  }
0x217: {  	s15 =	sld [smem:$0x7F9]  }
0x218: {  	[sflag:s18] =	ssyncset.done $0x0  }
0x219: {  	s6 =	simm.s32 @!p0 $0x0;
	s16 =	simm.s32 @!p0 $0x1000;
	[sflag:s18] =	ssyncadd.s32 $0xFFFFF000  }
0x21a: {  	[tilespmem:s16], [sflag:$0x9] =	stream.linear.gather @!p0 [hbm4b:s15+s6], $0x80, $0x38;
	[tilespmem:$0x1D900] =	vst v63  }
0x21b: {  	s16 =	simm.s32 @!p0 $0x9  }
0x21c: {  	_ =	swait.ge @!p0 [sflag:s16], $0x80  }
0x21d: {  	s15 =	sld [smem:$0x7FA]  }
0x21e: {  	[sflag:s16] =	ssyncset.done @!p0 $0x0  }
0x21f: {  	s17 =	simm.s32 @!p0 $0x1080;
	[sflag:s16] =	ssyncadd.s32 @!p0 $0xFFFFFF80  }
0x220: {  	[tilespmem:s17], [sflag:$0x9] =	stream.linear.gather @!p0 [hbm4b:s15+s6], $0x80, $0x38;
	[tilespmem:$0x1D900] =	vst v63  }
0x221: {  	_ =	swait.ge @!p0 [sflag:s16], $0x80  }
0x222: {  	s17 =	simm.s32 @!p0 $0x80;
	[sflag:s16] =	ssyncset.done @!p0 $0x0  }
0x223: {  	s15 =	simm.s32 @!p0 $0x1100;
	s6 =	simm.s32 @!p0 $0x1000;
	[sflag:s16] =	ssyncadd.s32 @!p0 $0xFFFFFF80  }
0x224: {  	[tilespmem:s15], [sflag:$0x1] =	stream.indirect.gather @!p0 [hbm4b:s4+s17], $0x20, s6, s17, $0xb8;
	[tilespmem:$0x1D900] =	vst v63  }
0x225: {  	s6 =	simm.s32 @!p0 $0x1  }
0x226: {  	_ =	swait.ge @!p0 [sflag:s6], $0x1000  }
0x227: {  	[sflag:s6] =	ssyncset.done @!p0 $0x0  }
0x228: {  	[sflag:s6] =	ssyncadd.s32 @!p0 $0xFFFFF000;
	s6 =	simm.s32 @!p0 $0x1080  }
0x229: {  	[spmem:s2] =	stream.indirect.scatter.add.f32 @!p0 [tilespmem:s15], [sflag:$0x9], $0x20, s6, s17, $0xb8;
	[tilespmem:$0x1D900] =	vst v63  }
0x22a: {  	_ =	swait.ge @!p0 [sflag:s16], $0x1000  }
0x22b: {  	[sflag:s16] =	ssyncset.done @!p0 $0x0  }
0x22c: {  	[sflag:s16] =	ssyncadd.s32 @!p0 $0xFFFFF000  }
0x22d: {  	[bflag:$0x0] =	sbarrier.arrive $0xFFFF  }
0x22e: {  	s17 =	sld [smem:$0x7FB]  }
0x22f: {  	s16 =	sld [smem:$0x7FD];
	_ =	sdelay $0x1  }
0x230: {  	s15 =	rddreg [dreg:$0x19]  }
0x231: {  	[hbm:s17], [sflag:s15] =	dma.local [spmem:s16], $0x3100  }
0x232: {  	_ =	swait.ge [sflag:s18], $0x3100  }
0x233: {  	s6 =	sld [smem:$0x7F8];
	_ =	sdelay $0x2  }
0x234: {  	s17 =	sadd.s32 $0x1, s6;
	s6 =	sld [smem:$0x7FC];
	_ =	sdelay $0x2  }
0x235: {  	p1 =	sne.s32 s17, s6  }
.Ltmp1:
0x236: {  	_ = 	snop;
	(pc) =	sbr.rel @p1 .LBB2_1-.Ltmp1, $3  }
0x237: {  	_ =	sdelay $0x1  }
0x238: {  	[sflag:s18] =	ssyncset.done $0x0  }
0x239: {  	[sflag:s18] =	ssyncadd.s32 $0xFFFFCF00  }
0x23a: {  	_ =	sfence.sel $0x180000  }
0x23b: {  	[bflag:$0x0] =	sbarrier.arrive $0xFFFF  }
0x23c: {  	_ =	strace $0x9000004A  }
0x23d: {  	s0 =	stileid.u32;
	[bflag:$0x2] =	sbarrier.arrive $0xFFFF  }
0x23e: {  	p0 =	sne.s32 s0, $0x0;
	s0 =	rddreg [dreg:$0x2]  }
0x23f: {  	s0 =	sadd.s32 @!p0 $0x100000, s0  }
0x240: {  	[sflag:s0] =	ssyncadd.tile.s32 @!p0 $0x1;
	_ =	shalt  }
.Lfunc_end2:
_tile_overlayer_lowered:
.L_overlay_start_2:
0x241: {  	(tag) =	ssettag $0x2  }
0x242: {  	s0 =	rddreg [dreg:$0x0];
	s2 =	stileid.u32  }
0x243: {  	s1 =	rddreg [dreg:$0x1];
	p0 =	sne.s32 s2, $0x0  }
0x244: {  	s3 =	rddreg [dreg:$0x2];
	[bflag:$0x3] =	sbarrier.arrive $0xFFFF;
	s2 =	simm.s32 @!p0 $0x1C09  }
0x245: {  	[timem:s3], [sflag:s2] =	dma.local @!p0 [hbm:s0], s1  }
0x246: {  	s0 =	simm.s32 @!p0 $0x9  }
0x247: {  	_ =	swait.ge @!p0 [sflag:s0], s1  }
0x248: {  	s1 =	ssub.s32 @!p0 $0x0, s1;
	[sflag:s0] =	ssyncset.done @!p0 $0x0  }
0x249: {  	[sflag:s0] =	ssyncadd.s32 @!p0 s1  }
0x24a: {  	[bflag:$0x3] =	sbarrier.arrive $0xFFFF  }
0x24b: {  	_ =	shalt  }

// kernel: kernel.7.cloned.1.call-start
scs
__scs_entry_jumppad:
0x0: {  	(pc) =	sbr.rel $0x88, $3  }
0x1: {  	(tag) =	ssettag $0x0;
	lr =	simm.s32 $0x1  }
0x2: {  	[smem:$0x3F92] =	sst lr;
	_ =	strace $0xD0000000  }
0x3: {  	_ = 	snop  }
0x4: {  	_ = 	snop  }
0x5: {  	_ = 	snop  }
0x6: {  	_ = 	snop  }
0x7: {  	_ = 	snop  }
__scs_overlays_trampoline_lowered:
0x8: {  	[smem:$0x3FA1] =	sst s0  }
0x9: {  	[smem:$0x3FA2] =	sst s1  }
0xa: {  	[smem:$0x3FA3] =	sst s2  }
0xb: {  	[smem:$0x3FA4] =	sst s3  }
0xc: {  	[smem:$0x3FA5] =	sst s4  }
0xd: {  	[smem:$0x3FA6] =	sst s5  }
0xe: {  	[smem:$0x3FA7] =	sst s6  }
0xf: {  	[smem:$0x3FA8] =	sst s7  }
0x10: {  	[smem:$0x3FA9] =	sst s8  }
0x11: {  	[smem:$0x3FAA] =	sst s9;
	s0 =	simm.s32 @!p0 $0x0  }
0x12: {  	s1 =	sld [smem:$0x3F90];
	s0 =	simm.s32 @p0 $0x1  }
0x13: {  	[smem:$0x3FAB] =	sst s0;
	s0 =	simm.s32 @!p1 $0x0  }
0x14: {  	s2 =	sld [smem:$0x3F8F];
	s0 =	simm.s32 @p1 $0x1  }
0x15: {  	[smem:$0x3FAC] =	sst s0;
	s0 =	simm.s32 @!p2 $0x0  }
0x16: {  	s3 =	sld [smem:$0x3FDB];
	s0 =	simm.s32 @p2 $0x1  }
0x17: {  	s4 =	simm.s32 $0x1BF5;
	[smem:$0x3FAE] =	sst s0  }
0x18: {  	s0 =	sld [smem:$0x3F91];
	_ =	swait.ge [sflag:s4], $0x0  }
0x19: {  	s7 =	sld [smem:$0x3F92]  }
0x1a: {  	s8 =	sadd.s32 $0xFFFFE003, lr  }
0x1b: {  	s9 =	sadd.s32 $0xFFFFFEF7, lr;
	s5 =	simm.s32 $0xFFFFFFFF;
	p2 =	slt.u32 s8, $0xFFFFF086  }
0x1c: {  	p1 =	slt.u32 s9, $0xF7A;
	s5 =	simm.s32 @!p2 $0x0  }
0x1d: {  	s5 =	simm.s32 @p1 $0x1;
	p0 =	seq.s32 s7, s2  }
0x1e: {  	s7 =	smul.u32 @!p0 $0xF7A, s2;
	p2 =	seq.s32 @!p0 s5, $0x0  }
0x1f: {  	s9 =	smul.u32 $0xF7A, s1;
	s8 =	simm.s32 @!p0 $0x1BF5;
	p2 =	por !p2, p0  }
0x20: {  	[sflag:s8] =	ssyncset.s32 @!p0 $0xFFFFF086;
	s6 =	sadd.s32 @!p0 s3, s7;
	s7 =	simm.s32 @!p0 $0x108  }
0x21: {  	s3 =	sadd.s32 s3, s9;
	s6 =	sadd.s32 @!p0 $0x88, s6;
	s7 =	simm.s32 @p2 $0x1082  }
0x22: {  	[simem:s7], [sflag:s8] =	dma.local @!p0 [hbm:s6], $0xF7A  }
0x23: {  	s9 =	sor.u32 $0xD0000000, s2;
	s6 =	simm.s32 $0x108;
	_ =	swait.ge @!p0 [sflag:s8], $0x0  }
0x24: {  	s3 =	sadd.s32 $0x88, s3;
	s6 =	simm.s32 @!p1 $0x1082;
	[sflag:s4] =	ssyncset.s32 $0xFFFFF086  }
0x25: {  	[simem:s6], [sflag:s4] =	dma.local [hbm:s3], $0xF7A  }
0x26: {  	[smem:$0x3F92] =	sst s1;
	(tag) =	ssettag s2;
	_ =	strace s9  }
0x27: {  	s1 =	sld [smem:$0x3FA2]  }
0x28: {  	s2 =	sld [smem:$0x3FA3]  }
0x29: {  	s4 =	sld [smem:$0x3FA5]  }
0x2a: {  	p0 =	seq.s32 s5, $0x0;
	s5 =	sld [smem:$0x3FA6]  }
0x2b: {  	s6 =	sld [smem:$0x3FA7]  }
0x2c: {  	s7 =	sld [smem:$0x3FA8]  }
0x2d: {  	s3 =	simm.s32 $0x108;
	s8 =	sld [smem:$0x3FA9]  }
0x2e: {  	s3 =	simm.s32 @!p0 $0x1082;
	s9 =	sld [smem:$0x3FAA]  }
0x2f: {  	lr =	sadd.s32 s0, s3;
	s0 =	sld [smem:$0x3FA1]  }
0x30: {  	s3 =	sld [smem:$0x3FA4]  }
0x31: {  	[smem:$0x3FAD] =	sst s10  }
0x32: {  	s10 =	sld [smem:$0x3FAB];
	_ =	sdelay $0x3  }
0x33: {  	p0 =	seq.s32 s10, $0x1;
	s10 =	sld [smem:$0x3FAD];
	_ =	sdelay $0x3  }
0x34: {  	[smem:$0x3FAD] =	sst s10  }
0x35: {  	s10 =	sld [smem:$0x3FAC];
	_ =	sdelay $0x3  }
0x36: {  	p1 =	seq.s32 s10, $0x1;
	s10 =	sld [smem:$0x3FAD];
	_ =	sdelay $0x3  }
0x37: {  	[smem:$0x3FAD] =	sst s10  }
0x38: {  	s10 =	sld [smem:$0x3FAE]  }
0x39: {  	_ = 	snop;
	(pc) =	sbr.ind lr, $3  }
0x3a: {  	_ = 	snop  }
0x3b: {  	_ = 	snop  }
0x3c: {  	p2 =	seq.s32 s10, $0x1;
	s10 =	sld [smem:$0x3FAD]  }
0x3d: {  	_ =	shalt  }
0x3e: {  	_ =	shalt  }
0x3f: {  	_ =	shalt  }
0x40: {  	_ =	shalt  }
0x41: {  	_ =	shalt  }
0x42: {  	_ =	shalt  }
0x43: {  	_ =	shalt  }
0x44: {  	_ =	shalt  }
0x45: {  	_ =	shalt  }
0x46: {  	_ =	shalt  }
0x47: {  	_ =	shalt  }
0x48: {  	_ =	shalt  }
0x49: {  	_ =	shalt  }
0x4a: {  	_ =	shalt  }
0x4b: {  	_ =	shalt  }
0x4c: {  	_ =	shalt  }
0x4d: {  	_ =	shalt  }
0x4e: {  	_ =	shalt  }
0x4f: {  	_ =	shalt  }
0x50: {  	_ =	shalt  }
0x51: {  	_ =	shalt  }
0x52: {  	_ =	shalt  }
0x53: {  	_ =	shalt  }
0x54: {  	_ =	shalt  }
0x55: {  	_ =	shalt  }
0x56: {  	_ =	shalt  }
0x57: {  	_ =	shalt  }
0x58: {  	_ =	shalt  }
0x59: {  	_ =	shalt  }
0x5a: {  	_ =	shalt  }
0x5b: {  	_ =	shalt  }
0x5c: {  	_ =	shalt  }
0x5d: {  	_ =	shalt  }
0x5e: {  	_ =	shalt  }
0x5f: {  	_ =	shalt  }
0x60: {  	_ =	shalt  }
0x61: {  	_ =	shalt  }
0x62: {  	_ =	shalt  }
0x63: {  	_ =	shalt  }
0x64: {  	_ =	shalt  }
0x65: {  	_ =	shalt  }
0x66: {  	_ =	shalt  }
0x67: {  	_ =	shalt  }
0x68: {  	_ =	shalt  }
0x69: {  	_ =	shalt  }
0x6a: {  	_ =	shalt  }
0x6b: {  	_ =	shalt  }
0x6c: {  	_ =	shalt  }
0x6d: {  	_ =	shalt  }
0x6e: {  	_ =	shalt  }
0x6f: {  	_ =	shalt  }
0x70: {  	_ =	shalt  }
0x71: {  	_ =	shalt  }
0x72: {  	_ =	shalt  }
0x73: {  	_ =	shalt  }
0x74: {  	_ =	shalt  }
0x75: {  	_ =	shalt  }
0x76: {  	_ =	shalt  }
0x77: {  	_ =	shalt  }
0x78: {  	_ =	shalt  }
0x79: {  	_ =	shalt  }
0x7a: {  	_ =	shalt  }
0x7b: {  	_ =	shalt  }
0x7c: {  	_ =	shalt  }
0x7d: {  	_ =	shalt  }
0x7e: {  	_ =	shalt  }
0x7f: {  	_ =	shalt  }
0x80: {  	_ =	shalt  }
0x81: {  	_ =	shalt  }
0x82: {  	_ =	shalt  }
0x83: {  	_ =	shalt  }
0x84: {  	_ =	shalt  }
0x85: {  	_ =	shalt  }
0x86: {  	_ =	shalt  }
0x87: {  	_ =	shalt  }
.Lfunc_end0:
.L_simem_size_0:
called_computation_lowered:
.L_overlay_start_0:
0x88: {  	s2 =	sld [smem:$0x3FD9]  }
0x89: {  	s3 =	sld [smem:$0x3FFE];
	_ =	sdelay $0x1  }
0x8a: {  	s1 =	srdreg.scid  }
0x8b: {  	s0 =	sand.u32 $0x1, s1  }
0x8c: {  	s16 =	sshll.u32 s0, $0xA;
	s2 =	sadd.s32 s3, s2  }
0x8d: {  	s2 =	sadd.s32 s2, s16  }
0x8e: {  	[smem:$0x3FB9] =	sst s2  }
0x8f: {  	_ = 	snop  }
0x90: {  	(tm) =	ssettm $0x1  }
0x91: {  	s17 =	sld [smem:$0x3FFB];
	_ =	sdelay $0x3  }
0x92: {  	_ =	strace s17  }
0x93: {  	s2 =	sld [smem:$0x3FFC];
	_ =	sdelay $0x3  }
0x94: {  	_ =	strace s2  }
0x95: {  	s2 =	sld [smem:$0x3FFD];
	_ =	sdelay $0x3  }
0x96: {  	_ =	strace s2  }
0x97: {  	_ =	strace $0x8FFFFFFF  }
0x98: {  	s18 =	sld [smem:$0x3FDB];
	_ =	sdelay $0x1  }
0x99: {  	s19 =	simm.s32 $_scs_section_size  }
0x9a: {  	s4 =	simm.s32 $_size__tile_overlayer_lowered;
	s5 =	simm.s32 $_tile_overlayer_lowered  }
0x9b: {  	s22 =	simm.s32 $0x1BFF;
	s21 =	sshll.u32 s5, $0x1;
	s2 =	sadd.s32 s19, s18  }
0x9c: {  	s6 =	simm.s32 $0x0;
	s20 =	sshll.u32 s4, $0x1;
	s4 =	sadd.s32 s21, s2  }
0x9d: {  	[timem:s6], [sflag:s22] =	dma.local [hbm:s4], s20  }
0x9e: {  	_ =	swait.ge [sflag:s22], s20  }
0x9f: {  	s3 =	ssub.s32 $0x0, s20;
	[sflag:s22] =	ssyncset.done $0x0  }
0xa0: {  	[sflag:s22] =	ssyncadd.s32 s3;
	_ =	sdelay $0x1  }
0xa1: {  	s23 =	simm.s32 $0x1B8B  }
0xa2: {  	_ =	swait.ge [sflag:s23], $0x1  }
0xa3: {  	[sflag:s23] =	ssyncset.done $0x0  }
0xa4: {  	s25 =	simm.s32 $0x1B8E;
	s24 =	sld [smem:$0x3FFE];
	[sflag:s23] =	ssyncadd.s32 $0xFFFFFFFF  }
0xa5: {  	s26 =	simm.s32 $execute0_lowered;
	[smem:$0x3FD2] =	sst s25  }
0xa6: {  	s4 =	sshll.u32 s26, $0x1;
	_ =	strace $0x80000046;
	[dreg:$0x1] =	wrdreg $0xFFFFFFFF  }
0xa7: {  	s28 =	simm.s32 $_size_execute0_lowered;
	s2 =	sadd.s32 s2, s4;
	[dreg:$0x0] =	wrdreg $0x0  }
0xa8: {  	s4 =	sshll.u32 s28, $0x1;
	[dreg:$0x2] =	wrdreg s2  }
0xa9: {  	[dreg:$0x3] =	wrdreg s4  }
0xaa: {  	[dreg:$0x4] =	wrdreg $0xC0  }
0xab: {  	_ =	task [dreg:s6], $0x5FFFF  }
0xac: {  	[dreg:$0x1] =	wrdreg $0xFFFFFFFF  }
0xad: {  	[dreg:$0x0] =	wrdreg $0x60  }
0xae: {  	[dreg:$0x2] =	wrdreg s24  }
0xaf: {  	[dreg:$0x3] =	wrdreg $0x21000  }
0xb0: {  	[dreg:$0x4] =	wrdreg $0x9  }
0xb1: {  	_ =	task.clear_ibuf [dreg:s6], $0x5FFFF;
	_ =	strace $0x90000046  }
0xb2: {  	s29 =	simm.s32 $0x9;
	_ =	strace $0x80000048  }
0xb3: {  	_ =	swait.ge [sflag:s29], $0x1  }
0xb4: {  	[sflag:s29] =	ssyncadd.s32 $0xFFFFFFFF  }
0xb5: {  	_ =	strace $0x90000048  }
0xb6: {  	_ =	sfence  }
0xb7: {  	s30 =	sld [smem:$0x0];
	_ =	sdelay $0x2  }
0xb8: {  	s31 =	sshll.u32 s1, $0xD;
	s1 =	sshrl.u32 s1, $0x2  }
0xb9: {  	s3 =	sand.u32 $0x4000, s31;
	s1 =	sadd.s32 s1, s30  }
0xba: {  	s0 =	sor.u32 s3, s0;
	s1 =	sshll.u32 s1, $0x11  }
0xbb: {  	s0 =	sor.u32 s1, s0  }
0xbc: {  	s0 =	sadd.s32 $0x8F2B, s0  }
0xbd: {  	[sflag:s0] =	ssyncadd.remote.s32 $0x1  }
0xbe: {  	_ =	sfence.sel $0xFFFF  }
0xbf: {  	[dreg:$0x0] =	wrdreg $0xFFFFFFFF;
	(pc) =	sbr.abs _section_cstart, $3  }
0xc0: {  	[dreg:$0x1] =	wrdreg $0xFFFFFFFF  }
0xc1: {  	_ =	task.clear_ibuf [dreg:s6], $0x2FFFF;
	_ =	strace $0x9FFFFFFF  }
0xc2: {  	(tm) =	ssettm $0x7FFFFFFF  }
0xc3: {  	_ =	shalt  }
tec
execute0_lowered:
.L_overlay_start_1:
0x0: {  	(tag) =	ssettag $0x1  }
0x1: {  	s0 =	rddreg [dreg:$0x0]  }
0x2: {  	s2 =	rddreg [dreg:$0x1]  }
0x3: {  	s3 =	simm.s32 $0x0;
	s13 =	stileid.u32;
	s4 =	srdreg.scid  }
0x4: {  	s17 =	simm.s32 $0x880;
	s18 =	simm.s32 $0x100;
	s19 =	simm.s32 $0x180  }
0x5: {  	s20 =	simm.s32 $0x900;
	s21 =	simm.s32 $0x980;
	s23 =	simm.s32 $0x200  }
0x6: {  	s25 =	simm.s32 $0x280;
	s28 =	simm.s32 $0x3;
	s29 =	simm.s32 $0x4  }
0x7: {  	s30 =	simm.s32 $0x5;
	s31 =	simm.s32 $0x6;
	[smem:$0x7FF] =	sst s3  }
0x8: {  	s1 =	smul.u32 $0x6200, s13;
	_ =	strace $0x80000047;
	[dreg:$0x4] =	wrdreg s17  }
0x9: {  	s5 =	sand.u32 $0x1, s4;
	s4 =	sadd.s32 $0x33C00, s0;
	[dreg:$0x5] =	wrdreg s18  }
0xa: {  	s8 =	sadd.s32 $0x2E00, s0;
	s9 =	sshll.u32 s13, $0x1;
	[dreg:$0x6] =	wrdreg s19  }
0xb: {  	s10 =	smul.u32 $0x186, s13;
	s16 =	sshll.u32 s13, $0x6;
	[dreg:$0x7] =	wrdreg s20  }
0xc: {  	p0 =	sgt.u32 s13, $0x4;
	s13 =	simm.s32 $0xF00;
	[dreg:$0x8] =	wrdreg s21  }
0xd: {  	s7 =	smul.u32 $0x62000, s5;
	s9 =	sor.u32 s5, s9;
	[dreg:$0x9] =	wrdreg s23  }
0xe: {  	s12 =	smul.u32 $0xC3, s5;
	s5 =	ssub.s32 $0x2, s5;
	[dreg:$0xa] =	wrdreg s25  }
0xf: {  	s17 =	simm.s32 $0x380;
	s18 =	simm.s32 $0xB00;
	s19 =	simm.s32 $0xB80  }
0x10: {  	s20 =	simm.s32 $0x400;
	s21 =	simm.s32 $0x480;
	[dreg:$0xe] =	wrdreg s17  }
0x11: {  	s23 =	simm.s32 $0xC80;
	s25 =	simm.s32 $0x580;
	[dreg:$0xf] =	wrdreg s18  }
0x12: {  	s6 =	sshrl.u32 s1, $0x3;
	s11 =	smin.u32 s9, $0xA;
	[dreg:$0x10] =	wrdreg s19  }
0x13: {  	s9 =	smul.u32 $0xC3, s9;
	s26 =	sshrl.u32 s5, $0x1;
	[dreg:$0x11] =	wrdreg s20  }
0x14: {  	s18 =	simm.s32 $0x9;
	[dreg:$0x12] =	wrdreg s21;
	s19 =	simm.s32 $0x800  }
0x15: {  	s20 =	simm.s32 $0x80;
	[dreg:$0x14] =	wrdreg s23;
	s21 =	simm.s32 $0x1100  }
0x16: {  	[dreg:$0x16] =	wrdreg s25;
	s23 =	simm.s32 $0x1;
	s25 =	simm.s32 $0x1900  }
0x17: {  	s6 =	sadd.s32 s6, s0;
	s7 =	sadd.s32 s1, s7;
	s10 =	sadd.s32 s10, s11  }
0x18: {  	s5 =	ssub.s32 s5, s26;
	s10 =	sadd.s32 s12, s10;
	s6 =	sadd.s32 $0x40000, s6  }
0x19: {  	s12 =	sadd.s32 s11, s9;
	s9 =	simm.s32 $0xA00;
	[dreg:$0x18] =	wrdreg s6  }
0x1a: {  	s7 =	sshrl.u32 s7, $0x3;
	s11 =	simm.s32 $0xA80;
	[dreg:$0xb] =	wrdreg s9  }
0x1b: {  	s5 =	smax.u32 s5, $0x1;
	s14 =	sshll.u32 s10, $0x4;
	[dreg:$0xc] =	wrdreg s11  }
0x1c: {  	s0 =	sadd.s32 s7, s0;
	[smem:$0x7FC] =	sst s5;
	s15 =	sadd.s32 s14, s8  }
0x1d: {  	s7 =	sshll.u32 s12, $0x4;
	s14 =	simm.s32 $0x300;
	[dreg:$0x3] =	wrdreg s15  }
0x1e: {  	s7 =	sadd.s32 s8, s7;
	s0 =	sadd.s32 $0x4C400, s0;
	[dreg:$0xd] =	wrdreg s14  }
0x1f: {  	s17 =	simm.s32 $0x0;
	s8 =	sadd.s32 $0xC00, s7;
	[smem:$0x7FB] =	sst s0  }
0x20: {  	s1 =	sadd.s32 s1, s2;
	s22 =	sadd.s32 $0x192A0, s7;
	[dreg:$0x1a] =	wrdreg s8  }
0x21: {  	s5 =	simm.s32 $0xD80;
	s24 =	sadd.s32 $0xC10, s7;
	[dreg:$0x1b] =	wrdreg s22  }
0x22: {  	s9 =	simm.s32 $0xE00;
	s26 =	sadd.s32 $0x192B0, s7;
	[dreg:$0x1c] =	wrdreg s24  }
0x23: {  	s11 =	simm.s32 $0x700;
	s10 =	sadd.s32 $0xC20, s7;
	[dreg:$0x1d] =	wrdreg s26  }
0x24: {  	s15 =	sor.u32 $0x1C09, s16;
	s12 =	sadd.s32 $0x192C0, s7;
	[dreg:$0x1e] =	wrdreg s10  }
0x25: {  	s16 =	sadd.s32 $0xC30, s7;
	s7 =	sadd.s32 $0x192D0, s7;
	[dreg:$0x1f] =	wrdreg s12  }
0x26: {  	s0 =	simm.s32 $0x7;
	s14 =	simm.s32 $0xF80;
	[smem:$0x7F9] =	sst s16  }
0x27: {  	[smem:$0x7FA] =	sst s7;
	s16 =	sshrl.u32 s1, $0x3;
	s22 =	simm.s32 $0xC00  }
0x28: {  	s24 =	simm.s32 $0x500;
	s26 =	simm.s32 $0xD00;
	[dreg:$0x19] =	wrdreg s15  }
0x29: {  	s1 =	simm.s32 $0x8;
	s7 =	simm.s32 $0x600;
	[dreg:$0x13] =	wrdreg s22  }
0x2a: {  	s8 =	simm.s32 $0x680;
	s10 =	simm.s32 $0xE80;
	[dreg:$0x15] =	wrdreg s24  }
0x2b: {  	s12 =	simm.s32 $0x780;
	s22 =	simm.s32 $0x1500;
	[dreg:$0x17] =	wrdreg s26  }
0x2c: {  	s24 =	simm.s32 $0x2;
	s26 =	simm.s32 $0x1D00;
	[smem:$0x7FD] =	sst s16  }
.LBB2_1:
0x2d: {  	[smem:$0x7F8] =	sst s17  }
0x2e: {  	s6 =	rddreg [dreg:$0x18]  }
0x2f: {  	[spmem:s16], [sflag:s15] =	dma.local [hbm:s6], $0xC40  }
0x30: {  	_ =	swait.ge [sflag:s18], $0xC40  }
0x31: {  	[sflag:s18] =	ssyncset.done $0x0  }
0x32: {  	[sflag:s18] =	ssyncadd.s32 $0xFFFFF3C0  }
0x33: {  	[bflag:$0x0] =	sbarrier.arrive $0xFFFF  }
0x34: {  	s6 =	rddreg [dreg:$0x3]  }
0x35: {  	s15 =	sadd.s32 $0x0, s6  }
0x36: {  	[tilespmem:s3], [sflag:$0x9] =	stream.linear.gather [hbm4b:s15+s3], $0x800, $0x38;
	[tilespmem:$0x8300] =	vst v63  }
0x37: {  	_ =	swait.ge [sflag:s18], $0x800  }
0x38: {  	[sflag:s18] =	ssyncset.done $0x0  }
0x39: {  	s15 =	sadd.s32 $0x186A0, s15;
	[sflag:s18] =	ssyncadd.s32 $0xFFFFF800  }
0x3a: {  	[tilespmem:s19], [sflag:$0x9] =	stream.linear.gather [hbm4b:s15+s3], $0x800, $0x38;
	[tilespmem:$0x8300] =	vst v63  }
0x3b: {  	_ =	swait.ge [sflag:s18], $0x800  }
0x3c: {  	[sflag:s18] =	ssyncset.done $0x0  }
0x3d: {  	[sflag:s18] =	ssyncadd.s32 $0xFFFFF800  }
0x3e: {  	[tilespmem:s21], [sflag:$0x1] =	stream.indirect.gather [hbm4b:s4+s20], $0x8, s3, s20, $0xb8;
	[tilespmem:$0x8300] =	vst v63  }
0x3f: {  	_ = 	snop  }
0x40: {  	[tilespmem:s22], [sflag:$0x2] =	stream.indirect.gather [hbm4b:s4+s20], $0x8, s20, s20, $0xb8;
	[tilespmem:$0x8300] =	vst v63  }
0x41: {  	_ =	swait.ge [sflag:s23], $0x400  }
0x42: {  	[sflag:s23] =	ssyncset.done $0x0  }
0x43: {  	[sflag:s23] =	ssyncadd.s32 $0xFFFFFC00  }
0x44: {  	[spmem:s2] =	stream.indirect.scatter.add.f32 [tilespmem:s21], [sflag:$0x5], $0x8, s19, s20, $0xb8;
	[tilespmem:$0x8300] =	vst v63  }
0x45: {  	_ =	swait.ge [sflag:s24], $0x400  }
0x46: {  	[sflag:s24] =	ssyncset.done $0x0  }
0x47: {  	s16 =	rddreg [dreg:$0x4];
	[sflag:s24] =	ssyncadd.s32 $0xFFFFFC00  }
0x48: {  	[spmem:s2] =	stream.indirect.scatter.add.f32 [tilespmem:s22], [sflag:$0x6], $0x8, s16, s20, $0xb8;
	[tilespmem:$0x8300] =	vst v63  }
0x49: {  	s17 =	rddreg [dreg:$0x5]  }
0x4a: {  	[tilespmem:s25], [sflag:$0x3] =	stream.indirect.gather [hbm4b:s4+s20], $0x8, s17, s20, $0xb8;
	[tilespmem:$0x8300] =	vst v63  }
0x4b: {  	s6 =	rddreg [dreg:$0x6]  }
0x4c: {  	[tilespmem:s26], [sflag:$0x4] =	stream.indirect.gather [hbm4b:s4+s20], $0x8, s6, s20, $0xb8;
	[tilespmem:$0x8300] =	vst v63  }
0x4d: {  	_ =	swait.ge [sflag:s28], $0x400  }
0x4e: {  	[sflag:s28] =	ssyncset.done $0x0  }
0x4f: {  	s17 =	rddreg [dreg:$0x7];
	[sflag:s28] =	ssyncadd.s32 $0xFFFFFC00  }
0x50: {  	[spmem:s2] =	stream.indirect.scatter.add.f32 [tilespmem:s25], [sflag:$0x7], $0x8, s17, s20, $0xb8;
	[tilespmem:$0x8300] =	vst v63  }
0x51: {  	_ =	swait.ge [sflag:s29], $0x400  }
0x52: {  	[sflag:s29] =	ssyncset.done $0x0  }
0x53: {  	s6 =	rddreg [dreg:$0x8];
	[sflag:s29] =	ssyncadd.s32 $0xFFFFFC00  }
0x54: {  	[spmem:s2] =	stream.indirect.scatter.add.f32 [tilespmem:s26], [sflag:$0x8], $0x8, s6, s20, $0xb8;
	[tilespmem:$0x8300] =	vst v63  }
0x55: {  	_ =	swait.ge [sflag:s30], $0x400  }
0x56: {  	[sflag:s30] =	ssyncset.done $0x0  }
0x57: {  	[sflag:s30] =	ssyncadd.s32 $0xFFFFFC00  }
0x58: {  	_ =	swait.ge [sflag:s31], $0x400  }
0x59: {  	[sflag:s31] =	ssyncset.done $0x0  }
0x5a: {  	s16 =	rddreg [dreg:$0x9];
	[sflag:s31] =	ssyncadd.s32 $0xFFFFFC00  }
0x5b: {  	[tilespmem:s21], [sflag:$0x1] =	stream.indirect.gather [hbm4b:s4+s20], $0x8, s16, s20, $0xb8;
	[tilespmem:$0x8300] =	vst v63  }
0x5c: {  	s17 =	rddreg [dreg:$0xa]  }
0x5d: {  	[tilespmem:s22], [sflag:$0x2] =	stream.indirect.gather [hbm4b:s4+s20], $0x8, s17, s20, $0xb8;
	[tilespmem:$0x8300] =	vst v63  }
0x5e: {  	_ =	swait.ge [sflag:s23], $0x400  }
0x5f: {  	[sflag:s23] =	ssyncset.done $0x0  }
0x60: {  	s6 =	rddreg [dreg:$0xb];
	[sflag:s23] =	ssyncadd.s32 $0xFFFFFC00  }
0x61: {  	[spmem:s2] =	stream.indirect.scatter.add.f32 [tilespmem:s21], [sflag:$0x5], $0x8, s6, s20, $0xb8;
	[tilespmem:$0x8300] =	vst v63  }
0x62: {  	_ =	swait.ge [sflag:s24], $0x400  }
0x63: {  	[sflag:s24] =	ssyncset.done $0x0  }
0x64: {  	s16 =	rddreg [dreg:$0xc];
	[sflag:s24] =	ssyncadd.s32 $0xFFFFFC00  }
0x65: {  	[spmem:s2] =	stream.indirect.scatter.add.f32 [tilespmem:s22], [sflag:$0x6], $0x8, s16, s20, $0xb8;
	[tilespmem:$0x8300] =	vst v63  }
0x66: {  	_ =	swait.ge [sflag:s0], $0x400  }
0x67: {  	[sflag:s0] =	ssyncset.done $0x0  }
0x68: {  	[sflag:s0] =	ssyncadd.s32 $0xFFFFFC00  }
0x69: {  	_ =	swait.ge [sflag:s1], $0x400  }
0x6a: {  	[sflag:s1] =	ssyncset.done $0x0  }
0x6b: {  	s17 =	rddreg [dreg:$0xd];
	[sflag:s1] =	ssyncadd.s32 $0xFFFFFC00  }
0x6c: {  	[tilespmem:s25], [sflag:$0x3] =	stream.indirect.gather [hbm4b:s4+s20], $0x8, s17, s20, $0xb8;
	[tilespmem:$0x8300] =	vst v63  }
0x6d: {  	s6 =	rddreg [dreg:$0xe]  }
0x6e: {  	[tilespmem:s26], [sflag:$0x4] =	stream.indirect.gather [hbm4b:s4+s20], $0x8, s6, s20, $0xb8;
	[tilespmem:$0x8300] =	vst v63  }
0x6f: {  	_ =	swait.ge [sflag:s28], $0x400  }
0x70: {  	[sflag:s28] =	ssyncset.done $0x0  }
0x71: {  	s17 =	rddreg [dreg:$0xf];
	[sflag:s28] =	ssyncadd.s32 $0xFFFFFC00  }
0x72: {  	[spmem:s2] =	stream.indirect.scatter.add.f32 [tilespmem:s25], [sflag:$0x7], $0x8, s17, s20, $0xb8;
	[tilespmem:$0x8300] =	vst v63  }
0x73: {  	_ =	swait.ge [sflag:s29], $0x400  }
0x74: {  	[sflag:s29] =	ssyncset.done $0x0  }
0x75: {  	s6 =	rddreg [dreg:$0x10];
	[sflag:s29] =	ssyncadd.s32 $0xFFFFFC00  }
0x76: {  	[spmem:s2] =	stream.indirect.scatter.add.f32 [tilespmem:s26], [sflag:$0x8], $0x8, s6, s20, $0xb8;
	[tilespmem:$0x8300] =	vst v63  }
0x77: {  	_ =	swait.ge [sflag:s30], $0x400  }
0x78: {  	[sflag:s30] =	ssyncset.done $0x0  }
0x79: {  	[sflag:s30] =	ssyncadd.s32 $0xFFFFFC00  }
0x7a: {  	_ =	swait.ge [sflag:s31], $0x400  }
0x7b: {  	[sflag:s31] =	ssyncset.done $0x0  }
0x7c: {  	s16 =	rddreg [dreg:$0x11];
	[sflag:s31] =	ssyncadd.s32 $0xFFFFFC00  }
0x7d: {  	[tilespmem:s21], [sflag:$0x1] =	stream.indirect.gather [hbm4b:s4+s20], $0x8, s16, s20, $0xb8;
	[tilespmem:$0x8300] =	vst v63  }
0x7e: {  	s17 =	rddreg [dreg:$0x12]  }
0x7f: {  	[tilespmem:s22], [sflag:$0x2] =	stream.indirect.gather [hbm4b:s4+s20], $0x8, s17, s20, $0xb8;
	[tilespmem:$0x8300] =	vst v63  }
0x80: {  	_ =	swait.ge [sflag:s23], $0x400  }
0x81: {  	[sflag:s23] =	ssyncset.done $0x0  }
0x82: {  	s6 =	rddreg [dreg:$0x13];
	[sflag:s23] =	ssyncadd.s32 $0xFFFFFC00  }
0x83: {  	[spmem:s2] =	stream.indirect.scatter.add.f32 [tilespmem:s21], [sflag:$0x5], $0x8, s6, s20, $0xb8;
	[tilespmem:$0x8300] =	vst v63  }
0x84: {  	_ =	swait.ge [sflag:s24], $0x400  }
0x85: {  	[sflag:s24] =	ssyncset.done $0x0  }
0x86: {  	s16 =	rddreg [dreg:$0x14];
	[sflag:s24] =	ssyncadd.s32 $0xFFFFFC00  }
0x87: {  	[spmem:s2] =	stream.indirect.scatter.add.f32 [tilespmem:s22], [sflag:$0x6], $0x8, s16, s20, $0xb8;
	[tilespmem:$0x8300] =	vst v63  }
0x88: {  	_ =	swait.ge [sflag:s0], $0x400  }
0x89: {  	[sflag:s0] =	ssyncset.done $0x0  }
0x8a: {  	[sflag:s0] =	ssyncadd.s32 $0xFFFFFC00  }
0x8b: {  	_ =	swait.ge [sflag:s1], $0x400  }
0x8c: {  	[sflag:s1] =	ssyncset.done $0x0  }
0x8d: {  	s17 =	rddreg [dreg:$0x15];
	[sflag:s1] =	ssyncadd.s32 $0xFFFFFC00  }
0x8e: {  	[tilespmem:s25], [sflag:$0x3] =	stream.indirect.gather [hbm4b:s4+s20], $0x8, s17, s20, $0xb8;
	[tilespmem:$0x8300] =	vst v63  }
0x8f: {  	s6 =	rddreg [dreg:$0x16]  }
0x90: {  	[tilespmem:s26], [sflag:$0x4] =	stream.indirect.gather [hbm4b:s4+s20], $0x8, s6, s20, $0xb8;
	[tilespmem:$0x8300] =	vst v63  }
0x91: {  	_ =	swait.ge [sflag:s28], $0x400  }
0x92: {  	[sflag:s28] =	ssyncset.done $0x0  }
0x93: {  	s17 =	rddreg [dreg:$0x17];
	[sflag:s28] =	ssyncadd.s32 $0xFFFFFC00  }
0x94: {  	[spmem:s2] =	stream.indirect.scatter.add.f32 [tilespmem:s25], [sflag:$0x7], $0x8, s17, s20, $0xb8;
	[tilespmem:$0x8300] =	vst v63  }
0x95: {  	_ =	swait.ge [sflag:s29], $0x400  }
0x96: {  	[sflag:s29] =	ssyncset.done $0x0  }
0x97: {  	[sflag:s29] =	ssyncadd.s32 $0xFFFFFC00  }
0x98: {  	[spmem:s2] =	stream.indirect.scatter.add.f32 [tilespmem:s26], [sflag:$0x8], $0x8, s5, s20, $0xb8;
	[tilespmem:$0x8300] =	vst v63  }
0x99: {  	_ =	swait.ge [sflag:s30], $0x400  }
0x9a: {  	[sflag:s30] =	ssyncset.done $0x0  }
0x9b: {  	[sflag:s30] =	ssyncadd.s32 $0xFFFFFC00  }
0x9c: {  	_ =	swait.ge [sflag:s31], $0x400  }
0x9d: {  	[sflag:s31] =	ssyncset.done $0x0  }
0x9e: {  	[sflag:s31] =	ssyncadd.s32 $0xFFFFFC00  }
0x9f: {  	[tilespmem:s21], [sflag:$0x1] =	stream.indirect.gather [hbm4b:s4+s20], $0x8, s7, s20, $0xb8;
	[tilespmem:$0x8300] =	vst v63  }
0xa0: {  	_ = 	snop  }
0xa1: {  	[tilespmem:s22], [sflag:$0x2] =	stream.indirect.gather [hbm4b:s4+s20], $0x8, s8, s20, $0xb8;
	[tilespmem:$0x8300] =	vst v63  }
0xa2: {  	_ =	swait.ge [sflag:s23], $0x400  }
0xa3: {  	[sflag:s23] =	ssyncset.done $0x0  }
0xa4: {  	[sflag:s23] =	ssyncadd.s32 $0xFFFFFC00  }
0xa5: {  	[spmem:s2] =	stream.indirect.scatter.add.f32 [tilespmem:s21], [sflag:$0x5], $0x8, s9, s20, $0xb8;
	[tilespmem:$0x8300] =	vst v63  }
0xa6: {  	_ =	swait.ge [sflag:s24], $0x400  }
0xa7: {  	[sflag:s24] =	ssyncset.done $0x0  }
0xa8: {  	[sflag:s24] =	ssyncadd.s32 $0xFFFFFC00  }
0xa9: {  	[spmem:s2] =	stream.indirect.scatter.add.f32 [tilespmem:s22], [sflag:$0x6], $0x8, s10, s20, $0xb8;
	[tilespmem:$0x8300] =	vst v63  }
0xaa: {  	_ =	swait.ge [sflag:s0], $0x400  }
0xab: {  	[sflag:s0] =	ssyncset.done $0x0  }
0xac: {  	[sflag:s0] =	ssyncadd.s32 $0xFFFFFC00  }
0xad: {  	_ =	swait.ge [sflag:s1], $0x400  }
0xae: {  	[sflag:s1] =	ssyncset.done $0x0  }
0xaf: {  	[sflag:s1] =	ssyncadd.s32 $0xFFFFFC00  }
0xb0: {  	[tilespmem:s25], [sflag:$0x3] =	stream.indirect.gather [hbm4b:s4+s20], $0x8, s11, s20, $0xb8;
	[tilespmem:$0x8300] =	vst v63  }
0xb1: {  	_ = 	snop  }
0xb2: {  	[tilespmem:s26], [sflag:$0x4] =	stream.indirect.gather [hbm4b:s4+s20], $0x8, s12, s20, $0xb8;
	[tilespmem:$0x8300] =	vst v63  }
0xb3: {  	_ =	swait.ge [sflag:s28], $0x400  }
0xb4: {  	[sflag:s28] =	ssyncset.done $0x0  }
0xb5: {  	[sflag:s28] =	ssyncadd.s32 $0xFFFFFC00  }
0xb6: {  	[spmem:s2] =	stream.indirect.scatter.add.f32 [tilespmem:s25], [sflag:$0x7], $0x8, s13, s20, $0xb8;
	[tilespmem:$0x8300] =	vst v63  }
0xb7: {  	_ =	swait.ge [sflag:s29], $0x400  }
0xb8: {  	[sflag:s29] =	ssyncset.done $0x0  }
0xb9: {  	[sflag:s29] =	ssyncadd.s32 $0xFFFFFC00  }
0xba: {  	[spmem:s2] =	stream.indirect.scatter.add.f32 [tilespmem:s26], [sflag:$0x8], $0x8, s14, s20, $0xb8;
	[tilespmem:$0x8300] =	vst v63  }
0xbb: {  	_ =	swait.ge [sflag:s30], $0x400  }
0xbc: {  	[sflag:s30] =	ssyncset.done $0x0  }
0xbd: {  	[sflag:s30] =	ssyncadd.s32 $0xFFFFFC00  }
0xbe: {  	_ =	swait.ge [sflag:s31], $0x400  }
0xbf: {  	[sflag:s31] =	ssyncset.done $0x0  }
0xc0: {  	[sflag:s31] =	ssyncadd.s32 $0xFFFFFC00  }
0xc1: {  	_ =	swait.ge [sflag:s0], $0x400  }
0xc2: {  	[sflag:s0] =	ssyncset.done $0x0  }
0xc3: {  	[sflag:s0] =	ssyncadd.s32 $0xFFFFFC00  }
0xc4: {  	s15 =	simm.s32 $0x200;
	_ =	swait.ge [sflag:s1], $0x400  }
0xc5: {  	s17 =	simm.s32 $0x100;
	s16 =	rddreg [dreg:$0x3];
	[sflag:s1] =	ssyncset.done $0x0  }
.LBB2_2:
0xc6: {  	[sflag:s1] =	ssyncadd.s32 $0xFFFFFC00;
	s16 =	sadd.s32 s17, s16  }
0xc7: {  	[tilespmem:s3], [sflag:$0x9] =	stream.linear.gather [hbm4b:s16+s3], $0x800, $0x38;
	[tilespmem:$0x8300] =	vst v63  }
0xc8: {  	_ =	swait.ge [sflag:s18], $0x800  }
0xc9: {  	[sflag:s18] =	ssyncset.done $0x0  }
0xca: {  	s16 =	sadd.s32 $0x186A0, s16;
	[sflag:s18] =	ssyncadd.s32 $0xFFFFF800  }
0xcb: {  	[tilespmem:s19], [sflag:$0x9] =	stream.linear.gather [hbm4b:s16+s3], $0x800, $0x38;
	[tilespmem:$0x8300] =	vst v63  }
0xcc: {  	_ =	swait.ge [sflag:s18], $0x800  }
0xcd: {  	[sflag:s18] =	ssyncset.done $0x0  }
0xce: {  	[sflag:s18] =	ssyncadd.s32 $0xFFFFF800  }
0xcf: {  	[tilespmem:s21], [sflag:$0x1] =	stream.indirect.gather [hbm4b:s4+s20], $0x8, s3, s20, $0xb8;
	[tilespmem:$0x8300] =	vst v63  }
0xd0: {  	_ = 	snop  }
0xd1: {  	[tilespmem:s22], [sflag:$0x2] =	stream.indirect.gather [hbm4b:s4+s20], $0x8, s20, s20, $0xb8;
	[tilespmem:$0x8300] =	vst v63  }
0xd2: {  	_ =	swait.ge [sflag:s23], $0x400  }
0xd3: {  	[sflag:s23] =	ssyncset.done $0x0  }
0xd4: {  	[sflag:s23] =	ssyncadd.s32 $0xFFFFFC00  }
0xd5: {  	[spmem:s2] =	stream.indirect.scatter.add.f32 [tilespmem:s21], [sflag:$0x5], $0x8, s19, s20, $0xb8;
	[tilespmem:$0x8300] =	vst v63  }
0xd6: {  	_ =	swait.ge [sflag:s24], $0x400  }
0xd7: {  	s6 =	smov.u32 s15;
	[sflag:s24] =	ssyncset.done $0x0  }
0xd8: {  	s17 =	smov.u32 s6;
	s6 =	rddreg [dreg:$0x4];
	[sflag:s24] =	ssyncadd.s32 $0xFFFFFC00  }
0xd9: {  	[spmem:s2] =	stream.indirect.scatter.add.f32 [tilespmem:s22], [sflag:$0x6], $0x8, s6, s20, $0xb8;
	[tilespmem:$0x8300] =	vst v63  }
0xda: {  	s16 =	rddreg [dreg:$0x5]  }
0xdb: {  	[tilespmem:s25], [sflag:$0x3] =	stream.indirect.gather [hbm4b:s4+s20], $0x8, s16, s20, $0xb8;
	[tilespmem:$0x8300] =	vst v63  }
0xdc: {  	s6 =	rddreg [dreg:$0x6]  }
0xdd: {  	[tilespmem:s26], [sflag:$0x4] =	stream.indirect.gather [hbm4b:s4+s20], $0x8, s6, s20, $0xb8;
	[tilespmem:$0x8300] =	vst v63  }
0xde: {  	_ =	swait.ge [sflag:s28], $0x400  }
0xdf: {  	[sflag:s28] =	ssyncset.done $0x0  }
0xe0: {  	s16 =	rddreg [dreg:$0x7];
	[sflag:s28] =	ssyncadd.s32 $0xFFFFFC00  }
0xe1: {  	[spmem:s2] =	stream.indirect.scatter.add.f32 [tilespmem:s25], [sflag:$0x7], $0x8, s16, s20, $0xb8;
	[tilespmem:$0x8300] =	vst v63  }
0xe2: {  	_ =	swait.ge [sflag:s29], $0x400  }
0xe3: {  	[sflag:s29] =	ssyncset.done $0x0  }
0xe4: {  	s16 =	rddreg [dreg:$0x8];
	[sflag:s29] =	ssyncadd.s32 $0xFFFFFC00  }
0xe5: {  	[spmem:s2] =	stream.indirect.scatter.add.f32 [tilespmem:s26], [sflag:$0x8], $0x8, s16, s20, $0xb8;
	[tilespmem:$0x8300] =	vst v63  }
0xe6: {  	_ =	swait.ge [sflag:s30], $0x400  }
0xe7: {  	[sflag:s30] =	ssyncset.done $0x0  }
0xe8: {  	[sflag:s30] =	ssyncadd.s32 $0xFFFFFC00  }
0xe9: {  	_ =	swait.ge [sflag:s31], $0x400  }
0xea: {  	[sflag:s31] =	ssyncset.done $0x0  }
0xeb: {  	s6 =	rddreg [dreg:$0x9];
	[sflag:s31] =	ssyncadd.s32 $0xFFFFFC00  }
0xec: {  	[tilespmem:s21], [sflag:$0x1] =	stream.indirect.gather [hbm4b:s4+s20], $0x8, s6, s20, $0xb8;
	[tilespmem:$0x8300] =	vst v63  }
0xed: {  	s16 =	rddreg [dreg:$0xa]  }
0xee: {  	[tilespmem:s22], [sflag:$0x2] =	stream.indirect.gather [hbm4b:s4+s20], $0x8, s16, s20, $0xb8;
	[tilespmem:$0x8300] =	vst v63  }
0xef: {  	_ =	swait.ge [sflag:s23], $0x400  }
0xf0: {  	[sflag:s23] =	ssyncset.done $0x0  }
0xf1: {  	s16 =	rddreg [dreg:$0xb];
	[sflag:s23] =	ssyncadd.s32 $0xFFFFFC00  }
0xf2: {  	[spmem:s2] =	stream.indirect.scatter.add.f32 [tilespmem:s21], [sflag:$0x5], $0x8, s16, s20, $0xb8;
	[tilespmem:$0x8300] =	vst v63  }
0xf3: {  	_ =	swait.ge [sflag:s24], $0x400  }
0xf4: {  	[sflag:s24] =	ssyncset.done $0x0  }
0xf5: {  	s16 =	rddreg [dreg:$0xc];
	[sflag:s24] =	ssyncadd.s32 $0xFFFFFC00  }
0xf6: {  	[spmem:s2] =	stream.indirect.scatter.add.f32 [tilespmem:s22], [sflag:$0x6], $0x8, s16, s20, $0xb8;
	[tilespmem:$0x8300] =	vst v63  }
0xf7: {  	_ =	swait.ge [sflag:s0], $0x400  }
0xf8: {  	[sflag:s0] =	ssyncset.done $0x0  }
0xf9: {  	[sflag:s0] =	ssyncadd.s32 $0xFFFFFC00  }
0xfa: {  	_ =	swait.ge [sflag:s1], $0x400  }
0xfb: {  	[sflag:s1] =	ssyncset.done $0x0  }
0xfc: {  	s6 =	rddreg [dreg:$0xd];
	[sflag:s1] =	ssyncadd.s32 $0xFFFFFC00  }
0xfd: {  	[tilespmem:s25], [sflag:$0x3] =	stream.indirect.gather [hbm4b:s4+s20], $0x8, s6, s20, $0xb8;
	[tilespmem:$0x8300] =	vst v63  }
0xfe: {  	s16 =	rddreg [dreg:$0xe]  }
0xff: {  	[tilespmem:s26], [sflag:$0x4] =	stream.indirect.gather [hbm4b:s4+s20], $0x8, s16, s20, $0xb8;
	[tilespmem:$0x8300] =	vst v63  }
0x100: {  	_ =	swait.ge [sflag:s28], $0x400  }
0x101: {  	[sflag:s28] =	ssyncset.done $0x0  }
0x102: {  	s16 =	rddreg [dreg:$0xf];
	[sflag:s28] =	ssyncadd.s32 $0xFFFFFC00  }
0x103: {  	[spmem:s2] =	stream.indirect.scatter.add.f32 [tilespmem:s25], [sflag:$0x7], $0x8, s16, s20, $0xb8;
	[tilespmem:$0x8300] =	vst v63  }
0x104: {  	_ =	swait.ge [sflag:s29], $0x400  }
0x105: {  	[sflag:s29] =	ssyncset.done $0x0  }
0x106: {  	s16 =	rddreg [dreg:$0x10];
	[sflag:s29] =	ssyncadd.s32 $0xFFFFFC00  }
0x107: {  	[spmem:s2] =	stream.indirect.scatter.add.f32 [tilespmem:s26], [sflag:$0x8], $0x8, s16, s20, $0xb8;
	[tilespmem:$0x8300] =	vst v63  }
0x108: {  	_ =	swait.ge [sflag:s30], $0x400  }
0x109: {  	[sflag:s30] =	ssyncset.done $0x0  }
0x10a: {  	[sflag:s30] =	ssyncadd.s32 $0xFFFFFC00  }
0x10b: {  	_ =	swait.ge [sflag:s31], $0x400  }
0x10c: {  	[sflag:s31] =	ssyncset.done $0x0  }
0x10d: {  	s6 =	rddreg [dreg:$0x11];
	[sflag:s31] =	ssyncadd.s32 $0xFFFFFC00  }
0x10e: {  	[tilespmem:s21], [sflag:$0x1] =	stream.indirect.gather [hbm4b:s4+s20], $0x8, s6, s20, $0xb8;
	[tilespmem:$0x8300] =	vst v63  }
0x10f: {  	s16 =	rddreg [dreg:$0x12]  }
0x110: {  	[tilespmem:s22], [sflag:$0x2] =	stream.indirect.gather [hbm4b:s4+s20], $0x8, s16, s20, $0xb8;
	[tilespmem:$0x8300] =	vst v63  }
0x111: {  	_ =	swait.ge [sflag:s23], $0x400  }
0x112: {  	[sflag:s23] =	ssyncset.done $0x0  }
0x113: {  	s16 =	rddreg [dreg:$0x13];
	[sflag:s23] =	ssyncadd.s32 $0xFFFFFC00  }
0x114: {  	[spmem:s2] =	stream.indirect.scatter.add.f32 [tilespmem:s21], [sflag:$0x5], $0x8, s16, s20, $0xb8;
	[tilespmem:$0x8300] =	vst v63  }
0x115: {  	_ =	swait.ge [sflag:s24], $0x400  }
0x116: {  	[sflag:s24] =	ssyncset.done $0x0  }
0x117: {  	s16 =	rddreg [dreg:$0x14];
	[sflag:s24] =	ssyncadd.s32 $0xFFFFFC00  }
0x118: {  	[spmem:s2] =	stream.indirect.scatter.add.f32 [tilespmem:s22], [sflag:$0x6], $0x8, s16, s20, $0xb8;
	[tilespmem:$0x8300] =	vst v63  }
0x119: {  	_ =	swait.ge [sflag:s0], $0x400  }
0x11a: {  	[sflag:s0] =	ssyncset.done $0x0  }
0x11b: {  	[sflag:s0] =	ssyncadd.s32 $0xFFFFFC00  }
0x11c: {  	_ =	swait.ge [sflag:s1], $0x400  }
0x11d: {  	[sflag:s1] =	ssyncset.done $0x0  }
0x11e: {  	s6 =	rddreg [dreg:$0x15];
	[sflag:s1] =	ssyncadd.s32 $0xFFFFFC00  }
0x11f: {  	[tilespmem:s25], [sflag:$0x3] =	stream.indirect.gather [hbm4b:s4+s20], $0x8, s6, s20, $0xb8;
	[tilespmem:$0x8300] =	vst v63  }
0x120: {  	s16 =	rddreg [dreg:$0x16]  }
0x121: {  	[tilespmem:s26], [sflag:$0x4] =	stream.indirect.gather [hbm4b:s4+s20], $0x8, s16, s20, $0xb8;
	[tilespmem:$0x8300] =	vst v63  }
0x122: {  	_ =	swait.ge [sflag:s28], $0x400  }
0x123: {  	[sflag:s28] =	ssyncset.done $0x0  }
0x124: {  	s16 =	rddreg [dreg:$0x17];
	[sflag:s28] =	ssyncadd.s32 $0xFFFFFC00  }
0x125: {  	[spmem:s2] =	stream.indirect.scatter.add.f32 [tilespmem:s25], [sflag:$0x7], $0x8, s16, s20, $0xb8;
	[tilespmem:$0x8300] =	vst v63  }
0x126: {  	_ =	swait.ge [sflag:s29], $0x400  }
0x127: {  	[sflag:s29] =	ssyncset.done $0x0  }
0x128: {  	[sflag:s29] =	ssyncadd.s32 $0xFFFFFC00  }
0x129: {  	[spmem:s2] =	stream.indirect.scatter.add.f32 [tilespmem:s26], [sflag:$0x8], $0x8, s5, s20, $0xb8;
	[tilespmem:$0x8300] =	vst v63  }
0x12a: {  	_ =	swait.ge [sflag:s30], $0x400  }
0x12b: {  	[sflag:s30] =	ssyncset.done $0x0  }
0x12c: {  	[sflag:s30] =	ssyncadd.s32 $0xFFFFFC00  }
0x12d: {  	_ =	swait.ge [sflag:s31], $0x400  }
0x12e: {  	[sflag:s31] =	ssyncset.done $0x0  }
0x12f: {  	[sflag:s31] =	ssyncadd.s32 $0xFFFFFC00  }
0x130: {  	[tilespmem:s21], [sflag:$0x1] =	stream.indirect.gather [hbm4b:s4+s20], $0x8, s7, s20, $0xb8;
	[tilespmem:$0x8300] =	vst v63  }
0x131: {  	_ = 	snop  }
0x132: {  	[tilespmem:s22], [sflag:$0x2] =	stream.indirect.gather [hbm4b:s4+s20], $0x8, s8, s20, $0xb8;
	[tilespmem:$0x8300] =	vst v63  }
0x133: {  	_ =	swait.ge [sflag:s23], $0x400  }
0x134: {  	[sflag:s23] =	ssyncset.done $0x0  }
0x135: {  	[sflag:s23] =	ssyncadd.s32 $0xFFFFFC00  }
0x136: {  	[spmem:s2] =	stream.indirect.scatter.add.f32 [tilespmem:s21], [sflag:$0x5], $0x8, s9, s20, $0xb8;
	[tilespmem:$0x8300] =	vst v63  }
0x137: {  	_ =	swait.ge [sflag:s24], $0x400  }
0x138: {  	[sflag:s24] =	ssyncset.done $0x0  }
0x139: {  	[sflag:s24] =	ssyncadd.s32 $0xFFFFFC00  }
0x13a: {  	[spmem:s2] =	stream.indirect.scatter.add.f32 [tilespmem:s22], [sflag:$0x6], $0x8, s10, s20, $0xb8;
	[tilespmem:$0x8300] =	vst v63  }
0x13b: {  	_ =	swait.ge [sflag:s0], $0x400  }
0x13c: {  	[sflag:s0] =	ssyncset.done $0x0  }
0x13d: {  	[sflag:s0] =	ssyncadd.s32 $0xFFFFFC00  }
0x13e: {  	_ =	swait.ge [sflag:s1], $0x400  }
0x13f: {  	[sflag:s1] =	ssyncset.done $0x0  }
0x140: {  	[sflag:s1] =	ssyncadd.s32 $0xFFFFFC00  }
0x141: {  	[tilespmem:s25], [sflag:$0x3] =	stream.indirect.gather [hbm4b:s4+s20], $0x8, s11, s20, $0xb8;
	[tilespmem:$0x8300] =	vst v63  }
0x142: {  	_ = 	snop  }
0x143: {  	[tilespmem:s26], [sflag:$0x4] =	stream.indirect.gather [hbm4b:s4+s20], $0x8, s12, s20, $0xb8;
	[tilespmem:$0x8300] =	vst v63  }
0x144: {  	_ =	swait.ge [sflag:s28], $0x400  }
0x145: {  	[sflag:s28] =	ssyncset.done $0x0  }
0x146: {  	[sflag:s28] =	ssyncadd.s32 $0xFFFFFC00  }
0x147: {  	[spmem:s2] =	stream.indirect.scatter.add.f32 [tilespmem:s25], [sflag:$0x7], $0x8, s13, s20, $0xb8;
	[tilespmem:$0x8300] =	vst v63  }
0x148: {  	_ =	swait.ge [sflag:s29], $0x400  }
0x149: {  	[sflag:s29] =	ssyncset.done $0x0  }
0x14a: {  	[sflag:s29] =	ssyncadd.s32 $0xFFFFFC00  }
0x14b: {  	[spmem:s2] =	stream.indirect.scatter.add.f32 [tilespmem:s26], [sflag:$0x8], $0x8, s14, s20, $0xb8;
	[tilespmem:$0x8300] =	vst v63  }
0x14c: {  	_ =	swait.ge [sflag:s30], $0x400  }
0x14d: {  	[sflag:s30] =	ssyncset.done $0x0  }
0x14e: {  	[sflag:s30] =	ssyncadd.s32 $0xFFFFFC00  }
0x14f: {  	_ =	swait.ge [sflag:s31], $0x400  }
0x150: {  	[sflag:s31] =	ssyncset.done $0x0  }
0x151: {  	p1 =	sne.s32 s15, $0xB00;
	[sflag:s31] =	ssyncadd.s32 $0xFFFFFC00  }
.Ltmp0:
0x152: {  	_ =	swait.ge [sflag:s0], $0x400;
	(pc) =	sbr.rel @p1 .LBB2_2-.Ltmp0, $4  }
0x153: {  	[sflag:s0] =	ssyncset.done $0x0  }
0x154: {  	[sflag:s0] =	ssyncadd.s32 $0xFFFFFC00  }
0x155: {  	_ =	swait.ge [sflag:s1], $0x400  }
0x156: {  	s15 =	sadd.s32 $0x100, s15;
	s16 =	rddreg [dreg:$0x3];
	[sflag:s1] =	ssyncset.done $0x0  }
0x157: {  	[sflag:s1] =	ssyncadd.s32 $0xFFFFFC00;
	s6 =	sadd.s32 s17, s16  }
0x158: {  	[tilespmem:s3], [sflag:$0x9] =	stream.linear.gather [hbm4b:s6+s3], $0x800, $0x38;
	[tilespmem:$0x8300] =	vst v63  }
0x159: {  	_ =	swait.ge [sflag:s18], $0x800  }
0x15a: {  	[sflag:s18] =	ssyncset.done $0x0  }
0x15b: {  	s6 =	sadd.s32 $0x186A0, s6;
	[sflag:s18] =	ssyncadd.s32 $0xFFFFF800  }
0x15c: {  	[tilespmem:s19], [sflag:$0x9] =	stream.linear.gather [hbm4b:s6+s3], $0x800, $0x38;
	[tilespmem:$0x8300] =	vst v63  }
0x15d: {  	_ =	swait.ge [sflag:s18], $0x800  }
0x15e: {  	[sflag:s18] =	ssyncset.done $0x0  }
0x15f: {  	[sflag:s18] =	ssyncadd.s32 $0xFFFFF800  }
0x160: {  	[tilespmem:s21], [sflag:$0x1] =	stream.indirect.gather [hbm4b:s4+s20], $0x8, s3, s20, $0xb8;
	[tilespmem:$0x8300] =	vst v63  }
0x161: {  	_ = 	snop  }
0x162: {  	[tilespmem:s22], [sflag:$0x2] =	stream.indirect.gather [hbm4b:s4+s20], $0x8, s20, s20, $0xb8;
	[tilespmem:$0x8300] =	vst v63  }
0x163: {  	_ =	swait.ge [sflag:s23], $0x400  }
0x164: {  	[sflag:s23] =	ssyncset.done $0x0  }
0x165: {  	[sflag:s23] =	ssyncadd.s32 $0xFFFFFC00  }
0x166: {  	[spmem:s2] =	stream.indirect.scatter.add.f32 [tilespmem:s21], [sflag:$0x5], $0x8, s19, s20, $0xb8;
	[tilespmem:$0x8300] =	vst v63  }
0x167: {  	_ =	swait.ge [sflag:s24], $0x400  }
0x168: {  	[sflag:s24] =	ssyncset.done $0x0  }
0x169: {  	s16 =	rddreg [dreg:$0x4];
	[sflag:s24] =	ssyncadd.s32 $0xFFFFFC00  }
0x16a: {  	[spmem:s2] =	stream.indirect.scatter.add.f32 [tilespmem:s22], [sflag:$0x6], $0x8, s16, s20, $0xb8;
	[tilespmem:$0x8300] =	vst v63  }
0x16b: {  	s15 =	rddreg [dreg:$0x5]  }
0x16c: {  	[tilespmem:s25], [sflag:$0x3] =	stream.indirect.gather [hbm4b:s4+s20], $0x8, s15, s20, $0xb8;
	[tilespmem:$0x8300] =	vst v63  }
0x16d: {  	s17 =	rddreg [dreg:$0x6]  }
0x16e: {  	[tilespmem:s26], [sflag:$0x4] =	stream.indirect.gather [hbm4b:s4+s20], $0x8, s17, s20, $0xb8;
	[tilespmem:$0x8300] =	vst v63  }
0x16f: {  	_ =	swait.ge [sflag:s28], $0x400  }
0x170: {  	[sflag:s28] =	ssyncset.done $0x0  }
0x171: {  	s16 =	rddreg [dreg:$0x7];
	[sflag:s28] =	ssyncadd.s32 $0xFFFFFC00  }
0x172: {  	[spmem:s2] =	stream.indirect.scatter.add.f32 [tilespmem:s25], [sflag:$0x7], $0x8, s16, s20, $0xb8;
	[tilespmem:$0x8300] =	vst v63  }
0x173: {  	_ =	swait.ge [sflag:s29], $0x400  }
0x174: {  	[sflag:s29] =	ssyncset.done $0x0  }
0x175: {  	s17 =	rddreg [dreg:$0x8];
	[sflag:s29] =	ssyncadd.s32 $0xFFFFFC00  }
0x176: {  	[spmem:s2] =	stream.indirect.scatter.add.f32 [tilespmem:s26], [sflag:$0x8], $0x8, s17, s20, $0xb8;
	[tilespmem:$0x8300] =	vst v63  }
0x177: {  	_ =	swait.ge [sflag:s30], $0x400  }
0x178: {  	[sflag:s30] =	ssyncset.done $0x0  }
0x179: {  	[sflag:s30] =	ssyncadd.s32 $0xFFFFFC00  }
0x17a: {  	_ =	swait.ge [sflag:s31], $0x400  }
0x17b: {  	[sflag:s31] =	ssyncset.done $0x0  }
0x17c: {  	s15 =	rddreg [dreg:$0x9];
	[sflag:s31] =	ssyncadd.s32 $0xFFFFFC00  }
0x17d: {  	[tilespmem:s21], [sflag:$0x1] =	stream.indirect.gather [hbm4b:s4+s20], $0x8, s15, s20, $0xb8;
	[tilespmem:$0x8300] =	vst v63  }
0x17e: {  	s16 =	rddreg [dreg:$0xa]  }
0x17f: {  	[tilespmem:s22], [sflag:$0x2] =	stream.indirect.gather [hbm4b:s4+s20], $0x8, s16, s20, $0xb8;
	[tilespmem:$0x8300] =	vst v63  }
0x180: {  	_ =	swait.ge [sflag:s23], $0x400  }
0x181: {  	[sflag:s23] =	ssyncset.done $0x0  }
0x182: {  	s17 =	rddreg [dreg:$0xb];
	[sflag:s23] =	ssyncadd.s32 $0xFFFFFC00  }
0x183: {  	[spmem:s2] =	stream.indirect.scatter.add.f32 [tilespmem:s21], [sflag:$0x5], $0x8, s17, s20, $0xb8;
	[tilespmem:$0x8300] =	vst v63  }
0x184: {  	_ =	swait.ge [sflag:s24], $0x400  }
0x185: {  	[sflag:s24] =	ssyncset.done $0x0  }
0x186: {  	s15 =	rddreg [dreg:$0xc];
	[sflag:s24] =	ssyncadd.s32 $0xFFFFFC00  }
0x187: {  	[spmem:s2] =	stream.indirect.scatter.add.f32 [tilespmem:s22], [sflag:$0x6], $0x8, s15, s20, $0xb8;
	[tilespmem:$0x8300] =	vst v63  }
0x188: {  	_ =	swait.ge [sflag:s0], $0x400  }
0x189: {  	[sflag:s0] =	ssyncset.done $0x0  }
0x18a: {  	[sflag:s0] =	ssyncadd.s32 $0xFFFFFC00  }
0x18b: {  	_ =	swait.ge [sflag:s1], $0x400  }
0x18c: {  	[sflag:s1] =	ssyncset.done $0x0  }
0x18d: {  	s16 =	rddreg [dreg:$0xd];
	[sflag:s1] =	ssyncadd.s32 $0xFFFFFC00  }
0x18e: {  	[tilespmem:s25], [sflag:$0x3] =	stream.indirect.gather [hbm4b:s4+s20], $0x8, s16, s20, $0xb8;
	[tilespmem:$0x8300] =	vst v63  }
0x18f: {  	s17 =	rddreg [dreg:$0xe]  }
0x190: {  	[tilespmem:s26], [sflag:$0x4] =	stream.indirect.gather [hbm4b:s4+s20], $0x8, s17, s20, $0xb8;
	[tilespmem:$0x8300] =	vst v63  }
0x191: {  	_ =	swait.ge [sflag:s28], $0x400  }
0x192: {  	[sflag:s28] =	ssyncset.done $0x0  }
0x193: {  	s16 =	rddreg [dreg:$0xf];
	[sflag:s28] =	ssyncadd.s32 $0xFFFFFC00  }
0x194: {  	[spmem:s2] =	stream.indirect.scatter.add.f32 [tilespmem:s25], [sflag:$0x7], $0x8, s16, s20, $0xb8;
	[tilespmem:$0x8300] =	vst v63  }
0x195: {  	_ =	swait.ge [sflag:s29], $0x400  }
0x196: {  	[sflag:s29] =	ssyncset.done $0x0  }
0x197: {  	s17 =	rddreg [dreg:$0x10];
	[sflag:s29] =	ssyncadd.s32 $0xFFFFFC00  }
0x198: {  	[spmem:s2] =	stream.indirect.scatter.add.f32 [tilespmem:s26], [sflag:$0x8], $0x8, s17, s20, $0xb8;
	[tilespmem:$0x8300] =	vst v63  }
0x199: {  	_ =	swait.ge [sflag:s30], $0x400  }
0x19a: {  	[sflag:s30] =	ssyncset.done $0x0  }
0x19b: {  	[sflag:s30] =	ssyncadd.s32 $0xFFFFFC00  }
0x19c: {  	_ =	swait.ge [sflag:s31], $0x400  }
0x19d: {  	[sflag:s31] =	ssyncset.done $0x0  }
0x19e: {  	s15 =	rddreg [dreg:$0x11];
	[sflag:s31] =	ssyncadd.s32 $0xFFFFFC00  }
0x19f: {  	[tilespmem:s21], [sflag:$0x1] =	stream.indirect.gather [hbm4b:s4+s20], $0x8, s15, s20, $0xb8;
	[tilespmem:$0x8300] =	vst v63  }
0x1a0: {  	s16 =	rddreg [dreg:$0x12]  }
0x1a1: {  	[tilespmem:s22], [sflag:$0x2] =	stream.indirect.gather [hbm4b:s4+s20], $0x8, s16, s20, $0xb8;
	[tilespmem:$0x8300] =	vst v63  }
0x1a2: {  	_ =	swait.ge [sflag:s23], $0x400  }
0x1a3: {  	[sflag:s23] =	ssyncset.done $0x0  }
0x1a4: {  	s17 =	rddreg [dreg:$0x13];
	[sflag:s23] =	ssyncadd.s32 $0xFFFFFC00  }
0x1a5: {  	[spmem:s2] =	stream.indirect.scatter.add.f32 [tilespmem:s21], [sflag:$0x5], $0x8, s17, s20, $0xb8;
	[tilespmem:$0x8300] =	vst v63  }
0x1a6: {  	_ =	swait.ge [sflag:s24], $0x400  }
0x1a7: {  	[sflag:s24] =	ssyncset.done $0x0  }
0x1a8: {  	s15 =	rddreg [dreg:$0x14];
	[sflag:s24] =	ssyncadd.s32 $0xFFFFFC00  }
0x1a9: {  	[spmem:s2] =	stream.indirect.scatter.add.f32 [tilespmem:s22], [sflag:$0x6], $0x8, s15, s20, $0xb8;
	[tilespmem:$0x8300] =	vst v63  }
0x1aa: {  	_ =	swait.ge [sflag:s0], $0x400  }
0x1ab: {  	[sflag:s0] =	ssyncset.done $0x0  }
0x1ac: {  	[sflag:s0] =	ssyncadd.s32 $0xFFFFFC00  }
0x1ad: {  	_ =	swait.ge [sflag:s1], $0x400  }
0x1ae: {  	[sflag:s1] =	ssyncset.done $0x0  }
0x1af: {  	s16 =	rddreg [dreg:$0x15];
	[sflag:s1] =	ssyncadd.s32 $0xFFFFFC00  }
0x1b0: {  	[tilespmem:s25], [sflag:$0x3] =	stream.indirect.gather [hbm4b:s4+s20], $0x8, s16, s20, $0xb8;
	[tilespmem:$0x8300] =	vst v63  }
0x1b1: {  	s17 =	rddreg [dreg:$0x16]  }
0x1b2: {  	[tilespmem:s26], [sflag:$0x4] =	stream.indirect.gather [hbm4b:s4+s20], $0x8, s17, s20, $0xb8;
	[tilespmem:$0x8300] =	vst v63  }
0x1b3: {  	_ =	swait.ge [sflag:s28], $0x400  }
0x1b4: {  	[sflag:s28] =	ssyncset.done $0x0  }
0x1b5: {  	s15 =	rddreg [dreg:$0x17];
	[sflag:s28] =	ssyncadd.s32 $0xFFFFFC00  }
0x1b6: {  	[spmem:s2] =	stream.indirect.scatter.add.f32 [tilespmem:s25], [sflag:$0x7], $0x8, s15, s20, $0xb8;
	[tilespmem:$0x8300] =	vst v63  }
0x1b7: {  	_ =	swait.ge [sflag:s29], $0x400  }
0x1b8: {  	[sflag:s29] =	ssyncset.done $0x0  }
0x1b9: {  	[sflag:s29] =	ssyncadd.s32 $0xFFFFFC00  }
0x1ba: {  	[spmem:s2] =	stream.indirect.scatter.add.f32 [tilespmem:s26], [sflag:$0x8], $0x8, s5, s20, $0xb8;
	[tilespmem:$0x8300] =	vst v63  }
0x1bb: {  	_ =	swait.ge [sflag:s30], $0x400  }
0x1bc: {  	[sflag:s30] =	ssyncset.done $0x0  }
0x1bd: {  	[sflag:s30] =	ssyncadd.s32 $0xFFFFFC00  }
0x1be: {  	_ =	swait.ge [sflag:s31], $0x400  }
0x1bf: {  	[sflag:s31] =	ssyncset.done $0x0  }
0x1c0: {  	[sflag:s31] =	ssyncadd.s32 $0xFFFFFC00  }
0x1c1: {  	[tilespmem:s21], [sflag:$0x1] =	stream.indirect.gather [hbm4b:s4+s20], $0x8, s7, s20, $0xb8;
	[tilespmem:$0x8300] =	vst v63  }
0x1c2: {  	_ = 	snop  }
0x1c3: {  	[tilespmem:s22], [sflag:$0x2] =	stream.indirect.gather [hbm4b:s4+s20], $0x8, s8, s20, $0xb8;
	[tilespmem:$0x8300] =	vst v63  }
0x1c4: {  	_ =	swait.ge [sflag:s23], $0x400  }
0x1c5: {  	[sflag:s23] =	ssyncset.done $0x0  }
0x1c6: {  	[sflag:s23] =	ssyncadd.s32 $0xFFFFFC00  }
0x1c7: {  	[spmem:s2] =	stream.indirect.scatter.add.f32 [tilespmem:s21], [sflag:$0x5], $0x8, s9, s20, $0xb8;
	[tilespmem:$0x8300] =	vst v63  }
0x1c8: {  	_ =	swait.ge [sflag:s24], $0x400  }
0x1c9: {  	[sflag:s24] =	ssyncset.done $0x0  }
0x1ca: {  	[sflag:s24] =	ssyncadd.s32 $0xFFFFFC00  }
0x1cb: {  	[spmem:s2] =	stream.indirect.scatter.add.f32 [tilespmem:s22], [sflag:$0x6], $0x8, s10, s20, $0xb8;
	[tilespmem:$0x8300] =	vst v63  }
0x1cc: {  	_ =	swait.ge [sflag:s0], $0x400  }
0x1cd: {  	[sflag:s0] =	ssyncset.done $0x0  }
0x1ce: {  	[sflag:s0] =	ssyncadd.s32 $0xFFFFFC00  }
0x1cf: {  	_ =	swait.ge [sflag:s1], $0x400  }
0x1d0: {  	[sflag:s1] =	ssyncset.done $0x0  }
0x1d1: {  	[sflag:s1] =	ssyncadd.s32 $0xFFFFFC00  }
0x1d2: {  	[tilespmem:s25], [sflag:$0x3] =	stream.indirect.gather [hbm4b:s4+s20], $0x8, s11, s20, $0xb8;
	[tilespmem:$0x8300] =	vst v63  }
0x1d3: {  	_ = 	snop  }
0x1d4: {  	[tilespmem:s26], [sflag:$0x4] =	stream.indirect.gather [hbm4b:s4+s20], $0x8, s12, s20, $0xb8;
	[tilespmem:$0x8300] =	vst v63  }
0x1d5: {  	_ =	swait.ge [sflag:s28], $0x400  }
0x1d6: {  	[sflag:s28] =	ssyncset.done $0x0  }
0x1d7: {  	[sflag:s28] =	ssyncadd.s32 $0xFFFFFC00  }
0x1d8: {  	[spmem:s2] =	stream.indirect.scatter.add.f32 [tilespmem:s25], [sflag:$0x7], $0x8, s13, s20, $0xb8;
	[tilespmem:$0x8300] =	vst v63  }
0x1d9: {  	_ =	swait.ge [sflag:s29], $0x400  }
0x1da: {  	[sflag:s29] =	ssyncset.done $0x0  }
0x1db: {  	[sflag:s29] =	ssyncadd.s32 $0xFFFFFC00  }
0x1dc: {  	[spmem:s2] =	stream.indirect.scatter.add.f32 [tilespmem:s26], [sflag:$0x8], $0x8, s14, s20, $0xb8;
	[tilespmem:$0x8300] =	vst v63  }
0x1dd: {  	_ =	swait.ge [sflag:s30], $0x400  }
0x1de: {  	[sflag:s30] =	ssyncset.done $0x0  }
0x1df: {  	[sflag:s30] =	ssyncadd.s32 $0xFFFFFC00  }
0x1e0: {  	_ =	swait.ge [sflag:s31], $0x400  }
0x1e1: {  	[sflag:s31] =	ssyncset.done $0x0  }
0x1e2: {  	[sflag:s31] =	ssyncadd.s32 $0xFFFFFC00  }
0x1e3: {  	_ =	swait.ge [sflag:s0], $0x400  }
0x1e4: {  	[sflag:s0] =	ssyncset.done $0x0  }
0x1e5: {  	[sflag:s0] =	ssyncadd.s32 $0xFFFFFC00  }
0x1e6: {  	_ =	swait.ge [sflag:s1], $0x400  }
0x1e7: {  	[sflag:s1] =	ssyncset.done $0x0  }
0x1e8: {  	s15 =	simm.s32 $0x1000;
	s16 =	rddreg [dreg:$0x1a];
	[sflag:s1] =	ssyncadd.s32 $0xFFFFFC00  }
0x1e9: {  	[tilespmem:s15], [sflag:$0x9] =	stream.linear.gather [hbm4b:s16+s3], $0x80, $0x38;
	[tilespmem:$0x8300] =	vst v63  }
0x1ea: {  	_ =	swait.ge [sflag:s18], $0x80  }
0x1eb: {  	[sflag:s18] =	ssyncset.done $0x0  }
0x1ec: {  	s16 =	simm.s32 $0x1080;
	s17 =	rddreg [dreg:$0x1b];
	[sflag:s18] =	ssyncadd.s32 $0xFFFFFF80  }
0x1ed: {  	[tilespmem:s16], [sflag:$0x9] =	stream.linear.gather [hbm4b:s17+s3], $0x80, $0x38;
	[tilespmem:$0x8300] =	vst v63  }
0x1ee: {  	_ =	swait.ge [sflag:s18], $0x80  }
0x1ef: {  	[sflag:s18] =	ssyncset.done $0x0  }
0x1f0: {  	[sflag:s18] =	ssyncadd.s32 $0xFFFFFF80  }
0x1f1: {  	[tilespmem:s21], [sflag:$0x1] =	stream.indirect.gather [hbm4b:s4+s20], $0x8, s15, s20, $0xb8;
	[tilespmem:$0x8300] =	vst v63  }
0x1f2: {  	_ =	swait.ge [sflag:s23], $0x400  }
0x1f3: {  	[sflag:s23] =	ssyncset.done $0x0  }
0x1f4: {  	[sflag:s23] =	ssyncadd.s32 $0xFFFFFC00  }
0x1f5: {  	[spmem:s2] =	stream.indirect.scatter.add.f32 [tilespmem:s21], [sflag:$0x9], $0x8, s16, s20, $0xb8;
	[tilespmem:$0x8300] =	vst v63  }
0x1f6: {  	_ =	swait.ge [sflag:s18], $0x400  }
0x1f7: {  	[sflag:s18] =	ssyncset.done $0x0  }
0x1f8: {  	s17 =	rddreg [dreg:$0x1c];
	[sflag:s18] =	ssyncadd.s32 $0xFFFFFC00  }
0x1f9: {  	[tilespmem:s15], [sflag:$0x9] =	stream.linear.gather [hbm4b:s17+s3], $0x80, $0x38;
	[tilespmem:$0x8300] =	vst v63  }
0x1fa: {  	_ =	swait.ge [sflag:s18], $0x80  }
0x1fb: {  	[sflag:s18] =	ssyncset.done $0x0  }
0x1fc: {  	s17 =	rddreg [dreg:$0x1d];
	[sflag:s18] =	ssyncadd.s32 $0xFFFFFF80  }
0x1fd: {  	[tilespmem:s16], [sflag:$0x9] =	stream.linear.gather [hbm4b:s17+s3], $0x80, $0x38;
	[tilespmem:$0x8300] =	vst v63  }
0x1fe: {  	_ =	swait.ge [sflag:s18], $0x80  }
0x1ff: {  	[sflag:s18] =	ssyncset.done $0x0  }
0x200: {  	[sflag:s18] =	ssyncadd.s32 $0xFFFFFF80  }
0x201: {  	[tilespmem:s21], [sflag:$0x1] =	stream.indirect.gather [hbm4b:s4+s20], $0x8, s15, s20, $0xb8;
	[tilespmem:$0x8300] =	vst v63  }
0x202: {  	_ =	swait.ge [sflag:s23], $0x400  }
0x203: {  	[sflag:s23] =	ssyncset.done $0x0  }
0x204: {  	[sflag:s23] =	ssyncadd.s32 $0xFFFFFC00  }
0x205: {  	[spmem:s2] =	stream.indirect.scatter.add.f32 [tilespmem:s21], [sflag:$0x9], $0x8, s16, s20, $0xb8;
	[tilespmem:$0x8300] =	vst v63  }
0x206: {  	_ =	swait.ge [sflag:s18], $0x400  }
0x207: {  	[sflag:s18] =	ssyncset.done $0x0  }
0x208: {  	s17 =	rddreg [dreg:$0x1e];
	[sflag:s18] =	ssyncadd.s32 $0xFFFFFC00  }
0x209: {  	[tilespmem:s15], [sflag:$0x9] =	stream.linear.gather [hbm4b:s17+s3], $0x80, $0x38;
	[tilespmem:$0x8300] =	vst v63  }
0x20a: {  	_ =	swait.ge [sflag:s18], $0x80  }
0x20b: {  	[sflag:s18] =	ssyncset.done $0x0  }
0x20c: {  	s17 =	rddreg [dreg:$0x1f];
	[sflag:s18] =	ssyncadd.s32 $0xFFFFFF80  }
0x20d: {  	[tilespmem:s16], [sflag:$0x9] =	stream.linear.gather [hbm4b:s17+s3], $0x80, $0x38;
	[tilespmem:$0x8300] =	vst v63  }
0x20e: {  	_ =	swait.ge [sflag:s18], $0x80  }
0x20f: {  	[sflag:s18] =	ssyncset.done $0x0  }
0x210: {  	[sflag:s18] =	ssyncadd.s32 $0xFFFFFF80  }
0x211: {  	[tilespmem:s21], [sflag:$0x1] =	stream.indirect.gather [hbm4b:s4+s20], $0x8, s15, s20, $0xb8;
	[tilespmem:$0x8300] =	vst v63  }
0x212: {  	_ =	swait.ge [sflag:s23], $0x400  }
0x213: {  	[sflag:s23] =	ssyncset.done $0x0  }
0x214: {  	[sflag:s23] =	ssyncadd.s32 $0xFFFFFC00  }
0x215: {  	[spmem:s2] =	stream.indirect.scatter.add.f32 [tilespmem:s21], [sflag:$0x9], $0x8, s16, s20, $0xb8;
	[tilespmem:$0x8300] =	vst v63  }
0x216: {  	_ =	swait.ge [sflag:s18], $0x400  }
0x217: {  	s15 =	sld [smem:$0x7F9]  }
0x218: {  	[sflag:s18] =	ssyncset.done $0x0  }
0x219: {  	s6 =	simm.s32 @!p0 $0x0;
	s16 =	simm.s32 @!p0 $0x1000;
	[sflag:s18] =	ssyncadd.s32 $0xFFFFFC00  }
0x21a: {  	[tilespmem:s16], [sflag:$0x9] =	stream.linear.gather @!p0 [hbm4b:s15+s6], $0x80, $0x38;
	[tilespmem:$0x8300] =	vst v63  }
0x21b: {  	s16 =	simm.s32 @!p0 $0x9  }
0x21c: {  	_ =	swait.ge @!p0 [sflag:s16], $0x80  }
0x21d: {  	s15 =	sld [smem:$0x7FA]  }
0x21e: {  	[sflag:s16] =	ssyncset.done @!p0 $0x0  }
0x21f: {  	s17 =	simm.s32 @!p0 $0x1080;
	[sflag:s16] =	ssyncadd.s32 @!p0 $0xFFFFFF80  }
0x220: {  	[tilespmem:s17], [sflag:$0x9] =	stream.linear.gather @!p0 [hbm4b:s15+s6], $0x80, $0x38;
	[tilespmem:$0x8300] =	vst v63  }
0x221: {  	_ =	swait.ge @!p0 [sflag:s16], $0x80  }
0x222: {  	s17 =	simm.s32 @!p0 $0x80;
	[sflag:s16] =	ssyncset.done @!p0 $0x0  }
0x223: {  	s15 =	simm.s32 @!p0 $0x1100;
	s6 =	simm.s32 @!p0 $0x1000;
	[sflag:s16] =	ssyncadd.s32 @!p0 $0xFFFFFF80  }
0x224: {  	[tilespmem:s15], [sflag:$0x1] =	stream.indirect.gather @!p0 [hbm4b:s4+s17], $0x8, s6, s17, $0xb8;
	[tilespmem:$0x8300] =	vst v63  }
0x225: {  	s6 =	simm.s32 @!p0 $0x1  }
0x226: {  	_ =	swait.ge @!p0 [sflag:s6], $0x400  }
0x227: {  	[sflag:s6] =	ssyncset.done @!p0 $0x0  }
0x228: {  	[sflag:s6] =	ssyncadd.s32 @!p0 $0xFFFFFC00;
	s6 =	simm.s32 @!p0 $0x1080  }
0x229: {  	[spmem:s2] =	stream.indirect.scatter.add.f32 @!p0 [tilespmem:s15], [sflag:$0x9], $0x8, s6, s17, $0xb8;
	[tilespmem:$0x8300] =	vst v63  }
0x22a: {  	_ =	swait.ge @!p0 [sflag:s16], $0x400  }
0x22b: {  	[sflag:s16] =	ssyncset.done @!p0 $0x0  }
0x22c: {  	[sflag:s16] =	ssyncadd.s32 @!p0 $0xFFFFFC00  }
0x22d: {  	[bflag:$0x0] =	sbarrier.arrive $0xFFFF  }
0x22e: {  	s17 =	sld [smem:$0x7FB]  }
0x22f: {  	s16 =	sld [smem:$0x7FD];
	_ =	sdelay $0x1  }
0x230: {  	s15 =	rddreg [dreg:$0x19]  }
0x231: {  	[hbm:s17], [sflag:s15] =	dma.local [spmem:s16], $0xC40  }
0x232: {  	_ =	swait.ge [sflag:s18], $0xC40  }
0x233: {  	s6 =	sld [smem:$0x7F8];
	_ =	sdelay $0x2  }
0x234: {  	s17 =	sadd.s32 $0x1, s6;
	s6 =	sld [smem:$0x7FC];
	_ =	sdelay $0x2  }
0x235: {  	p1 =	sne.s32 s17, s6  }
.Ltmp1:
0x236: {  	_ = 	snop;
	(pc) =	sbr.rel @p1 .LBB2_1-.Ltmp1, $3  }
0x237: {  	_ =	sdelay $0x1  }
0x238: {  	[sflag:s18] =	ssyncset.done $0x0  }
0x239: {  	[sflag:s18] =	ssyncadd.s32 $0xFFFFF3C0  }
0x23a: {  	_ =	sfence.sel $0x180000  }
0x23b: {  	[bflag:$0x0] =	sbarrier.arrive $0xFFFF  }
0x23c: {  	_ =	strace $0x90000047  }
0x23d: {  	s0 =	stileid.u32;
	[bflag:$0x2] =	sbarrier.arrive $0xFFFF  }
0x23e: {  	p0 =	sne.s32 s0, $0x0;
	s0 =	rddreg [dreg:$0x2]  }
0x23f: {  	s0 =	sadd.s32 @!p0 $0x100000, s0  }
0x240: {  	[sflag:s0] =	ssyncadd.tile.s32 @!p0 $0x1;
	_ =	shalt  }
.Lfunc_end2:
_tile_overlayer_lowered:
.L_overlay_start_2:
0x241: {  	(tag) =	ssettag $0x2  }
0x242: {  	s0 =	rddreg [dreg:$0x0];
	s2 =	stileid.u32  }
0x243: {  	s1 =	rddreg [dreg:$0x1];
	p0 =	sne.s32 s2, $0x0  }
0x244: {  	s3 =	rddreg [dreg:$0x2];
	[bflag:$0x3] =	sbarrier.arrive $0xFFFF;
	s2 =	simm.s32 @!p0 $0x1C09  }
0x245: {  	[timem:s3], [sflag:s2] =	dma.local @!p0 [hbm:s0], s1  }
0x246: {  	s0 =	simm.s32 @!p0 $0x9  }
0x247: {  	_ =	swait.ge @!p0 [sflag:s0], s1  }
0x248: {  	s1 =	ssub.s32 @!p0 $0x0, s1;
	[sflag:s0] =	ssyncset.done @!p0 $0x0  }
0x249: {  	[sflag:s0] =	ssyncadd.s32 @!p0 s1  }
0x24a: {  	[bflag:$0x3] =	sbarrier.arrive $0xFFFF  }
0x24b: {  	_ =	shalt  }

</sc_bundles>
